<compile_context>
chip_gen: v7x
topology: tpu7x:2x2x1
jax: 0.10.2.dev20260603
libtpu: 0.0.44.dev20260713+nightly
codegen_flags: <defaults>
</compile_context>

<pallas_src>
import functools

import jax
import jax.numpy as jnp
from jax import lax
from jax.experimental import pallas as pl
from jax.experimental.pallas import tpu as pltpu
from jax.experimental.pallas import tpu_sc as plsc

N = 10000
D = 128
G = 64
E = 320000

NPAD = 10240
NTILES = 32
CHUNK = 64
NCHUNK = 159
NBUF = 3
EPT = NCHUNK * CHUNK
EPAD = NTILES * EPT
RPS = NPAD // 16

_mesh = plsc.VectorSubcoreMesh(
    core_axis_name="c", subcore_axis_name="s", num_cores=2, num_subcores=16)



def _deg_body(combo, out, cbuf, hist):
    c = lax.axis_index("c")
    s = lax.axis_index("s")
    wid = s * 2 + c
    pltpu.sync_copy(combo.at[wid], cbuf)

    zero16 = jnp.zeros((16,), jnp.float32)

    def zrow(i, _):
        hist[pl.ds(i * 16, 16)] = zero16
        return ()
    lax.fori_loop(0, NPAD // 16, zrow, ())

    ones16 = jnp.ones((16,), jnp.float32)

    def brow(j, _):
        for k in range(CHUNK // 16):
            dv = lax.shift_right_logical(cbuf[j, pl.ds(k * 16, 16)], 16)
            plsc.addupdate_scatter(hist, [dv], ones16)
        return ()
    lax.fori_loop(0, NCHUNK, brow, ())

    pltpu.sync_copy(hist, out.at[wid])


_deg_kernel = functools.partial(
    pl.kernel,
    out_type=jax.ShapeDtypeStruct((NTILES, NPAD), jnp.float32),
    mesh=_mesh,
    scratch_types=[
        pltpu.VMEM((NCHUNK, CHUNK), jnp.int32),
        pltpu.VMEM((NPAD,), jnp.float32),
    ],
    compiler_params=pltpu.CompilerParams(needs_layout_passes=False),
)(_deg_body)


def _spmm_body(table, combo, out0, out1, acc, cbuf, sidx, didx,
               gbufs, gsems, ssems):
    c = lax.axis_index("c")
    s = lax.axis_index("s")
    wid = s * 2 + c
    pltpu.sync_copy(combo.at[wid], cbuf)

    zero16 = jnp.zeros((16,), jnp.float32)

    def zrow(i, _):
        for k in range(8):
            gbufs[0][i, pl.ds(k * 16, 16)] = zero16
        return ()
    lax.fori_loop(0, CHUNK, zrow, ())
    for k in range(RPS // CHUNK):
        pltpu.sync_copy(gbufs[0], acc.at[pl.ds(s * RPS + k * CHUNK, CHUNK)])

    def unpack(j, k):
        for q in range(CHUNK // 16):
            v = cbuf[j, pl.ds(q * 16, 16)]
            sidx[k, pl.ds(q * 16, 16)] = lax.bitwise_and(v, 0xFFFF)
            didx[k, pl.ds(q * 16, 16)] = lax.shift_right_logical(v, 16)

    for k in range(2):
        unpack(k, k)
        pltpu.async_copy(table.at[sidx.at[k]], gbufs[k], gsems[k])
    plsc.subcore_barrier()

    def body(i, _):
        for k in range(NBUF):
            jv = i * NBUF + k
            kp = (k + 2) % NBUF

            @pl.when(jv >= 1)
            def _():
                pltpu.make_async_copy(
                    gbufs[kp], acc.at[didx.at[kp]], ssems[kp]).wait()

            @pl.when(jv + 2 < NCHUNK)
            def _():
                unpack(jv + 2, kp)
                pltpu.async_copy(
                    table.at[sidx.at[kp]], gbufs[kp], gsems[kp])

            pltpu.make_async_copy(
                table.at[sidx.at[k]], gbufs[k], gsems[k]).wait()
            pltpu.async_copy(
                gbufs[k], acc.at[didx.at[k]], ssems[k], add=True)
        return ()
    lax.fori_loop(0, NCHUNK // NBUF, body, ())
    k_last = (NCHUNK - 1) % NBUF
    pltpu.make_async_copy(
        gbufs[k_last], acc.at[didx.at[k_last]], ssems[k_last]).wait()
    plsc.subcore_barrier()

    r0 = s * RPS

    @pl.when(c == 0)
    def _():
        pltpu.sync_copy(acc.at[pl.ds(r0, RPS)], out0.at[pl.ds(r0, RPS)])

    @pl.when(c == 1)
    def _():
        pltpu.sync_copy(acc.at[pl.ds(r0, RPS)], out1.at[pl.ds(r0, RPS)])


_spmm_kernel = functools.partial(
    pl.kernel,
    out_type=(jax.ShapeDtypeStruct((NPAD, D), jnp.float32),
              jax.ShapeDtypeStruct((NPAD, D), jnp.float32)),
    mesh=_mesh,
    scratch_types=[
        pltpu.VMEM_SHARED((NPAD, D), jnp.float32),
        pltpu.VMEM((NCHUNK, CHUNK), jnp.int32),
        pltpu.VMEM((NBUF, CHUNK), jnp.int32),
        pltpu.VMEM((NBUF, CHUNK), jnp.int32),
        [pltpu.VMEM((CHUNK, D), jnp.float32)] * NBUF,
        [pltpu.SemaphoreType.DMA] * NBUF,
        [pltpu.SemaphoreType.DMA] * NBUF,
    ],
    compiler_params=pltpu.CompilerParams(needs_layout_passes=False),
)(_spmm_body)



_BLK = 1280
_GRID = NPAD // _BLK


def _first_body(x_ref, dinv_ref, w_ref, o_ref):
    o_ref[...] = jnp.dot(x_ref[...], w_ref[...],
                         preferred_element_type=jnp.float32) * dinv_ref[...]


_first_kernel = pl.pallas_call(
    _first_body,
    grid=(_GRID,),
    in_specs=[pl.BlockSpec((_BLK, D), lambda i: (i, 0)),
              pl.BlockSpec((_BLK, D), lambda i: (i, 0)),
              pl.BlockSpec((D, D), lambda i: (0, 0))],
    out_specs=pl.BlockSpec((_BLK, D), lambda i: (i, 0)),
    out_shape=jax.ShapeDtypeStruct((NPAD, D), jnp.float32),
)


def _mid_body(p0_ref, p1_ref, t_ref, dinv_ref, b_ref, w_ref, o_ref):
    h = jnp.maximum(
        (p0_ref[...] + p1_ref[...] + t_ref[...]) * dinv_ref[...]
        + b_ref[...], 0.0)
    o_ref[...] = jnp.dot(h, w_ref[...],
                         preferred_element_type=jnp.float32) * dinv_ref[...]


_mid_kernel = pl.pallas_call(
    _mid_body,
    grid=(_GRID,),
    in_specs=[pl.BlockSpec((_BLK, D), lambda i: (i, 0)),
              pl.BlockSpec((_BLK, D), lambda i: (i, 0)),
              pl.BlockSpec((_BLK, D), lambda i: (i, 0)),
              pl.BlockSpec((_BLK, D), lambda i: (i, 0)),
              pl.BlockSpec((1, D), lambda i: (0, 0)),
              pl.BlockSpec((D, D), lambda i: (0, 0))],
    out_specs=pl.BlockSpec((_BLK, D), lambda i: (i, 0)),
    out_shape=jax.ShapeDtypeStruct((NPAD, D), jnp.float32),
)


def _pool_body(p0_ref, p1_ref, t_ref, dinv_ref, b_ref, bt_ref, o_ref,
               sums, cnt):
    i = pl.program_id(0)

    @pl.when(i == 0)
    def _():
        sums[...] = jnp.zeros_like(sums)
        cnt[...] = jnp.zeros_like(cnt)

    h = jnp.maximum(
        (p0_ref[...] + p1_ref[...] + t_ref[...]) * dinv_ref[...]
        + b_ref[...], 0.0)
    gid = lax.broadcasted_iota(jnp.int32, (_BLK, 128), 1)
    oh = (bt_ref[...] == gid).astype(jnp.float32)
    dn = (((0,), (0,)), ((), ()))
    sums[...] += lax.dot_general(oh, h, dn,
                                 preferred_element_type=jnp.float32)
    cnt[...] += lax.dot_general(oh, jnp.ones((_BLK, 128), jnp.float32), dn,
                                preferred_element_type=jnp.float32)

    @pl.when(i == _GRID - 1)
    def _():
        o_ref[...] = sums[...] / jnp.maximum(cnt[...], 1.0)


_pool_kernel = pl.pallas_call(
    _pool_body,
    grid=(_GRID,),
    in_specs=[pl.BlockSpec((_BLK, D), lambda i: (i, 0)),
              pl.BlockSpec((_BLK, D), lambda i: (i, 0)),
              pl.BlockSpec((_BLK, D), lambda i: (i, 0)),
              pl.BlockSpec((_BLK, D), lambda i: (i, 0)),
              pl.BlockSpec((1, D), lambda i: (0, 0)),
              pl.BlockSpec((_BLK, D), lambda i: (i, 0))],
    out_specs=pl.BlockSpec((128, 128), lambda i: (0, 0)),
    out_shape=jax.ShapeDtypeStruct((128, 128), jnp.float32),
    scratch_shapes=[pltpu.VMEM((128, 128), jnp.float32),
                    pltpu.VMEM((128, 128), jnp.float32)],
)



def kernel(x, W1, b1, W2, b2, W3, b3, W4, b4, edge_index, batch):
    npad_e = EPAD - E
    pad_idx = (N + jnp.arange(npad_e, dtype=jnp.int32) % (NPAD - N))
    src_flat = jnp.concatenate([edge_index[0], pad_idx])
    dst_flat = jnp.concatenate([edge_index[1], pad_idx])
    combo = (src_flat | (dst_flat << 16)).reshape(NTILES, NCHUNK, CHUNK)

    x_pad = jnp.zeros((NPAD, D), jnp.float32).at[:N].set(x)
    batch_pad = jnp.full((NPAD,), G, jnp.int32).at[:N].set(batch)
    batch_b = jnp.broadcast_to(batch_pad[:, None], (NPAD, 128))

    hists = _deg_kernel(combo)
    deg = (jnp.ones((1, NTILES), jnp.float32) @ hists).reshape(NPAD) + 1.0
    dinv = jnp.where(deg > 0, lax.rsqrt(jnp.maximum(deg, 1e-30)), 0.0)
    dinv = jnp.where(jnp.arange(NPAD) < N, dinv, 0.0)
    dinv_b = jnp.broadcast_to(dinv[:, None], (NPAD, D))

    t = _first_kernel(x_pad, dinv_b, W1)
    for (b, Wn) in ((b1, W2), (b2, W3), (b3, W4)):
        p0, p1 = _spmm_kernel(t, combo)
        t = _mid_kernel(p0, p1, t, dinv_b, b.reshape(1, D), Wn)
    p0, p1 = _spmm_kernel(t, combo)
    hg_full = _pool_kernel(p0, p1, t, dinv_b, b4.reshape(1, D), batch_b)
    return hg_full[:G]

# --- scband reference (transcript-rebuilt; emitter-appended) ---
"""Pipeline reference for scband-my-gcnnet-74019466379896 (READ-ONLY COPY).

The authoritative reference and input builder live on the scoring server;
editing this copy changes nothing except your own understanding.
"""

import jax, jax.numpy as jnp
import numpy as np

N = 10000
E = 320000
D = 128
G = 64


def setup_inputs(seed: int = 0) -> dict:
    key = jax.random.key(seed)
    ks = jax.random.split(key, 12)
    x = jax.random.normal(ks[0], (N, D), dtype=jnp.float32)
    edge_index = jax.random.randint(ks[1], (2, E), 0, N, dtype=jnp.int32)
    batch = jnp.sort(jax.random.randint(ks[2], (N,), 0, G, dtype=jnp.int32))
    scale = 1.0 / np.sqrt(D)
    W1 = jax.random.normal(ks[3], (D, D), dtype=jnp.float32) * scale
    b1 = jnp.zeros((D,), dtype=jnp.float32)
    W2 = jax.random.normal(ks[4], (D, D), dtype=jnp.float32) * scale
    b2 = jnp.zeros((D,), dtype=jnp.float32)
    W3 = jax.random.normal(ks[5], (D, D), dtype=jnp.float32) * scale
    b3 = jnp.zeros((D,), dtype=jnp.float32)
    W4 = jax.random.normal(ks[6], (D, D), dtype=jnp.float32) * scale
    b4 = jnp.zeros((D,), dtype=jnp.float32)
    return {"x": x, "W1": W1, "b1": b1, "W2": W2, "b2": b2, "W3": W3, "b3": b3,
            "W4": W4, "b4": b4, "edge_index": edge_index, "batch": batch}


def reference(x, W1, b1, W2, b2, W3, b3, W4, b4, edge_index, batch):
    # GCNConv with normalize=True: add self-loops, symmetric degree normalization,
    # gather messages from src, scatter-add into dst. Four layers with ReLU,
    # then global_mean_pool over graph ids.
    loop = jnp.arange(N, dtype=edge_index.dtype)
    src = jnp.concatenate([edge_index[0], loop])
    dst = jnp.concatenate([edge_index[1], loop])
    deg = jax.ops.segment_sum(jnp.ones(src.shape[0], dtype=x.dtype), dst, num_segments=N)
    dinv = jnp.where(deg > 0, deg ** -0.5, 0.0)
    norm = dinv[src] * dinv[dst]

    def gcn(h, W, b):
        hw = h @ W
        msg = hw[src] * norm[:, None]
        agg = jax.ops.segment_sum(msg, dst, num_segments=N)
        return agg + b

    h = x
    for (W, b) in ((W1, b1), (W2, b2), (W3, b3), (W4, b4)):
        h = jax.nn.relu(gcn(h, W, b))

    sums = jax.ops.segment_sum(h, batch, num_segments=G)
    cnt = jax.ops.segment_sum(jnp.ones((N, 1), dtype=h.dtype), batch, num_segments=G)
    hg = sums / jnp.maximum(cnt, 1.0)
    return hg

if __name__ == "__main__":
    import jax
    _d = setup_inputs()
    print(jax.jit(kernel)(*tuple(_d.values())))

</pallas_src>

<mosaic_0001>
#map = affine_map<(d0, d1) -> (0, 0)>
#map1 = affine_map<(d0, d1) -> (0, 0, 0)>
module attributes {stable_mosaic.version = 14 : i64} {
  func.func @_spmm_body(%arg0: i32, %arg1: i32, %arg2: memref<10240x128xf32, #tpu.memory_space<hbm>>, %arg3: memref<32x159x64xi32, #tpu.memory_space<hbm>>, %arg4: memref<10240x128xf32, #tpu.memory_space<hbm>>, %arg5: memref<10240x128xf32, #tpu.memory_space<hbm>>, %arg6: memref<10240x128xf32, #tpu.memory_space<vmem_shared>>, %arg7: memref<159x64xi32, #tpu.memory_space<vmem>>, %arg8: memref<3x64xi32, #tpu.memory_space<vmem>>, %arg9: memref<3x64xi32, #tpu.memory_space<vmem>>, %arg10: memref<64x128xf32, #tpu.memory_space<vmem>>, %arg11: memref<64x128xf32, #tpu.memory_space<vmem>>, %arg12: memref<64x128xf32, #tpu.memory_space<vmem>>, %arg13: memref<!tpu.dma_semaphore, #tpu.memory_space<semaphore_mem>>, %arg14: memref<!tpu.dma_semaphore, #tpu.memory_space<semaphore_mem>>, %arg15: memref<!tpu.dma_semaphore, #tpu.memory_space<semaphore_mem>>, %arg16: memref<!tpu.dma_semaphore, #tpu.memory_space<semaphore_mem>>, %arg17: memref<!tpu.dma_semaphore, #tpu.memory_space<semaphore_mem>>, %arg18: memref<!tpu.dma_semaphore, #tpu.memory_space<semaphore_mem>>) attributes {dimension_semantics = [#tpu.dimension_semantics<core_parallel>, #tpu.dimension_semantics<subcore_parallel>], iteration_bounds = array<i64: 2, 16>, scalar_prefetch = 0 : i64, scratch_operands = 13 : i64, tpu.core_type = #tpu.core_type<sc_vector_subcore>, window_params = [{transform_indices = #map}, {transform_indices = #map1}, {transform_indices = #map}, {transform_indices = #map}]} {
    %mul3A = arith.constant 2 : i32
    %mul3A_0 = arith.muli %arg1, %mul3A : i32
    %add3A = arith.addi %mul3A_0, %arg0 : i32
    "tpu.region"() ({
      %run_scoped3A = tpu.sem_alloc : memref<!tpu.dma_semaphore, #tpu.memory_space<semaphore_mem>>
      %dma_start3A_220 = arith.constant 0 : i32
      %dma_start3A_221 = arith.constant 0 : i32
      %dma_start3A_222 = tpu.memref_slice %arg3[%add3A, %dma_start3A_220, %dma_start3A_221] : memref<32x159x64xi32, #tpu.memory_space<hbm>> -> memref<1x159x64xi32, #tpu.memory_space<hbm>>
      %dma_start3A_223 = tpu.memref_squeeze %dma_start3A_222 : memref<1x159x64xi32, #tpu.memory_space<hbm>> -> memref<159x64xi32, #tpu.memory_space<hbm>>
      %dma_start3A_224 = arith.constant 0 : i32
      %dma_start3A_225 = arith.constant 0 : i32
      %dma_start3A_226 = tpu.memref_slice %arg3[%add3A, %dma_start3A_224, %dma_start3A_225] : memref<32x159x64xi32, #tpu.memory_space<hbm>> -> memref<1x159x64xi32, #tpu.memory_space<hbm>>
      %dma_start3A_227 = tpu.memref_squeeze %dma_start3A_226 : memref<1x159x64xi32, #tpu.memory_space<hbm>> -> memref<159x64xi32, #tpu.memory_space<hbm>>
      tpu.enqueue_dma source(%dma_start3A_227 : memref<159x64xi32, #tpu.memory_space<hbm>>) target(%arg7 : memref<159x64xi32, #tpu.memory_space<vmem>>) target_semaphore(%run_scoped3A : memref<!tpu.dma_semaphore, #tpu.memory_space<semaphore_mem>>)
      %dma_wait3A_228 = arith.constant 0 : i32
      %dma_wait3A_229 = arith.constant 0 : i32
      %dma_wait3A_230 = tpu.memref_slice %arg3[%add3A, %dma_wait3A_228, %dma_wait3A_229] : memref<32x159x64xi32, #tpu.memory_space<hbm>> -> memref<1x159x64xi32, #tpu.memory_space<hbm>>
      %dma_wait3A_231 = tpu.memref_squeeze %dma_wait3A_230 : memref<1x159x64xi32, #tpu.memory_space<hbm>> -> memref<159x64xi32, #tpu.memory_space<hbm>>
      %dma_wait3A_232 = arith.constant 0 : i32
      %dma_wait3A_233 = arith.constant 0 : i32
      %dma_wait3A_234 = tpu.memref_slice %arg3[%add3A, %dma_wait3A_232, %dma_wait3A_233] : memref<32x159x64xi32, #tpu.memory_space<hbm>> -> memref<1x159x64xi32, #tpu.memory_space<hbm>>
      %dma_wait3A_235 = tpu.memref_squeeze %dma_wait3A_234 : memref<1x159x64xi32, #tpu.memory_space<hbm>> -> memref<159x64xi32, #tpu.memory_space<hbm>>
      tpu.wait_dma2 semaphore(%run_scoped3A : memref<!tpu.dma_semaphore, #tpu.memory_space<semaphore_mem>>) src(%dma_wait3A_235 : memref<159x64xi32, #tpu.memory_space<hbm>>) dst(%arg7 : memref<159x64xi32, #tpu.memory_space<vmem>>)
      tpu.yield
    }) : () -> ()
    %broadcast_in_dim3A = arith.constant 0.000000e+00 : f32
    %broadcast_in_dim3A_1 = vector.broadcast %broadcast_in_dim3A : f32 to vector<16xf32>
    %scan3A = arith.constant 0 : i32
    %scan3A_2 = arith.constant 64 : i32
    %scan3A_3 = arith.addi %scan3A, %scan3A_2 : i32
    %scan3A_4 = arith.constant 1 : i32
    scf.for %scan3A_220 = %scan3A to %scan3A_3 step %scan3A_4  : i32 {
      %swap3A_221 = arith.index_cast %scan3A_220 : i32 to index
      %swap3A_222 = arith.constant 0 : index
      %swap3A_223 = tpu.vector_load %arg10[%swap3A_221, %swap3A_222] {strides = array<i32>} : memref<64x128xf32, #tpu.memory_space<vmem>>, vector<16xf32>,
      tpu.vector_store %arg10[%swap3A_221, %swap3A_222], %broadcast_in_dim3A_1 {strides = array<i32>} : memref<64x128xf32, #tpu.memory_space<vmem>>, vector<16xf32>,
      %swap3A_224 = arith.index_cast %scan3A_220 : i32 to index
      %swap3A_225 = arith.constant 16 : index
      %swap3A_226 = tpu.vector_load %arg10[%swap3A_224, %swap3A_225] {strides = array<i32>} : memref<64x128xf32, #tpu.memory_space<vmem>>, vector<16xf32>,
      tpu.vector_store %arg10[%swap3A_224, %swap3A_225], %broadcast_in_dim3A_1 {strides = array<i32>} : memref<64x128xf32, #tpu.memory_space<vmem>>, vector<16xf32>,
      %swap3A_227 = arith.index_cast %scan3A_220 : i32 to index
      %swap3A_228 = arith.constant 32 : index
      %swap3A_229 = tpu.vector_load %arg10[%swap3A_227, %swap3A_228] {strides = array<i32>} : memref<64x128xf32, #tpu.memory_space<vmem>>, vector<16xf32>,
      tpu.vector_store %arg10[%swap3A_227, %swap3A_228], %broadcast_in_dim3A_1 {strides = array<i32>} : memref<64x128xf32, #tpu.memory_space<vmem>>, vector<16xf32>,
      %swap3A_230 = arith.index_cast %scan3A_220 : i32 to index
      %swap3A_231 = arith.constant 48 : index
      %swap3A_232 = tpu.vector_load %arg10[%swap3A_230, %swap3A_231] {strides = array<i32>} : memref<64x128xf32, #tpu.memory_space<vmem>>, vector<16xf32>,
      tpu.vector_store %arg10[%swap3A_230, %swap3A_231], %broadcast_in_dim3A_1 {strides = array<i32>} : memref<64x128xf32, #tpu.memory_space<vmem>>, vector<16xf32>,
      %swap3A_233 = arith.index_cast %scan3A_220 : i32 to index
      %swap3A_234 = arith.constant 64 : index
      %swap3A_235 = tpu.vector_load %arg10[%swap3A_233, %swap3A_234] {strides = array<i32>} : memref<64x128xf32, #tpu.memory_space<vmem>>, vector<16xf32>,
      tpu.vector_store %arg10[%swap3A_233, %swap3A_234], %broadcast_in_dim3A_1 {strides = array<i32>} : memref<64x128xf32, #tpu.memory_space<vmem>>, vector<16xf32>,
      %swap3A_236 = arith.index_cast %scan3A_220 : i32 to index
      %swap3A_237 = arith.constant 80 : index
      %swap3A_238 = tpu.vector_load %arg10[%swap3A_236, %swap3A_237] {strides = array<i32>} : memref<64x128xf32, #tpu.memory_space<vmem>>, vector<16xf32>,
      tpu.vector_store %arg10[%swap3A_236, %swap3A_237], %broadcast_in_dim3A_1 {strides = array<i32>} : memref<64x128xf32, #tpu.memory_space<vmem>>, vector<16xf32>,
      %swap3A_239 = arith.index_cast %scan3A_220 : i32 to index
      %swap3A_240 = arith.constant 96 : index
      %swap3A_241 = tpu.vector_load %arg10[%swap3A_239, %swap3A_240] {strides = array<i32>} : memref<64x128xf32, #tpu.memory_space<vmem>>, vector<16xf32>,
      tpu.vector_store %arg10[%swap3A_239, %swap3A_240], %broadcast_in_dim3A_1 {strides = array<i32>} : memref<64x128xf32, #tpu.memory_space<vmem>>, vector<16xf32>,
      %swap3A_242 = arith.index_cast %scan3A_220 : i32 to index
      %swap3A_243 = arith.constant 112 : index
      %swap3A_244 = tpu.vector_load %arg10[%swap3A_242, %swap3A_243] {strides = array<i32>} : memref<64x128xf32, #tpu.memory_space<vmem>>, vector<16xf32>,
      tpu.vector_store %arg10[%swap3A_242, %swap3A_243], %broadcast_in_dim3A_1 {strides = array<i32>} : memref<64x128xf32, #tpu.memory_space<vmem>>, vector<16xf32>,
    }
    %scan3A_5 = arith.constant 64 : i32
    %mul3A_6 = arith.constant 640 : i32
    %mul3A_7 = arith.muli %arg1, %mul3A_6 : i32
    %add3A_8 = arith.constant 0 : i32
    %add3A_9 = arith.addi %mul3A_7, %add3A_8 : i32
    "tpu.region"() ({
      %run_scoped3A = tpu.sem_alloc : memref<!tpu.dma_semaphore, #tpu.memory_space<semaphore_mem>>
      %dma_start3A_220 = arith.constant 0 : i32
      %dma_start3A_221 = tpu.memref_slice %arg6[%add3A_9, %dma_start3A_220] : memref<10240x128xf32, #tpu.memory_space<vmem_shared>> -> memref<64x128xf32, #tpu.memory_space<vmem_shared>>
      %dma_start3A_222 = arith.constant 0 : i32
      %dma_start3A_223 = tpu.memref_slice %arg6[%add3A_9, %dma_start3A_222] : memref<10240x128xf32, #tpu.memory_space<vmem_shared>> -> memref<64x128xf32, #tpu.memory_space<vmem_shared>>
      tpu.enqueue_dma source(%arg10 : memref<64x128xf32, #tpu.memory_space<vmem>>) target(%dma_start3A_223 : memref<64x128xf32, #tpu.memory_space<vmem_shared>>) target_semaphore(%run_scoped3A : memref<!tpu.dma_semaphore, #tpu.memory_space<semaphore_mem>>)
      %dma_wait3A_224 = arith.constant 0 : i32
      %dma_wait3A_225 = tpu.memref_slice %arg6[%add3A_9, %dma_wait3A_224] : memref<10240x128xf32, #tpu.memory_space<vmem_shared>> -> memref<64x128xf32, #tpu.memory_space<vmem_shared>>
      %dma_wait3A_226 = arith.constant 0 : i32
      %dma_wait3A_227 = tpu.memref_slice %arg6[%add3A_9, %dma_wait3A_226] : memref<10240x128xf32, #tpu.memory_space<vmem_shared>> -> memref<64x128xf32, #tpu.memory_space<vmem_shared>>
      tpu.wait_dma2 semaphore(%run_scoped3A : memref<!tpu.dma_semaphore, #tpu.memory_space<semaphore_mem>>) src(%arg10 : memref<64x128xf32, #tpu.memory_space<vmem>>) dst(%dma_wait3A_227 : memref<64x128xf32, #tpu.memory_space<vmem_shared>>)
      tpu.yield
    }) : () -> ()
    %mul3A_10 = arith.constant 640 : i32
    %mul3A_11 = arith.muli %arg1, %mul3A_10 : i32
    %add3A_12 = arith.constant 64 : i32
    %add3A_13 = arith.addi %mul3A_11, %add3A_12 : i32
    "tpu.region"() ({
      %run_scoped3A = tpu.sem_alloc : memref<!tpu.dma_semaphore, #tpu.memory_space<semaphore_mem>>
      %dma_start3A_220 = arith.constant 0 : i32
      %dma_start3A_221 = tpu.memref_slice %arg6[%add3A_13, %dma_start3A_220] : memref<10240x128xf32, #tpu.memory_space<vmem_shared>> -> memref<64x128xf32, #tpu.memory_space<vmem_shared>>
      %dma_start3A_222 = arith.constant 0 : i32
      %dma_start3A_223 = tpu.memref_slice %arg6[%add3A_13, %dma_start3A_222] : memref<10240x128xf32, #tpu.memory_space<vmem_shared>> -> memref<64x128xf32, #tpu.memory_space<vmem_shared>>
      tpu.enqueue_dma source(%arg10 : memref<64x128xf32, #tpu.memory_space<vmem>>) target(%dma_start3A_223 : memref<64x128xf32, #tpu.memory_space<vmem_shared>>) target_semaphore(%run_scoped3A : memref<!tpu.dma_semaphore, #tpu.memory_space<semaphore_mem>>)
      %dma_wait3A_224 = arith.constant 0 : i32
      %dma_wait3A_225 = tpu.memref_slice %arg6[%add3A_13, %dma_wait3A_224] : memref<10240x128xf32, #tpu.memory_space<vmem_shared>> -> memref<64x128xf32, #tpu.memory_space<vmem_shared>>
      %dma_wait3A_226 = arith.constant 0 : i32
      %dma_wait3A_227 = tpu.memref_slice %arg6[%add3A_13, %dma_wait3A_226] : memref<10240x128xf32, #tpu.memory_space<vmem_shared>> -> memref<64x128xf32, #tpu.memory_space<vmem_shared>>
      tpu.wait_dma2 semaphore(%run_scoped3A : memref<!tpu.dma_semaphore, #tpu.memory_space<semaphore_mem>>) src(%arg10 : memref<64x128xf32, #tpu.memory_space<vmem>>) dst(%dma_wait3A_227 : memref<64x128xf32, #tpu.memory_space<vmem_shared>>)
      tpu.yield
    }) : () -> ()
    %mul3A_14 = arith.constant 640 : i32
    %mul3A_15 = arith.muli %arg1, %mul3A_14 : i32
    %add3A_16 = arith.constant 128 : i32
    %add3A_17 = arith.addi %mul3A_15, %add3A_16 : i32
    "tpu.region"() ({
      %run_scoped3A = tpu.sem_alloc : memref<!tpu.dma_semaphore, #tpu.memory_space<semaphore_mem>>
      %dma_start3A_220 = arith.constant 0 : i32
      %dma_start3A_221 = tpu.memref_slice %arg6[%add3A_17, %dma_start3A_220] : memref<10240x128xf32, #tpu.memory_space<vmem_shared>> -> memref<64x128xf32, #tpu.memory_space<vmem_shared>>
      %dma_start3A_222 = arith.constant 0 : i32
      %dma_start3A_223 = tpu.memref_slice %arg6[%add3A_17, %dma_start3A_222] : memref<10240x128xf32, #tpu.memory_space<vmem_shared>> -> memref<64x128xf32, #tpu.memory_space<vmem_shared>>
      tpu.enqueue_dma source(%arg10 : memref<64x128xf32, #tpu.memory_space<vmem>>) target(%dma_start3A_223 : memref<64x128xf32, #tpu.memory_space<vmem_shared>>) target_semaphore(%run_scoped3A : memref<!tpu.dma_semaphore, #tpu.memory_space<semaphore_mem>>)
      %dma_wait3A_224 = arith.constant 0 : i32
      %dma_wait3A_225 = tpu.memref_slice %arg6[%add3A_17, %dma_wait3A_224] : memref<10240x128xf32, #tpu.memory_space<vmem_shared>> -> memref<64x128xf32, #tpu.memory_space<vmem_shared>>
      %dma_wait3A_226 = arith.constant 0 : i32
      %dma_wait3A_227 = tpu.memref_slice %arg6[%add3A_17, %dma_wait3A_226] : memref<10240x128xf32, #tpu.memory_space<vmem_shared>> -> memref<64x128xf32, #tpu.memory_space<vmem_shared>>
      tpu.wait_dma2 semaphore(%run_scoped3A : memref<!tpu.dma_semaphore, #tpu.memory_space<semaphore_mem>>) src(%arg10 : memref<64x128xf32, #tpu.memory_space<vmem>>) dst(%dma_wait3A_227 : memref<64x128xf32, #tpu.memory_space<vmem_shared>>)
      tpu.yield
    }) : () -> ()
    %mul3A_18 = arith.constant 640 : i32
    %mul3A_19 = arith.muli %arg1, %mul3A_18 : i32
    %add3A_20 = arith.constant 192 : i32
    %add3A_21 = arith.addi %mul3A_19, %add3A_20 : i32
    "tpu.region"() ({
      %run_scoped3A = tpu.sem_alloc : memref<!tpu.dma_semaphore, #tpu.memory_space<semaphore_mem>>
      %dma_start3A_220 = arith.constant 0 : i32
      %dma_start3A_221 = tpu.memref_slice %arg6[%add3A_21, %dma_start3A_220] : memref<10240x128xf32, #tpu.memory_space<vmem_shared>> -> memref<64x128xf32, #tpu.memory_space<vmem_shared>>
      %dma_start3A_222 = arith.constant 0 : i32
      %dma_start3A_223 = tpu.memref_slice %arg6[%add3A_21, %dma_start3A_222] : memref<10240x128xf32, #tpu.memory_space<vmem_shared>> -> memref<64x128xf32, #tpu.memory_space<vmem_shared>>
      tpu.enqueue_dma source(%arg10 : memref<64x128xf32, #tpu.memory_space<vmem>>) target(%dma_start3A_223 : memref<64x128xf32, #tpu.memory_space<vmem_shared>>) target_semaphore(%run_scoped3A : memref<!tpu.dma_semaphore, #tpu.memory_space<semaphore_mem>>)
      %dma_wait3A_224 = arith.constant 0 : i32
      %dma_wait3A_225 = tpu.memref_slice %arg6[%add3A_21, %dma_wait3A_224] : memref<10240x128xf32, #tpu.memory_space<vmem_shared>> -> memref<64x128xf32, #tpu.memory_space<vmem_shared>>
      %dma_wait3A_226 = arith.constant 0 : i32
      %dma_wait3A_227 = tpu.memref_slice %arg6[%add3A_21, %dma_wait3A_226] : memref<10240x128xf32, #tpu.memory_space<vmem_shared>> -> memref<64x128xf32, #tpu.memory_space<vmem_shared>>
      tpu.wait_dma2 semaphore(%run_scoped3A : memref<!tpu.dma_semaphore, #tpu.memory_space<semaphore_mem>>) src(%arg10 : memref<64x128xf32, #tpu.memory_space<vmem>>) dst(%dma_wait3A_227 : memref<64x128xf32, #tpu.memory_space<vmem_shared>>)
      tpu.yield
    }) : () -> ()
    %mul3A_22 = arith.constant 640 : i32
    %mul3A_23 = arith.muli %arg1, %mul3A_22 : i32
    %add3A_24 = arith.constant 256 : i32
    %add3A_25 = arith.addi %mul3A_23, %add3A_24 : i32
    "tpu.region"() ({
      %run_scoped3A = tpu.sem_alloc : memref<!tpu.dma_semaphore, #tpu.memory_space<semaphore_mem>>
      %dma_start3A_220 = arith.constant 0 : i32
      %dma_start3A_221 = tpu.memref_slice %arg6[%add3A_25, %dma_start3A_220] : memref<10240x128xf32, #tpu.memory_space<vmem_shared>> -> memref<64x128xf32, #tpu.memory_space<vmem_shared>>
      %dma_start3A_222 = arith.constant 0 : i32
      %dma_start3A_223 = tpu.memref_slice %arg6[%add3A_25, %dma_start3A_222] : memref<10240x128xf32, #tpu.memory_space<vmem_shared>> -> memref<64x128xf32, #tpu.memory_space<vmem_shared>>
      tpu.enqueue_dma source(%arg10 : memref<64x128xf32, #tpu.memory_space<vmem>>) target(%dma_start3A_223 : memref<64x128xf32, #tpu.memory_space<vmem_shared>>) target_semaphore(%run_scoped3A : memref<!tpu.dma_semaphore, #tpu.memory_space<semaphore_mem>>)
      %dma_wait3A_224 = arith.constant 0 : i32
      %dma_wait3A_225 = tpu.memref_slice %arg6[%add3A_25, %dma_wait3A_224] : memref<10240x128xf32, #tpu.memory_space<vmem_shared>> -> memref<64x128xf32, #tpu.memory_space<vmem_shared>>
      %dma_wait3A_226 = arith.constant 0 : i32
      %dma_wait3A_227 = tpu.memref_slice %arg6[%add3A_25, %dma_wait3A_226] : memref<10240x128xf32, #tpu.memory_space<vmem_shared>> -> memref<64x128xf32, #tpu.memory_space<vmem_shared>>
      tpu.wait_dma2 semaphore(%run_scoped3A : memref<!tpu.dma_semaphore, #tpu.memory_space<semaphore_mem>>) src(%arg10 : memref<64x128xf32, #tpu.memory_space<vmem>>) dst(%dma_wait3A_227 : memref<64x128xf32, #tpu.memory_space<vmem_shared>>)
      tpu.yield
    }) : () -> ()
    %mul3A_26 = arith.constant 640 : i32
    %mul3A_27 = arith.muli %arg1, %mul3A_26 : i32
    %add3A_28 = arith.constant 320 : i32
    %add3A_29 = arith.addi %mul3A_27, %add3A_28 : i32
    "tpu.region"() ({
      %run_scoped3A = tpu.sem_alloc : memref<!tpu.dma_semaphore, #tpu.memory_space<semaphore_mem>>
      %dma_start3A_220 = arith.constant 0 : i32
      %dma_start3A_221 = tpu.memref_slice %arg6[%add3A_29, %dma_start3A_220] : memref<10240x128xf32, #tpu.memory_space<vmem_shared>> -> memref<64x128xf32, #tpu.memory_space<vmem_shared>>
      %dma_start3A_222 = arith.constant 0 : i32
      %dma_start3A_223 = tpu.memref_slice %arg6[%add3A_29, %dma_start3A_222] : memref<10240x128xf32, #tpu.memory_space<vmem_shared>> -> memref<64x128xf32, #tpu.memory_space<vmem_shared>>
      tpu.enqueue_dma source(%arg10 : memref<64x128xf32, #tpu.memory_space<vmem>>) target(%dma_start3A_223 : memref<64x128xf32, #tpu.memory_space<vmem_shared>>) target_semaphore(%run_scoped3A : memref<!tpu.dma_semaphore, #tpu.memory_space<semaphore_mem>>)
      %dma_wait3A_224 = arith.constant 0 : i32
      %dma_wait3A_225 = tpu.memref_slice %arg6[%add3A_29, %dma_wait3A_224] : memref<10240x128xf32, #tpu.memory_space<vmem_shared>> -> memref<64x128xf32, #tpu.memory_space<vmem_shared>>
      %dma_wait3A_226 = arith.constant 0 : i32
      %dma_wait3A_227 = tpu.memref_slice %arg6[%add3A_29, %dma_wait3A_226] : memref<10240x128xf32, #tpu.memory_space<vmem_shared>> -> memref<64x128xf32, #tpu.memory_space<vmem_shared>>
      tpu.wait_dma2 semaphore(%run_scoped3A : memref<!tpu.dma_semaphore, #tpu.memory_space<semaphore_mem>>) src(%arg10 : memref<64x128xf32, #tpu.memory_space<vmem>>) dst(%dma_wait3A_227 : memref<64x128xf32, #tpu.memory_space<vmem_shared>>)
      tpu.yield
    }) : () -> ()
    %mul3A_30 = arith.constant 640 : i32
    %mul3A_31 = arith.muli %arg1, %mul3A_30 : i32
    %add3A_32 = arith.constant 384 : i32
    %add3A_33 = arith.addi %mul3A_31, %add3A_32 : i32
    "tpu.region"() ({
      %run_scoped3A = tpu.sem_alloc : memref<!tpu.dma_semaphore, #tpu.memory_space<semaphore_mem>>
      %dma_start3A_220 = arith.constant 0 : i32
      %dma_start3A_221 = tpu.memref_slice %arg6[%add3A_33, %dma_start3A_220] : memref<10240x128xf32, #tpu.memory_space<vmem_shared>> -> memref<64x128xf32, #tpu.memory_space<vmem_shared>>
      %dma_start3A_222 = arith.constant 0 : i32
      %dma_start3A_223 = tpu.memref_slice %arg6[%add3A_33, %dma_start3A_222] : memref<10240x128xf32, #tpu.memory_space<vmem_shared>> -> memref<64x128xf32, #tpu.memory_space<vmem_shared>>
      tpu.enqueue_dma source(%arg10 : memref<64x128xf32, #tpu.memory_space<vmem>>) target(%dma_start3A_223 : memref<64x128xf32, #tpu.memory_space<vmem_shared>>) target_semaphore(%run_scoped3A : memref<!tpu.dma_semaphore, #tpu.memory_space<semaphore_mem>>)
      %dma_wait3A_224 = arith.constant 0 : i32
      %dma_wait3A_225 = tpu.memref_slice %arg6[%add3A_33, %dma_wait3A_224] : memref<10240x128xf32, #tpu.memory_space<vmem_shared>> -> memref<64x128xf32, #tpu.memory_space<vmem_shared>>
      %dma_wait3A_226 = arith.constant 0 : i32
      %dma_wait3A_227 = tpu.memref_slice %arg6[%add3A_33, %dma_wait3A_226] : memref<10240x128xf32, #tpu.memory_space<vmem_shared>> -> memref<64x128xf32, #tpu.memory_space<vmem_shared>>
      tpu.wait_dma2 semaphore(%run_scoped3A : memref<!tpu.dma_semaphore, #tpu.memory_space<semaphore_mem>>) src(%arg10 : memref<64x128xf32, #tpu.memory_space<vmem>>) dst(%dma_wait3A_227 : memref<64x128xf32, #tpu.memory_space<vmem_shared>>)
      tpu.yield
    }) : () -> ()
    %mul3A_34 = arith.constant 640 : i32
    %mul3A_35 = arith.muli %arg1, %mul3A_34 : i32
    %add3A_36 = arith.constant 448 : i32
    %add3A_37 = arith.addi %mul3A_35, %add3A_36 : i32
    "tpu.region"() ({
      %run_scoped3A = tpu.sem_alloc : memref<!tpu.dma_semaphore, #tpu.memory_space<semaphore_mem>>
      %dma_start3A_220 = arith.constant 0 : i32
      %dma_start3A_221 = tpu.memref_slice %arg6[%add3A_37, %dma_start3A_220] : memref<10240x128xf32, #tpu.memory_space<vmem_shared>> -> memref<64x128xf32, #tpu.memory_space<vmem_shared>>
      %dma_start3A_222 = arith.constant 0 : i32
      %dma_start3A_223 = tpu.memref_slice %arg6[%add3A_37, %dma_start3A_222] : memref<10240x128xf32, #tpu.memory_space<vmem_shared>> -> memref<64x128xf32, #tpu.memory_space<vmem_shared>>
      tpu.enqueue_dma source(%arg10 : memref<64x128xf32, #tpu.memory_space<vmem>>) target(%dma_start3A_223 : memref<64x128xf32, #tpu.memory_space<vmem_shared>>) target_semaphore(%run_scoped3A : memref<!tpu.dma_semaphore, #tpu.memory_space<semaphore_mem>>)
      %dma_wait3A_224 = arith.constant 0 : i32
      %dma_wait3A_225 = tpu.memref_slice %arg6[%add3A_37, %dma_wait3A_224] : memref<10240x128xf32, #tpu.memory_space<vmem_shared>> -> memref<64x128xf32, #tpu.memory_space<vmem_shared>>
      %dma_wait3A_226 = arith.constant 0 : i32
      %dma_wait3A_227 = tpu.memref_slice %arg6[%add3A_37, %dma_wait3A_226] : memref<10240x128xf32, #tpu.memory_space<vmem_shared>> -> memref<64x128xf32, #tpu.memory_space<vmem_shared>>
      tpu.wait_dma2 semaphore(%run_scoped3A : memref<!tpu.dma_semaphore, #tpu.memory_space<semaphore_mem>>) src(%arg10 : memref<64x128xf32, #tpu.memory_space<vmem>>) dst(%dma_wait3A_227 : memref<64x128xf32, #tpu.memory_space<vmem_shared>>)
      tpu.yield
    }) : () -> ()
    %mul3A_38 = arith.constant 640 : i32
    %mul3A_39 = arith.muli %arg1, %mul3A_38 : i32
    %add3A_40 = arith.constant 512 : i32
    %add3A_41 = arith.addi %mul3A_39, %add3A_40 : i32
    "tpu.region"() ({
      %run_scoped3A = tpu.sem_alloc : memref<!tpu.dma_semaphore, #tpu.memory_space<semaphore_mem>>
      %dma_start3A_220 = arith.constant 0 : i32
      %dma_start3A_221 = tpu.memref_slice %arg6[%add3A_41, %dma_start3A_220] : memref<10240x128xf32, #tpu.memory_space<vmem_shared>> -> memref<64x128xf32, #tpu.memory_space<vmem_shared>>
      %dma_start3A_222 = arith.constant 0 : i32
      %dma_start3A_223 = tpu.memref_slice %arg6[%add3A_41, %dma_start3A_222] : memref<10240x128xf32, #tpu.memory_space<vmem_shared>> -> memref<64x128xf32, #tpu.memory_space<vmem_shared>>
      tpu.enqueue_dma source(%arg10 : memref<64x128xf32, #tpu.memory_space<vmem>>) target(%dma_start3A_223 : memref<64x128xf32, #tpu.memory_space<vmem_shared>>) target_semaphore(%run_scoped3A : memref<!tpu.dma_semaphore, #tpu.memory_space<semaphore_mem>>)
      %dma_wait3A_224 = arith.constant 0 : i32
      %dma_wait3A_225 = tpu.memref_slice %arg6[%add3A_41, %dma_wait3A_224] : memref<10240x128xf32, #tpu.memory_space<vmem_shared>> -> memref<64x128xf32, #tpu.memory_space<vmem_shared>>
      %dma_wait3A_226 = arith.constant 0 : i32
      %dma_wait3A_227 = tpu.memref_slice %arg6[%add3A_41, %dma_wait3A_226] : memref<10240x128xf32, #tpu.memory_space<vmem_shared>> -> memref<64x128xf32, #tpu.memory_space<vmem_shared>>
      tpu.wait_dma2 semaphore(%run_scoped3A : memref<!tpu.dma_semaphore, #tpu.memory_space<semaphore_mem>>) src(%arg10 : memref<64x128xf32, #tpu.memory_space<vmem>>) dst(%dma_wait3A_227 : memref<64x128xf32, #tpu.memory_space<vmem_shared>>)
      tpu.yield
    }) : () -> ()
    %mul3A_42 = arith.constant 640 : i32
    %mul3A_43 = arith.muli %arg1, %mul3A_42 : i32
    %add3A_44 = arith.constant 576 : i32
    %add3A_45 = arith.addi %mul3A_43, %add3A_44 : i32
    "tpu.region"() ({
      %run_scoped3A = tpu.sem_alloc : memref<!tpu.dma_semaphore, #tpu.memory_space<semaphore_mem>>
      %dma_start3A_220 = arith.constant 0 : i32
      %dma_start3A_221 = tpu.memref_slice %arg6[%add3A_45, %dma_start3A_220] : memref<10240x128xf32, #tpu.memory_space<vmem_shared>> -> memref<64x128xf32, #tpu.memory_space<vmem_shared>>
      %dma_start3A_222 = arith.constant 0 : i32
      %dma_start3A_223 = tpu.memref_slice %arg6[%add3A_45, %dma_start3A_222] : memref<10240x128xf32, #tpu.memory_space<vmem_shared>> -> memref<64x128xf32, #tpu.memory_space<vmem_shared>>
      tpu.enqueue_dma source(%arg10 : memref<64x128xf32, #tpu.memory_space<vmem>>) target(%dma_start3A_223 : memref<64x128xf32, #tpu.memory_space<vmem_shared>>) target_semaphore(%run_scoped3A : memref<!tpu.dma_semaphore, #tpu.memory_space<semaphore_mem>>)
      %dma_wait3A_224 = arith.constant 0 : i32
      %dma_wait3A_225 = tpu.memref_slice %arg6[%add3A_45, %dma_wait3A_224] : memref<10240x128xf32, #tpu.memory_space<vmem_shared>> -> memref<64x128xf32, #tpu.memory_space<vmem_shared>>
      %dma_wait3A_226 = arith.constant 0 : i32
      %dma_wait3A_227 = tpu.memref_slice %arg6[%add3A_45, %dma_wait3A_226] : memref<10240x128xf32, #tpu.memory_space<vmem_shared>> -> memref<64x128xf32, #tpu.memory_space<vmem_shared>>
      tpu.wait_dma2 semaphore(%run_scoped3A : memref<!tpu.dma_semaphore, #tpu.memory_space<semaphore_mem>>) src(%arg10 : memref<64x128xf32, #tpu.memory_space<vmem>>) dst(%dma_wait3A_227 : memref<64x128xf32, #tpu.memory_space<vmem_shared>>)
      tpu.yield
    }) : () -> ()
    %get3A = arith.constant 0 : i32
    %get3A_46 = arith.index_cast %get3A : i32 to index
    %get3A_47 = arith.constant 0 : index
    %get3A_48 = tpu.vector_load %arg7[%get3A_46, %get3A_47] {strides = array<i32>} : memref<159x64xi32, #tpu.memory_space<vmem>>, vector<16xi32>,
    %and3A = arith.constant 65535 : i32
    %and3A_49 = vector.broadcast %and3A : i32 to vector<16xi32>
    %and3A_50 = arith.andi %get3A_48, %and3A_49 : vector<16xi32>
    %swap3A = arith.constant 0 : i32
    %swap3A_51 = arith.index_cast %swap3A : i32 to index
    %swap3A_52 = arith.constant 0 : index
    %swap3A_53 = tpu.vector_load %arg8[%swap3A_51, %swap3A_52] {strides = array<i32>} : memref<3x64xi32, #tpu.memory_space<vmem>>, vector<16xi32>,
    tpu.vector_store %arg8[%swap3A_51, %swap3A_52], %and3A_50 {strides = array<i32>} : memref<3x64xi32, #tpu.memory_space<vmem>>, vector<16xi32>,
    %shift_right_logical3A = arith.constant 16 : i32
    %shift_right_logical3A_54 = vector.broadcast %shift_right_logical3A : i32 to vector<16xi32>
    %shift_right_logical3A_55 = arith.shrui %get3A_48, %shift_right_logical3A_54 : vector<16xi32>
    %swap3A_56 = arith.constant 0 : i32
    %swap3A_57 = arith.index_cast %swap3A_56 : i32 to index
    %swap3A_58 = arith.constant 0 : index
    %swap3A_59 = tpu.vector_load %arg9[%swap3A_57, %swap3A_58] {strides = array<i32>} : memref<3x64xi32, #tpu.memory_space<vmem>>, vector<16xi32>,
    tpu.vector_store %arg9[%swap3A_57, %swap3A_58], %shift_right_logical3A_55 {strides = array<i32>} : memref<3x64xi32, #tpu.memory_space<vmem>>, vector<16xi32>,
    %get3A_60 = arith.constant 0 : i32
    %get3A_61 = arith.index_cast %get3A_60 : i32 to index
    %get3A_62 = arith.constant 16 : index
    %get3A_63 = tpu.vector_load %arg7[%get3A_61, %get3A_62] {strides = array<i32>} : memref<159x64xi32, #tpu.memory_space<vmem>>, vector<16xi32>,
    %and3A_64 = arith.constant 65535 : i32
    %and3A_65 = vector.broadcast %and3A_64 : i32 to vector<16xi32>
    %and3A_66 = arith.andi %get3A_63, %and3A_65 : vector<16xi32>
    %swap3A_67 = arith.constant 0 : i32
    %swap3A_68 = arith.index_cast %swap3A_67 : i32 to index
    %swap3A_69 = arith.constant 16 : index
    %swap3A_70 = tpu.vector_load %arg8[%swap3A_68, %swap3A_69] {strides = array<i32>} : memref<3x64xi32, #tpu.memory_space<vmem>>, vector<16xi32>,
    tpu.vector_store %arg8[%swap3A_68, %swap3A_69], %and3A_66 {strides = array<i32>} : memref<3x64xi32, #tpu.memory_space<vmem>>, vector<16xi32>,
    %shift_right_logical3A_71 = arith.constant 16 : i32
    %shift_right_logical3A_72 = vector.broadcast %shift_right_logical3A_71 : i32 to vector<16xi32>
    %shift_right_logical3A_73 = arith.shrui %get3A_63, %shift_right_logical3A_72 : vector<16xi32>
    %swap3A_74 = arith.constant 0 : i32
    %swap3A_75 = arith.index_cast %swap3A_74 : i32 to index
    %swap3A_76 = arith.constant 16 : index
    %swap3A_77 = tpu.vector_load %arg9[%swap3A_75, %swap3A_76] {strides = array<i32>} : memref<3x64xi32, #tpu.memory_space<vmem>>, vector<16xi32>,
    tpu.vector_store %arg9[%swap3A_75, %swap3A_76], %shift_right_logical3A_73 {strides = array<i32>} : memref<3x64xi32, #tpu.memory_space<vmem>>, vector<16xi32>,
    %get3A_78 = arith.constant 0 : i32
    %get3A_79 = arith.index_cast %get3A_78 : i32 to index
    %get3A_80 = arith.constant 32 : index
    %get3A_81 = tpu.vector_load %arg7[%get3A_79, %get3A_80] {strides = array<i32>} : memref<159x64xi32, #tpu.memory_space<vmem>>, vector<16xi32>,
    %and3A_82 = arith.constant 65535 : i32
    %and3A_83 = vector.broadcast %and3A_82 : i32 to vector<16xi32>
    %and3A_84 = arith.andi %get3A_81, %and3A_83 : vector<16xi32>
    %swap3A_85 = arith.constant 0 : i32
    %swap3A_86 = arith.index_cast %swap3A_85 : i32 to index
    %swap3A_87 = arith.constant 32 : index
    %swap3A_88 = tpu.vector_load %arg8[%swap3A_86, %swap3A_87] {strides = array<i32>} : memref<3x64xi32, #tpu.memory_space<vmem>>, vector<16xi32>,
    tpu.vector_store %arg8[%swap3A_86, %swap3A_87], %and3A_84 {strides = array<i32>} : memref<3x64xi32, #tpu.memory_space<vmem>>, vector<16xi32>,
    %shift_right_logical3A_89 = arith.constant 16 : i32
    %shift_right_logical3A_90 = vector.broadcast %shift_right_logical3A_89 : i32 to vector<16xi32>
    %shift_right_logical3A_91 = arith.shrui %get3A_81, %shift_right_logical3A_90 : vector<16xi32>
    %swap3A_92 = arith.constant 0 : i32
    %swap3A_93 = arith.index_cast %swap3A_92 : i32 to index
    %swap3A_94 = arith.constant 32 : index
    %swap3A_95 = tpu.vector_load %arg9[%swap3A_93, %swap3A_94] {strides = array<i32>} : memref<3x64xi32, #tpu.memory_space<vmem>>, vector<16xi32>,
    tpu.vector_store %arg9[%swap3A_93, %swap3A_94], %shift_right_logical3A_91 {strides = array<i32>} : memref<3x64xi32, #tpu.memory_space<vmem>>, vector<16xi32>,
    %get3A_96 = arith.constant 0 : i32
    %get3A_97 = arith.index_cast %get3A_96 : i32 to index
    %get3A_98 = arith.constant 48 : index
    %get3A_99 = tpu.vector_load %arg7[%get3A_97, %get3A_98] {strides = array<i32>} : memref<159x64xi32, #tpu.memory_space<vmem>>, vector<16xi32>,
    %and3A_100 = arith.constant 65535 : i32
    %and3A_101 = vector.broadcast %and3A_100 : i32 to vector<16xi32>
    %and3A_102 = arith.andi %get3A_99, %and3A_101 : vector<16xi32>
    %swap3A_103 = arith.constant 0 : i32
    %swap3A_104 = arith.index_cast %swap3A_103 : i32 to index
    %swap3A_105 = arith.constant 48 : index
    %swap3A_106 = tpu.vector_load %arg8[%swap3A_104, %swap3A_105] {strides = array<i32>} : memref<3x64xi32, #tpu.memory_space<vmem>>, vector<16xi32>,
    tpu.vector_store %arg8[%swap3A_104, %swap3A_105], %and3A_102 {strides = array<i32>} : memref<3x64xi32, #tpu.memory_space<vmem>>, vector<16xi32>,
    %shift_right_logical3A_107 = arith.constant 16 : i32
    %shift_right_logical3A_108 = vector.broadcast %shift_right_logical3A_107 : i32 to vector<16xi32>
    %shift_right_logical3A_109 = arith.shrui %get3A_99, %shift_right_logical3A_108 : vector<16xi32>
    %swap3A_110 = arith.constant 0 : i32
    %swap3A_111 = arith.index_cast %swap3A_110 : i32 to index
    %swap3A_112 = arith.constant 48 : index
    %swap3A_113 = tpu.vector_load %arg9[%swap3A_111, %swap3A_112] {strides = array<i32>} : memref<3x64xi32, #tpu.memory_space<vmem>>, vector<16xi32>,
    tpu.vector_store %arg9[%swap3A_111, %swap3A_112], %shift_right_logical3A_109 {strides = array<i32>} : memref<3x64xi32, #tpu.memory_space<vmem>>, vector<16xi32>,
    %dma_start3A = arith.constant 0 : i32
    %dma_start3A_114 = arith.constant 0 : i32
    %dma_start3A_115 = tpu.memref_slice %arg8[%dma_start3A, %dma_start3A_114] : memref<3x64xi32, #tpu.memory_space<vmem>> -> memref<1x64xi32, #tpu.memory_space<vmem>>
    %dma_start3A_116 = tpu.memref_squeeze %dma_start3A_115 : memref<1x64xi32, #tpu.memory_space<vmem>> -> memref<64xi32, #tpu.memory_space<vmem>>
    %dma_start3A_117 = arith.constant 0 : i32
    %dma_start3A_118 = arith.constant 0 : i32
    %dma_start3A_119 = tpu.memref_slice %arg2[%dma_start3A_117, %dma_start3A_118] : memref<10240x128xf32, #tpu.memory_space<hbm>> -> memref<10240x128xf32, #tpu.memory_space<hbm>>
    tpu.enqueue_indirect_dma source(%dma_start3A_119 : memref<10240x128xf32, #tpu.memory_space<hbm>>) target(%arg10 : memref<64x128xf32, #tpu.memory_space<vmem>>) offsets(%dma_start3A_116 : memref<64xi32, #tpu.memory_space<vmem>>) semaphore(%arg13 : memref<!tpu.dma_semaphore, #tpu.memory_space<semaphore_mem>>)
    %get3A_120 = arith.constant 1 : i32
    %get3A_121 = arith.index_cast %get3A_120 : i32 to index
    %get3A_122 = arith.constant 0 : index
    %get3A_123 = tpu.vector_load %arg7[%get3A_121, %get3A_122] {strides = array<i32>} : memref<159x64xi32, #tpu.memory_space<vmem>>, vector<16xi32>,
    %and3A_124 = arith.constant 65535 : i32
    %and3A_125 = vector.broadcast %and3A_124 : i32 to vector<16xi32>
    %and3A_126 = arith.andi %get3A_123, %and3A_125 : vector<16xi32>
    %swap3A_127 = arith.constant 1 : i32
    %swap3A_128 = arith.index_cast %swap3A_127 : i32 to index
    %swap3A_129 = arith.constant 0 : index
    %swap3A_130 = tpu.vector_load %arg8[%swap3A_128, %swap3A_129] {strides = array<i32>} : memref<3x64xi32, #tpu.memory_space<vmem>>, vector<16xi32>,
    tpu.vector_store %arg8[%swap3A_128, %swap3A_129], %and3A_126 {strides = array<i32>} : memref<3x64xi32, #tpu.memory_space<vmem>>, vector<16xi32>,
    %shift_right_logical3A_131 = arith.constant 16 : i32
    %shift_right_logical3A_132 = vector.broadcast %shift_right_logical3A_131 : i32 to vector<16xi32>
    %shift_right_logical3A_133 = arith.shrui %get3A_123, %shift_right_logical3A_132 : vector<16xi32>
    %swap3A_134 = arith.constant 1 : i32
    %swap3A_135 = arith.index_cast %swap3A_134 : i32 to index
    %swap3A_136 = arith.constant 0 : index
    %swap3A_137 = tpu.vector_load %arg9[%swap3A_135, %swap3A_136] {strides = array<i32>} : memref<3x64xi32, #tpu.memory_space<vmem>>, vector<16xi32>,
    tpu.vector_store %arg9[%swap3A_135, %swap3A_136], %shift_right_logical3A_133 {strides = array<i32>} : memref<3x64xi32, #tpu.memory_space<vmem>>, vector<16xi32>,
    %get3A_138 = arith.constant 1 : i32
    %get3A_139 = arith.index_cast %get3A_138 : i32 to index
    %get3A_140 = arith.constant 16 : index
    %get3A_141 = tpu.vector_load %arg7[%get3A_139, %get3A_140] {strides = array<i32>} : memref<159x64xi32, #tpu.memory_space<vmem>>, vector<16xi32>,
    %and3A_142 = arith.constant 65535 : i32
    %and3A_143 = vector.broadcast %and3A_142 : i32 to vector<16xi32>
    %and3A_144 = arith.andi %get3A_141, %and3A_143 : vector<16xi32>
    %swap3A_145 = arith.constant 1 : i32
    %swap3A_146 = arith.index_cast %swap3A_145 : i32 to index
    %swap3A_147 = arith.constant 16 : index
    %swap3A_148 = tpu.vector_load %arg8[%swap3A_146, %swap3A_147] {strides = array<i32>} : memref<3x64xi32, #tpu.memory_space<vmem>>, vector<16xi32>,
    tpu.vector_store %arg8[%swap3A_146, %swap3A_147], %and3A_144 {strides = array<i32>} : memref<3x64xi32, #tpu.memory_space<vmem>>, vector<16xi32>,
    %shift_right_logical3A_149 = arith.constant 16 : i32
    %shift_right_logical3A_150 = vector.broadcast %shift_right_logical3A_149 : i32 to vector<16xi32>
    %shift_right_logical3A_151 = arith.shrui %get3A_141, %shift_right_logical3A_150 : vector<16xi32>
    %swap3A_152 = arith.constant 1 : i32
    %swap3A_153 = arith.index_cast %swap3A_152 : i32 to index
    %swap3A_154 = arith.constant 16 : index
    %swap3A_155 = tpu.vector_load %arg9[%swap3A_153, %swap3A_154] {strides = array<i32>} : memref<3x64xi32, #tpu.memory_space<vmem>>, vector<16xi32>,
    tpu.vector_store %arg9[%swap3A_153, %swap3A_154], %shift_right_logical3A_151 {strides = array<i32>} : memref<3x64xi32, #tpu.memory_space<vmem>>, vector<16xi32>,
    %get3A_156 = arith.constant 1 : i32
    %get3A_157 = arith.index_cast %get3A_156 : i32 to index
    %get3A_158 = arith.constant 32 : index
    %get3A_159 = tpu.vector_load %arg7[%get3A_157, %get3A_158] {strides = array<i32>} : memref<159x64xi32, #tpu.memory_space<vmem>>, vector<16xi32>,
    %and3A_160 = arith.constant 65535 : i32
    %and3A_161 = vector.broadcast %and3A_160 : i32 to vector<16xi32>
    %and3A_162 = arith.andi %get3A_159, %and3A_161 : vector<16xi32>
    %swap3A_163 = arith.constant 1 : i32
    %swap3A_164 = arith.index_cast %swap3A_163 : i32 to index
    %swap3A_165 = arith.constant 32 : index
    %swap3A_166 = tpu.vector_load %arg8[%swap3A_164, %swap3A_165] {strides = array<i32>} : memref<3x64xi32, #tpu.memory_space<vmem>>, vector<16xi32>,
    tpu.vector_store %arg8[%swap3A_164, %swap3A_165], %and3A_162 {strides = array<i32>} : memref<3x64xi32, #tpu.memory_space<vmem>>, vector<16xi32>,
    %shift_right_logical3A_167 = arith.constant 16 : i32
    %shift_right_logical3A_168 = vector.broadcast %shift_right_logical3A_167 : i32 to vector<16xi32>
    %shift_right_logical3A_169 = arith.shrui %get3A_159, %shift_right_logical3A_168 : vector<16xi32>
    %swap3A_170 = arith.constant 1 : i32
    %swap3A_171 = arith.index_cast %swap3A_170 : i32 to index
    %swap3A_172 = arith.constant 32 : index
    %swap3A_173 = tpu.vector_load %arg9[%swap3A_171, %swap3A_172] {strides = array<i32>} : memref<3x64xi32, #tpu.memory_space<vmem>>, vector<16xi32>,
    tpu.vector_store %arg9[%swap3A_171, %swap3A_172], %shift_right_logical3A_169 {strides = array<i32>} : memref<3x64xi32, #tpu.memory_space<vmem>>, vector<16xi32>,
    %get3A_174 = arith.constant 1 : i32
    %get3A_175 = arith.index_cast %get3A_174 : i32 to index
    %get3A_176 = arith.constant 48 : index
    %get3A_177 = tpu.vector_load %arg7[%get3A_175, %get3A_176] {strides = array<i32>} : memref<159x64xi32, #tpu.memory_space<vmem>>, vector<16xi32>,
    %and3A_178 = arith.constant 65535 : i32
    %and3A_179 = vector.broadcast %and3A_178 : i32 to vector<16xi32>
    %and3A_180 = arith.andi %get3A_177, %and3A_179 : vector<16xi32>
    %swap3A_181 = arith.constant 1 : i32
    %swap3A_182 = arith.index_cast %swap3A_181 : i32 to index
    %swap3A_183 = arith.constant 48 : index
    %swap3A_184 = tpu.vector_load %arg8[%swap3A_182, %swap3A_183] {strides = array<i32>} : memref<3x64xi32, #tpu.memory_space<vmem>>, vector<16xi32>,
    tpu.vector_store %arg8[%swap3A_182, %swap3A_183], %and3A_180 {strides = array<i32>} : memref<3x64xi32, #tpu.memory_space<vmem>>, vector<16xi32>,
    %shift_right_logical3A_185 = arith.constant 16 : i32
    %shift_right_logical3A_186 = vector.broadcast %shift_right_logical3A_185 : i32 to vector<16xi32>
    %shift_right_logical3A_187 = arith.shrui %get3A_177, %shift_right_logical3A_186 : vector<16xi32>
    %swap3A_188 = arith.constant 1 : i32
    %swap3A_189 = arith.index_cast %swap3A_188 : i32 to index
    %swap3A_190 = arith.constant 48 : index
    %swap3A_191 = tpu.vector_load %arg9[%swap3A_189, %swap3A_190] {strides = array<i32>} : memref<3x64xi32, #tpu.memory_space<vmem>>, vector<16xi32>,
    tpu.vector_store %arg9[%swap3A_189, %swap3A_190], %shift_right_logical3A_187 {strides = array<i32>} : memref<3x64xi32, #tpu.memory_space<vmem>>, vector<16xi32>,
    %dma_start3A_192 = arith.constant 1 : i32
    %dma_start3A_193 = arith.constant 0 : i32
    %dma_start3A_194 = tpu.memref_slice %arg8[%dma_start3A_192, %dma_start3A_193] : memref<3x64xi32, #tpu.memory_space<vmem>> -> memref<1x64xi32, #tpu.memory_space<vmem>>
    %dma_start3A_195 = tpu.memref_squeeze %dma_start3A_194 : memref<1x64xi32, #tpu.memory_space<vmem>> -> memref<64xi32, #tpu.memory_space<vmem>>
    %dma_start3A_196 = arith.constant 0 : i32
    %dma_start3A_197 = arith.constant 0 : i32
    %dma_start3A_198 = tpu.memref_slice %arg2[%dma_start3A_196, %dma_start3A_197] : memref<10240x128xf32, #tpu.memory_space<hbm>> -> memref<10240x128xf32, #tpu.memory_space<hbm>>
    tpu.enqueue_indirect_dma source(%dma_start3A_198 : memref<10240x128xf32, #tpu.memory_space<hbm>>) target(%arg11 : memref<64x128xf32, #tpu.memory_space<vmem>>) offsets(%dma_start3A_195 : memref<64xi32, #tpu.memory_space<vmem>>) semaphore(%arg14 : memref<!tpu.dma_semaphore, #tpu.memory_space<semaphore_mem>>)
    %barrier3A = arith.constant 0 : index
    tpu.barrier barrier_id(%barrier3A)
    %scan3A_199 = arith.constant 0 : i32
    %scan3A_200 = arith.constant 53 : i32
    %scan3A_201 = arith.addi %scan3A_199, %scan3A_200 : i32
    %scan3A_202 = arith.constant 1 : i32
    scf.for %scan3A_220 = %scan3A_199 to %scan3A_201 step %scan3A_202  : i32 {
      %mul3A_221 = arith.constant 3 : i32
      %mul3A_222 = arith.muli %scan3A_220, %mul3A_221 : i32
      %add3A_223 = arith.constant 0 : i32
      %add3A_224 = arith.addi %mul3A_222, %add3A_223 : i32
      %ge3A = arith.constant 1 : i32
      %ge3A_225 = arith.cmpi sge, %add3A_224, %ge3A : i32
      %convert_element_type3A_226 = arith.extui %ge3A_225 : i1 to i32
      %cond3A_227 = arith.constant 0 : i32
      %cond3A_228 = arith.cmpi ne, %convert_element_type3A_226, %cond3A_227 : i32
      scf.if %cond3A_228 {
        %dma_wait3A_309 = arith.constant 2 : i32
        %dma_wait3A_310 = arith.constant 0 : i32
        %dma_wait3A_311 = tpu.memref_slice %arg9[%dma_wait3A_309, %dma_wait3A_310] : memref<3x64xi32, #tpu.memory_space<vmem>> -> memref<1x64xi32, #tpu.memory_space<vmem>>
        %dma_wait3A_312 = tpu.memref_squeeze %dma_wait3A_311 : memref<1x64xi32, #tpu.memory_space<vmem>> -> memref<64xi32, #tpu.memory_space<vmem>>
        %dma_wait3A_313 = arith.constant 0 : i32
        %dma_wait3A_314 = arith.constant 0 : i32
        %dma_wait3A_315 = tpu.memref_slice %arg6[%dma_wait3A_313, %dma_wait3A_314] : memref<10240x128xf32, #tpu.memory_space<vmem_shared>> -> memref<10240x128xf32, #tpu.memory_space<vmem_shared>>
        tpu.wait_indirect_dma semaphore(%arg18 : memref<!tpu.dma_semaphore, #tpu.memory_space<semaphore_mem>>) src(%arg12 : memref<64x128xf32, #tpu.memory_space<vmem>>) dst(%dma_wait3A_315 : memref<10240x128xf32, #tpu.memory_space<vmem_shared>>)
      } else {
      }
      %add3A_229 = arith.constant 2 : i32
      %add3A_230 = arith.addi %add3A_224, %add3A_229 : i32
      %lt3A = arith.constant 159 : i32
      %lt3A_231 = arith.cmpi slt, %add3A_230, %lt3A : i32
      %convert_element_type3A_232 = arith.extui %lt3A_231 : i1 to i32
      %cond3A_233 = arith.constant 0 : i32
      %cond3A_234 = arith.cmpi ne, %convert_element_type3A_232, %cond3A_233 : i32
      scf.if %cond3A_234 {
        %add3A_309 = arith.constant 2 : i32
        %add3A_310 = arith.addi %add3A_224, %add3A_309 : i32
        %get3A_311 = arith.index_cast %add3A_310 : i32 to index
        %get3A_312 = arith.constant 0 : index
        %get3A_313 = tpu.vector_load %arg7[%get3A_311, %get3A_312] {strides = array<i32>} : memref<159x64xi32, #tpu.memory_space<vmem>>, vector<16xi32>,
        %and3A_314 = arith.constant 65535 : i32
        %and3A_315 = vector.broadcast %and3A_314 : i32 to vector<16xi32>
        %and3A_316 = arith.andi %get3A_313, %and3A_315 : vector<16xi32>
        %swap3A_317 = arith.constant 2 : i32
        %swap3A_318 = arith.index_cast %swap3A_317 : i32 to index
        %swap3A_319 = arith.constant 0 : index
        %swap3A_320 = tpu.vector_load %arg8[%swap3A_318, %swap3A_319] {strides = array<i32>} : memref<3x64xi32, #tpu.memory_space<vmem>>, vector<16xi32>,
        tpu.vector_store %arg8[%swap3A_318, %swap3A_319], %and3A_316 {strides = array<i32>} : memref<3x64xi32, #tpu.memory_space<vmem>>, vector<16xi32>,
        %shift_right_logical3A_321 = arith.constant 16 : i32
        %shift_right_logical3A_322 = vector.broadcast %shift_right_logical3A_321 : i32 to vector<16xi32>
        %shift_right_logical3A_323 = arith.shrui %get3A_313, %shift_right_logical3A_322 : vector<16xi32>
        %swap3A_324 = arith.constant 2 : i32
        %swap3A_325 = arith.index_cast %swap3A_324 : i32 to index
        %swap3A_326 = arith.constant 0 : index
        %swap3A_327 = tpu.vector_load %arg9[%swap3A_325, %swap3A_326] {strides = array<i32>} : memref<3x64xi32, #tpu.memory_space<vmem>>, vector<16xi32>,
        tpu.vector_store %arg9[%swap3A_325, %swap3A_326], %shift_right_logical3A_323 {strides = array<i32>} : memref<3x64xi32, #tpu.memory_space<vmem>>, vector<16xi32>,
        %get3A_328 = arith.index_cast %add3A_310 : i32 to index
        %get3A_329 = arith.constant 16 : index
        %get3A_330 = tpu.vector_load %arg7[%get3A_328, %get3A_329] {strides = array<i32>} : memref<159x64xi32, #tpu.memory_space<vmem>>, vector<16xi32>,
        %and3A_331 = arith.constant 65535 : i32
        %and3A_332 = vector.broadcast %and3A_331 : i32 to vector<16xi32>
        %and3A_333 = arith.andi %get3A_330, %and3A_332 : vector<16xi32>
        %swap3A_334 = arith.constant 2 : i32
        %swap3A_335 = arith.index_cast %swap3A_334 : i32 to index
        %swap3A_336 = arith.constant 16 : index
        %swap3A_337 = tpu.vector_load %arg8[%swap3A_335, %swap3A_336] {strides = array<i32>} : memref<3x64xi32, #tpu.memory_space<vmem>>, vector<16xi32>,
        tpu.vector_store %arg8[%swap3A_335, %swap3A_336], %and3A_333 {strides = array<i32>} : memref<3x64xi32, #tpu.memory_space<vmem>>, vector<16xi32>,
        %shift_right_logical3A_338 = arith.constant 16 : i32
        %shift_right_logical3A_339 = vector.broadcast %shift_right_logical3A_338 : i32 to vector<16xi32>
        %shift_right_logical3A_340 = arith.shrui %get3A_330, %shift_right_logical3A_339 : vector<16xi32>
        %swap3A_341 = arith.constant 2 : i32
        %swap3A_342 = arith.index_cast %swap3A_341 : i32 to index
        %swap3A_343 = arith.constant 16 : index
        %swap3A_344 = tpu.vector_load %arg9[%swap3A_342, %swap3A_343] {strides = array<i32>} : memref<3x64xi32, #tpu.memory_space<vmem>>, vector<16xi32>,
        tpu.vector_store %arg9[%swap3A_342, %swap3A_343], %shift_right_logical3A_340 {strides = array<i32>} : memref<3x64xi32, #tpu.memory_space<vmem>>, vector<16xi32>,
        %get3A_345 = arith.index_cast %add3A_310 : i32 to index
        %get3A_346 = arith.constant 32 : index
        %get3A_347 = tpu.vector_load %arg7[%get3A_345, %get3A_346] {strides = array<i32>} : memref<159x64xi32, #tpu.memory_space<vmem>>, vector<16xi32>,
        %and3A_348 = arith.constant 65535 : i32
        %and3A_349 = vector.broadcast %and3A_348 : i32 to vector<16xi32>
        %and3A_350 = arith.andi %get3A_347, %and3A_349 : vector<16xi32>
        %swap3A_351 = arith.constant 2 : i32
        %swap3A_352 = arith.index_cast %swap3A_351 : i32 to index
        %swap3A_353 = arith.constant 32 : index
        %swap3A_354 = tpu.vector_load %arg8[%swap3A_352, %swap3A_353] {strides = array<i32>} : memref<3x64xi32, #tpu.memory_space<vmem>>, vector<16xi32>,
        tpu.vector_store %arg8[%swap3A_352, %swap3A_353], %and3A_350 {strides = array<i32>} : memref<3x64xi32, #tpu.memory_space<vmem>>, vector<16xi32>,
        %shift_right_logical3A_355 = arith.constant 16 : i32
        %shift_right_logical3A_356 = vector.broadcast %shift_right_logical3A_355 : i32 to vector<16xi32>
        %shift_right_logical3A_357 = arith.shrui %get3A_347, %shift_right_logical3A_356 : vector<16xi32>
        %swap3A_358 = arith.constant 2 : i32
        %swap3A_359 = arith.index_cast %swap3A_358 : i32 to index
        %swap3A_360 = arith.constant 32 : index
        %swap3A_361 = tpu.vector_load %arg9[%swap3A_359, %swap3A_360] {strides = array<i32>} : memref<3x64xi32, #tpu.memory_space<vmem>>, vector<16xi32>,
        tpu.vector_store %arg9[%swap3A_359, %swap3A_360], %shift_right_logical3A_357 {strides = array<i32>} : memref<3x64xi32, #tpu.memory_space<vmem>>, vector<16xi32>,
        %get3A_362 = arith.index_cast %add3A_310 : i32 to index
        %get3A_363 = arith.constant 48 : index
        %get3A_364 = tpu.vector_load %arg7[%get3A_362, %get3A_363] {strides = array<i32>} : memref<159x64xi32, #tpu.memory_space<vmem>>, vector<16xi32>,
        %and3A_365 = arith.constant 65535 : i32
        %and3A_366 = vector.broadcast %and3A_365 : i32 to vector<16xi32>
        %and3A_367 = arith.andi %get3A_364, %and3A_366 : vector<16xi32>
        %swap3A_368 = arith.constant 2 : i32
        %swap3A_369 = arith.index_cast %swap3A_368 : i32 to index
        %swap3A_370 = arith.constant 48 : index
        %swap3A_371 = tpu.vector_load %arg8[%swap3A_369, %swap3A_370] {strides = array<i32>} : memref<3x64xi32, #tpu.memory_space<vmem>>, vector<16xi32>,
        tpu.vector_store %arg8[%swap3A_369, %swap3A_370], %and3A_367 {strides = array<i32>} : memref<3x64xi32, #tpu.memory_space<vmem>>, vector<16xi32>,
        %shift_right_logical3A_372 = arith.constant 16 : i32
        %shift_right_logical3A_373 = vector.broadcast %shift_right_logical3A_372 : i32 to vector<16xi32>
        %shift_right_logical3A_374 = arith.shrui %get3A_364, %shift_right_logical3A_373 : vector<16xi32>
        %swap3A_375 = arith.constant 2 : i32
        %swap3A_376 = arith.index_cast %swap3A_375 : i32 to index
        %swap3A_377 = arith.constant 48 : index
        %swap3A_378 = tpu.vector_load %arg9[%swap3A_376, %swap3A_377] {strides = array<i32>} : memref<3x64xi32, #tpu.memory_space<vmem>>, vector<16xi32>,
        tpu.vector_store %arg9[%swap3A_376, %swap3A_377], %shift_right_logical3A_374 {strides = array<i32>} : memref<3x64xi32, #tpu.memory_space<vmem>>, vector<16xi32>,
        %dma_start3A_379 = arith.constant 2 : i32
        %dma_start3A_380 = arith.constant 0 : i32
        %dma_start3A_381 = tpu.memref_slice %arg8[%dma_start3A_379, %dma_start3A_380] : memref<3x64xi32, #tpu.memory_space<vmem>> -> memref<1x64xi32, #tpu.memory_space<vmem>>
        %dma_start3A_382 = tpu.memref_squeeze %dma_start3A_381 : memref<1x64xi32, #tpu.memory_space<vmem>> -> memref<64xi32, #tpu.memory_space<vmem>>
        %dma_start3A_383 = arith.constant 0 : i32
        %dma_start3A_384 = arith.constant 0 : i32
        %dma_start3A_385 = tpu.memref_slice %arg2[%dma_start3A_383, %dma_start3A_384] : memref<10240x128xf32, #tpu.memory_space<hbm>> -> memref<10240x128xf32, #tpu.memory_space<hbm>>
        tpu.enqueue_indirect_dma source(%dma_start3A_385 : memref<10240x128xf32, #tpu.memory_space<hbm>>) target(%arg12 : memref<64x128xf32, #tpu.memory_space<vmem>>) offsets(%dma_start3A_382 : memref<64xi32, #tpu.memory_space<vmem>>) semaphore(%arg15 : memref<!tpu.dma_semaphore, #tpu.memory_space<semaphore_mem>>)
      } else {
      }
      %dma_wait3A_235 = arith.constant 0 : i32
      %dma_wait3A_236 = arith.constant 0 : i32
      %dma_wait3A_237 = tpu.memref_slice %arg8[%dma_wait3A_235, %dma_wait3A_236] : memref<3x64xi32, #tpu.memory_space<vmem>> -> memref<1x64xi32, #tpu.memory_space<vmem>>
      %dma_wait3A_238 = tpu.memref_squeeze %dma_wait3A_237 : memref<1x64xi32, #tpu.memory_space<vmem>> -> memref<64xi32, #tpu.memory_space<vmem>>
      %dma_wait3A_239 = arith.constant 0 : i32
      %dma_wait3A_240 = arith.constant 0 : i32
      %dma_wait3A_241 = tpu.memref_slice %arg2[%dma_wait3A_239, %dma_wait3A_240] : memref<10240x128xf32, #tpu.memory_space<hbm>> -> memref<10240x128xf32, #tpu.memory_space<hbm>>
      tpu.wait_indirect_dma semaphore(%arg13 : memref<!tpu.dma_semaphore, #tpu.memory_space<semaphore_mem>>) src(%dma_wait3A_241 : memref<10240x128xf32, #tpu.memory_space<hbm>>) dst(%arg10 : memref<64x128xf32, #tpu.memory_space<vmem>>)
      %dma_start3A_242 = arith.constant 0 : i32
      %dma_start3A_243 = arith.constant 0 : i32
      %dma_start3A_244 = tpu.memref_slice %arg9[%dma_start3A_242, %dma_start3A_243] : memref<3x64xi32, #tpu.memory_space<vmem>> -> memref<1x64xi32, #tpu.memory_space<vmem>>
      %dma_start3A_245 = tpu.memref_squeeze %dma_start3A_244 : memref<1x64xi32, #tpu.memory_space<vmem>> -> memref<64xi32, #tpu.memory_space<vmem>>
      %dma_start3A_246 = arith.constant 0 : i32
      %dma_start3A_247 = arith.constant 0 : i32
      %dma_start3A_248 = tpu.memref_slice %arg6[%dma_start3A_246, %dma_start3A_247] : memref<10240x128xf32, #tpu.memory_space<vmem_shared>> -> memref<10240x128xf32, #tpu.memory_space<vmem_shared>>
      tpu.enqueue_indirect_dma source(%arg10 : memref<64x128xf32, #tpu.memory_space<vmem>>) target(%dma_start3A_248 : memref<10240x128xf32, #tpu.memory_space<vmem_shared>>) offsets(%dma_start3A_245 : memref<64xi32, #tpu.memory_space<vmem>>) semaphore(%arg16 : memref<!tpu.dma_semaphore, #tpu.memory_space<semaphore_mem>>) {add = true}
      %mul3A_249 = arith.constant 3 : i32
      %mul3A_250 = arith.muli %scan3A_220, %mul3A_249 : i32
      %add3A_251 = arith.constant 1 : i32
      %add3A_252 = arith.addi %mul3A_250, %add3A_251 : i32
      %ge3A_253 = arith.constant 1 : i32
      %ge3A_254 = arith.cmpi sge, %add3A_252, %ge3A_253 : i32
      %convert_element_type3A_255 = arith.extui %ge3A_254 : i1 to i32
      %cond3A_256 = arith.constant 0 : i32
      %cond3A_257 = arith.cmpi ne, %convert_element_type3A_255, %cond3A_256 : i32
      scf.if %cond3A_257 {
        %dma_wait3A_309 = arith.constant 0 : i32
        %dma_wait3A_310 = arith.constant 0 : i32
        %dma_wait3A_311 = tpu.memref_slice %arg9[%dma_wait3A_309, %dma_wait3A_310] : memref<3x64xi32, #tpu.memory_space<vmem>> -> memref<1x64xi32, #tpu.memory_space<vmem>>
        %dma_wait3A_312 = tpu.memref_squeeze %dma_wait3A_311 : memref<1x64xi32, #tpu.memory_space<vmem>> -> memref<64xi32, #tpu.memory_space<vmem>>
        %dma_wait3A_313 = arith.constant 0 : i32
        %dma_wait3A_314 = arith.constant 0 : i32
        %dma_wait3A_315 = tpu.memref_slice %arg6[%dma_wait3A_313, %dma_wait3A_314] : memref<10240x128xf32, #tpu.memory_space<vmem_shared>> -> memref<10240x128xf32, #tpu.memory_space<vmem_shared>>
        tpu.wait_indirect_dma semaphore(%arg16 : memref<!tpu.dma_semaphore, #tpu.memory_space<semaphore_mem>>) src(%arg10 : memref<64x128xf32, #tpu.memory_space<vmem>>) dst(%dma_wait3A_315 : memref<10240x128xf32, #tpu.memory_space<vmem_shared>>)
      } else {
      }
      %add3A_258 = arith.constant 2 : i32
      %add3A_259 = arith.addi %add3A_252, %add3A_258 : i32
      %lt3A_260 = arith.constant 159 : i32
      %lt3A_261 = arith.cmpi slt, %add3A_259, %lt3A_260 : i32
      %convert_element_type3A_262 = arith.extui %lt3A_261 : i1 to i32
      %cond3A_263 = arith.constant 0 : i32
      %cond3A_264 = arith.cmpi ne, %convert_element_type3A_262, %cond3A_263 : i32
      scf.if %cond3A_264 {
        %add3A_309 = arith.constant 2 : i32
        %add3A_310 = arith.addi %add3A_252, %add3A_309 : i32
        %get3A_311 = arith.index_cast %add3A_310 : i32 to index
        %get3A_312 = arith.constant 0 : index
        %get3A_313 = tpu.vector_load %arg7[%get3A_311, %get3A_312] {strides = array<i32>} : memref<159x64xi32, #tpu.memory_space<vmem>>, vector<16xi32>,
        %and3A_314 = arith.constant 65535 : i32
        %and3A_315 = vector.broadcast %and3A_314 : i32 to vector<16xi32>
        %and3A_316 = arith.andi %get3A_313, %and3A_315 : vector<16xi32>
        %swap3A_317 = arith.constant 0 : i32
        %swap3A_318 = arith.index_cast %swap3A_317 : i32 to index
        %swap3A_319 = arith.constant 0 : index
        %swap3A_320 = tpu.vector_load %arg8[%swap3A_318, %swap3A_319] {strides = array<i32>} : memref<3x64xi32, #tpu.memory_space<vmem>>, vector<16xi32>,
        tpu.vector_store %arg8[%swap3A_318, %swap3A_319], %and3A_316 {strides = array<i32>} : memref<3x64xi32, #tpu.memory_space<vmem>>, vector<16xi32>,
        %shift_right_logical3A_321 = arith.constant 16 : i32
        %shift_right_logical3A_322 = vector.broadcast %shift_right_logical3A_321 : i32 to vector<16xi32>
        %shift_right_logical3A_323 = arith.shrui %get3A_313, %shift_right_logical3A_322 : vector<16xi32>
        %swap3A_324 = arith.constant 0 : i32
        %swap3A_325 = arith.index_cast %swap3A_324 : i32 to index
        %swap3A_326 = arith.constant 0 : index
        %swap3A_327 = tpu.vector_load %arg9[%swap3A_325, %swap3A_326] {strides = array<i32>} : memref<3x64xi32, #tpu.memory_space<vmem>>, vector<16xi32>,
        tpu.vector_store %arg9[%swap3A_325, %swap3A_326], %shift_right_logical3A_323 {strides = array<i32>} : memref<3x64xi32, #tpu.memory_space<vmem>>, vector<16xi32>,
        %get3A_328 = arith.index_cast %add3A_310 : i32 to index
        %get3A_329 = arith.constant 16 : index
        %get3A_330 = tpu.vector_load %arg7[%get3A_328, %get3A_329] {strides = array<i32>} : memref<159x64xi32, #tpu.memory_space<vmem>>, vector<16xi32>,
        %and3A_331 = arith.constant 65535 : i32
        %and3A_332 = vector.broadcast %and3A_331 : i32 to vector<16xi32>
        %and3A_333 = arith.andi %get3A_330, %and3A_332 : vector<16xi32>
        %swap3A_334 = arith.constant 0 : i32
        %swap3A_335 = arith.index_cast %swap3A_334 : i32 to index
        %swap3A_336 = arith.constant 16 : index
        %swap3A_337 = tpu.vector_load %arg8[%swap3A_335, %swap3A_336] {strides = array<i32>} : memref<3x64xi32, #tpu.memory_space<vmem>>, vector<16xi32>,
        tpu.vector_store %arg8[%swap3A_335, %swap3A_336], %and3A_333 {strides = array<i32>} : memref<3x64xi32, #tpu.memory_space<vmem>>, vector<16xi32>,
        %shift_right_logical3A_338 = arith.constant 16 : i32
        %shift_right_logical3A_339 = vector.broadcast %shift_right_logical3A_338 : i32 to vector<16xi32>
        %shift_right_logical3A_340 = arith.shrui %get3A_330, %shift_right_logical3A_339 : vector<16xi32>
        %swap3A_341 = arith.constant 0 : i32
        %swap3A_342 = arith.index_cast %swap3A_341 : i32 to index
        %swap3A_343 = arith.constant 16 : index
        %swap3A_344 = tpu.vector_load %arg9[%swap3A_342, %swap3A_343] {strides = array<i32>} : memref<3x64xi32, #tpu.memory_space<vmem>>, vector<16xi32>,
        tpu.vector_store %arg9[%swap3A_342, %swap3A_343], %shift_right_logical3A_340 {strides = array<i32>} : memref<3x64xi32, #tpu.memory_space<vmem>>, vector<16xi32>,
        %get3A_345 = arith.index_cast %add3A_310 : i32 to index
        %get3A_346 = arith.constant 32 : index
        %get3A_347 = tpu.vector_load %arg7[%get3A_345, %get3A_346] {strides = array<i32>} : memref<159x64xi32, #tpu.memory_space<vmem>>, vector<16xi32>,
        %and3A_348 = arith.constant 65535 : i32
        %and3A_349 = vector.broadcast %and3A_348 : i32 to vector<16xi32>
        %and3A_350 = arith.andi %get3A_347, %and3A_349 : vector<16xi32>
        %swap3A_351 = arith.constant 0 : i32
        %swap3A_352 = arith.index_cast %swap3A_351 : i32 to index
        %swap3A_353 = arith.constant 32 : index
        %swap3A_354 = tpu.vector_load %arg8[%swap3A_352, %swap3A_353] {strides = array<i32>} : memref<3x64xi32, #tpu.memory_space<vmem>>, vector<16xi32>,
        tpu.vector_store %arg8[%swap3A_352, %swap3A_353], %and3A_350 {strides = array<i32>} : memref<3x64xi32, #tpu.memory_space<vmem>>, vector<16xi32>,
        %shift_right_logical3A_355 = arith.constant 16 : i32
        %shift_right_logical3A_356 = vector.broadcast %shift_right_logical3A_355 : i32 to vector<16xi32>
        %shift_right_logical3A_357 = arith.shrui %get3A_347, %shift_right_logical3A_356 : vector<16xi32>
        %swap3A_358 = arith.constant 0 : i32
        %swap3A_359 = arith.index_cast %swap3A_358 : i32 to index
        %swap3A_360 = arith.constant 32 : index
        %swap3A_361 = tpu.vector_load %arg9[%swap3A_359, %swap3A_360] {strides = array<i32>} : memref<3x64xi32, #tpu.memory_space<vmem>>, vector<16xi32>,
        tpu.vector_store %arg9[%swap3A_359, %swap3A_360], %shift_right_logical3A_357 {strides = array<i32>} : memref<3x64xi32, #tpu.memory_space<vmem>>, vector<16xi32>,
        %get3A_362 = arith.index_cast %add3A_310 : i32 to index
        %get3A_363 = arith.constant 48 : index
        %get3A_364 = tpu.vector_load %arg7[%get3A_362, %get3A_363] {strides = array<i32>} : memref<159x64xi32, #tpu.memory_space<vmem>>, vector<16xi32>,
        %and3A_365 = arith.constant 65535 : i32
        %and3A_366 = vector.broadcast %and3A_365 : i32 to vector<16xi32>
        %and3A_367 = arith.andi %get3A_364, %and3A_366 : vector<16xi32>
        %swap3A_368 = arith.constant 0 : i32
        %swap3A_369 = arith.index_cast %swap3A_368 : i32 to index
        %swap3A_370 = arith.constant 48 : index
        %swap3A_371 = tpu.vector_load %arg8[%swap3A_369, %swap3A_370] {strides = array<i32>} : memref<3x64xi32, #tpu.memory_space<vmem>>, vector<16xi32>,
        tpu.vector_store %arg8[%swap3A_369, %swap3A_370], %and3A_367 {strides = array<i32>} : memref<3x64xi32, #tpu.memory_space<vmem>>, vector<16xi32>,
        %shift_right_logical3A_372 = arith.constant 16 : i32
        %shift_right_logical3A_373 = vector.broadcast %shift_right_logical3A_372 : i32 to vector<16xi32>
        %shift_right_logical3A_374 = arith.shrui %get3A_364, %shift_right_logical3A_373 : vector<16xi32>
        %swap3A_375 = arith.constant 0 : i32
        %swap3A_376 = arith.index_cast %swap3A_375 : i32 to index
        %swap3A_377 = arith.constant 48 : index
        %swap3A_378 = tpu.vector_load %arg9[%swap3A_376, %swap3A_377] {strides = array<i32>} : memref<3x64xi32, #tpu.memory_space<vmem>>, vector<16xi32>,
        tpu.vector_store %arg9[%swap3A_376, %swap3A_377], %shift_right_logical3A_374 {strides = array<i32>} : memref<3x64xi32, #tpu.memory_space<vmem>>, vector<16xi32>,
        %dma_start3A_379 = arith.constant 0 : i32
        %dma_start3A_380 = arith.constant 0 : i32
        %dma_start3A_381 = tpu.memref_slice %arg8[%dma_start3A_379, %dma_start3A_380] : memref<3x64xi32, #tpu.memory_space<vmem>> -> memref<1x64xi32, #tpu.memory_space<vmem>>
        %dma_start3A_382 = tpu.memref_squeeze %dma_start3A_381 : memref<1x64xi32, #tpu.memory_space<vmem>> -> memref<64xi32, #tpu.memory_space<vmem>>
        %dma_start3A_383 = arith.constant 0 : i32
        %dma_start3A_384 = arith.constant 0 : i32
        %dma_start3A_385 = tpu.memref_slice %arg2[%dma_start3A_383, %dma_start3A_384] : memref<10240x128xf32, #tpu.memory_space<hbm>> -> memref<10240x128xf32, #tpu.memory_space<hbm>>
        tpu.enqueue_indirect_dma source(%dma_start3A_385 : memref<10240x128xf32, #tpu.memory_space<hbm>>) target(%arg10 : memref<64x128xf32, #tpu.memory_space<vmem>>) offsets(%dma_start3A_382 : memref<64xi32, #tpu.memory_space<vmem>>) semaphore(%arg13 : memref<!tpu.dma_semaphore, #tpu.memory_space<semaphore_mem>>)
      } else {
      }
      %dma_wait3A_265 = arith.constant 1 : i32
      %dma_wait3A_266 = arith.constant 0 : i32
      %dma_wait3A_267 = tpu.memref_slice %arg8[%dma_wait3A_265, %dma_wait3A_266] : memref<3x64xi32, #tpu.memory_space<vmem>> -> memref<1x64xi32, #tpu.memory_space<vmem>>
      %dma_wait3A_268 = tpu.memref_squeeze %dma_wait3A_267 : memref<1x64xi32, #tpu.memory_space<vmem>> -> memref<64xi32, #tpu.memory_space<vmem>>
      %dma_wait3A_269 = arith.constant 0 : i32
      %dma_wait3A_270 = arith.constant 0 : i32
      %dma_wait3A_271 = tpu.memref_slice %arg2[%dma_wait3A_269, %dma_wait3A_270] : memref<10240x128xf32, #tpu.memory_space<hbm>> -> memref<10240x128xf32, #tpu.memory_space<hbm>>
      tpu.wait_indirect_dma semaphore(%arg14 : memref<!tpu.dma_semaphore, #tpu.memory_space<semaphore_mem>>) src(%dma_wait3A_271 : memref<10240x128xf32, #tpu.memory_space<hbm>>) dst(%arg11 : memref<64x128xf32, #tpu.memory_space<vmem>>)
      %dma_start3A_272 = arith.constant 1 : i32
      %dma_start3A_273 = arith.constant 0 : i32
      %dma_start3A_274 = tpu.memref_slice %arg9[%dma_start3A_272, %dma_start3A_273] : memref<3x64xi32, #tpu.memory_space<vmem>> -> memref<1x64xi32, #tpu.memory_space<vmem>>
      %dma_start3A_275 = tpu.memref_squeeze %dma_start3A_274 : memref<1x64xi32, #tpu.memory_space<vmem>> -> memref<64xi32, #tpu.memory_space<vmem>>
      %dma_start3A_276 = arith.constant 0 : i32
      %dma_start3A_277 = arith.constant 0 : i32
      %dma_start3A_278 = tpu.memref_slice %arg6[%dma_start3A_276, %dma_start3A_277] : memref<10240x128xf32, #tpu.memory_space<vmem_shared>> -> memref<10240x128xf32, #tpu.memory_space<vmem_shared>>
      tpu.enqueue_indirect_dma source(%arg11 : memref<64x128xf32, #tpu.memory_space<vmem>>) target(%dma_start3A_278 : memref<10240x128xf32, #tpu.memory_space<vmem_shared>>) offsets(%dma_start3A_275 : memref<64xi32, #tpu.memory_space<vmem>>) semaphore(%arg17 : memref<!tpu.dma_semaphore, #tpu.memory_space<semaphore_mem>>) {add = true}
      %mul3A_279 = arith.constant 3 : i32
      %mul3A_280 = arith.muli %scan3A_220, %mul3A_279 : i32
      %add3A_281 = arith.constant 2 : i32
      %add3A_282 = arith.addi %mul3A_280, %add3A_281 : i32
      %ge3A_283 = arith.constant 1 : i32
      %ge3A_284 = arith.cmpi sge, %add3A_282, %ge3A_283 : i32
      %convert_element_type3A_285 = arith.extui %ge3A_284 : i1 to i32
      %cond3A_286 = arith.constant 0 : i32
      %cond3A_287 = arith.cmpi ne, %convert_element_type3A_285, %cond3A_286 : i32
      scf.if %cond3A_287 {
        %dma_wait3A_309 = arith.constant 1 : i32
        %dma_wait3A_310 = arith.constant 0 : i32
        %dma_wait3A_311 = tpu.memref_slice %arg9[%dma_wait3A_309, %dma_wait3A_310] : memref<3x64xi32, #tpu.memory_space<vmem>> -> memref<1x64xi32, #tpu.memory_space<vmem>>
        %dma_wait3A_312 = tpu.memref_squeeze %dma_wait3A_311 : memref<1x64xi32, #tpu.memory_space<vmem>> -> memref<64xi32, #tpu.memory_space<vmem>>
        %dma_wait3A_313 = arith.constant 0 : i32
        %dma_wait3A_314 = arith.constant 0 : i32
        %dma_wait3A_315 = tpu.memref_slice %arg6[%dma_wait3A_313, %dma_wait3A_314] : memref<10240x128xf32, #tpu.memory_space<vmem_shared>> -> memref<10240x128xf32, #tpu.memory_space<vmem_shared>>
        tpu.wait_indirect_dma semaphore(%arg17 : memref<!tpu.dma_semaphore, #tpu.memory_space<semaphore_mem>>) src(%arg11 : memref<64x128xf32, #tpu.memory_space<vmem>>) dst(%dma_wait3A_315 : memref<10240x128xf32, #tpu.memory_space<vmem_shared>>)
      } else {
      }
      %add3A_288 = arith.constant 2 : i32
      %add3A_289 = arith.addi %add3A_282, %add3A_288 : i32
      %lt3A_290 = arith.constant 159 : i32
      %lt3A_291 = arith.cmpi slt, %add3A_289, %lt3A_290 : i32
      %convert_element_type3A_292 = arith.extui %lt3A_291 : i1 to i32
      %cond3A_293 = arith.constant 0 : i32
      %cond3A_294 = arith.cmpi ne, %convert_element_type3A_292, %cond3A_293 : i32
      scf.if %cond3A_294 {
        %add3A_309 = arith.constant 2 : i32
        %add3A_310 = arith.addi %add3A_282, %add3A_309 : i32
        %get3A_311 = arith.index_cast %add3A_310 : i32 to index
        %get3A_312 = arith.constant 0 : index
        %get3A_313 = tpu.vector_load %arg7[%get3A_311, %get3A_312] {strides = array<i32>} : memref<159x64xi32, #tpu.memory_space<vmem>>, vector<16xi32>,
        %and3A_314 = arith.constant 65535 : i32
        %and3A_315 = vector.broadcast %and3A_314 : i32 to vector<16xi32>
        %and3A_316 = arith.andi %get3A_313, %and3A_315 : vector<16xi32>
        %swap3A_317 = arith.constant 1 : i32
        %swap3A_318 = arith.index_cast %swap3A_317 : i32 to index
        %swap3A_319 = arith.constant 0 : index
        %swap3A_320 = tpu.vector_load %arg8[%swap3A_318, %swap3A_319] {strides = array<i32>} : memref<3x64xi32, #tpu.memory_space<vmem>>, vector<16xi32>,
        tpu.vector_store %arg8[%swap3A_318, %swap3A_319], %and3A_316 {strides = array<i32>} : memref<3x64xi32, #tpu.memory_space<vmem>>, vector<16xi32>,
        %shift_right_logical3A_321 = arith.constant 16 : i32
        %shift_right_logical3A_322 = vector.broadcast %shift_right_logical3A_321 : i32 to vector<16xi32>
        %shift_right_logical3A_323 = arith.shrui %get3A_313, %shift_right_logical3A_322 : vector<16xi32>
        %swap3A_324 = arith.constant 1 : i32
        %swap3A_325 = arith.index_cast %swap3A_324 : i32 to index
        %swap3A_326 = arith.constant 0 : index
        %swap3A_327 = tpu.vector_load %arg9[%swap3A_325, %swap3A_326] {strides = array<i32>} : memref<3x64xi32, #tpu.memory_space<vmem>>, vector<16xi32>,
        tpu.vector_store %arg9[%swap3A_325, %swap3A_326], %shift_right_logical3A_323 {strides = array<i32>} : memref<3x64xi32, #tpu.memory_space<vmem>>, vector<16xi32>,
        %get3A_328 = arith.index_cast %add3A_310 : i32 to index
        %get3A_329 = arith.constant 16 : index
        %get3A_330 = tpu.vector_load %arg7[%get3A_328, %get3A_329] {strides = array<i32>} : memref<159x64xi32, #tpu.memory_space<vmem>>, vector<16xi32>,
        %and3A_331 = arith.constant 65535 : i32
        %and3A_332 = vector.broadcast %and3A_331 : i32 to vector<16xi32>
        %and3A_333 = arith.andi %get3A_330, %and3A_332 : vector<16xi32>
        %swap3A_334 = arith.constant 1 : i32
        %swap3A_335 = arith.index_cast %swap3A_334 : i32 to index
        %swap3A_336 = arith.constant 16 : index
        %swap3A_337 = tpu.vector_load %arg8[%swap3A_335, %swap3A_336] {strides = array<i32>} : memref<3x64xi32, #tpu.memory_space<vmem>>, vector<16xi32>,
        tpu.vector_store %arg8[%swap3A_335, %swap3A_336], %and3A_333 {strides = array<i32>} : memref<3x64xi32, #tpu.memory_space<vmem>>, vector<16xi32>,
        %shift_right_logical3A_338 = arith.constant 16 : i32
        %shift_right_logical3A_339 = vector.broadcast %shift_right_logical3A_338 : i32 to vector<16xi32>
        %shift_right_logical3A_340 = arith.shrui %get3A_330, %shift_right_logical3A_339 : vector<16xi32>
        %swap3A_341 = arith.constant 1 : i32
        %swap3A_342 = arith.index_cast %swap3A_341 : i32 to index
        %swap3A_343 = arith.constant 16 : index
        %swap3A_344 = tpu.vector_load %arg9[%swap3A_342, %swap3A_343] {strides = array<i32>} : memref<3x64xi32, #tpu.memory_space<vmem>>, vector<16xi32>,
        tpu.vector_store %arg9[%swap3A_342, %swap3A_343], %shift_right_logical3A_340 {strides = array<i32>} : memref<3x64xi32, #tpu.memory_space<vmem>>, vector<16xi32>,
        %get3A_345 = arith.index_cast %add3A_310 : i32 to index
        %get3A_346 = arith.constant 32 : index
        %get3A_347 = tpu.vector_load %arg7[%get3A_345, %get3A_346] {strides = array<i32>} : memref<159x64xi32, #tpu.memory_space<vmem>>, vector<16xi32>,
        %and3A_348 = arith.constant 65535 : i32
        %and3A_349 = vector.broadcast %and3A_348 : i32 to vector<16xi32>
        %and3A_350 = arith.andi %get3A_347, %and3A_349 : vector<16xi32>
        %swap3A_351 = arith.constant 1 : i32
        %swap3A_352 = arith.index_cast %swap3A_351 : i32 to index
        %swap3A_353 = arith.constant 32 : index
        %swap3A_354 = tpu.vector_load %arg8[%swap3A_352, %swap3A_353] {strides = array<i32>} : memref<3x64xi32, #tpu.memory_space<vmem>>, vector<16xi32>,
        tpu.vector_store %arg8[%swap3A_352, %swap3A_353], %and3A_350 {strides = array<i32>} : memref<3x64xi32, #tpu.memory_space<vmem>>, vector<16xi32>,
        %shift_right_logical3A_355 = arith.constant 16 : i32
        %shift_right_logical3A_356 = vector.broadcast %shift_right_logical3A_355 : i32 to vector<16xi32>
        %shift_right_logical3A_357 = arith.shrui %get3A_347, %shift_right_logical3A_356 : vector<16xi32>
        %swap3A_358 = arith.constant 1 : i32
        %swap3A_359 = arith.index_cast %swap3A_358 : i32 to index
        %swap3A_360 = arith.constant 32 : index
        %swap3A_361 = tpu.vector_load %arg9[%swap3A_359, %swap3A_360] {strides = array<i32>} : memref<3x64xi32, #tpu.memory_space<vmem>>, vector<16xi32>,
        tpu.vector_store %arg9[%swap3A_359, %swap3A_360], %shift_right_logical3A_357 {strides = array<i32>} : memref<3x64xi32, #tpu.memory_space<vmem>>, vector<16xi32>,
        %get3A_362 = arith.index_cast %add3A_310 : i32 to index
        %get3A_363 = arith.constant 48 : index
        %get3A_364 = tpu.vector_load %arg7[%get3A_362, %get3A_363] {strides = array<i32>} : memref<159x64xi32, #tpu.memory_space<vmem>>, vector<16xi32>,
        %and3A_365 = arith.constant 65535 : i32
        %and3A_366 = vector.broadcast %and3A_365 : i32 to vector<16xi32>
        %and3A_367 = arith.andi %get3A_364, %and3A_366 : vector<16xi32>
        %swap3A_368 = arith.constant 1 : i32
        %swap3A_369 = arith.index_cast %swap3A_368 : i32 to index
        %swap3A_370 = arith.constant 48 : index
        %swap3A_371 = tpu.vector_load %arg8[%swap3A_369, %swap3A_370] {strides = array<i32>} : memref<3x64xi32, #tpu.memory_space<vmem>>, vector<16xi32>,
        tpu.vector_store %arg8[%swap3A_369, %swap3A_370], %and3A_367 {strides = array<i32>} : memref<3x64xi32, #tpu.memory_space<vmem>>, vector<16xi32>,
        %shift_right_logical3A_372 = arith.constant 16 : i32
        %shift_right_logical3A_373 = vector.broadcast %shift_right_logical3A_372 : i32 to vector<16xi32>
        %shift_right_logical3A_374 = arith.shrui %get3A_364, %shift_right_logical3A_373 : vector<16xi32>
        %swap3A_375 = arith.constant 1 : i32
        %swap3A_376 = arith.index_cast %swap3A_375 : i32 to index
        %swap3A_377 = arith.constant 48 : index
        %swap3A_378 = tpu.vector_load %arg9[%swap3A_376, %swap3A_377] {strides = array<i32>} : memref<3x64xi32, #tpu.memory_space<vmem>>, vector<16xi32>,
        tpu.vector_store %arg9[%swap3A_376, %swap3A_377], %shift_right_logical3A_374 {strides = array<i32>} : memref<3x64xi32, #tpu.memory_space<vmem>>, vector<16xi32>,
        %dma_start3A_379 = arith.constant 1 : i32
        %dma_start3A_380 = arith.constant 0 : i32
        %dma_start3A_381 = tpu.memref_slice %arg8[%dma_start3A_379, %dma_start3A_380] : memref<3x64xi32, #tpu.memory_space<vmem>> -> memref<1x64xi32, #tpu.memory_space<vmem>>
        %dma_start3A_382 = tpu.memref_squeeze %dma_start3A_381 : memref<1x64xi32, #tpu.memory_space<vmem>> -> memref<64xi32, #tpu.memory_space<vmem>>
        %dma_start3A_383 = arith.constant 0 : i32
        %dma_start3A_384 = arith.constant 0 : i32
        %dma_start3A_385 = tpu.memref_slice %arg2[%dma_start3A_383, %dma_start3A_384] : memref<10240x128xf32, #tpu.memory_space<hbm>> -> memref<10240x128xf32, #tpu.memory_space<hbm>>
        tpu.enqueue_indirect_dma source(%dma_start3A_385 : memref<10240x128xf32, #tpu.memory_space<hbm>>) target(%arg11 : memref<64x128xf32, #tpu.memory_space<vmem>>) offsets(%dma_start3A_382 : memref<64xi32, #tpu.memory_space<vmem>>) semaphore(%arg14 : memref<!tpu.dma_semaphore, #tpu.memory_space<semaphore_mem>>)
      } else {
      }
      %dma_wait3A_295 = arith.constant 2 : i32
      %dma_wait3A_296 = arith.constant 0 : i32
      %dma_wait3A_297 = tpu.memref_slice %arg8[%dma_wait3A_295, %dma_wait3A_296] : memref<3x64xi32, #tpu.memory_space<vmem>> -> memref<1x64xi32, #tpu.memory_space<vmem>>
      %dma_wait3A_298 = tpu.memref_squeeze %dma_wait3A_297 : memref<1x64xi32, #tpu.memory_space<vmem>> -> memref<64xi32, #tpu.memory_space<vmem>>
      %dma_wait3A_299 = arith.constant 0 : i32
      %dma_wait3A_300 = arith.constant 0 : i32
      %dma_wait3A_301 = tpu.memref_slice %arg2[%dma_wait3A_299, %dma_wait3A_300] : memref<10240x128xf32, #tpu.memory_space<hbm>> -> memref<10240x128xf32, #tpu.memory_space<hbm>>
      tpu.wait_indirect_dma semaphore(%arg15 : memref<!tpu.dma_semaphore, #tpu.memory_space<semaphore_mem>>) src(%dma_wait3A_301 : memref<10240x128xf32, #tpu.memory_space<hbm>>) dst(%arg12 : memref<64x128xf32, #tpu.memory_space<vmem>>)
      %dma_start3A_302 = arith.constant 2 : i32
      %dma_start3A_303 = arith.constant 0 : i32
      %dma_start3A_304 = tpu.memref_slice %arg9[%dma_start3A_302, %dma_start3A_303] : memref<3x64xi32, #tpu.memory_space<vmem>> -> memref<1x64xi32, #tpu.memory_space<vmem>>
      %dma_start3A_305 = tpu.memref_squeeze %dma_start3A_304 : memref<1x64xi32, #tpu.memory_space<vmem>> -> memref<64xi32, #tpu.memory_space<vmem>>
      %dma_start3A_306 = arith.constant 0 : i32
      %dma_start3A_307 = arith.constant 0 : i32
      %dma_start3A_308 = tpu.memref_slice %arg6[%dma_start3A_306, %dma_start3A_307] : memref<10240x128xf32, #tpu.memory_space<vmem_shared>> -> memref<10240x128xf32, #tpu.memory_space<vmem_shared>>
      tpu.enqueue_indirect_dma source(%arg12 : memref<64x128xf32, #tpu.memory_space<vmem>>) target(%dma_start3A_308 : memref<10240x128xf32, #tpu.memory_space<vmem_shared>>) offsets(%dma_start3A_305 : memref<64xi32, #tpu.memory_space<vmem>>) semaphore(%arg18 : memref<!tpu.dma_semaphore, #tpu.memory_space<semaphore_mem>>) {add = true}
    }
    %scan3A_203 = arith.constant 53 : i32
    %dma_wait3A = arith.constant 2 : i32
    %dma_wait3A_204 = arith.constant 0 : i32
    %dma_wait3A_205 = tpu.memref_slice %arg9[%dma_wait3A, %dma_wait3A_204] : memref<3x64xi32, #tpu.memory_space<vmem>> -> memref<1x64xi32, #tpu.memory_space<vmem>>
    %dma_wait3A_206 = tpu.memref_squeeze %dma_wait3A_205 : memref<1x64xi32, #tpu.memory_space<vmem>> -> memref<64xi32, #tpu.memory_space<vmem>>
    %dma_wait3A_207 = arith.constant 0 : i32
    %dma_wait3A_208 = arith.constant 0 : i32
    %dma_wait3A_209 = tpu.memref_slice %arg6[%dma_wait3A_207, %dma_wait3A_208] : memref<10240x128xf32, #tpu.memory_space<vmem_shared>> -> memref<10240x128xf32, #tpu.memory_space<vmem_shared>>
    tpu.wait_indirect_dma semaphore(%arg18 : memref<!tpu.dma_semaphore, #tpu.memory_space<semaphore_mem>>) src(%arg12 : memref<64x128xf32, #tpu.memory_space<vmem>>) dst(%dma_wait3A_209 : memref<10240x128xf32, #tpu.memory_space<vmem_shared>>)
    %barrier3A_210 = arith.constant 0 : index
    tpu.barrier barrier_id(%barrier3A_210)
    %mul3A_211 = arith.constant 640 : i32
    %mul3A_212 = arith.muli %arg1, %mul3A_211 : i32
    %eq3A = arith.constant 0 : i32
    %eq3A_213 = arith.cmpi eq, %arg0, %eq3A : i32
    %convert_element_type3A = arith.extui %eq3A_213 : i1 to i32
    %cond3A = arith.constant 0 : i32
    %cond3A_214 = arith.cmpi ne, %convert_element_type3A, %cond3A : i32
    scf.if %cond3A_214 {
      "tpu.region"() ({
        %run_scoped3A = tpu.sem_alloc : memref<!tpu.dma_semaphore, #tpu.memory_space<semaphore_mem>>
        %dma_start3A_220 = arith.constant 0 : i32
        %dma_start3A_221 = tpu.memref_slice %arg4[%mul3A_212, %dma_start3A_220] : memref<10240x128xf32, #tpu.memory_space<hbm>> -> memref<640x128xf32, #tpu.memory_space<hbm>>
        %dma_start3A_222 = arith.constant 0 : i32
        %dma_start3A_223 = tpu.memref_slice %arg6[%mul3A_212, %dma_start3A_222] : memref<10240x128xf32, #tpu.memory_space<vmem_shared>> -> memref<640x128xf32, #tpu.memory_space<vmem_shared>>
        tpu.enqueue_dma source(%dma_start3A_223 : memref<640x128xf32, #tpu.memory_space<vmem_shared>>) target(%dma_start3A_221 : memref<640x128xf32, #tpu.memory_space<hbm>>) target_semaphore(%run_scoped3A : memref<!tpu.dma_semaphore, #tpu.memory_space<semaphore_mem>>)
        %dma_wait3A_224 = arith.constant 0 : i32
        %dma_wait3A_225 = tpu.memref_slice %arg4[%mul3A_212, %dma_wait3A_224] : memref<10240x128xf32, #tpu.memory_space<hbm>> -> memref<640x128xf32, #tpu.memory_space<hbm>>
        %dma_wait3A_226 = arith.constant 0 : i32
        %dma_wait3A_227 = tpu.memref_slice %arg6[%mul3A_212, %dma_wait3A_226] : memref<10240x128xf32, #tpu.memory_space<vmem_shared>> -> memref<640x128xf32, #tpu.memory_space<vmem_shared>>
        tpu.wait_dma2 semaphore(%run_scoped3A : memref<!tpu.dma_semaphore, #tpu.memory_space<semaphore_mem>>) src(%dma_wait3A_227 : memref<640x128xf32, #tpu.memory_space<vmem_shared>>) dst(%dma_wait3A_225 : memref<640x128xf32, #tpu.memory_space<hbm>>)
        tpu.yield
      }) : () -> ()
    } else {
    }
    %eq3A_215 = arith.constant 1 : i32
    %eq3A_216 = arith.cmpi eq, %arg0, %eq3A_215 : i32
    %convert_element_type3A_217 = arith.extui %eq3A_216 : i1 to i32
    %cond3A_218 = arith.constant 0 : i32
    %cond3A_219 = arith.cmpi ne, %convert_element_type3A_217, %cond3A_218 : i32
    scf.if %cond3A_219 {
      "tpu.region"() ({
        %run_scoped3A = tpu.sem_alloc : memref<!tpu.dma_semaphore, #tpu.memory_space<semaphore_mem>>
        %dma_start3A_220 = arith.constant 0 : i32
        %dma_start3A_221 = tpu.memref_slice %arg5[%mul3A_212, %dma_start3A_220] : memref<10240x128xf32, #tpu.memory_space<hbm>> -> memref<640x128xf32, #tpu.memory_space<hbm>>
        %dma_start3A_222 = arith.constant 0 : i32
        %dma_start3A_223 = tpu.memref_slice %arg6[%mul3A_212, %dma_start3A_222] : memref<10240x128xf32, #tpu.memory_space<vmem_shared>> -> memref<640x128xf32, #tpu.memory_space<vmem_shared>>
        tpu.enqueue_dma source(%dma_start3A_223 : memref<640x128xf32, #tpu.memory_space<vmem_shared>>) target(%dma_start3A_221 : memref<640x128xf32, #tpu.memory_space<hbm>>) target_semaphore(%run_scoped3A : memref<!tpu.dma_semaphore, #tpu.memory_space<semaphore_mem>>)
        %dma_wait3A_224 = arith.constant 0 : i32
        %dma_wait3A_225 = tpu.memref_slice %arg5[%mul3A_212, %dma_wait3A_224] : memref<10240x128xf32, #tpu.memory_space<hbm>> -> memref<640x128xf32, #tpu.memory_space<hbm>>
        %dma_wait3A_226 = arith.constant 0 : i32
        %dma_wait3A_227 = tpu.memref_slice %arg6[%mul3A_212, %dma_wait3A_226] : memref<10240x128xf32, #tpu.memory_space<vmem_shared>> -> memref<640x128xf32, #tpu.memory_space<vmem_shared>>
        tpu.wait_dma2 semaphore(%run_scoped3A : memref<!tpu.dma_semaphore, #tpu.memory_space<semaphore_mem>>) src(%dma_wait3A_227 : memref<640x128xf32, #tpu.memory_space<vmem_shared>>) dst(%dma_wait3A_225 : memref<640x128xf32, #tpu.memory_space<hbm>>)
        tpu.yield
      }) : () -> ()
    } else {
    }
    return
  }
}

#map = affine_map<(d0, d1) -> (0, 0)>
#map1 = affine_map<(d0, d1) -> (0, 0, 0)>
module attributes {stable_mosaic.version = 14 : i64} {
  func.func @_spmm_body(%arg0: i32, %arg1: i32, %arg2: memref<10240x128xf32, #tpu.memory_space<hbm>>, %arg3: memref<32x159x64xi32, #tpu.memory_space<hbm>>, %arg4: memref<10240x128xf32, #tpu.memory_space<hbm>>, %arg5: memref<10240x128xf32, #tpu.memory_space<hbm>>, %arg6: memref<10240x128xf32, #tpu.memory_space<vmem_shared>>, %arg7: memref<159x64xi32, #tpu.memory_space<vmem>>, %arg8: memref<3x64xi32, #tpu.memory_space<vmem>>, %arg9: memref<3x64xi32, #tpu.memory_space<vmem>>, %arg10: memref<64x128xf32, #tpu.memory_space<vmem>>, %arg11: memref<64x128xf32, #tpu.memory_space<vmem>>, %arg12: memref<64x128xf32, #tpu.memory_space<vmem>>, %arg13: memref<!tpu.dma_semaphore, #tpu.memory_space<semaphore_mem>>, %arg14: memref<!tpu.dma_semaphore, #tpu.memory_space<semaphore_mem>>, %arg15: memref<!tpu.dma_semaphore, #tpu.memory_space<semaphore_mem>>, %arg16: memref<!tpu.dma_semaphore, #tpu.memory_space<semaphore_mem>>, %arg17: memref<!tpu.dma_semaphore, #tpu.memory_space<semaphore_mem>>, %arg18: memref<!tpu.dma_semaphore, #tpu.memory_space<semaphore_mem>>) attributes {dimension_semantics = [#tpu.dimension_semantics<core_parallel>, #tpu.dimension_semantics<subcore_parallel>], iteration_bounds = array<i64: 2, 16>, scalar_prefetch = 0 : i64, scratch_operands = 13 : i64, tpu.core_type = #tpu.core_type<sc_vector_subcore>, window_params = [{transform_indices = #map}, {transform_indices = #map1}, {transform_indices = #map}, {transform_indices = #map}]} {
    %mul3A = arith.constant 2 : i32
    %mul3A_0 = arith.muli %arg1, %mul3A : i32
    %add3A = arith.addi %mul3A_0, %arg0 : i32
    "tpu.region"() ({
      %run_scoped3A = tpu.sem_alloc : memref<!tpu.dma_semaphore, #tpu.memory_space<semaphore_mem>>
      %dma_start3A_220 = arith.constant 0 : i32
      %dma_start3A_221 = arith.constant 0 : i32
      %dma_start3A_222 = tpu.memref_slice %arg3[%add3A, %dma_start3A_220, %dma_start3A_221] : memref<32x159x64xi32, #tpu.memory_space<hbm>> -> memref<1x159x64xi32, #tpu.memory_space<hbm>>
      %dma_start3A_223 = tpu.memref_squeeze %dma_start3A_222 : memref<1x159x64xi32, #tpu.memory_space<hbm>> -> memref<159x64xi32, #tpu.memory_space<hbm>>
      %dma_start3A_224 = arith.constant 0 : i32
      %dma_start3A_225 = arith.constant 0 : i32
      %dma_start3A_226 = tpu.memref_slice %arg3[%add3A, %dma_start3A_224, %dma_start3A_225] : memref<32x159x64xi32, #tpu.memory_space<hbm>> -> memref<1x159x64xi32, #tpu.memory_space<hbm>>
      %dma_start3A_227 = tpu.memref_squeeze %dma_start3A_226 : memref<1x159x64xi32, #tpu.memory_space<hbm>> -> memref<159x64xi32, #tpu.memory_space<hbm>>
      tpu.enqueue_dma source(%dma_start3A_227 : memref<159x64xi32, #tpu.memory_space<hbm>>) target(%arg7 : memref<159x64xi32, #tpu.memory_space<vmem>>) target_semaphore(%run_scoped3A : memref<!tpu.dma_semaphore, #tpu.memory_space<semaphore_mem>>)
      %dma_wait3A_228 = arith.constant 0 : i32
      %dma_wait3A_229 = arith.constant 0 : i32
      %dma_wait3A_230 = tpu.memref_slice %arg3[%add3A, %dma_wait3A_228, %dma_wait3A_229] : memref<32x159x64xi32, #tpu.memory_space<hbm>> -> memref<1x159x64xi32, #tpu.memory_space<hbm>>
      %dma_wait3A_231 = tpu.memref_squeeze %dma_wait3A_230 : memref<1x159x64xi32, #tpu.memory_space<hbm>> -> memref<159x64xi32, #tpu.memory_space<hbm>>
      %dma_wait3A_232 = arith.constant 0 : i32
      %dma_wait3A_233 = arith.constant 0 : i32
      %dma_wait3A_234 = tpu.memref_slice %arg3[%add3A, %dma_wait3A_232, %dma_wait3A_233] : memref<32x159x64xi32, #tpu.memory_space<hbm>> -> memref<1x159x64xi32, #tpu.memory_space<hbm>>
      %dma_wait3A_235 = tpu.memref_squeeze %dma_wait3A_234 : memref<1x159x64xi32, #tpu.memory_space<hbm>> -> memref<159x64xi32, #tpu.memory_space<hbm>>
      tpu.wait_dma2 semaphore(%run_scoped3A : memref<!tpu.dma_semaphore, #tpu.memory_space<semaphore_mem>>) src(%dma_wait3A_235 : memref<159x64xi32, #tpu.memory_space<hbm>>) dst(%arg7 : memref<159x64xi32, #tpu.memory_space<vmem>>)
      tpu.yield
    }) : () -> ()
    %broadcast_in_dim3A = arith.constant 0.000000e+00 : f32
    %broadcast_in_dim3A_1 = vector.broadcast %broadcast_in_dim3A : f32 to vector<16xf32>
    %scan3A = arith.constant 0 : i32
    %scan3A_2 = arith.constant 64 : i32
    %scan3A_3 = arith.addi %scan3A, %scan3A_2 : i32
    %scan3A_4 = arith.constant 1 : i32
    scf.for %scan3A_220 = %scan3A to %scan3A_3 step %scan3A_4  : i32 {
      %swap3A_221 = arith.index_cast %scan3A_220 : i32 to index
      %swap3A_222 = arith.constant 0 : index
      %swap3A_223 = tpu.vector_load %arg10[%swap3A_221, %swap3A_222] {strides = array<i32>} : memref<64x128xf32, #tpu.memory_space<vmem>>, vector<16xf32>,
      tpu.vector_store %arg10[%swap3A_221, %swap3A_222], %broadcast_in_dim3A_1 {strides = array<i32>} : memref<64x128xf32, #tpu.memory_space<vmem>>, vector<16xf32>,
      %swap3A_224 = arith.index_cast %scan3A_220 : i32 to index
      %swap3A_225 = arith.constant 16 : index
      %swap3A_226 = tpu.vector_load %arg10[%swap3A_224, %swap3A_225] {strides = array<i32>} : memref<64x128xf32, #tpu.memory_space<vmem>>, vector<16xf32>,
      tpu.vector_store %arg10[%swap3A_224, %swap3A_225], %broadcast_in_dim3A_1 {strides = array<i32>} : memref<64x128xf32, #tpu.memory_space<vmem>>, vector<16xf32>,
      %swap3A_227 = arith.index_cast %scan3A_220 : i32 to index
      %swap3A_228 = arith.constant 32 : index
      %swap3A_229 = tpu.vector_load %arg10[%swap3A_227, %swap3A_228] {strides = array<i32>} : memref<64x128xf32, #tpu.memory_space<vmem>>, vector<16xf32>,
      tpu.vector_store %arg10[%swap3A_227, %swap3A_228], %broadcast_in_dim3A_1 {strides = array<i32>} : memref<64x128xf32, #tpu.memory_space<vmem>>, vector<16xf32>,
      %swap3A_230 = arith.index_cast %scan3A_220 : i32 to index
      %swap3A_231 = arith.constant 48 : index
      %swap3A_232 = tpu.vector_load %arg10[%swap3A_230, %swap3A_231] {strides = array<i32>} : memref<64x128xf32, #tpu.memory_space<vmem>>, vector<16xf32>,
      tpu.vector_store %arg10[%swap3A_230, %swap3A_231], %broadcast_in_dim3A_1 {strides = array<i32>} : memref<64x128xf32, #tpu.memory_space<vmem>>, vector<16xf32>,
      %swap3A_233 = arith.index_cast %scan3A_220 : i32 to index
      %swap3A_234 = arith.constant 64 : index
      %swap3A_235 = tpu.vector_load %arg10[%swap3A_233, %swap3A_234] {strides = array<i32>} : memref<64x128xf32, #tpu.memory_space<vmem>>, vector<16xf32>,
      tpu.vector_store %arg10[%swap3A_233, %swap3A_234], %broadcast_in_dim3A_1 {strides = array<i32>} : memref<64x128xf32, #tpu.memory_space<vmem>>, vector<16xf32>,
      %swap3A_236 = arith.index_cast %scan3A_220 : i32 to index
      %swap3A_237 = arith.constant 80 : index
      %swap3A_238 = tpu.vector_load %arg10[%swap3A_236, %swap3A_237] {strides = array<i32>} : memref<64x128xf32, #tpu.memory_space<vmem>>, vector<16xf32>,
      tpu.vector_store %arg10[%swap3A_236, %swap3A_237], %broadcast_in_dim3A_1 {strides = array<i32>} : memref<64x128xf32, #tpu.memory_space<vmem>>, vector<16xf32>,
      %swap3A_239 = arith.index_cast %scan3A_220 : i32 to index
      %swap3A_240 = arith.constant 96 : index
      %swap3A_241 = tpu.vector_load %arg10[%swap3A_239, %swap3A_240] {strides = array<i32>} : memref<64x128xf32, #tpu.memory_space<vmem>>, vector<16xf32>,
      tpu.vector_store %arg10[%swap3A_239, %swap3A_240], %broadcast_in_dim3A_1 {strides = array<i32>} : memref<64x128xf32, #tpu.memory_space<vmem>>, vector<16xf32>,
      %swap3A_242 = arith.index_cast %scan3A_220 : i32 to index
      %swap3A_243 = arith.constant 112 : index
      %swap3A_244 = tpu.vector_load %arg10[%swap3A_242, %swap3A_243] {strides = array<i32>} : memref<64x128xf32, #tpu.memory_space<vmem>>, vector<16xf32>,
      tpu.vector_store %arg10[%swap3A_242, %swap3A_243], %broadcast_in_dim3A_1 {strides = array<i32>} : memref<64x128xf32, #tpu.memory_space<vmem>>, vector<16xf32>,
    }
    %scan3A_5 = arith.constant 64 : i32
    %mul3A_6 = arith.constant 640 : i32
    %mul3A_7 = arith.muli %arg1, %mul3A_6 : i32
    %add3A_8 = arith.constant 0 : i32
    %add3A_9 = arith.addi %mul3A_7, %add3A_8 : i32
    "tpu.region"() ({
      %run_scoped3A = tpu.sem_alloc : memref<!tpu.dma_semaphore, #tpu.memory_space<semaphore_mem>>
      %dma_start3A_220 = arith.constant 0 : i32
      %dma_start3A_221 = tpu.memref_slice %arg6[%add3A_9, %dma_start3A_220] : memref<10240x128xf32, #tpu.memory_space<vmem_shared>> -> memref<64x128xf32, #tpu.memory_space<vmem_shared>>
      %dma_start3A_222 = arith.constant 0 : i32
      %dma_start3A_223 = tpu.memref_slice %arg6[%add3A_9, %dma_start3A_222] : memref<10240x128xf32, #tpu.memory_space<vmem_shared>> -> memref<64x128xf32, #tpu.memory_space<vmem_shared>>
      tpu.enqueue_dma source(%arg10 : memref<64x128xf32, #tpu.memory_space<vmem>>) target(%dma_start3A_223 : memref<64x128xf32, #tpu.memory_space<vmem_shared>>) target_semaphore(%run_scoped3A : memref<!tpu.dma_semaphore, #tpu.memory_space<semaphore_mem>>)
      %dma_wait3A_224 = arith.constant 0 : i32
      %dma_wait3A_225 = tpu.memref_slice %arg6[%add3A_9, %dma_wait3A_224] : memref<10240x128xf32, #tpu.memory_space<vmem_shared>> -> memref<64x128xf32, #tpu.memory_space<vmem_shared>>
      %dma_wait3A_226 = arith.constant 0 : i32
      %dma_wait3A_227 = tpu.memref_slice %arg6[%add3A_9, %dma_wait3A_226] : memref<10240x128xf32, #tpu.memory_space<vmem_shared>> -> memref<64x128xf32, #tpu.memory_space<vmem_shared>>
      tpu.wait_dma2 semaphore(%run_scoped3A : memref<!tpu.dma_semaphore, #tpu.memory_space<semaphore_mem>>) src(%arg10 : memref<64x128xf32, #tpu.memory_space<vmem>>) dst(%dma_wait3A_227 : memref<64x128xf32, #tpu.memory_space<vmem_shared>>)
      tpu.yield
    }) : () -> ()
    %mul3A_10 = arith.constant 640 : i32
    %mul3A_11 = arith.muli %arg1, %mul3A_10 : i32
    %add3A_12 = arith.constant 64 : i32
    %add3A_13 = arith.addi %mul3A_11, %add3A_12 : i32
    "tpu.region"() ({
      %run_scoped3A = tpu.sem_alloc : memref<!tpu.dma_semaphore, #tpu.memory_space<semaphore_mem>>
      %dma_start3A_220 = arith.constant 0 : i32
      %dma_start3A_221 = tpu.memref_slice %arg6[%add3A_13, %dma_start3A_220] : memref<10240x128xf32, #tpu.memory_space<vmem_shared>> -> memref<64x128xf32, #tpu.memory_space<vmem_shared>>
      %dma_start3A_222 = arith.constant 0 : i32
      %dma_start3A_223 = tpu.memref_slice %arg6[%add3A_13, %dma_start3A_222] : memref<10240x128xf32, #tpu.memory_space<vmem_shared>> -> memref<64x128xf32, #tpu.memory_space<vmem_shared>>
      tpu.enqueue_dma source(%arg10 : memref<64x128xf32, #tpu.memory_space<vmem>>) target(%dma_start3A_223 : memref<64x128xf32, #tpu.memory_space<vmem_shared>>) target_semaphore(%run_scoped3A : memref<!tpu.dma_semaphore, #tpu.memory_space<semaphore_mem>>)
      %dma_wait3A_224 = arith.constant 0 : i32
      %dma_wait3A_225 = tpu.memref_slice %arg6[%add3A_13, %dma_wait3A_224] : memref<10240x128xf32, #tpu.memory_space<vmem_shared>> -> memref<64x128xf32, #tpu.memory_space<vmem_shared>>
      %dma_wait3A_226 = arith.constant 0 : i32
      %dma_wait3A_227 = tpu.memref_slice %arg6[%add3A_13, %dma_wait3A_226] : memref<10240x128xf32, #tpu.memory_space<vmem_shared>> -> memref<64x128xf32, #tpu.memory_space<vmem_shared>>
      tpu.wait_dma2 semaphore(%run_scoped3A : memref<!tpu.dma_semaphore, #tpu.memory_space<semaphore_mem>>) src(%arg10 : memref<64x128xf32, #tpu.memory_space<vmem>>) dst(%dma_wait3A_227 : memref<64x128xf32, #tpu.memory_space<vmem_shared>>)
      tpu.yield
    }) : () -> ()
    %mul3A_14 = arith.constant 640 : i32
    %mul3A_15 = arith.muli %arg1, %mul3A_14 : i32
    %add3A_16 = arith.constant 128 : i32
    %add3A_17 = arith.addi %mul3A_15, %add3A_16 : i32
    "tpu.region"() ({
      %run_scoped3A = tpu.sem_alloc : memref<!tpu.dma_semaphore, #tpu.memory_space<semaphore_mem>>
      %dma_start3A_220 = arith.constant 0 : i32
      %dma_start3A_221 = tpu.memref_slice %arg6[%add3A_17, %dma_start3A_220] : memref<10240x128xf32, #tpu.memory_space<vmem_shared>> -> memref<64x128xf32, #tpu.memory_space<vmem_shared>>
      %dma_start3A_222 = arith.constant 0 : i32
      %dma_start3A_223 = tpu.memref_slice %arg6[%add3A_17, %dma_start3A_222] : memref<10240x128xf32, #tpu.memory_space<vmem_shared>> -> memref<64x128xf32, #tpu.memory_space<vmem_shared>>
      tpu.enqueue_dma source(%arg10 : memref<64x128xf32, #tpu.memory_space<vmem>>) target(%dma_start3A_223 : memref<64x128xf32, #tpu.memory_space<vmem_shared>>) target_semaphore(%run_scoped3A : memref<!tpu.dma_semaphore, #tpu.memory_space<semaphore_mem>>)
      %dma_wait3A_224 = arith.constant 0 : i32
      %dma_wait3A_225 = tpu.memref_slice %arg6[%add3A_17, %dma_wait3A_224] : memref<10240x128xf32, #tpu.memory_space<vmem_shared>> -> memref<64x128xf32, #tpu.memory_space<vmem_shared>>
      %dma_wait3A_226 = arith.constant 0 : i32
      %dma_wait3A_227 = tpu.memref_slice %arg6[%add3A_17, %dma_wait3A_226] : memref<10240x128xf32, #tpu.memory_space<vmem_shared>> -> memref<64x128xf32, #tpu.memory_space<vmem_shared>>
      tpu.wait_dma2 semaphore(%run_scoped3A : memref<!tpu.dma_semaphore, #tpu.memory_space<semaphore_mem>>) src(%arg10 : memref<64x128xf32, #tpu.memory_space<vmem>>) dst(%dma_wait3A_227 : memref<64x128xf32, #tpu.memory_space<vmem_shared>>)
      tpu.yield
    }) : () -> ()
    %mul3A_18 = arith.constant 640 : i32
    %mul3A_19 = arith.muli %arg1, %mul3A_18 : i32
    %add3A_20 = arith.constant 192 : i32
    %add3A_21 = arith.addi %mul3A_19, %add3A_20 : i32
    "tpu.region"() ({
      %run_scoped3A = tpu.sem_alloc : memref<!tpu.dma_semaphore, #tpu.memory_space<semaphore_mem>>
      %dma_start3A_220 = arith.constant 0 : i32
      %dma_start3A_221 = tpu.memref_slice %arg6[%add3A_21, %dma_start3A_220] : memref<10240x128xf32, #tpu.memory_space<vmem_shared>> -> memref<64x128xf32, #tpu.memory_space<vmem_shared>>
      %dma_start3A_222 = arith.constant 0 : i32
      %dma_start3A_223 = tpu.memref_slice %arg6[%add3A_21, %dma_start3A_222] : memref<10240x128xf32, #tpu.memory_space<vmem_shared>> -> memref<64x128xf32, #tpu.memory_space<vmem_shared>>
      tpu.enqueue_dma source(%arg10 : memref<64x128xf32, #tpu.memory_space<vmem>>) target(%dma_start3A_223 : memref<64x128xf32, #tpu.memory_space<vmem_shared>>) target_semaphore(%run_scoped3A : memref<!tpu.dma_semaphore, #tpu.memory_space<semaphore_mem>>)
      %dma_wait3A_224 = arith.constant 0 : i32
      %dma_wait3A_225 = tpu.memref_slice %arg6[%add3A_21, %dma_wait3A_224] : memref<10240x128xf32, #tpu.memory_space<vmem_shared>> -> memref<64x128xf32, #tpu.memory_space<vmem_shared>>
      %dma_wait3A_226 = arith.constant 0 : i32
      %dma_wait3A_227 = tpu.memref_slice %arg6[%add3A_21, %dma_wait3A_226] : memref<10240x128xf32, #tpu.memory_space<vmem_shared>> -> memref<64x128xf32, #tpu.memory_space<vmem_shared>>
      tpu.wait_dma2 semaphore(%run_scoped3A : memref<!tpu.dma_semaphore, #tpu.memory_space<semaphore_mem>>) src(%arg10 : memref<64x128xf32, #tpu.memory_space<vmem>>) dst(%dma_wait3A_227 : memref<64x128xf32, #tpu.memory_space<vmem_shared>>)
      tpu.yield
    }) : () -> ()
    %mul3A_22 = arith.constant 640 : i32
    %mul3A_23 = arith.muli %arg1, %mul3A_22 : i32
    %add3A_24 = arith.constant 256 : i32
    %add3A_25 = arith.addi %mul3A_23, %add3A_24 : i32
    "tpu.region"() ({
      %run_scoped3A = tpu.sem_alloc : memref<!tpu.dma_semaphore, #tpu.memory_space<semaphore_mem>>
      %dma_start3A_220 = arith.constant 0 : i32
      %dma_start3A_221 = tpu.memref_slice %arg6[%add3A_25, %dma_start3A_220] : memref<10240x128xf32, #tpu.memory_space<vmem_shared>> -> memref<64x128xf32, #tpu.memory_space<vmem_shared>>
      %dma_start3A_222 = arith.constant 0 : i32
      %dma_start3A_223 = tpu.memref_slice %arg6[%add3A_25, %dma_start3A_222] : memref<10240x128xf32, #tpu.memory_space<vmem_shared>> -> memref<64x128xf32, #tpu.memory_space<vmem_shared>>
      tpu.enqueue_dma source(%arg10 : memref<64x128xf32, #tpu.memory_space<vmem>>) target(%dma_start3A_223 : memref<64x128xf32, #tpu.memory_space<vmem_shared>>) target_semaphore(%run_scoped3A : memref<!tpu.dma_semaphore, #tpu.memory_space<semaphore_mem>>)
      %dma_wait3A_224 = arith.constant 0 : i32
      %dma_wait3A_225 = tpu.memref_slice %arg6[%add3A_25, %dma_wait3A_224] : memref<10240x128xf32, #tpu.memory_space<vmem_shared>> -> memref<64x128xf32, #tpu.memory_space<vmem_shared>>
      %dma_wait3A_226 = arith.constant 0 : i32
      %dma_wait3A_227 = tpu.memref_slice %arg6[%add3A_25, %dma_wait3A_226] : memref<10240x128xf32, #tpu.memory_space<vmem_shared>> -> memref<64x128xf32, #tpu.memory_space<vmem_shared>>
      tpu.wait_dma2 semaphore(%run_scoped3A : memref<!tpu.dma_semaphore, #tpu.memory_space<semaphore_mem>>) src(%arg10 : memref<64x128xf32, #tpu.memory_space<vmem>>) dst(%dma_wait3A_227 : memref<64x128xf32, #tpu.memory_space<vmem_shared>>)
      tpu.yield
    }) : () -> ()
    %mul3A_26 = arith.constant 640 : i32
    %mul3A_27 = arith.muli %arg1, %mul3A_26 : i32
    %add3A_28 = arith.constant 320 : i32
    %add3A_29 = arith.addi %mul3A_27, %add3A_28 : i32
    "tpu.region"() ({
      %run_scoped3A = tpu.sem_alloc : memref<!tpu.dma_semaphore, #tpu.memory_space<semaphore_mem>>
      %dma_start3A_220 = arith.constant 0 : i32
      %dma_start3A_221 = tpu.memref_slice %arg6[%add3A_29, %dma_start3A_220] : memref<10240x128xf32, #tpu.memory_space<vmem_shared>> -> memref<64x128xf32, #tpu.memory_space<vmem_shared>>
      %dma_start3A_222 = arith.constant 0 : i32
      %dma_start3A_223 = tpu.memref_slice %arg6[%add3A_29, %dma_start3A_222] : memref<10240x128xf32, #tpu.memory_space<vmem_shared>> -> memref<64x128xf32, #tpu.memory_space<vmem_shared>>
      tpu.enqueue_dma source(%arg10 : memref<64x128xf32, #tpu.memory_space<vmem>>) target(%dma_start3A_223 : memref<64x128xf32, #tpu.memory_space<vmem_shared>>) target_semaphore(%run_scoped3A : memref<!tpu.dma_semaphore, #tpu.memory_space<semaphore_mem>>)
      %dma_wait3A_224 = arith.constant 0 : i32
      %dma_wait3A_225 = tpu.memref_slice %arg6[%add3A_29, %dma_wait3A_224] : memref<10240x128xf32, #tpu.memory_space<vmem_shared>> -> memref<64x128xf32, #tpu.memory_space<vmem_shared>>
      %dma_wait3A_226 = arith.constant 0 : i32
      %dma_wait3A_227 = tpu.memref_slice %arg6[%add3A_29, %dma_wait3A_226] : memref<10240x128xf32, #tpu.memory_space<vmem_shared>> -> memref<64x128xf32, #tpu.memory_space<vmem_shared>>
      tpu.wait_dma2 semaphore(%run_scoped3A : memref<!tpu.dma_semaphore, #tpu.memory_space<semaphore_mem>>) src(%arg10 : memref<64x128xf32, #tpu.memory_space<vmem>>) dst(%dma_wait3A_227 : memref<64x128xf32, #tpu.memory_space<vmem_shared>>)
      tpu.yield
    }) : () -> ()
    %mul3A_30 = arith.constant 640 : i32
    %mul3A_31 = arith.muli %arg1, %mul3A_30 : i32
    %add3A_32 = arith.constant 384 : i32
    %add3A_33 = arith.addi %mul3A_31, %add3A_32 : i32
    "tpu.region"() ({
      %run_scoped3A = tpu.sem_alloc : memref<!tpu.dma_semaphore, #tpu.memory_space<semaphore_mem>>
      %dma_start3A_220 = arith.constant 0 : i32
      %dma_start3A_221 = tpu.memref_slice %arg6[%add3A_33, %dma_start3A_220] : memref<10240x128xf32, #tpu.memory_space<vmem_shared>> -> memref<64x128xf32, #tpu.memory_space<vmem_shared>>
      %dma_start3A_222 = arith.constant 0 : i32
      %dma_start3A_223 = tpu.memref_slice %arg6[%add3A_33, %dma_start3A_222] : memref<10240x128xf32, #tpu.memory_space<vmem_shared>> -> memref<64x128xf32, #tpu.memory_space<vmem_shared>>
      tpu.enqueue_dma source(%arg10 : memref<64x128xf32, #tpu.memory_space<vmem>>) target(%dma_start3A_223 : memref<64x128xf32, #tpu.memory_space<vmem_shared>>) target_semaphore(%run_scoped3A : memref<!tpu.dma_semaphore, #tpu.memory_space<semaphore_mem>>)
      %dma_wait3A_224 = arith.constant 0 : i32
      %dma_wait3A_225 = tpu.memref_slice %arg6[%add3A_33, %dma_wait3A_224] : memref<10240x128xf32, #tpu.memory_space<vmem_shared>> -> memref<64x128xf32, #tpu.memory_space<vmem_shared>>
      %dma_wait3A_226 = arith.constant 0 : i32
      %dma_wait3A_227 = tpu.memref_slice %arg6[%add3A_33, %dma_wait3A_226] : memref<10240x128xf32, #tpu.memory_space<vmem_shared>> -> memref<64x128xf32, #tpu.memory_space<vmem_shared>>
      tpu.wait_dma2 semaphore(%run_scoped3A : memref<!tpu.dma_semaphore, #tpu.memory_space<semaphore_mem>>) src(%arg10 : memref<64x128xf32, #tpu.memory_space<vmem>>) dst(%dma_wait3A_227 : memref<64x128xf32, #tpu.memory_space<vmem_shared>>)
      tpu.yield
    }) : () -> ()
    %mul3A_34 = arith.constant 640 : i32
    %mul3A_35 = arith.muli %arg1, %mul3A_34 : i32
    %add3A_36 = arith.constant 448 : i32
    %add3A_37 = arith.addi %mul3A_35, %add3A_36 : i32
    "tpu.region"() ({
      %run_scoped3A = tpu.sem_alloc : memref<!tpu.dma_semaphore, #tpu.memory_space<semaphore_mem>>
      %dma_start3A_220 = arith.constant 0 : i32
      %dma_start3A_221 = tpu.memref_slice %arg6[%add3A_37, %dma_start3A_220] : memref<10240x128xf32, #tpu.memory_space<vmem_shared>> -> memref<64x128xf32, #tpu.memory_space<vmem_shared>>
      %dma_start3A_222 = arith.constant 0 : i32
      %dma_start3A_223 = tpu.memref_slice %arg6[%add3A_37, %dma_start3A_222] : memref<10240x128xf32, #tpu.memory_space<vmem_shared>> -> memref<64x128xf32, #tpu.memory_space<vmem_shared>>
      tpu.enqueue_dma source(%arg10 : memref<64x128xf32, #tpu.memory_space<vmem>>) target(%dma_start3A_223 : memref<64x128xf32, #tpu.memory_space<vmem_shared>>) target_semaphore(%run_scoped3A : memref<!tpu.dma_semaphore, #tpu.memory_space<semaphore_mem>>)
      %dma_wait3A_224 = arith.constant 0 : i32
      %dma_wait3A_225 = tpu.memref_slice %arg6[%add3A_37, %dma_wait3A_224] : memref<10240x128xf32, #tpu.memory_space<vmem_shared>> -> memref<64x128xf32, #tpu.memory_space<vmem_shared>>
      %dma_wait3A_226 = arith.constant 0 : i32
      %dma_wait3A_227 = tpu.memref_slice %arg6[%add3A_37, %dma_wait3A_226] : memref<10240x128xf32, #tpu.memory_space<vmem_shared>> -> memref<64x128xf32, #tpu.memory_space<vmem_shared>>
      tpu.wait_dma2 semaphore(%run_scoped3A : memref<!tpu.dma_semaphore, #tpu.memory_space<semaphore_mem>>) src(%arg10 : memref<64x128xf32, #tpu.memory_space<vmem>>) dst(%dma_wait3A_227 : memref<64x128xf32, #tpu.memory_space<vmem_shared>>)
      tpu.yield
    }) : () -> ()
    %mul3A_38 = arith.constant 640 : i32
    %mul3A_39 = arith.muli %arg1, %mul3A_38 : i32
    %add3A_40 = arith.constant 512 : i32
    %add3A_41 = arith.addi %mul3A_39, %add3A_40 : i32
    "tpu.region"() ({
      %run_scoped3A = tpu.sem_alloc : memref<!tpu.dma_semaphore, #tpu.memory_space<semaphore_mem>>
      %dma_start3A_220 = arith.constant 0 : i32
      %dma_start3A_221 = tpu.memref_slice %arg6[%add3A_41, %dma_start3A_220] : memref<10240x128xf32, #tpu.memory_space<vmem_shared>> -> memref<64x128xf32, #tpu.memory_space<vmem_shared>>
      %dma_start3A_222 = arith.constant 0 : i32
      %dma_start3A_223 = tpu.memref_slice %arg6[%add3A_41, %dma_start3A_222] : memref<10240x128xf32, #tpu.memory_space<vmem_shared>> -> memref<64x128xf32, #tpu.memory_space<vmem_shared>>
      tpu.enqueue_dma source(%arg10 : memref<64x128xf32, #tpu.memory_space<vmem>>) target(%dma_start3A_223 : memref<64x128xf32, #tpu.memory_space<vmem_shared>>) target_semaphore(%run_scoped3A : memref<!tpu.dma_semaphore, #tpu.memory_space<semaphore_mem>>)
      %dma_wait3A_224 = arith.constant 0 : i32
      %dma_wait3A_225 = tpu.memref_slice %arg6[%add3A_41, %dma_wait3A_224] : memref<10240x128xf32, #tpu.memory_space<vmem_shared>> -> memref<64x128xf32, #tpu.memory_space<vmem_shared>>
      %dma_wait3A_226 = arith.constant 0 : i32
      %dma_wait3A_227 = tpu.memref_slice %arg6[%add3A_41, %dma_wait3A_226] : memref<10240x128xf32, #tpu.memory_space<vmem_shared>> -> memref<64x128xf32, #tpu.memory_space<vmem_shared>>
      tpu.wait_dma2 semaphore(%run_scoped3A : memref<!tpu.dma_semaphore, #tpu.memory_space<semaphore_mem>>) src(%arg10 : memref<64x128xf32, #tpu.memory_space<vmem>>) dst(%dma_wait3A_227 : memref<64x128xf32, #tpu.memory_space<vmem_shared>>)
      tpu.yield
    }) : () -> ()
    %mul3A_42 = arith.constant 640 : i32
    %mul3A_43 = arith.muli %arg1, %mul3A_42 : i32
    %add3A_44 = arith.constant 576 : i32
    %add3A_45 = arith.addi %mul3A_43, %add3A_44 : i32
    "tpu.region"() ({
      %run_scoped3A = tpu.sem_alloc : memref<!tpu.dma_semaphore, #tpu.memory_space<semaphore_mem>>
      %dma_start3A_220 = arith.constant 0 : i32
      %dma_start3A_221 = tpu.memref_slice %arg6[%add3A_45, %dma_start3A_220] : memref<10240x128xf32, #tpu.memory_space<vmem_shared>> -> memref<64x128xf32, #tpu.memory_space<vmem_shared>>
      %dma_start3A_222 = arith.constant 0 : i32
      %dma_start3A_223 = tpu.memref_slice %arg6[%add3A_45, %dma_start3A_222] : memref<10240x128xf32, #tpu.memory_space<vmem_shared>> -> memref<64x128xf32, #tpu.memory_space<vmem_shared>>
      tpu.enqueue_dma source(%arg10 : memref<64x128xf32, #tpu.memory_space<vmem>>) target(%dma_start3A_223 : memref<64x128xf32, #tpu.memory_space<vmem_shared>>) target_semaphore(%run_scoped3A : memref<!tpu.dma_semaphore, #tpu.memory_space<semaphore_mem>>)
      %dma_wait3A_224 = arith.constant 0 : i32
      %dma_wait3A_225 = tpu.memref_slice %arg6[%add3A_45, %dma_wait3A_224] : memref<10240x128xf32, #tpu.memory_space<vmem_shared>> -> memref<64x128xf32, #tpu.memory_space<vmem_shared>>
      %dma_wait3A_226 = arith.constant 0 : i32
      %dma_wait3A_227 = tpu.memref_slice %arg6[%add3A_45, %dma_wait3A_226] : memref<10240x128xf32, #tpu.memory_space<vmem_shared>> -> memref<64x128xf32, #tpu.memory_space<vmem_shared>>
      tpu.wait_dma2 semaphore(%run_scoped3A : memref<!tpu.dma_semaphore, #tpu.memory_space<semaphore_mem>>) src(%arg10 : memref<64x128xf32, #tpu.memory_space<vmem>>) dst(%dma_wait3A_227 : memref<64x128xf32, #tpu.memory_space<vmem_shared>>)
      tpu.yield
    }) : () -> ()
    %get3A = arith.constant 0 : i32
    %get3A_46 = arith.index_cast %get3A : i32 to index
    %get3A_47 = arith.constant 0 : index
    %get3A_48 = tpu.vector_load %arg7[%get3A_46, %get3A_47] {strides = array<i32>} : memref<159x64xi32, #tpu.memory_space<vmem>>, vector<16xi32>,
    %and3A = arith.constant 65535 : i32
    %and3A_49 = vector.broadcast %and3A : i32 to vector<16xi32>
    %and3A_50 = arith.andi %get3A_48, %and3A_49 : vector<16xi32>
    %swap3A = arith.constant 0 : i32
    %swap3A_51 = arith.index_cast %swap3A : i32 to index
    %swap3A_52 = arith.constant 0 : index
    %swap3A_53 = tpu.vector_load %arg8[%swap3A_51, %swap3A_52] {strides = array<i32>} : memref<3x64xi32, #tpu.memory_space<vmem>>, vector<16xi32>,
    tpu.vector_store %arg8[%swap3A_51, %swap3A_52], %and3A_50 {strides = array<i32>} : memref<3x64xi32, #tpu.memory_space<vmem>>, vector<16xi32>,
    %shift_right_logical3A = arith.constant 16 : i32
    %shift_right_logical3A_54 = vector.broadcast %shift_right_logical3A : i32 to vector<16xi32>
    %shift_right_logical3A_55 = arith.shrui %get3A_48, %shift_right_logical3A_54 : vector<16xi32>
    %swap3A_56 = arith.constant 0 : i32
    %swap3A_57 = arith.index_cast %swap3A_56 : i32 to index
    %swap3A_58 = arith.constant 0 : index
    %swap3A_59 = tpu.vector_load %arg9[%swap3A_57, %swap3A_58] {strides = array<i32>} : memref<3x64xi32, #tpu.memory_space<vmem>>, vector<16xi32>,
    tpu.vector_store %arg9[%swap3A_57, %swap3A_58], %shift_right_logical3A_55 {strides = array<i32>} : memref<3x64xi32, #tpu.memory_space<vmem>>, vector<16xi32>,
    %get3A_60 = arith.constant 0 : i32
    %get3A_61 = arith.index_cast %get3A_60 : i32 to index
    %get3A_62 = arith.constant 16 : index
    %get3A_63 = tpu.vector_load %arg7[%get3A_61, %get3A_62] {strides = array<i32>} : memref<159x64xi32, #tpu.memory_space<vmem>>, vector<16xi32>,
    %and3A_64 = arith.constant 65535 : i32
    %and3A_65 = vector.broadcast %and3A_64 : i32 to vector<16xi32>
    %and3A_66 = arith.andi %get3A_63, %and3A_65 : vector<16xi32>
    %swap3A_67 = arith.constant 0 : i32
    %swap3A_68 = arith.index_cast %swap3A_67 : i32 to index
    %swap3A_69 = arith.constant 16 : index
    %swap3A_70 = tpu.vector_load %arg8[%swap3A_68, %swap3A_69] {strides = array<i32>} : memref<3x64xi32, #tpu.memory_space<vmem>>, vector<16xi32>,
    tpu.vector_store %arg8[%swap3A_68, %swap3A_69], %and3A_66 {strides = array<i32>} : memref<3x64xi32, #tpu.memory_space<vmem>>, vector<16xi32>,
    %shift_right_logical3A_71 = arith.constant 16 : i32
    %shift_right_logical3A_72 = vector.broadcast %shift_right_logical3A_71 : i32 to vector<16xi32>
    %shift_right_logical3A_73 = arith.shrui %get3A_63, %shift_right_logical3A_72 : vector<16xi32>
    %swap3A_74 = arith.constant 0 : i32
    %swap3A_75 = arith.index_cast %swap3A_74 : i32 to index
    %swap3A_76 = arith.constant 16 : index
    %swap3A_77 = tpu.vector_load %arg9[%swap3A_75, %swap3A_76] {strides = array<i32>} : memref<3x64xi32, #tpu.memory_space<vmem>>, vector<16xi32>,
    tpu.vector_store %arg9[%swap3A_75, %swap3A_76], %shift_right_logical3A_73 {strides = array<i32>} : memref<3x64xi32, #tpu.memory_space<vmem>>, vector<16xi32>,
    %get3A_78 = arith.constant 0 : i32
    %get3A_79 = arith.index_cast %get3A_78 : i32 to index
    %get3A_80 = arith.constant 32 : index
    %get3A_81 = tpu.vector_load %arg7[%get3A_79, %get3A_80] {strides = array<i32>} : memref<159x64xi32, #tpu.memory_space<vmem>>, vector<16xi32>,
    %and3A_82 = arith.constant 65535 : i32
    %and3A_83 = vector.broadcast %and3A_82 : i32 to vector<16xi32>
    %and3A_84 = arith.andi %get3A_81, %and3A_83 : vector<16xi32>
    %swap3A_85 = arith.constant 0 : i32
    %swap3A_86 = arith.index_cast %swap3A_85 : i32 to index
    %swap3A_87 = arith.constant 32 : index
    %swap3A_88 = tpu.vector_load %arg8[%swap3A_86, %swap3A_87] {strides = array<i32>} : memref<3x64xi32, #tpu.memory_space<vmem>>, vector<16xi32>,
    tpu.vector_store %arg8[%swap3A_86, %swap3A_87], %and3A_84 {strides = array<i32>} : memref<3x64xi32, #tpu.memory_space<vmem>>, vector<16xi32>,
    %shift_right_logical3A_89 = arith.constant 16 : i32
    %shift_right_logical3A_90 = vector.broadcast %shift_right_logical3A_89 : i32 to vector<16xi32>
    %shift_right_logical3A_91 = arith.shrui %get3A_81, %shift_right_logical3A_90 : vector<16xi32>
    %swap3A_92 = arith.constant 0 : i32
    %swap3A_93 = arith.index_cast %swap3A_92 : i32 to index
    %swap3A_94 = arith.constant 32 : index
    %swap3A_95 = tpu.vector_load %arg9[%swap3A_93, %swap3A_94] {strides = array<i32>} : memref<3x64xi32, #tpu.memory_space<vmem>>, vector<16xi32>,
    tpu.vector_store %arg9[%swap3A_93, %swap3A_94], %shift_right_logical3A_91 {strides = array<i32>} : memref<3x64xi32, #tpu.memory_space<vmem>>, vector<16xi32>,
    %get3A_96 = arith.constant 0 : i32
    %get3A_97 = arith.index_cast %get3A_96 : i32 to index
    %get3A_98 = arith.constant 48 : index
    %get3A_99 = tpu.vector_load %arg7[%get3A_97, %get3A_98] {strides = array<i32>} : memref<159x64xi32, #tpu.memory_space<vmem>>, vector<16xi32>,
    %and3A_100 = arith.constant 65535 : i32
    %and3A_101 = vector.broadcast %and3A_100 : i32 to vector<16xi32>
    %and3A_102 = arith.andi %get3A_99, %and3A_101 : vector<16xi32>
    %swap3A_103 = arith.constant 0 : i32
    %swap3A_104 = arith.index_cast %swap3A_103 : i32 to index
    %swap3A_105 = arith.constant 48 : index
    %swap3A_106 = tpu.vector_load %arg8[%swap3A_104, %swap3A_105] {strides = array<i32>} : memref<3x64xi32, #tpu.memory_space<vmem>>, vector<16xi32>,
    tpu.vector_store %arg8[%swap3A_104, %swap3A_105], %and3A_102 {strides = array<i32>} : memref<3x64xi32, #tpu.memory_space<vmem>>, vector<16xi32>,
    %shift_right_logical3A_107 = arith.constant 16 : i32
    %shift_right_logical3A_108 = vector.broadcast %shift_right_logical3A_107 : i32 to vector<16xi32>
    %shift_right_logical3A_109 = arith.shrui %get3A_99, %shift_right_logical3A_108 : vector<16xi32>
    %swap3A_110 = arith.constant 0 : i32
    %swap3A_111 = arith.index_cast %swap3A_110 : i32 to index
    %swap3A_112 = arith.constant 48 : index
    %swap3A_113 = tpu.vector_load %arg9[%swap3A_111, %swap3A_112] {strides = array<i32>} : memref<3x64xi32, #tpu.memory_space<vmem>>, vector<16xi32>,
    tpu.vector_store %arg9[%swap3A_111, %swap3A_112], %shift_right_logical3A_109 {strides = array<i32>} : memref<3x64xi32, #tpu.memory_space<vmem>>, vector<16xi32>,
    %dma_start3A = arith.constant 0 : i32
    %dma_start3A_114 = arith.constant 0 : i32
    %dma_start3A_115 = tpu.memref_slice %arg8[%dma_start3A, %dma_start3A_114] : memref<3x64xi32, #tpu.memory_space<vmem>> -> memref<1x64xi32, #tpu.memory_space<vmem>>
    %dma_start3A_116 = tpu.memref_squeeze %dma_start3A_115 : memref<1x64xi32, #tpu.memory_space<vmem>> -> memref<64xi32, #tpu.memory_space<vmem>>
    %dma_start3A_117 = arith.constant 0 : i32
    %dma_start3A_118 = arith.constant 0 : i32
    %dma_start3A_119 = tpu.memref_slice %arg2[%dma_start3A_117, %dma_start3A_118] : memref<10240x128xf32, #tpu.memory_space<hbm>> -> memref<10240x128xf32, #tpu.memory_space<hbm>>
    tpu.enqueue_indirect_dma source(%dma_start3A_119 : memref<10240x128xf32, #tpu.memory_space<hbm>>) target(%arg10 : memref<64x128xf32, #tpu.memory_space<vmem>>) offsets(%dma_start3A_116 : memref<64xi32, #tpu.memory_space<vmem>>) semaphore(%arg13 : memref<!tpu.dma_semaphore, #tpu.memory_space<semaphore_mem>>)
    %get3A_120 = arith.constant 1 : i32
    %get3A_121 = arith.index_cast %get3A_120 : i32 to index
    %get3A_122 = arith.constant 0 : index
    %get3A_123 = tpu.vector_load %arg7[%get3A_121, %get3A_122] {strides = array<i32>} : memref<159x64xi32, #tpu.memory_space<vmem>>, vector<16xi32>,
    %and3A_124 = arith.constant 65535 : i32
    %and3A_125 = vector.broadcast %and3A_124 : i32 to vector<16xi32>
    %and3A_126 = arith.andi %get3A_123, %and3A_125 : vector<16xi32>
    %swap3A_127 = arith.constant 1 : i32
    %swap3A_128 = arith.index_cast %swap3A_127 : i32 to index
    %swap3A_129 = arith.constant 0 : index
    %swap3A_130 = tpu.vector_load %arg8[%swap3A_128, %swap3A_129] {strides = array<i32>} : memref<3x64xi32, #tpu.memory_space<vmem>>, vector<16xi32>,
    tpu.vector_store %arg8[%swap3A_128, %swap3A_129], %and3A_126 {strides = array<i32>} : memref<3x64xi32, #tpu.memory_space<vmem>>, vector<16xi32>,
    %shift_right_logical3A_131 = arith.constant 16 : i32
    %shift_right_logical3A_132 = vector.broadcast %shift_right_logical3A_131 : i32 to vector<16xi32>
    %shift_right_logical3A_133 = arith.shrui %get3A_123, %shift_right_logical3A_132 : vector<16xi32>
    %swap3A_134 = arith.constant 1 : i32
    %swap3A_135 = arith.index_cast %swap3A_134 : i32 to index
    %swap3A_136 = arith.constant 0 : index
    %swap3A_137 = tpu.vector_load %arg9[%swap3A_135, %swap3A_136] {strides = array<i32>} : memref<3x64xi32, #tpu.memory_space<vmem>>, vector<16xi32>,
    tpu.vector_store %arg9[%swap3A_135, %swap3A_136], %shift_right_logical3A_133 {strides = array<i32>} : memref<3x64xi32, #tpu.memory_space<vmem>>, vector<16xi32>,
    %get3A_138 = arith.constant 1 : i32
    %get3A_139 = arith.index_cast %get3A_138 : i32 to index
    %get3A_140 = arith.constant 16 : index
    %get3A_141 = tpu.vector_load %arg7[%get3A_139, %get3A_140] {strides = array<i32>} : memref<159x64xi32, #tpu.memory_space<vmem>>, vector<16xi32>,
    %and3A_142 = arith.constant 65535 : i32
    %and3A_143 = vector.broadcast %and3A_142 : i32 to vector<16xi32>
    %and3A_144 = arith.andi %get3A_141, %and3A_143 : vector<16xi32>
    %swap3A_145 = arith.constant 1 : i32
    %swap3A_146 = arith.index_cast %swap3A_145 : i32 to index
    %swap3A_147 = arith.constant 16 : index
    %swap3A_148 = tpu.vector_load %arg8[%swap3A_146, %swap3A_147] {strides = array<i32>} : memref<3x64xi32, #tpu.memory_space<vmem>>, vector<16xi32>,
    tpu.vector_store %arg8[%swap3A_146, %swap3A_147], %and3A_144 {strides = array<i32>} : memref<3x64xi32, #tpu.memory_space<vmem>>, vector<16xi32>,
    %shift_right_logical3A_149 = arith.constant 16 : i32
    %shift_right_logical3A_150 = vector.broadcast %shift_right_logical3A_149 : i32 to vector<16xi32>
    %shift_right_logical3A_151 = arith.shrui %get3A_141, %shift_right_logical3A_150 : vector<16xi32>
    %swap3A_152 = arith.constant 1 : i32
    %swap3A_153 = arith.index_cast %swap3A_152 : i32 to index
    %swap3A_154 = arith.constant 16 : index
    %swap3A_155 = tpu.vector_load %arg9[%swap3A_153, %swap3A_154] {strides = array<i32>} : memref<3x64xi32, #tpu.memory_space<vmem>>, vector<16xi32>,
    tpu.vector_store %arg9[%swap3A_153, %swap3A_154], %shift_right_logical3A_151 {strides = array<i32>} : memref<3x64xi32, #tpu.memory_space<vmem>>, vector<16xi32>,
    %get3A_156 = arith.constant 1 : i32
    %get3A_157 = arith.index_cast %get3A_156 : i32 to index
    %get3A_158 = arith.constant 32 : index
    %get3A_159 = tpu.vector_load %arg7[%get3A_157, %get3A_158] {strides = array<i32>} : memref<159x64xi32, #tpu.memory_space<vmem>>, vector<16xi32>,
    %and3A_160 = arith.constant 65535 : i32
    %and3A_161 = vector.broadcast %and3A_160 : i32 to vector<16xi32>
    %and3A_162 = arith.andi %get3A_159, %and3A_161 : vector<16xi32>
    %swap3A_163 = arith.constant 1 : i32
    %swap3A_164 = arith.index_cast %swap3A_163 : i32 to index
    %swap3A_165 = arith.constant 32 : index
    %swap3A_166 = tpu.vector_load %arg8[%swap3A_164, %swap3A_165] {strides = array<i32>} : memref<3x64xi32, #tpu.memory_space<vmem>>, vector<16xi32>,
    tpu.vector_store %arg8[%swap3A_164, %swap3A_165], %and3A_162 {strides = array<i32>} : memref<3x64xi32, #tpu.memory_space<vmem>>, vector<16xi32>,
    %shift_right_logical3A_167 = arith.constant 16 : i32
    %shift_right_logical3A_168 = vector.broadcast %shift_right_logical3A_167 : i32 to vector<16xi32>
    %shift_right_logical3A_169 = arith.shrui %get3A_159, %shift_right_logical3A_168 : vector<16xi32>
    %swap3A_170 = arith.constant 1 : i32
    %swap3A_171 = arith.index_cast %swap3A_170 : i32 to index
    %swap3A_172 = arith.constant 32 : index
    %swap3A_173 = tpu.vector_load %arg9[%swap3A_171, %swap3A_172] {strides = array<i32>} : memref<3x64xi32, #tpu.memory_space<vmem>>, vector<16xi32>,
    tpu.vector_store %arg9[%swap3A_171, %swap3A_172], %shift_right_logical3A_169 {strides = array<i32>} : memref<3x64xi32, #tpu.memory_space<vmem>>, vector<16xi32>,
    %get3A_174 = arith.constant 1 : i32
    %get3A_175 = arith.index_cast %get3A_174 : i32 to index
    %get3A_176 = arith.constant 48 : index
    %get3A_177 = tpu.vector_load %arg7[%get3A_175, %get3A_176] {strides = array<i32>} : memref<159x64xi32, #tpu.memory_space<vmem>>, vector<16xi32>,
    %and3A_178 = arith.constant 65535 : i32
    %and3A_179 = vector.broadcast %and3A_178 : i32 to vector<16xi32>
    %and3A_180 = arith.andi %get3A_177, %and3A_179 : vector<16xi32>
    %swap3A_181 = arith.constant 1 : i32
    %swap3A_182 = arith.index_cast %swap3A_181 : i32 to index
    %swap3A_183 = arith.constant 48 : index
    %swap3A_184 = tpu.vector_load %arg8[%swap3A_182, %swap3A_183] {strides = array<i32>} : memref<3x64xi32, #tpu.memory_space<vmem>>, vector<16xi32>,
    tpu.vector_store %arg8[%swap3A_182, %swap3A_183], %and3A_180 {strides = array<i32>} : memref<3x64xi32, #tpu.memory_space<vmem>>, vector<16xi32>,
    %shift_right_logical3A_185 = arith.constant 16 : i32
    %shift_right_logical3A_186 = vector.broadcast %shift_right_logical3A_185 : i32 to vector<16xi32>
    %shift_right_logical3A_187 = arith.shrui %get3A_177, %shift_right_logical3A_186 : vector<16xi32>
    %swap3A_188 = arith.constant 1 : i32
    %swap3A_189 = arith.index_cast %swap3A_188 : i32 to index
    %swap3A_190 = arith.constant 48 : index
    %swap3A_191 = tpu.vector_load %arg9[%swap3A_189, %swap3A_190] {strides = array<i32>} : memref<3x64xi32, #tpu.memory_space<vmem>>, vector<16xi32>,
    tpu.vector_store %arg9[%swap3A_189, %swap3A_190], %shift_right_logical3A_187 {strides = array<i32>} : memref<3x64xi32, #tpu.memory_space<vmem>>, vector<16xi32>,
    %dma_start3A_192 = arith.constant 1 : i32
    %dma_start3A_193 = arith.constant 0 : i32
    %dma_start3A_194 = tpu.memref_slice %arg8[%dma_start3A_192, %dma_start3A_193] : memref<3x64xi32, #tpu.memory_space<vmem>> -> memref<1x64xi32, #tpu.memory_space<vmem>>
    %dma_start3A_195 = tpu.memref_squeeze %dma_start3A_194 : memref<1x64xi32, #tpu.memory_space<vmem>> -> memref<64xi32, #tpu.memory_space<vmem>>
    %dma_start3A_196 = arith.constant 0 : i32
    %dma_start3A_197 = arith.constant 0 : i32
    %dma_start3A_198 = tpu.memref_slice %arg2[%dma_start3A_196, %dma_start3A_197] : memref<10240x128xf32, #tpu.memory_space<hbm>> -> memref<10240x128xf32, #tpu.memory_space<hbm>>
    tpu.enqueue_indirect_dma source(%dma_start3A_198 : memref<10240x128xf32, #tpu.memory_space<hbm>>) target(%arg11 : memref<64x128xf32, #tpu.memory_space<vmem>>) offsets(%dma_start3A_195 : memref<64xi32, #tpu.memory_space<vmem>>) semaphore(%arg14 : memref<!tpu.dma_semaphore, #tpu.memory_space<semaphore_mem>>)
    %barrier3A = arith.constant 0 : index
    tpu.barrier barrier_id(%barrier3A)
    %scan3A_199 = arith.constant 0 : i32
    %scan3A_200 = arith.constant 53 : i32
    %scan3A_201 = arith.addi %scan3A_199, %scan3A_200 : i32
    %scan3A_202 = arith.constant 1 : i32
    scf.for %scan3A_220 = %scan3A_199 to %scan3A_201 step %scan3A_202  : i32 {
      %mul3A_221 = arith.constant 3 : i32
      %mul3A_222 = arith.muli %scan3A_220, %mul3A_221 : i32
      %add3A_223 = arith.constant 0 : i32
      %add3A_224 = arith.addi %mul3A_222, %add3A_223 : i32
      %ge3A = arith.constant 1 : i32
      %ge3A_225 = arith.cmpi sge, %add3A_224, %ge3A : i32
      %convert_element_type3A_226 = arith.extui %ge3A_225 : i1 to i32
      %cond3A_227 = arith.constant 0 : i32
      %cond3A_228 = arith.cmpi ne, %convert_element_type3A_226, %cond3A_227 : i32
      scf.if %cond3A_228 {
        %dma_wait3A_309 = arith.constant 2 : i32
        %dma_wait3A_310 = arith.constant 0 : i32
        %dma_wait3A_311 = tpu.memref_slice %arg9[%dma_wait3A_309, %dma_wait3A_310] : memref<3x64xi32, #tpu.memory_space<vmem>> -> memref<1x64xi32, #tpu.memory_space<vmem>>
        %dma_wait3A_312 = tpu.memref_squeeze %dma_wait3A_311 : memref<1x64xi32, #tpu.memory_space<vmem>> -> memref<64xi32, #tpu.memory_space<vmem>>
        %dma_wait3A_313 = arith.constant 0 : i32
        %dma_wait3A_314 = arith.constant 0 : i32
        %dma_wait3A_315 = tpu.memref_slice %arg6[%dma_wait3A_313, %dma_wait3A_314] : memref<10240x128xf32, #tpu.memory_space<vmem_shared>> -> memref<10240x128xf32, #tpu.memory_space<vmem_shared>>
        tpu.wait_indirect_dma semaphore(%arg18 : memref<!tpu.dma_semaphore, #tpu.memory_space<semaphore_mem>>) src(%arg12 : memref<64x128xf32, #tpu.memory_space<vmem>>) dst(%dma_wait3A_315 : memref<10240x128xf32, #tpu.memory_space<vmem_shared>>)
      } else {
      }
      %add3A_229 = arith.constant 2 : i32
      %add3A_230 = arith.addi %add3A_224, %add3A_229 : i32
      %lt3A = arith.constant 159 : i32
      %lt3A_231 = arith.cmpi slt, %add3A_230, %lt3A : i32
      %convert_element_type3A_232 = arith.extui %lt3A_231 : i1 to i32
      %cond3A_233 = arith.constant 0 : i32
      %cond3A_234 = arith.cmpi ne, %convert_element_type3A_232, %cond3A_233 : i32
      scf.if %cond3A_234 {
        %add3A_309 = arith.constant 2 : i32
        %add3A_310 = arith.addi %add3A_224, %add3A_309 : i32
        %get3A_311 = arith.index_cast %add3A_310 : i32 to index
        %get3A_312 = arith.constant 0 : index
        %get3A_313 = tpu.vector_load %arg7[%get3A_311, %get3A_312] {strides = array<i32>} : memref<159x64xi32, #tpu.memory_space<vmem>>, vector<16xi32>,
        %and3A_314 = arith.constant 65535 : i32
        %and3A_315 = vector.broadcast %and3A_314 : i32 to vector<16xi32>
        %and3A_316 = arith.andi %get3A_313, %and3A_315 : vector<16xi32>
        %swap3A_317 = arith.constant 2 : i32
        %swap3A_318 = arith.index_cast %swap3A_317 : i32 to index
        %swap3A_319 = arith.constant 0 : index
        %swap3A_320 = tpu.vector_load %arg8[%swap3A_318, %swap3A_319] {strides = array<i32>} : memref<3x64xi32, #tpu.memory_space<vmem>>, vector<16xi32>,
        tpu.vector_store %arg8[%swap3A_318, %swap3A_319], %and3A_316 {strides = array<i32>} : memref<3x64xi32, #tpu.memory_space<vmem>>, vector<16xi32>,
        %shift_right_logical3A_321 = arith.constant 16 : i32
        %shift_right_logical3A_322 = vector.broadcast %shift_right_logical3A_321 : i32 to vector<16xi32>
        %shift_right_logical3A_323 = arith.shrui %get3A_313, %shift_right_logical3A_322 : vector<16xi32>
        %swap3A_324 = arith.constant 2 : i32
        %swap3A_325 = arith.index_cast %swap3A_324 : i32 to index
        %swap3A_326 = arith.constant 0 : index
        %swap3A_327 = tpu.vector_load %arg9[%swap3A_325, %swap3A_326] {strides = array<i32>} : memref<3x64xi32, #tpu.memory_space<vmem>>, vector<16xi32>,
        tpu.vector_store %arg9[%swap3A_325, %swap3A_326], %shift_right_logical3A_323 {strides = array<i32>} : memref<3x64xi32, #tpu.memory_space<vmem>>, vector<16xi32>,
        %get3A_328 = arith.index_cast %add3A_310 : i32 to index
        %get3A_329 = arith.constant 16 : index
        %get3A_330 = tpu.vector_load %arg7[%get3A_328, %get3A_329] {strides = array<i32>} : memref<159x64xi32, #tpu.memory_space<vmem>>, vector<16xi32>,
        %and3A_331 = arith.constant 65535 : i32
        %and3A_332 = vector.broadcast %and3A_331 : i32 to vector<16xi32>
        %and3A_333 = arith.andi %get3A_330, %and3A_332 : vector<16xi32>
        %swap3A_334 = arith.constant 2 : i32
        %swap3A_335 = arith.index_cast %swap3A_334 : i32 to index
        %swap3A_336 = arith.constant 16 : index
        %swap3A_337 = tpu.vector_load %arg8[%swap3A_335, %swap3A_336] {strides = array<i32>} : memref<3x64xi32, #tpu.memory_space<vmem>>, vector<16xi32>,
        tpu.vector_store %arg8[%swap3A_335, %swap3A_336], %and3A_333 {strides = array<i32>} : memref<3x64xi32, #tpu.memory_space<vmem>>, vector<16xi32>,
        %shift_right_logical3A_338 = arith.constant 16 : i32
        %shift_right_logical3A_339 = vector.broadcast %shift_right_logical3A_338 : i32 to vector<16xi32>
        %shift_right_logical3A_340 = arith.shrui %get3A_330, %shift_right_logical3A_339 : vector<16xi32>
        %swap3A_341 = arith.constant 2 : i32
        %swap3A_342 = arith.index_cast %swap3A_341 : i32 to index
        %swap3A_343 = arith.constant 16 : index
        %swap3A_344 = tpu.vector_load %arg9[%swap3A_342, %swap3A_343] {strides = array<i32>} : memref<3x64xi32, #tpu.memory_space<vmem>>, vector<16xi32>,
        tpu.vector_store %arg9[%swap3A_342, %swap3A_343], %shift_right_logical3A_340 {strides = array<i32>} : memref<3x64xi32, #tpu.memory_space<vmem>>, vector<16xi32>,
        %get3A_345 = arith.index_cast %add3A_310 : i32 to index
        %get3A_346 = arith.constant 32 : index
        %get3A_347 = tpu.vector_load %arg7[%get3A_345, %get3A_346] {strides = array<i32>} : memref<159x64xi32, #tpu.memory_space<vmem>>, vector<16xi32>,
        %and3A_348 = arith.constant 65535 : i32
        %and3A_349 = vector.broadcast %and3A_348 : i32 to vector<16xi32>
        %and3A_350 = arith.andi %get3A_347, %and3A_349 : vector<16xi32>
        %swap3A_351 = arith.constant 2 : i32
        %swap3A_352 = arith.index_cast %swap3A_351 : i32 to index
        %swap3A_353 = arith.constant 32 : index
        %swap3A_354 = tpu.vector_load %arg8[%swap3A_352, %swap3A_353] {strides = array<i32>} : memref<3x64xi32, #tpu.memory_space<vmem>>, vector<16xi32>,
        tpu.vector_store %arg8[%swap3A_352, %swap3A_353], %and3A_350 {strides = array<i32>} : memref<3x64xi32, #tpu.memory_space<vmem>>, vector<16xi32>,
        %shift_right_logical3A_355 = arith.constant 16 : i32
        %shift_right_logical3A_356 = vector.broadcast %shift_right_logical3A_355 : i32 to vector<16xi32>
        %shift_right_logical3A_357 = arith.shrui %get3A_347, %shift_right_logical3A_356 : vector<16xi32>
        %swap3A_358 = arith.constant 2 : i32
        %swap3A_359 = arith.index_cast %swap3A_358 : i32 to index
        %swap3A_360 = arith.constant 32 : index
        %swap3A_361 = tpu.vector_load %arg9[%swap3A_359, %swap3A_360] {strides = array<i32>} : memref<3x64xi32, #tpu.memory_space<vmem>>, vector<16xi32>,
        tpu.vector_store %arg9[%swap3A_359, %swap3A_360], %shift_right_logical3A_357 {strides = array<i32>} : memref<3x64xi32, #tpu.memory_space<vmem>>, vector<16xi32>,
        %get3A_362 = arith.index_cast %add3A_310 : i32 to index
        %get3A_363 = arith.constant 48 : index
        %get3A_364 = tpu.vector_load %arg7[%get3A_362, %get3A_363] {strides = array<i32>} : memref<159x64xi32, #tpu.memory_space<vmem>>, vector<16xi32>,
        %and3A_365 = arith.constant 65535 : i32
        %and3A_366 = vector.broadcast %and3A_365 : i32 to vector<16xi32>
        %and3A_367 = arith.andi %get3A_364, %and3A_366 : vector<16xi32>
        %swap3A_368 = arith.constant 2 : i32
        %swap3A_369 = arith.index_cast %swap3A_368 : i32 to index
        %swap3A_370 = arith.constant 48 : index
        %swap3A_371 = tpu.vector_load %arg8[%swap3A_369, %swap3A_370] {strides = array<i32>} : memref<3x64xi32, #tpu.memory_space<vmem>>, vector<16xi32>,
        tpu.vector_store %arg8[%swap3A_369, %swap3A_370], %and3A_367 {strides = array<i32>} : memref<3x64xi32, #tpu.memory_space<vmem>>, vector<16xi32>,
        %shift_right_logical3A_372 = arith.constant 16 : i32
        %shift_right_logical3A_373 = vector.broadcast %shift_right_logical3A_372 : i32 to vector<16xi32>
        %shift_right_logical3A_374 = arith.shrui %get3A_364, %shift_right_logical3A_373 : vector<16xi32>
        %swap3A_375 = arith.constant 2 : i32
        %swap3A_376 = arith.index_cast %swap3A_375 : i32 to index
        %swap3A_377 = arith.constant 48 : index
        %swap3A_378 = tpu.vector_load %arg9[%swap3A_376, %swap3A_377] {strides = array<i32>} : memref<3x64xi32, #tpu.memory_space<vmem>>, vector<16xi32>,
        tpu.vector_store %arg9[%swap3A_376, %swap3A_377], %shift_right_logical3A_374 {strides = array<i32>} : memref<3x64xi32, #tpu.memory_space<vmem>>, vector<16xi32>,
        %dma_start3A_379 = arith.constant 2 : i32
        %dma_start3A_380 = arith.constant 0 : i32
        %dma_start3A_381 = tpu.memref_slice %arg8[%dma_start3A_379, %dma_start3A_380] : memref<3x64xi32, #tpu.memory_space<vmem>> -> memref<1x64xi32, #tpu.memory_space<vmem>>
        %dma_start3A_382 = tpu.memref_squeeze %dma_start3A_381 : memref<1x64xi32, #tpu.memory_space<vmem>> -> memref<64xi32, #tpu.memory_space<vmem>>
        %dma_start3A_383 = arith.constant 0 : i32
        %dma_start3A_384 = arith.constant 0 : i32
        %dma_start3A_385 = tpu.memref_slice %arg2[%dma_start3A_383, %dma_start3A_384] : memref<10240x128xf32, #tpu.memory_space<hbm>> -> memref<10240x128xf32, #tpu.memory_space<hbm>>
        tpu.enqueue_indirect_dma source(%dma_start3A_385 : memref<10240x128xf32, #tpu.memory_space<hbm>>) target(%arg12 : memref<64x128xf32, #tpu.memory_space<vmem>>) offsets(%dma_start3A_382 : memref<64xi32, #tpu.memory_space<vmem>>) semaphore(%arg15 : memref<!tpu.dma_semaphore, #tpu.memory_space<semaphore_mem>>)
      } else {
      }
      %dma_wait3A_235 = arith.constant 0 : i32
      %dma_wait3A_236 = arith.constant 0 : i32
      %dma_wait3A_237 = tpu.memref_slice %arg8[%dma_wait3A_235, %dma_wait3A_236] : memref<3x64xi32, #tpu.memory_space<vmem>> -> memref<1x64xi32, #tpu.memory_space<vmem>>
      %dma_wait3A_238 = tpu.memref_squeeze %dma_wait3A_237 : memref<1x64xi32, #tpu.memory_space<vmem>> -> memref<64xi32, #tpu.memory_space<vmem>>
      %dma_wait3A_239 = arith.constant 0 : i32
      %dma_wait3A_240 = arith.constant 0 : i32
      %dma_wait3A_241 = tpu.memref_slice %arg2[%dma_wait3A_239, %dma_wait3A_240] : memref<10240x128xf32, #tpu.memory_space<hbm>> -> memref<10240x128xf32, #tpu.memory_space<hbm>>
      tpu.wait_indirect_dma semaphore(%arg13 : memref<!tpu.dma_semaphore, #tpu.memory_space<semaphore_mem>>) src(%dma_wait3A_241 : memref<10240x128xf32, #tpu.memory_space<hbm>>) dst(%arg10 : memref<64x128xf32, #tpu.memory_space<vmem>>)
      %dma_start3A_242 = arith.constant 0 : i32
      %dma_start3A_243 = arith.constant 0 : i32
      %dma_start3A_244 = tpu.memref_slice %arg9[%dma_start3A_242, %dma_start3A_243] : memref<3x64xi32, #tpu.memory_space<vmem>> -> memref<1x64xi32, #tpu.memory_space<vmem>>
      %dma_start3A_245 = tpu.memref_squeeze %dma_start3A_244 : memref<1x64xi32, #tpu.memory_space<vmem>> -> memref<64xi32, #tpu.memory_space<vmem>>
      %dma_start3A_246 = arith.constant 0 : i32
      %dma_start3A_247 = arith.constant 0 : i32
      %dma_start3A_248 = tpu.memref_slice %arg6[%dma_start3A_246, %dma_start3A_247] : memref<10240x128xf32, #tpu.memory_space<vmem_shared>> -> memref<10240x128xf32, #tpu.memory_space<vmem_shared>>
      tpu.enqueue_indirect_dma source(%arg10 : memref<64x128xf32, #tpu.memory_space<vmem>>) target(%dma_start3A_248 : memref<10240x128xf32, #tpu.memory_space<vmem_shared>>) offsets(%dma_start3A_245 : memref<64xi32, #tpu.memory_space<vmem>>) semaphore(%arg16 : memref<!tpu.dma_semaphore, #tpu.memory_space<semaphore_mem>>) {add = true}
      %mul3A_249 = arith.constant 3 : i32
      %mul3A_250 = arith.muli %scan3A_220, %mul3A_249 : i32
      %add3A_251 = arith.constant 1 : i32
      %add3A_252 = arith.addi %mul3A_250, %add3A_251 : i32
      %ge3A_253 = arith.constant 1 : i32
      %ge3A_254 = arith.cmpi sge, %add3A_252, %ge3A_253 : i32
      %convert_element_type3A_255 = arith.extui %ge3A_254 : i1 to i32
      %cond3A_256 = arith.constant 0 : i32
      %cond3A_257 = arith.cmpi ne, %convert_element_type3A_255, %cond3A_256 : i32
      scf.if %cond3A_257 {
        %dma_wait3A_309 = arith.constant 0 : i32
        %dma_wait3A_310 = arith.constant 0 : i32
        %dma_wait3A_311 = tpu.memref_slice %arg9[%dma_wait3A_309, %dma_wait3A_310] : memref<3x64xi32, #tpu.memory_space<vmem>> -> memref<1x64xi32, #tpu.memory_space<vmem>>
        %dma_wait3A_312 = tpu.memref_squeeze %dma_wait3A_311 : memref<1x64xi32, #tpu.memory_space<vmem>> -> memref<64xi32, #tpu.memory_space<vmem>>
        %dma_wait3A_313 = arith.constant 0 : i32
        %dma_wait3A_314 = arith.constant 0 : i32
        %dma_wait3A_315 = tpu.memref_slice %arg6[%dma_wait3A_313, %dma_wait3A_314] : memref<10240x128xf32, #tpu.memory_space<vmem_shared>> -> memref<10240x128xf32, #tpu.memory_space<vmem_shared>>
        tpu.wait_indirect_dma semaphore(%arg16 : memref<!tpu.dma_semaphore, #tpu.memory_space<semaphore_mem>>) src(%arg10 : memref<64x128xf32, #tpu.memory_space<vmem>>) dst(%dma_wait3A_315 : memref<10240x128xf32, #tpu.memory_space<vmem_shared>>)
      } else {
      }
      %add3A_258 = arith.constant 2 : i32
      %add3A_259 = arith.addi %add3A_252, %add3A_258 : i32
      %lt3A_260 = arith.constant 159 : i32
      %lt3A_261 = arith.cmpi slt, %add3A_259, %lt3A_260 : i32
      %convert_element_type3A_262 = arith.extui %lt3A_261 : i1 to i32
      %cond3A_263 = arith.constant 0 : i32
      %cond3A_264 = arith.cmpi ne, %convert_element_type3A_262, %cond3A_263 : i32
      scf.if %cond3A_264 {
        %add3A_309 = arith.constant 2 : i32
        %add3A_310 = arith.addi %add3A_252, %add3A_309 : i32
        %get3A_311 = arith.index_cast %add3A_310 : i32 to index
        %get3A_312 = arith.constant 0 : index
        %get3A_313 = tpu.vector_load %arg7[%get3A_311, %get3A_312] {strides = array<i32>} : memref<159x64xi32, #tpu.memory_space<vmem>>, vector<16xi32>,
        %and3A_314 = arith.constant 65535 : i32
        %and3A_315 = vector.broadcast %and3A_314 : i32 to vector<16xi32>
        %and3A_316 = arith.andi %get3A_313, %and3A_315 : vector<16xi32>
        %swap3A_317 = arith.constant 0 : i32
        %swap3A_318 = arith.index_cast %swap3A_317 : i32 to index
        %swap3A_319 = arith.constant 0 : index
        %swap3A_320 = tpu.vector_load %arg8[%swap3A_318, %swap3A_319] {strides = array<i32>} : memref<3x64xi32, #tpu.memory_space<vmem>>, vector<16xi32>,
        tpu.vector_store %arg8[%swap3A_318, %swap3A_319], %and3A_316 {strides = array<i32>} : memref<3x64xi32, #tpu.memory_space<vmem>>, vector<16xi32>,
        %shift_right_logical3A_321 = arith.constant 16 : i32
        %shift_right_logical3A_322 = vector.broadcast %shift_right_logical3A_321 : i32 to vector<16xi32>
        %shift_right_logical3A_323 = arith.shrui %get3A_313, %shift_right_logical3A_322 : vector<16xi32>
        %swap3A_324 = arith.constant 0 : i32
        %swap3A_325 = arith.index_cast %swap3A_324 : i32 to index
        %swap3A_326 = arith.constant 0 : index
        %swap3A_327 = tpu.vector_load %arg9[%swap3A_325, %swap3A_326] {strides = array<i32>} : memref<3x64xi32, #tpu.memory_space<vmem>>, vector<16xi32>,
        tpu.vector_store %arg9[%swap3A_325, %swap3A_326], %shift_right_logical3A_323 {strides = array<i32>} : memref<3x64xi32, #tpu.memory_space<vmem>>, vector<16xi32>,
        %get3A_328 = arith.index_cast %add3A_310 : i32 to index
        %get3A_329 = arith.constant 16 : index
        %get3A_330 = tpu.vector_load %arg7[%get3A_328, %get3A_329] {strides = array<i32>} : memref<159x64xi32, #tpu.memory_space<vmem>>, vector<16xi32>,
        %and3A_331 = arith.constant 65535 : i32
        %and3A_332 = vector.broadcast %and3A_331 : i32 to vector<16xi32>
        %and3A_333 = arith.andi %get3A_330, %and3A_332 : vector<16xi32>
        %swap3A_334 = arith.constant 0 : i32
        %swap3A_335 = arith.index_cast %swap3A_334 : i32 to index
        %swap3A_336 = arith.constant 16 : index
        %swap3A_337 = tpu.vector_load %arg8[%swap3A_335, %swap3A_336] {strides = array<i32>} : memref<3x64xi32, #tpu.memory_space<vmem>>, vector<16xi32>,
        tpu.vector_store %arg8[%swap3A_335, %swap3A_336], %and3A_333 {strides = array<i32>} : memref<3x64xi32, #tpu.memory_space<vmem>>, vector<16xi32>,
        %shift_right_logical3A_338 = arith.constant 16 : i32
        %shift_right_logical3A_339 = vector.broadcast %shift_right_logical3A_338 : i32 to vector<16xi32>
        %shift_right_logical3A_340 = arith.shrui %get3A_330, %shift_right_logical3A_339 : vector<16xi32>
        %swap3A_341 = arith.constant 0 : i32
        %swap3A_342 = arith.index_cast %swap3A_341 : i32 to index
        %swap3A_343 = arith.constant 16 : index
        %swap3A_344 = tpu.vector_load %arg9[%swap3A_342, %swap3A_343] {strides = array<i32>} : memref<3x64xi32, #tpu.memory_space<vmem>>, vector<16xi32>,
        tpu.vector_store %arg9[%swap3A_342, %swap3A_343], %shift_right_logical3A_340 {strides = array<i32>} : memref<3x64xi32, #tpu.memory_space<vmem>>, vector<16xi32>,
        %get3A_345 = arith.index_cast %add3A_310 : i32 to index
        %get3A_346 = arith.constant 32 : index
        %get3A_347 = tpu.vector_load %arg7[%get3A_345, %get3A_346] {strides = array<i32>} : memref<159x64xi32, #tpu.memory_space<vmem>>, vector<16xi32>,
        %and3A_348 = arith.constant 65535 : i32
        %and3A_349 = vector.broadcast %and3A_348 : i32 to vector<16xi32>
        %and3A_350 = arith.andi %get3A_347, %and3A_349 : vector<16xi32>
        %swap3A_351 = arith.constant 0 : i32
        %swap3A_352 = arith.index_cast %swap3A_351 : i32 to index
        %swap3A_353 = arith.constant 32 : index
        %swap3A_354 = tpu.vector_load %arg8[%swap3A_352, %swap3A_353] {strides = array<i32>} : memref<3x64xi32, #tpu.memory_space<vmem>>, vector<16xi32>,
        tpu.vector_store %arg8[%swap3A_352, %swap3A_353], %and3A_350 {strides = array<i32>} : memref<3x64xi32, #tpu.memory_space<vmem>>, vector<16xi32>,
        %shift_right_logical3A_355 = arith.constant 16 : i32
        %shift_right_logical3A_356 = vector.broadcast %shift_right_logical3A_355 : i32 to vector<16xi32>
        %shift_right_logical3A_357 = arith.shrui %get3A_347, %shift_right_logical3A_356 : vector<16xi32>
        %swap3A_358 = arith.constant 0 : i32
        %swap3A_359 = arith.index_cast %swap3A_358 : i32 to index
        %swap3A_360 = arith.constant 32 : index
        %swap3A_361 = tpu.vector_load %arg9[%swap3A_359, %swap3A_360] {strides = array<i32>} : memref<3x64xi32, #tpu.memory_space<vmem>>, vector<16xi32>,
        tpu.vector_store %arg9[%swap3A_359, %swap3A_360], %shift_right_logical3A_357 {strides = array<i32>} : memref<3x64xi32, #tpu.memory_space<vmem>>, vector<16xi32>,
        %get3A_362 = arith.index_cast %add3A_310 : i32 to index
        %get3A_363 = arith.constant 48 : index
        %get3A_364 = tpu.vector_load %arg7[%get3A_362, %get3A_363] {strides = array<i32>} : memref<159x64xi32, #tpu.memory_space<vmem>>, vector<16xi32>,
        %and3A_365 = arith.constant 65535 : i32
        %and3A_366 = vector.broadcast %and3A_365 : i32 to vector<16xi32>
        %and3A_367 = arith.andi %get3A_364, %and3A_366 : vector<16xi32>
        %swap3A_368 = arith.constant 0 : i32
        %swap3A_369 = arith.index_cast %swap3A_368 : i32 to index
        %swap3A_370 = arith.constant 48 : index
        %swap3A_371 = tpu.vector_load %arg8[%swap3A_369, %swap3A_370] {strides = array<i32>} : memref<3x64xi32, #tpu.memory_space<vmem>>, vector<16xi32>,
        tpu.vector_store %arg8[%swap3A_369, %swap3A_370], %and3A_367 {strides = array<i32>} : memref<3x64xi32, #tpu.memory_space<vmem>>, vector<16xi32>,
        %shift_right_logical3A_372 = arith.constant 16 : i32
        %shift_right_logical3A_373 = vector.broadcast %shift_right_logical3A_372 : i32 to vector<16xi32>
        %shift_right_logical3A_374 = arith.shrui %get3A_364, %shift_right_logical3A_373 : vector<16xi32>
        %swap3A_375 = arith.constant 0 : i32
        %swap3A_376 = arith.index_cast %swap3A_375 : i32 to index
        %swap3A_377 = arith.constant 48 : index
        %swap3A_378 = tpu.vector_load %arg9[%swap3A_376, %swap3A_377] {strides = array<i32>} : memref<3x64xi32, #tpu.memory_space<vmem>>, vector<16xi32>,
        tpu.vector_store %arg9[%swap3A_376, %swap3A_377], %shift_right_logical3A_374 {strides = array<i32>} : memref<3x64xi32, #tpu.memory_space<vmem>>, vector<16xi32>,
        %dma_start3A_379 = arith.constant 0 : i32
        %dma_start3A_380 = arith.constant 0 : i32
        %dma_start3A_381 = tpu.memref_slice %arg8[%dma_start3A_379, %dma_start3A_380] : memref<3x64xi32, #tpu.memory_space<vmem>> -> memref<1x64xi32, #tpu.memory_space<vmem>>
        %dma_start3A_382 = tpu.memref_squeeze %dma_start3A_381 : memref<1x64xi32, #tpu.memory_space<vmem>> -> memref<64xi32, #tpu.memory_space<vmem>>
        %dma_start3A_383 = arith.constant 0 : i32
        %dma_start3A_384 = arith.constant 0 : i32
        %dma_start3A_385 = tpu.memref_slice %arg2[%dma_start3A_383, %dma_start3A_384] : memref<10240x128xf32, #tpu.memory_space<hbm>> -> memref<10240x128xf32, #tpu.memory_space<hbm>>
        tpu.enqueue_indirect_dma source(%dma_start3A_385 : memref<10240x128xf32, #tpu.memory_space<hbm>>) target(%arg10 : memref<64x128xf32, #tpu.memory_space<vmem>>) offsets(%dma_start3A_382 : memref<64xi32, #tpu.memory_space<vmem>>) semaphore(%arg13 : memref<!tpu.dma_semaphore, #tpu.memory_space<semaphore_mem>>)
      } else {
      }
      %dma_wait3A_265 = arith.constant 1 : i32
      %dma_wait3A_266 = arith.constant 0 : i32
      %dma_wait3A_267 = tpu.memref_slice %arg8[%dma_wait3A_265, %dma_wait3A_266] : memref<3x64xi32, #tpu.memory_space<vmem>> -> memref<1x64xi32, #tpu.memory_space<vmem>>
      %dma_wait3A_268 = tpu.memref_squeeze %dma_wait3A_267 : memref<1x64xi32, #tpu.memory_space<vmem>> -> memref<64xi32, #tpu.memory_space<vmem>>
      %dma_wait3A_269 = arith.constant 0 : i32
      %dma_wait3A_270 = arith.constant 0 : i32
      %dma_wait3A_271 = tpu.memref_slice %arg2[%dma_wait3A_269, %dma_wait3A_270] : memref<10240x128xf32, #tpu.memory_space<hbm>> -> memref<10240x128xf32, #tpu.memory_space<hbm>>
      tpu.wait_indirect_dma semaphore(%arg14 : memref<!tpu.dma_semaphore, #tpu.memory_space<semaphore_mem>>) src(%dma_wait3A_271 : memref<10240x128xf32, #tpu.memory_space<hbm>>) dst(%arg11 : memref<64x128xf32, #tpu.memory_space<vmem>>)
      %dma_start3A_272 = arith.constant 1 : i32
      %dma_start3A_273 = arith.constant 0 : i32
      %dma_start3A_274 = tpu.memref_slice %arg9[%dma_start3A_272, %dma_start3A_273] : memref<3x64xi32, #tpu.memory_space<vmem>> -> memref<1x64xi32, #tpu.memory_space<vmem>>
      %dma_start3A_275 = tpu.memref_squeeze %dma_start3A_274 : memref<1x64xi32, #tpu.memory_space<vmem>> -> memref<64xi32, #tpu.memory_space<vmem>>
      %dma_start3A_276 = arith.constant 0 : i32
      %dma_start3A_277 = arith.constant 0 : i32
      %dma_start3A_278 = tpu.memref_slice %arg6[%dma_start3A_276, %dma_start3A_277] : memref<10240x128xf32, #tpu.memory_space<vmem_shared>> -> memref<10240x128xf32, #tpu.memory_space<vmem_shared>>
      tpu.enqueue_indirect_dma source(%arg11 : memref<64x128xf32, #tpu.memory_space<vmem>>) target(%dma_start3A_278 : memref<10240x128xf32, #tpu.memory_space<vmem_shared>>) offsets(%dma_start3A_275 : memref<64xi32, #tpu.memory_space<vmem>>) semaphore(%arg17 : memref<!tpu.dma_semaphore, #tpu.memory_space<semaphore_mem>>) {add = true}
      %mul3A_279 = arith.constant 3 : i32
      %mul3A_280 = arith.muli %scan3A_220, %mul3A_279 : i32
      %add3A_281 = arith.constant 2 : i32
      %add3A_282 = arith.addi %mul3A_280, %add3A_281 : i32
      %ge3A_283 = arith.constant 1 : i32
      %ge3A_284 = arith.cmpi sge, %add3A_282, %ge3A_283 : i32
      %convert_element_type3A_285 = arith.extui %ge3A_284 : i1 to i32
      %cond3A_286 = arith.constant 0 : i32
      %cond3A_287 = arith.cmpi ne, %convert_element_type3A_285, %cond3A_286 : i32
      scf.if %cond3A_287 {
        %dma_wait3A_309 = arith.constant 1 : i32
        %dma_wait3A_310 = arith.constant 0 : i32
        %dma_wait3A_311 = tpu.memref_slice %arg9[%dma_wait3A_309, %dma_wait3A_310] : memref<3x64xi32, #tpu.memory_space<vmem>> -> memref<1x64xi32, #tpu.memory_space<vmem>>
        %dma_wait3A_312 = tpu.memref_squeeze %dma_wait3A_311 : memref<1x64xi32, #tpu.memory_space<vmem>> -> memref<64xi32, #tpu.memory_space<vmem>>
        %dma_wait3A_313 = arith.constant 0 : i32
        %dma_wait3A_314 = arith.constant 0 : i32
        %dma_wait3A_315 = tpu.memref_slice %arg6[%dma_wait3A_313, %dma_wait3A_314] : memref<10240x128xf32, #tpu.memory_space<vmem_shared>> -> memref<10240x128xf32, #tpu.memory_space<vmem_shared>>
        tpu.wait_indirect_dma semaphore(%arg17 : memref<!tpu.dma_semaphore, #tpu.memory_space<semaphore_mem>>) src(%arg11 : memref<64x128xf32, #tpu.memory_space<vmem>>) dst(%dma_wait3A_315 : memref<10240x128xf32, #tpu.memory_space<vmem_shared>>)
      } else {
      }
      %add3A_288 = arith.constant 2 : i32
      %add3A_289 = arith.addi %add3A_282, %add3A_288 : i32
      %lt3A_290 = arith.constant 159 : i32
      %lt3A_291 = arith.cmpi slt, %add3A_289, %lt3A_290 : i32
      %convert_element_type3A_292 = arith.extui %lt3A_291 : i1 to i32
      %cond3A_293 = arith.constant 0 : i32
      %cond3A_294 = arith.cmpi ne, %convert_element_type3A_292, %cond3A_293 : i32
      scf.if %cond3A_294 {
        %add3A_309 = arith.constant 2 : i32
        %add3A_310 = arith.addi %add3A_282, %add3A_309 : i32
        %get3A_311 = arith.index_cast %add3A_310 : i32 to index
        %get3A_312 = arith.constant 0 : index
        %get3A_313 = tpu.vector_load %arg7[%get3A_311, %get3A_312] {strides = array<i32>} : memref<159x64xi32, #tpu.memory_space<vmem>>, vector<16xi32>,
        %and3A_314 = arith.constant 65535 : i32
        %and3A_315 = vector.broadcast %and3A_314 : i32 to vector<16xi32>
        %and3A_316 = arith.andi %get3A_313, %and3A_315 : vector<16xi32>
        %swap3A_317 = arith.constant 1 : i32
        %swap3A_318 = arith.index_cast %swap3A_317 : i32 to index
        %swap3A_319 = arith.constant 0 : index
        %swap3A_320 = tpu.vector_load %arg8[%swap3A_318, %swap3A_319] {strides = array<i32>} : memref<3x64xi32, #tpu.memory_space<vmem>>, vector<16xi32>,
        tpu.vector_store %arg8[%swap3A_318, %swap3A_319], %and3A_316 {strides = array<i32>} : memref<3x64xi32, #tpu.memory_space<vmem>>, vector<16xi32>,
        %shift_right_logical3A_321 = arith.constant 16 : i32
        %shift_right_logical3A_322 = vector.broadcast %shift_right_logical3A_321 : i32 to vector<16xi32>
        %shift_right_logical3A_323 = arith.shrui %get3A_313, %shift_right_logical3A_322 : vector<16xi32>
        %swap3A_324 = arith.constant 1 : i32
        %swap3A_325 = arith.index_cast %swap3A_324 : i32 to index
        %swap3A_326 = arith.constant 0 : index
        %swap3A_327 = tpu.vector_load %arg9[%swap3A_325, %swap3A_326] {strides = array<i32>} : memref<3x64xi32, #tpu.memory_space<vmem>>, vector<16xi32>,
        tpu.vector_store %arg9[%swap3A_325, %swap3A_326], %shift_right_logical3A_323 {strides = array<i32>} : memref<3x64xi32, #tpu.memory_space<vmem>>, vector<16xi32>,
        %get3A_328 = arith.index_cast %add3A_310 : i32 to index
        %get3A_329 = arith.constant 16 : index
        %get3A_330 = tpu.vector_load %arg7[%get3A_328, %get3A_329] {strides = array<i32>} : memref<159x64xi32, #tpu.memory_space<vmem>>, vector<16xi32>,
        %and3A_331 = arith.constant 65535 : i32
        %and3A_332 = vector.broadcast %and3A_331 : i32 to vector<16xi32>
        %and3A_333 = arith.andi %get3A_330, %and3A_332 : vector<16xi32>
        %swap3A_334 = arith.constant 1 : i32
        %swap3A_335 = arith.index_cast %swap3A_334 : i32 to index
        %swap3A_336 = arith.constant 16 : index
        %swap3A_337 = tpu.vector_load %arg8[%swap3A_335, %swap3A_336] {strides = array<i32>} : memref<3x64xi32, #tpu.memory_space<vmem>>, vector<16xi32>,
        tpu.vector_store %arg8[%swap3A_335, %swap3A_336], %and3A_333 {strides = array<i32>} : memref<3x64xi32, #tpu.memory_space<vmem>>, vector<16xi32>,
        %shift_right_logical3A_338 = arith.constant 16 : i32
        %shift_right_logical3A_339 = vector.broadcast %shift_right_logical3A_338 : i32 to vector<16xi32>
        %shift_right_logical3A_340 = arith.shrui %get3A_330, %shift_right_logical3A_339 : vector<16xi32>
        %swap3A_341 = arith.constant 1 : i32
        %swap3A_342 = arith.index_cast %swap3A_341 : i32 to index
        %swap3A_343 = arith.constant 16 : index
        %swap3A_344 = tpu.vector_load %arg9[%swap3A_342, %swap3A_343] {strides = array<i32>} : memref<3x64xi32, #tpu.memory_space<vmem>>, vector<16xi32>,
        tpu.vector_store %arg9[%swap3A_342, %swap3A_343], %shift_right_logical3A_340 {strides = array<i32>} : memref<3x64xi32, #tpu.memory_space<vmem>>, vector<16xi32>,
        %get3A_345 = arith.index_cast %add3A_310 : i32 to index
        %get3A_346 = arith.constant 32 : index
        %get3A_347 = tpu.vector_load %arg7[%get3A_345, %get3A_346] {strides = array<i32>} : memref<159x64xi32, #tpu.memory_space<vmem>>, vector<16xi32>,
        %and3A_348 = arith.constant 65535 : i32
        %and3A_349 = vector.broadcast %and3A_348 : i32 to vector<16xi32>
        %and3A_350 = arith.andi %get3A_347, %and3A_349 : vector<16xi32>
        %swap3A_351 = arith.constant 1 : i32
        %swap3A_352 = arith.index_cast %swap3A_351 : i32 to index
        %swap3A_353 = arith.constant 32 : index
        %swap3A_354 = tpu.vector_load %arg8[%swap3A_352, %swap3A_353] {strides = array<i32>} : memref<3x64xi32, #tpu.memory_space<vmem>>, vector<16xi32>,
        tpu.vector_store %arg8[%swap3A_352, %swap3A_353], %and3A_350 {strides = array<i32>} : memref<3x64xi32, #tpu.memory_space<vmem>>, vector<16xi32>,
        %shift_right_logical3A_355 = arith.constant 16 : i32
        %shift_right_logical3A_356 = vector.broadcast %shift_right_logical3A_355 : i32 to vector<16xi32>
        %shift_right_logical3A_357 = arith.shrui %get3A_347, %shift_right_logical3A_356 : vector<16xi32>
        %swap3A_358 = arith.constant 1 : i32
        %swap3A_359 = arith.index_cast %swap3A_358 : i32 to index
        %swap3A_360 = arith.constant 32 : index
        %swap3A_361 = tpu.vector_load %arg9[%swap3A_359, %swap3A_360] {strides = array<i32>} : memref<3x64xi32, #tpu.memory_space<vmem>>, vector<16xi32>,
        tpu.vector_store %arg9[%swap3A_359, %swap3A_360], %shift_right_logical3A_357 {strides = array<i32>} : memref<3x64xi32, #tpu.memory_space<vmem>>, vector<16xi32>,
        %get3A_362 = arith.index_cast %add3A_310 : i32 to index
        %get3A_363 = arith.constant 48 : index
        %get3A_364 = tpu.vector_load %arg7[%get3A_362, %get3A_363] {strides = array<i32>} : memref<159x64xi32, #tpu.memory_space<vmem>>, vector<16xi32>,
        %and3A_365 = arith.constant 65535 : i32
        %and3A_366 = vector.broadcast %and3A_365 : i32 to vector<16xi32>
        %and3A_367 = arith.andi %get3A_364, %and3A_366 : vector<16xi32>
        %swap3A_368 = arith.constant 1 : i32
        %swap3A_369 = arith.index_cast %swap3A_368 : i32 to index
        %swap3A_370 = arith.constant 48 : index
        %swap3A_371 = tpu.vector_load %arg8[%swap3A_369, %swap3A_370] {strides = array<i32>} : memref<3x64xi32, #tpu.memory_space<vmem>>, vector<16xi32>,
        tpu.vector_store %arg8[%swap3A_369, %swap3A_370], %and3A_367 {strides = array<i32>} : memref<3x64xi32, #tpu.memory_space<vmem>>, vector<16xi32>,
        %shift_right_logical3A_372 = arith.constant 16 : i32
        %shift_right_logical3A_373 = vector.broadcast %shift_right_logical3A_372 : i32 to vector<16xi32>
        %shift_right_logical3A_374 = arith.shrui %get3A_364, %shift_right_logical3A_373 : vector<16xi32>
        %swap3A_375 = arith.constant 1 : i32
        %swap3A_376 = arith.index_cast %swap3A_375 : i32 to index
        %swap3A_377 = arith.constant 48 : index
        %swap3A_378 = tpu.vector_load %arg9[%swap3A_376, %swap3A_377] {strides = array<i32>} : memref<3x64xi32, #tpu.memory_space<vmem>>, vector<16xi32>,
        tpu.vector_store %arg9[%swap3A_376, %swap3A_377], %shift_right_logical3A_374 {strides = array<i32>} : memref<3x64xi32, #tpu.memory_space<vmem>>, vector<16xi32>,
        %dma_start3A_379 = arith.constant 1 : i32
        %dma_start3A_380 = arith.constant 0 : i32
        %dma_start3A_381 = tpu.memref_slice %arg8[%dma_start3A_379, %dma_start3A_380] : memref<3x64xi32, #tpu.memory_space<vmem>> -> memref<1x64xi32, #tpu.memory_space<vmem>>
        %dma_start3A_382 = tpu.memref_squeeze %dma_start3A_381 : memref<1x64xi32, #tpu.memory_space<vmem>> -> memref<64xi32, #tpu.memory_space<vmem>>
        %dma_start3A_383 = arith.constant 0 : i32
        %dma_start3A_384 = arith.constant 0 : i32
        %dma_start3A_385 = tpu.memref_slice %arg2[%dma_start3A_383, %dma_start3A_384] : memref<10240x128xf32, #tpu.memory_space<hbm>> -> memref<10240x128xf32, #tpu.memory_space<hbm>>
        tpu.enqueue_indirect_dma source(%dma_start3A_385 : memref<10240x128xf32, #tpu.memory_space<hbm>>) target(%arg11 : memref<64x128xf32, #tpu.memory_space<vmem>>) offsets(%dma_start3A_382 : memref<64xi32, #tpu.memory_space<vmem>>) semaphore(%arg14 : memref<!tpu.dma_semaphore, #tpu.memory_space<semaphore_mem>>)
      } else {
      }
      %dma_wait3A_295 = arith.constant 2 : i32
      %dma_wait3A_296 = arith.constant 0 : i32
      %dma_wait3A_297 = tpu.memref_slice %arg8[%dma_wait3A_295, %dma_wait3A_296] : memref<3x64xi32, #tpu.memory_space<vmem>> -> memref<1x64xi32, #tpu.memory_space<vmem>>
      %dma_wait3A_298 = tpu.memref_squeeze %dma_wait3A_297 : memref<1x64xi32, #tpu.memory_space<vmem>> -> memref<64xi32, #tpu.memory_space<vmem>>
      %dma_wait3A_299 = arith.constant 0 : i32
      %dma_wait3A_300 = arith.constant 0 : i32
      %dma_wait3A_301 = tpu.memref_slice %arg2[%dma_wait3A_299, %dma_wait3A_300] : memref<10240x128xf32, #tpu.memory_space<hbm>> -> memref<10240x128xf32, #tpu.memory_space<hbm>>
      tpu.wait_indirect_dma semaphore(%arg15 : memref<!tpu.dma_semaphore, #tpu.memory_space<semaphore_mem>>) src(%dma_wait3A_301 : memref<10240x128xf32, #tpu.memory_space<hbm>>) dst(%arg12 : memref<64x128xf32, #tpu.memory_space<vmem>>)
      %dma_start3A_302 = arith.constant 2 : i32
      %dma_start3A_303 = arith.constant 0 : i32
      %dma_start3A_304 = tpu.memref_slice %arg9[%dma_start3A_302, %dma_start3A_303] : memref<3x64xi32, #tpu.memory_space<vmem>> -> memref<1x64xi32, #tpu.memory_space<vmem>>
      %dma_start3A_305 = tpu.memref_squeeze %dma_start3A_304 : memref<1x64xi32, #tpu.memory_space<vmem>> -> memref<64xi32, #tpu.memory_space<vmem>>
      %dma_start3A_306 = arith.constant 0 : i32
      %dma_start3A_307 = arith.constant 0 : i32
      %dma_start3A_308 = tpu.memref_slice %arg6[%dma_start3A_306, %dma_start3A_307] : memref<10240x128xf32, #tpu.memory_space<vmem_shared>> -> memref<10240x128xf32, #tpu.memory_space<vmem_shared>>
      tpu.enqueue_indirect_dma source(%arg12 : memref<64x128xf32, #tpu.memory_space<vmem>>) target(%dma_start3A_308 : memref<10240x128xf32, #tpu.memory_space<vmem_shared>>) offsets(%dma_start3A_305 : memref<64xi32, #tpu.memory_space<vmem>>) semaphore(%arg18 : memref<!tpu.dma_semaphore, #tpu.memory_space<semaphore_mem>>) {add = true}
    }
    %scan3A_203 = arith.constant 53 : i32
    %dma_wait3A = arith.constant 2 : i32
    %dma_wait3A_204 = arith.constant 0 : i32
    %dma_wait3A_205 = tpu.memref_slice %arg9[%dma_wait3A, %dma_wait3A_204] : memref<3x64xi32, #tpu.memory_space<vmem>> -> memref<1x64xi32, #tpu.memory_space<vmem>>
    %dma_wait3A_206 = tpu.memref_squeeze %dma_wait3A_205 : memref<1x64xi32, #tpu.memory_space<vmem>> -> memref<64xi32, #tpu.memory_space<vmem>>
    %dma_wait3A_207 = arith.constant 0 : i32
    %dma_wait3A_208 = arith.constant 0 : i32
    %dma_wait3A_209 = tpu.memref_slice %arg6[%dma_wait3A_207, %dma_wait3A_208] : memref<10240x128xf32, #tpu.memory_space<vmem_shared>> -> memref<10240x128xf32, #tpu.memory_space<vmem_shared>>
    tpu.wait_indirect_dma semaphore(%arg18 : memref<!tpu.dma_semaphore, #tpu.memory_space<semaphore_mem>>) src(%arg12 : memref<64x128xf32, #tpu.memory_space<vmem>>) dst(%dma_wait3A_209 : memref<10240x128xf32, #tpu.memory_space<vmem_shared>>)
    %barrier3A_210 = arith.constant 0 : index
    tpu.barrier barrier_id(%barrier3A_210)
    %mul3A_211 = arith.constant 640 : i32
    %mul3A_212 = arith.muli %arg1, %mul3A_211 : i32
    %eq3A = arith.constant 0 : i32
    %eq3A_213 = arith.cmpi eq, %arg0, %eq3A : i32
    %convert_element_type3A = arith.extui %eq3A_213 : i1 to i32
    %cond3A = arith.constant 0 : i32
    %cond3A_214 = arith.cmpi ne, %convert_element_type3A, %cond3A : i32
    scf.if %cond3A_214 {
      "tpu.region"() ({
        %run_scoped3A = tpu.sem_alloc : memref<!tpu.dma_semaphore, #tpu.memory_space<semaphore_mem>>
        %dma_start3A_220 = arith.constant 0 : i32
        %dma_start3A_221 = tpu.memref_slice %arg4[%mul3A_212, %dma_start3A_220] : memref<10240x128xf32, #tpu.memory_space<hbm>> -> memref<640x128xf32, #tpu.memory_space<hbm>>
        %dma_start3A_222 = arith.constant 0 : i32
        %dma_start3A_223 = tpu.memref_slice %arg6[%mul3A_212, %dma_start3A_222] : memref<10240x128xf32, #tpu.memory_space<vmem_shared>> -> memref<640x128xf32, #tpu.memory_space<vmem_shared>>
        tpu.enqueue_dma source(%dma_start3A_223 : memref<640x128xf32, #tpu.memory_space<vmem_shared>>) target(%dma_start3A_221 : memref<640x128xf32, #tpu.memory_space<hbm>>) target_semaphore(%run_scoped3A : memref<!tpu.dma_semaphore, #tpu.memory_space<semaphore_mem>>)
        %dma_wait3A_224 = arith.constant 0 : i32
        %dma_wait3A_225 = tpu.memref_slice %arg4[%mul3A_212, %dma_wait3A_224] : memref<10240x128xf32, #tpu.memory_space<hbm>> -> memref<640x128xf32, #tpu.memory_space<hbm>>
        %dma_wait3A_226 = arith.constant 0 : i32
        %dma_wait3A_227 = tpu.memref_slice %arg6[%mul3A_212, %dma_wait3A_226] : memref<10240x128xf32, #tpu.memory_space<vmem_shared>> -> memref<640x128xf32, #tpu.memory_space<vmem_shared>>
        tpu.wait_dma2 semaphore(%run_scoped3A : memref<!tpu.dma_semaphore, #tpu.memory_space<semaphore_mem>>) src(%dma_wait3A_227 : memref<640x128xf32, #tpu.memory_space<vmem_shared>>) dst(%dma_wait3A_225 : memref<640x128xf32, #tpu.memory_space<hbm>>)
        tpu.yield
      }) : () -> ()
    } else {
    }
    %eq3A_215 = arith.constant 1 : i32
    %eq3A_216 = arith.cmpi eq, %arg0, %eq3A_215 : i32
    %convert_element_type3A_217 = arith.extui %eq3A_216 : i1 to i32
    %cond3A_218 = arith.constant 0 : i32
    %cond3A_219 = arith.cmpi ne, %convert_element_type3A_217, %cond3A_218 : i32
    scf.if %cond3A_219 {
      "tpu.region"() ({
        %run_scoped3A = tpu.sem_alloc : memref<!tpu.dma_semaphore, #tpu.memory_space<semaphore_mem>>
        %dma_start3A_220 = arith.constant 0 : i32
        %dma_start3A_221 = tpu.memref_slice %arg5[%mul3A_212, %dma_start3A_220] : memref<10240x128xf32, #tpu.memory_space<hbm>> -> memref<640x128xf32, #tpu.memory_space<hbm>>
        %dma_start3A_222 = arith.constant 0 : i32
        %dma_start3A_223 = tpu.memref_slice %arg6[%mul3A_212, %dma_start3A_222] : memref<10240x128xf32, #tpu.memory_space<vmem_shared>> -> memref<640x128xf32, #tpu.memory_space<vmem_shared>>
        tpu.enqueue_dma source(%dma_start3A_223 : memref<640x128xf32, #tpu.memory_space<vmem_shared>>) target(%dma_start3A_221 : memref<640x128xf32, #tpu.memory_space<hbm>>) target_semaphore(%run_scoped3A : memref<!tpu.dma_semaphore, #tpu.memory_space<semaphore_mem>>)
        %dma_wait3A_224 = arith.constant 0 : i32
        %dma_wait3A_225 = tpu.memref_slice %arg5[%mul3A_212, %dma_wait3A_224] : memref<10240x128xf32, #tpu.memory_space<hbm>> -> memref<640x128xf32, #tpu.memory_space<hbm>>
        %dma_wait3A_226 = arith.constant 0 : i32
        %dma_wait3A_227 = tpu.memref_slice %arg6[%mul3A_212, %dma_wait3A_226] : memref<10240x128xf32, #tpu.memory_space<vmem_shared>> -> memref<640x128xf32, #tpu.memory_space<vmem_shared>>
        tpu.wait_dma2 semaphore(%run_scoped3A : memref<!tpu.dma_semaphore, #tpu.memory_space<semaphore_mem>>) src(%dma_wait3A_227 : memref<640x128xf32, #tpu.memory_space<vmem_shared>>) dst(%dma_wait3A_225 : memref<640x128xf32, #tpu.memory_space<hbm>>)
        tpu.yield
      }) : () -> ()
    } else {
    }
    return
  }
}

#map = affine_map<(d0, d1) -> (0, 0, 0)>
#map1 = affine_map<(d0, d1) -> (0, 0)>
module attributes {stable_mosaic.version = 14 : i64} {
  func.func @_deg_body(%arg0: i32, %arg1: i32, %arg2: memref<32x159x64xi32, #tpu.memory_space<hbm>>, %arg3: memref<32x10240xf32, #tpu.memory_space<hbm>>, %arg4: memref<159x64xi32, #tpu.memory_space<vmem>>, %arg5: memref<10240xf32, #tpu.memory_space<vmem>>) attributes {dimension_semantics = [#tpu.dimension_semantics<core_parallel>, #tpu.dimension_semantics<subcore_parallel>], iteration_bounds = array<i64: 2, 16>, scalar_prefetch = 0 : i64, scratch_operands = 2 : i64, tpu.core_type = #tpu.core_type<sc_vector_subcore>, window_params = [{transform_indices = #map}, {transform_indices = #map1}]} {
    %mul3A = arith.constant 2 : i32
    %mul3A_0 = arith.muli %arg1, %mul3A : i32
    %add3A = arith.addi %mul3A_0, %arg0 : i32
    "tpu.region"() ({
      %run_scoped3A = tpu.sem_alloc : memref<!tpu.dma_semaphore, #tpu.memory_space<semaphore_mem>>
      %dma_start3A = arith.constant 0 : i32
      %dma_start3A_13 = arith.constant 0 : i32
      %dma_start3A_14 = tpu.memref_slice %arg2[%add3A, %dma_start3A, %dma_start3A_13] : memref<32x159x64xi32, #tpu.memory_space<hbm>> -> memref<1x159x64xi32, #tpu.memory_space<hbm>>
      %dma_start3A_15 = tpu.memref_squeeze %dma_start3A_14 : memref<1x159x64xi32, #tpu.memory_space<hbm>> -> memref<159x64xi32, #tpu.memory_space<hbm>>
      %dma_start3A_16 = arith.constant 0 : i32
      %dma_start3A_17 = arith.constant 0 : i32
      %dma_start3A_18 = tpu.memref_slice %arg2[%add3A, %dma_start3A_16, %dma_start3A_17] : memref<32x159x64xi32, #tpu.memory_space<hbm>> -> memref<1x159x64xi32, #tpu.memory_space<hbm>>
      %dma_start3A_19 = tpu.memref_squeeze %dma_start3A_18 : memref<1x159x64xi32, #tpu.memory_space<hbm>> -> memref<159x64xi32, #tpu.memory_space<hbm>>
      tpu.enqueue_dma source(%dma_start3A_19 : memref<159x64xi32, #tpu.memory_space<hbm>>) target(%arg4 : memref<159x64xi32, #tpu.memory_space<vmem>>) target_semaphore(%run_scoped3A : memref<!tpu.dma_semaphore, #tpu.memory_space<semaphore_mem>>)
      %dma_wait3A = arith.constant 0 : i32
      %dma_wait3A_20 = arith.constant 0 : i32
      %dma_wait3A_21 = tpu.memref_slice %arg2[%add3A, %dma_wait3A, %dma_wait3A_20] : memref<32x159x64xi32, #tpu.memory_space<hbm>> -> memref<1x159x64xi32, #tpu.memory_space<hbm>>
      %dma_wait3A_22 = tpu.memref_squeeze %dma_wait3A_21 : memref<1x159x64xi32, #tpu.memory_space<hbm>> -> memref<159x64xi32, #tpu.memory_space<hbm>>
      %dma_wait3A_23 = arith.constant 0 : i32
      %dma_wait3A_24 = arith.constant 0 : i32
      %dma_wait3A_25 = tpu.memref_slice %arg2[%add3A, %dma_wait3A_23, %dma_wait3A_24] : memref<32x159x64xi32, #tpu.memory_space<hbm>> -> memref<1x159x64xi32, #tpu.memory_space<hbm>>
      %dma_wait3A_26 = tpu.memref_squeeze %dma_wait3A_25 : memref<1x159x64xi32, #tpu.memory_space<hbm>> -> memref<159x64xi32, #tpu.memory_space<hbm>>
      tpu.wait_dma2 semaphore(%run_scoped3A : memref<!tpu.dma_semaphore, #tpu.memory_space<semaphore_mem>>) src(%dma_wait3A_26 : memref<159x64xi32, #tpu.memory_space<hbm>>) dst(%arg4 : memref<159x64xi32, #tpu.memory_space<vmem>>)
      tpu.yield
    }) : () -> ()
    %broadcast_in_dim3A = arith.constant 0.000000e+00 : f32
    %broadcast_in_dim3A_1 = vector.broadcast %broadcast_in_dim3A : f32 to vector<16xf32>
    %scan3A = arith.constant 0 : i32
    %scan3A_2 = arith.constant 640 : i32
    %scan3A_3 = arith.addi %scan3A, %scan3A_2 : i32
    %scan3A_4 = arith.constant 1 : i32
    scf.for %scan3A_13 = %scan3A to %scan3A_3 step %scan3A_4  : i32 {
      %mul3A_14 = arith.constant 16 : i32
      %mul3A_15 = arith.muli %scan3A_13, %mul3A_14 : i32
      %swap3A = arith.index_cast %mul3A_15 : i32 to index
      %swap3A_16 = tpu.vector_load %arg5[%swap3A] {strides = array<i32>} : memref<10240xf32, #tpu.memory_space<vmem>>, vector<16xf32>,
      tpu.vector_store %arg5[%swap3A], %broadcast_in_dim3A_1 {strides = array<i32>} : memref<10240xf32, #tpu.memory_space<vmem>>, vector<16xf32>,
    }
    %scan3A_5 = arith.constant 640 : i32
    %broadcast_in_dim3A_6 = arith.constant 1.000000e+00 : f32
    %broadcast_in_dim3A_7 = vector.broadcast %broadcast_in_dim3A_6 : f32 to vector<16xf32>
    %scan3A_8 = arith.constant 0 : i32
    %scan3A_9 = arith.constant 159 : i32
    %scan3A_10 = arith.addi %scan3A_8, %scan3A_9 : i32
    %scan3A_11 = arith.constant 1 : i32
    scf.for %scan3A_13 = %scan3A_8 to %scan3A_10 step %scan3A_11  : i32 {
      %get3A = arith.index_cast %scan3A_13 : i32 to index
      %get3A_14 = arith.constant 0 : index
      %get3A_15 = tpu.vector_load %arg4[%get3A, %get3A_14] {strides = array<i32>} : memref<159x64xi32, #tpu.memory_space<vmem>>, vector<16xi32>,
      %shift_right_logical3A = arith.constant 16 : i32
      %shift_right_logical3A_16 = vector.broadcast %shift_right_logical3A : i32 to vector<16xi32>
      %shift_right_logical3A_17 = arith.shrui %get3A_15, %shift_right_logical3A_16 : vector<16xi32>
      tpu.vector_store_idx %arg5[%shift_right_logical3A_17], %broadcast_in_dim3A_7 {add = true} : memref<10240xf32, #tpu.memory_space<vmem>>[vector<16xi32>], vector<16xf32>,
      %get3A_18 = arith.index_cast %scan3A_13 : i32 to index
      %get3A_19 = arith.constant 16 : index
      %get3A_20 = tpu.vector_load %arg4[%get3A_18, %get3A_19] {strides = array<i32>} : memref<159x64xi32, #tpu.memory_space<vmem>>, vector<16xi32>,
      %shift_right_logical3A_21 = arith.constant 16 : i32
      %shift_right_logical3A_22 = vector.broadcast %shift_right_logical3A_21 : i32 to vector<16xi32>
      %shift_right_logical3A_23 = arith.shrui %get3A_20, %shift_right_logical3A_22 : vector<16xi32>
      tpu.vector_store_idx %arg5[%shift_right_logical3A_23], %broadcast_in_dim3A_7 {add = true} : memref<10240xf32, #tpu.memory_space<vmem>>[vector<16xi32>], vector<16xf32>,
      %get3A_24 = arith.index_cast %scan3A_13 : i32 to index
      %get3A_25 = arith.constant 32 : index
      %get3A_26 = tpu.vector_load %arg4[%get3A_24, %get3A_25] {strides = array<i32>} : memref<159x64xi32, #tpu.memory_space<vmem>>, vector<16xi32>,
      %shift_right_logical3A_27 = arith.constant 16 : i32
      %shift_right_logical3A_28 = vector.broadcast %shift_right_logical3A_27 : i32 to vector<16xi32>
      %shift_right_logical3A_29 = arith.shrui %get3A_26, %shift_right_logical3A_28 : vector<16xi32>
      tpu.vector_store_idx %arg5[%shift_right_logical3A_29], %broadcast_in_dim3A_7 {add = true} : memref<10240xf32, #tpu.memory_space<vmem>>[vector<16xi32>], vector<16xf32>,
      %get3A_30 = arith.index_cast %scan3A_13 : i32 to index
      %get3A_31 = arith.constant 48 : index
      %get3A_32 = tpu.vector_load %arg4[%get3A_30, %get3A_31] {strides = array<i32>} : memref<159x64xi32, #tpu.memory_space<vmem>>, vector<16xi32>,
      %shift_right_logical3A_33 = arith.constant 16 : i32
      %shift_right_logical3A_34 = vector.broadcast %shift_right_logical3A_33 : i32 to vector<16xi32>
      %shift_right_logical3A_35 = arith.shrui %get3A_32, %shift_right_logical3A_34 : vector<16xi32>
      tpu.vector_store_idx %arg5[%shift_right_logical3A_35], %broadcast_in_dim3A_7 {add = true} : memref<10240xf32, #tpu.memory_space<vmem>>[vector<16xi32>], vector<16xf32>,
    }
    %scan3A_12 = arith.constant 159 : i32
    "tpu.region"() ({
      %run_scoped3A = tpu.sem_alloc : memref<!tpu.dma_semaphore, #tpu.memory_space<semaphore_mem>>
      %dma_start3A = arith.constant 0 : i32
      %dma_start3A_13 = tpu.memref_slice %arg3[%add3A, %dma_start3A] : memref<32x10240xf32, #tpu.memory_space<hbm>> -> memref<1x10240xf32, #tpu.memory_space<hbm>>
      %dma_start3A_14 = tpu.memref_squeeze %dma_start3A_13 : memref<1x10240xf32, #tpu.memory_space<hbm>> -> memref<10240xf32, #tpu.memory_space<hbm>>
      %dma_start3A_15 = arith.constant 0 : i32
      %dma_start3A_16 = tpu.memref_slice %arg3[%add3A, %dma_start3A_15] : memref<32x10240xf32, #tpu.memory_space<hbm>> -> memref<1x10240xf32, #tpu.memory_space<hbm>>
      %dma_start3A_17 = tpu.memref_squeeze %dma_start3A_16 : memref<1x10240xf32, #tpu.memory_space<hbm>> -> memref<10240xf32, #tpu.memory_space<hbm>>
      tpu.enqueue_dma source(%arg5 : memref<10240xf32, #tpu.memory_space<vmem>>) target(%dma_start3A_17 : memref<10240xf32, #tpu.memory_space<hbm>>) target_semaphore(%run_scoped3A : memref<!tpu.dma_semaphore, #tpu.memory_space<semaphore_mem>>)
      %dma_wait3A = arith.constant 0 : i32
      %dma_wait3A_18 = tpu.memref_slice %arg3[%add3A, %dma_wait3A] : memref<32x10240xf32, #tpu.memory_space<hbm>> -> memref<1x10240xf32, #tpu.memory_space<hbm>>
      %dma_wait3A_19 = tpu.memref_squeeze %dma_wait3A_18 : memref<1x10240xf32, #tpu.memory_space<hbm>> -> memref<10240xf32, #tpu.memory_space<hbm>>
      %dma_wait3A_20 = arith.constant 0 : i32
      %dma_wait3A_21 = tpu.memref_slice %arg3[%add3A, %dma_wait3A_20] : memref<32x10240xf32, #tpu.memory_space<hbm>> -> memref<1x10240xf32, #tpu.memory_space<hbm>>
      %dma_wait3A_22 = tpu.memref_squeeze %dma_wait3A_21 : memref<1x10240xf32, #tpu.memory_space<hbm>> -> memref<10240xf32, #tpu.memory_space<hbm>>
      tpu.wait_dma2 semaphore(%run_scoped3A : memref<!tpu.dma_semaphore, #tpu.memory_space<semaphore_mem>>) src(%arg5 : memref<10240xf32, #tpu.memory_space<vmem>>) dst(%dma_wait3A_22 : memref<10240xf32, #tpu.memory_space<hbm>>)
      tpu.yield
    }) : () -> ()
    return
  }
}

#map = affine_map<(d0, d1) -> (0, 0)>
#map1 = affine_map<(d0, d1) -> (0, 0, 0)>
module attributes {stable_mosaic.version = 14 : i64} {
  func.func @_spmm_body(%arg0: i32, %arg1: i32, %arg2: memref<10240x128xf32, #tpu.memory_space<hbm>>, %arg3: memref<32x159x64xi32, #tpu.memory_space<hbm>>, %arg4: memref<10240x128xf32, #tpu.memory_space<hbm>>, %arg5: memref<10240x128xf32, #tpu.memory_space<hbm>>, %arg6: memref<10240x128xf32, #tpu.memory_space<vmem_shared>>, %arg7: memref<159x64xi32, #tpu.memory_space<vmem>>, %arg8: memref<3x64xi32, #tpu.memory_space<vmem>>, %arg9: memref<3x64xi32, #tpu.memory_space<vmem>>, %arg10: memref<64x128xf32, #tpu.memory_space<vmem>>, %arg11: memref<64x128xf32, #tpu.memory_space<vmem>>, %arg12: memref<64x128xf32, #tpu.memory_space<vmem>>, %arg13: memref<!tpu.dma_semaphore, #tpu.memory_space<semaphore_mem>>, %arg14: memref<!tpu.dma_semaphore, #tpu.memory_space<semaphore_mem>>, %arg15: memref<!tpu.dma_semaphore, #tpu.memory_space<semaphore_mem>>, %arg16: memref<!tpu.dma_semaphore, #tpu.memory_space<semaphore_mem>>, %arg17: memref<!tpu.dma_semaphore, #tpu.memory_space<semaphore_mem>>, %arg18: memref<!tpu.dma_semaphore, #tpu.memory_space<semaphore_mem>>) attributes {dimension_semantics = [#tpu.dimension_semantics<core_parallel>, #tpu.dimension_semantics<subcore_parallel>], iteration_bounds = array<i64: 2, 16>, scalar_prefetch = 0 : i64, scratch_operands = 13 : i64, tpu.core_type = #tpu.core_type<sc_vector_subcore>, window_params = [{transform_indices = #map}, {transform_indices = #map1}, {transform_indices = #map}, {transform_indices = #map}]} {
    %mul3A = arith.constant 2 : i32
    %mul3A_0 = arith.muli %arg1, %mul3A : i32
    %add3A = arith.addi %mul3A_0, %arg0 : i32
    "tpu.region"() ({
      %run_scoped3A = tpu.sem_alloc : memref<!tpu.dma_semaphore, #tpu.memory_space<semaphore_mem>>
      %dma_start3A_220 = arith.constant 0 : i32
      %dma_start3A_221 = arith.constant 0 : i32
      %dma_start3A_222 = tpu.memref_slice %arg3[%add3A, %dma_start3A_220, %dma_start3A_221] : memref<32x159x64xi32, #tpu.memory_space<hbm>> -> memref<1x159x64xi32, #tpu.memory_space<hbm>>
      %dma_start3A_223 = tpu.memref_squeeze %dma_start3A_222 : memref<1x159x64xi32, #tpu.memory_space<hbm>> -> memref<159x64xi32, #tpu.memory_space<hbm>>
      %dma_start3A_224 = arith.constant 0 : i32
      %dma_start3A_225 = arith.constant 0 : i32
      %dma_start3A_226 = tpu.memref_slice %arg3[%add3A, %dma_start3A_224, %dma_start3A_225] : memref<32x159x64xi32, #tpu.memory_space<hbm>> -> memref<1x159x64xi32, #tpu.memory_space<hbm>>
      %dma_start3A_227 = tpu.memref_squeeze %dma_start3A_226 : memref<1x159x64xi32, #tpu.memory_space<hbm>> -> memref<159x64xi32, #tpu.memory_space<hbm>>
      tpu.enqueue_dma source(%dma_start3A_227 : memref<159x64xi32, #tpu.memory_space<hbm>>) target(%arg7 : memref<159x64xi32, #tpu.memory_space<vmem>>) target_semaphore(%run_scoped3A : memref<!tpu.dma_semaphore, #tpu.memory_space<semaphore_mem>>)
      %dma_wait3A_228 = arith.constant 0 : i32
      %dma_wait3A_229 = arith.constant 0 : i32
      %dma_wait3A_230 = tpu.memref_slice %arg3[%add3A, %dma_wait3A_228, %dma_wait3A_229] : memref<32x159x64xi32, #tpu.memory_space<hbm>> -> memref<1x159x64xi32, #tpu.memory_space<hbm>>
      %dma_wait3A_231 = tpu.memref_squeeze %dma_wait3A_230 : memref<1x159x64xi32, #tpu.memory_space<hbm>> -> memref<159x64xi32, #tpu.memory_space<hbm>>
      %dma_wait3A_232 = arith.constant 0 : i32
      %dma_wait3A_233 = arith.constant 0 : i32
      %dma_wait3A_234 = tpu.memref_slice %arg3[%add3A, %dma_wait3A_232, %dma_wait3A_233] : memref<32x159x64xi32, #tpu.memory_space<hbm>> -> memref<1x159x64xi32, #tpu.memory_space<hbm>>
      %dma_wait3A_235 = tpu.memref_squeeze %dma_wait3A_234 : memref<1x159x64xi32, #tpu.memory_space<hbm>> -> memref<159x64xi32, #tpu.memory_space<hbm>>
      tpu.wait_dma2 semaphore(%run_scoped3A : memref<!tpu.dma_semaphore, #tpu.memory_space<semaphore_mem>>) src(%dma_wait3A_235 : memref<159x64xi32, #tpu.memory_space<hbm>>) dst(%arg7 : memref<159x64xi32, #tpu.memory_space<vmem>>)
      tpu.yield
    }) : () -> ()
    %broadcast_in_dim3A = arith.constant 0.000000e+00 : f32
    %broadcast_in_dim3A_1 = vector.broadcast %broadcast_in_dim3A : f32 to vector<16xf32>
    %scan3A = arith.constant 0 : i32
    %scan3A_2 = arith.constant 64 : i32
    %scan3A_3 = arith.addi %scan3A, %scan3A_2 : i32
    %scan3A_4 = arith.constant 1 : i32
    scf.for %scan3A_220 = %scan3A to %scan3A_3 step %scan3A_4  : i32 {
      %swap3A_221 = arith.index_cast %scan3A_220 : i32 to index
      %swap3A_222 = arith.constant 0 : index
      %swap3A_223 = tpu.vector_load %arg10[%swap3A_221, %swap3A_222] {strides = array<i32>} : memref<64x128xf32, #tpu.memory_space<vmem>>, vector<16xf32>,
      tpu.vector_store %arg10[%swap3A_221, %swap3A_222], %broadcast_in_dim3A_1 {strides = array<i32>} : memref<64x128xf32, #tpu.memory_space<vmem>>, vector<16xf32>,
      %swap3A_224 = arith.index_cast %scan3A_220 : i32 to index
      %swap3A_225 = arith.constant 16 : index
      %swap3A_226 = tpu.vector_load %arg10[%swap3A_224, %swap3A_225] {strides = array<i32>} : memref<64x128xf32, #tpu.memory_space<vmem>>, vector<16xf32>,
      tpu.vector_store %arg10[%swap3A_224, %swap3A_225], %broadcast_in_dim3A_1 {strides = array<i32>} : memref<64x128xf32, #tpu.memory_space<vmem>>, vector<16xf32>,
      %swap3A_227 = arith.index_cast %scan3A_220 : i32 to index
      %swap3A_228 = arith.constant 32 : index
      %swap3A_229 = tpu.vector_load %arg10[%swap3A_227, %swap3A_228] {strides = array<i32>} : memref<64x128xf32, #tpu.memory_space<vmem>>, vector<16xf32>,
      tpu.vector_store %arg10[%swap3A_227, %swap3A_228], %broadcast_in_dim3A_1 {strides = array<i32>} : memref<64x128xf32, #tpu.memory_space<vmem>>, vector<16xf32>,
      %swap3A_230 = arith.index_cast %scan3A_220 : i32 to index
      %swap3A_231 = arith.constant 48 : index
      %swap3A_232 = tpu.vector_load %arg10[%swap3A_230, %swap3A_231] {strides = array<i32>} : memref<64x128xf32, #tpu.memory_space<vmem>>, vector<16xf32>,
      tpu.vector_store %arg10[%swap3A_230, %swap3A_231], %broadcast_in_dim3A_1 {strides = array<i32>} : memref<64x128xf32, #tpu.memory_space<vmem>>, vector<16xf32>,
      %swap3A_233 = arith.index_cast %scan3A_220 : i32 to index
      %swap3A_234 = arith.constant 64 : index
      %swap3A_235 = tpu.vector_load %arg10[%swap3A_233, %swap3A_234] {strides = array<i32>} : memref<64x128xf32, #tpu.memory_space<vmem>>, vector<16xf32>,
      tpu.vector_store %arg10[%swap3A_233, %swap3A_234], %broadcast_in_dim3A_1 {strides = array<i32>} : memref<64x128xf32, #tpu.memory_space<vmem>>, vector<16xf32>,
      %swap3A_236 = arith.index_cast %scan3A_220 : i32 to index
      %swap3A_237 = arith.constant 80 : index
      %swap3A_238 = tpu.vector_load %arg10[%swap3A_236, %swap3A_237] {strides = array<i32>} : memref<64x128xf32, #tpu.memory_space<vmem>>, vector<16xf32>,
      tpu.vector_store %arg10[%swap3A_236, %swap3A_237], %broadcast_in_dim3A_1 {strides = array<i32>} : memref<64x128xf32, #tpu.memory_space<vmem>>, vector<16xf32>,
      %swap3A_239 = arith.index_cast %scan3A_220 : i32 to index
      %swap3A_240 = arith.constant 96 : index
      %swap3A_241 = tpu.vector_load %arg10[%swap3A_239, %swap3A_240] {strides = array<i32>} : memref<64x128xf32, #tpu.memory_space<vmem>>, vector<16xf32>,
      tpu.vector_store %arg10[%swap3A_239, %swap3A_240], %broadcast_in_dim3A_1 {strides = array<i32>} : memref<64x128xf32, #tpu.memory_space<vmem>>, vector<16xf32>,
      %swap3A_242 = arith.index_cast %scan3A_220 : i32 to index
      %swap3A_243 = arith.constant 112 : index
      %swap3A_244 = tpu.vector_load %arg10[%swap3A_242, %swap3A_243] {strides = array<i32>} : memref<64x128xf32, #tpu.memory_space<vmem>>, vector<16xf32>,
      tpu.vector_store %arg10[%swap3A_242, %swap3A_243], %broadcast_in_dim3A_1 {strides = array<i32>} : memref<64x128xf32, #tpu.memory_space<vmem>>, vector<16xf32>,
    }
    %scan3A_5 = arith.constant 64 : i32
    %mul3A_6 = arith.constant 640 : i32
    %mul3A_7 = arith.muli %arg1, %mul3A_6 : i32
    %add3A_8 = arith.constant 0 : i32
    %add3A_9 = arith.addi %mul3A_7, %add3A_8 : i32
    "tpu.region"() ({
      %run_scoped3A = tpu.sem_alloc : memref<!tpu.dma_semaphore, #tpu.memory_space<semaphore_mem>>
      %dma_start3A_220 = arith.constant 0 : i32
      %dma_start3A_221 = tpu.memref_slice %arg6[%add3A_9, %dma_start3A_220] : memref<10240x128xf32, #tpu.memory_space<vmem_shared>> -> memref<64x128xf32, #tpu.memory_space<vmem_shared>>
      %dma_start3A_222 = arith.constant 0 : i32
      %dma_start3A_223 = tpu.memref_slice %arg6[%add3A_9, %dma_start3A_222] : memref<10240x128xf32, #tpu.memory_space<vmem_shared>> -> memref<64x128xf32, #tpu.memory_space<vmem_shared>>
      tpu.enqueue_dma source(%arg10 : memref<64x128xf32, #tpu.memory_space<vmem>>) target(%dma_start3A_223 : memref<64x128xf32, #tpu.memory_space<vmem_shared>>) target_semaphore(%run_scoped3A : memref<!tpu.dma_semaphore, #tpu.memory_space<semaphore_mem>>)
      %dma_wait3A_224 = arith.constant 0 : i32
      %dma_wait3A_225 = tpu.memref_slice %arg6[%add3A_9, %dma_wait3A_224] : memref<10240x128xf32, #tpu.memory_space<vmem_shared>> -> memref<64x128xf32, #tpu.memory_space<vmem_shared>>
      %dma_wait3A_226 = arith.constant 0 : i32
      %dma_wait3A_227 = tpu.memref_slice %arg6[%add3A_9, %dma_wait3A_226] : memref<10240x128xf32, #tpu.memory_space<vmem_shared>> -> memref<64x128xf32, #tpu.memory_space<vmem_shared>>
      tpu.wait_dma2 semaphore(%run_scoped3A : memref<!tpu.dma_semaphore, #tpu.memory_space<semaphore_mem>>) src(%arg10 : memref<64x128xf32, #tpu.memory_space<vmem>>) dst(%dma_wait3A_227 : memref<64x128xf32, #tpu.memory_space<vmem_shared>>)
      tpu.yield
    }) : () -> ()
    %mul3A_10 = arith.constant 640 : i32
    %mul3A_11 = arith.muli %arg1, %mul3A_10 : i32
    %add3A_12 = arith.constant 64 : i32
    %add3A_13 = arith.addi %mul3A_11, %add3A_12 : i32
    "tpu.region"() ({
      %run_scoped3A = tpu.sem_alloc : memref<!tpu.dma_semaphore, #tpu.memory_space<semaphore_mem>>
      %dma_start3A_220 = arith.constant 0 : i32
      %dma_start3A_221 = tpu.memref_slice %arg6[%add3A_13, %dma_start3A_220] : memref<10240x128xf32, #tpu.memory_space<vmem_shared>> -> memref<64x128xf32, #tpu.memory_space<vmem_shared>>
      %dma_start3A_222 = arith.constant 0 : i32
      %dma_start3A_223 = tpu.memref_slice %arg6[%add3A_13, %dma_start3A_222] : memref<10240x128xf32, #tpu.memory_space<vmem_shared>> -> memref<64x128xf32, #tpu.memory_space<vmem_shared>>
      tpu.enqueue_dma source(%arg10 : memref<64x128xf32, #tpu.memory_space<vmem>>) target(%dma_start3A_223 : memref<64x128xf32, #tpu.memory_space<vmem_shared>>) target_semaphore(%run_scoped3A : memref<!tpu.dma_semaphore, #tpu.memory_space<semaphore_mem>>)
      %dma_wait3A_224 = arith.constant 0 : i32
      %dma_wait3A_225 = tpu.memref_slice %arg6[%add3A_13, %dma_wait3A_224] : memref<10240x128xf32, #tpu.memory_space<vmem_shared>> -> memref<64x128xf32, #tpu.memory_space<vmem_shared>>
      %dma_wait3A_226 = arith.constant 0 : i32
      %dma_wait3A_227 = tpu.memref_slice %arg6[%add3A_13, %dma_wait3A_226] : memref<10240x128xf32, #tpu.memory_space<vmem_shared>> -> memref<64x128xf32, #tpu.memory_space<vmem_shared>>
      tpu.wait_dma2 semaphore(%run_scoped3A : memref<!tpu.dma_semaphore, #tpu.memory_space<semaphore_mem>>) src(%arg10 : memref<64x128xf32, #tpu.memory_space<vmem>>) dst(%dma_wait3A_227 : memref<64x128xf32, #tpu.memory_space<vmem_shared>>)
      tpu.yield
    }) : () -> ()
    %mul3A_14 = arith.constant 640 : i32
    %mul3A_15 = arith.muli %arg1, %mul3A_14 : i32
    %add3A_16 = arith.constant 128 : i32
    %add3A_17 = arith.addi %mul3A_15, %add3A_16 : i32
    "tpu.region"() ({
      %run_scoped3A = tpu.sem_alloc : memref<!tpu.dma_semaphore, #tpu.memory_space<semaphore_mem>>
      %dma_start3A_220 = arith.constant 0 : i32
      %dma_start3A_221 = tpu.memref_slice %arg6[%add3A_17, %dma_start3A_220] : memref<10240x128xf32, #tpu.memory_space<vmem_shared>> -> memref<64x128xf32, #tpu.memory_space<vmem_shared>>
      %dma_start3A_222 = arith.constant 0 : i32
      %dma_start3A_223 = tpu.memref_slice %arg6[%add3A_17, %dma_start3A_222] : memref<10240x128xf32, #tpu.memory_space<vmem_shared>> -> memref<64x128xf32, #tpu.memory_space<vmem_shared>>
      tpu.enqueue_dma source(%arg10 : memref<64x128xf32, #tpu.memory_space<vmem>>) target(%dma_start3A_223 : memref<64x128xf32, #tpu.memory_space<vmem_shared>>) target_semaphore(%run_scoped3A : memref<!tpu.dma_semaphore, #tpu.memory_space<semaphore_mem>>)
      %dma_wait3A_224 = arith.constant 0 : i32
      %dma_wait3A_225 = tpu.memref_slice %arg6[%add3A_17, %dma_wait3A_224] : memref<10240x128xf32, #tpu.memory_space<vmem_shared>> -> memref<64x128xf32, #tpu.memory_space<vmem_shared>>
      %dma_wait3A_226 = arith.constant 0 : i32
      %dma_wait3A_227 = tpu.memref_slice %arg6[%add3A_17, %dma_wait3A_226] : memref<10240x128xf32, #tpu.memory_space<vmem_shared>> -> memref<64x128xf32, #tpu.memory_space<vmem_shared>>
      tpu.wait_dma2 semaphore(%run_scoped3A : memref<!tpu.dma_semaphore, #tpu.memory_space<semaphore_mem>>) src(%arg10 : memref<64x128xf32, #tpu.memory_space<vmem>>) dst(%dma_wait3A_227 : memref<64x128xf32, #tpu.memory_space<vmem_shared>>)
      tpu.yield
    }) : () -> ()
    %mul3A_18 = arith.constant 640 : i32
    %mul3A_19 = arith.muli %arg1, %mul3A_18 : i32
    %add3A_20 = arith.constant 192 : i32
    %add3A_21 = arith.addi %mul3A_19, %add3A_20 : i32
    "tpu.region"() ({
      %run_scoped3A = tpu.sem_alloc : memref<!tpu.dma_semaphore, #tpu.memory_space<semaphore_mem>>
      %dma_start3A_220 = arith.constant 0 : i32
      %dma_start3A_221 = tpu.memref_slice %arg6[%add3A_21, %dma_start3A_220] : memref<10240x128xf32, #tpu.memory_space<vmem_shared>> -> memref<64x128xf32, #tpu.memory_space<vmem_shared>>
      %dma_start3A_222 = arith.constant 0 : i32
      %dma_start3A_223 = tpu.memref_slice %arg6[%add3A_21, %dma_start3A_222] : memref<10240x128xf32, #tpu.memory_space<vmem_shared>> -> memref<64x128xf32, #tpu.memory_space<vmem_shared>>
      tpu.enqueue_dma source(%arg10 : memref<64x128xf32, #tpu.memory_space<vmem>>) target(%dma_start3A_223 : memref<64x128xf32, #tpu.memory_space<vmem_shared>>) target_semaphore(%run_scoped3A : memref<!tpu.dma_semaphore, #tpu.memory_space<semaphore_mem>>)
      %dma_wait3A_224 = arith.constant 0 : i32
      %dma_wait3A_225 = tpu.memref_slice %arg6[%add3A_21, %dma_wait3A_224] : memref<10240x128xf32, #tpu.memory_space<vmem_shared>> -> memref<64x128xf32, #tpu.memory_space<vmem_shared>>
      %dma_wait3A_226 = arith.constant 0 : i32
      %dma_wait3A_227 = tpu.memref_slice %arg6[%add3A_21, %dma_wait3A_226] : memref<10240x128xf32, #tpu.memory_space<vmem_shared>> -> memref<64x128xf32, #tpu.memory_space<vmem_shared>>
      tpu.wait_dma2 semaphore(%run_scoped3A : memref<!tpu.dma_semaphore, #tpu.memory_space<semaphore_mem>>) src(%arg10 : memref<64x128xf32, #tpu.memory_space<vmem>>) dst(%dma_wait3A_227 : memref<64x128xf32, #tpu.memory_space<vmem_shared>>)
      tpu.yield
    }) : () -> ()
    %mul3A_22 = arith.constant 640 : i32
    %mul3A_23 = arith.muli %arg1, %mul3A_22 : i32
    %add3A_24 = arith.constant 256 : i32
    %add3A_25 = arith.addi %mul3A_23, %add3A_24 : i32
    "tpu.region"() ({
      %run_scoped3A = tpu.sem_alloc : memref<!tpu.dma_semaphore, #tpu.memory_space<semaphore_mem>>
      %dma_start3A_220 = arith.constant 0 : i32
      %dma_start3A_221 = tpu.memref_slice %arg6[%add3A_25, %dma_start3A_220] : memref<10240x128xf32, #tpu.memory_space<vmem_shared>> -> memref<64x128xf32, #tpu.memory_space<vmem_shared>>
      %dma_start3A_222 = arith.constant 0 : i32
      %dma_start3A_223 = tpu.memref_slice %arg6[%add3A_25, %dma_start3A_222] : memref<10240x128xf32, #tpu.memory_space<vmem_shared>> -> memref<64x128xf32, #tpu.memory_space<vmem_shared>>
      tpu.enqueue_dma source(%arg10 : memref<64x128xf32, #tpu.memory_space<vmem>>) target(%dma_start3A_223 : memref<64x128xf32, #tpu.memory_space<vmem_shared>>) target_semaphore(%run_scoped3A : memref<!tpu.dma_semaphore, #tpu.memory_space<semaphore_mem>>)
      %dma_wait3A_224 = arith.constant 0 : i32
      %dma_wait3A_225 = tpu.memref_slice %arg6[%add3A_25, %dma_wait3A_224] : memref<10240x128xf32, #tpu.memory_space<vmem_shared>> -> memref<64x128xf32, #tpu.memory_space<vmem_shared>>
      %dma_wait3A_226 = arith.constant 0 : i32
      %dma_wait3A_227 = tpu.memref_slice %arg6[%add3A_25, %dma_wait3A_226] : memref<10240x128xf32, #tpu.memory_space<vmem_shared>> -> memref<64x128xf32, #tpu.memory_space<vmem_shared>>
      tpu.wait_dma2 semaphore(%run_scoped3A : memref<!tpu.dma_semaphore, #tpu.memory_space<semaphore_mem>>) src(%arg10 : memref<64x128xf32, #tpu.memory_space<vmem>>) dst(%dma_wait3A_227 : memref<64x128xf32, #tpu.memory_space<vmem_shared>>)
      tpu.yield
    }) : () -> ()
    %mul3A_26 = arith.constant 640 : i32
    %mul3A_27 = arith.muli %arg1, %mul3A_26 : i32
    %add3A_28 = arith.constant 320 : i32
    %add3A_29 = arith.addi %mul3A_27, %add3A_28 : i32
    "tpu.region"() ({
      %run_scoped3A = tpu.sem_alloc : memref<!tpu.dma_semaphore, #tpu.memory_space<semaphore_mem>>
      %dma_start3A_220 = arith.constant 0 : i32
      %dma_start3A_221 = tpu.memref_slice %arg6[%add3A_29, %dma_start3A_220] : memref<10240x128xf32, #tpu.memory_space<vmem_shared>> -> memref<64x128xf32, #tpu.memory_space<vmem_shared>>
      %dma_start3A_222 = arith.constant 0 : i32
      %dma_start3A_223 = tpu.memref_slice %arg6[%add3A_29, %dma_start3A_222] : memref<10240x128xf32, #tpu.memory_space<vmem_shared>> -> memref<64x128xf32, #tpu.memory_space<vmem_shared>>
      tpu.enqueue_dma source(%arg10 : memref<64x128xf32, #tpu.memory_space<vmem>>) target(%dma_start3A_223 : memref<64x128xf32, #tpu.memory_space<vmem_shared>>) target_semaphore(%run_scoped3A : memref<!tpu.dma_semaphore, #tpu.memory_space<semaphore_mem>>)
      %dma_wait3A_224 = arith.constant 0 : i32
      %dma_wait3A_225 = tpu.memref_slice %arg6[%add3A_29, %dma_wait3A_224] : memref<10240x128xf32, #tpu.memory_space<vmem_shared>> -> memref<64x128xf32, #tpu.memory_space<vmem_shared>>
      %dma_wait3A_226 = arith.constant 0 : i32
      %dma_wait3A_227 = tpu.memref_slice %arg6[%add3A_29, %dma_wait3A_226] : memref<10240x128xf32, #tpu.memory_space<vmem_shared>> -> memref<64x128xf32, #tpu.memory_space<vmem_shared>>
      tpu.wait_dma2 semaphore(%run_scoped3A : memref<!tpu.dma_semaphore, #tpu.memory_space<semaphore_mem>>) src(%arg10 : memref<64x128xf32, #tpu.memory_space<vmem>>) dst(%dma_wait3A_227 : memref<64x128xf32, #tpu.memory_space<vmem_shared>>)
      tpu.yield
    }) : () -> ()
    %mul3A_30 = arith.constant 640 : i32
    %mul3A_31 = arith.muli %arg1, %mul3A_30 : i32
    %add3A_32 = arith.constant 384 : i32
    %add3A_33 = arith.addi %mul3A_31, %add3A_32 : i32
    "tpu.region"() ({
      %run_scoped3A = tpu.sem_alloc : memref<!tpu.dma_semaphore, #tpu.memory_space<semaphore_mem>>
      %dma_start3A_220 = arith.constant 0 : i32
      %dma_start3A_221 = tpu.memref_slice %arg6[%add3A_33, %dma_start3A_220] : memref<10240x128xf32, #tpu.memory_space<vmem_shared>> -> memref<64x128xf32, #tpu.memory_space<vmem_shared>>
      %dma_start3A_222 = arith.constant 0 : i32
      %dma_start3A_223 = tpu.memref_slice %arg6[%add3A_33, %dma_start3A_222] : memref<10240x128xf32, #tpu.memory_space<vmem_shared>> -> memref<64x128xf32, #tpu.memory_space<vmem_shared>>
      tpu.enqueue_dma source(%arg10 : memref<64x128xf32, #tpu.memory_space<vmem>>) target(%dma_start3A_223 : memref<64x128xf32, #tpu.memory_space<vmem_shared>>) target_semaphore(%run_scoped3A : memref<!tpu.dma_semaphore, #tpu.memory_space<semaphore_mem>>)
      %dma_wait3A_224 = arith.constant 0 : i32
      %dma_wait3A_225 = tpu.memref_slice %arg6[%add3A_33, %dma_wait3A_224] : memref<10240x128xf32, #tpu.memory_space<vmem_shared>> -> memref<64x128xf32, #tpu.memory_space<vmem_shared>>
      %dma_wait3A_226 = arith.constant 0 : i32
      %dma_wait3A_227 = tpu.memref_slice %arg6[%add3A_33, %dma_wait3A_226] : memref<10240x128xf32, #tpu.memory_space<vmem_shared>> -> memref<64x128xf32, #tpu.memory_space<vmem_shared>>
      tpu.wait_dma2 semaphore(%run_scoped3A : memref<!tpu.dma_semaphore, #tpu.memory_space<semaphore_mem>>) src(%arg10 : memref<64x128xf32, #tpu.memory_space<vmem>>) dst(%dma_wait3A_227 : memref<64x128xf32, #tpu.memory_space<vmem_shared>>)
      tpu.yield
    }) : () -> ()
    %mul3A_34 = arith.constant 640 : i32
    %mul3A_35 = arith.muli %arg1, %mul3A_34 : i32
    %add3A_36 = arith.constant 448 : i32
    %add3A_37 = arith.addi %mul3A_35, %add3A_36 : i32
    "tpu.region"() ({
      %run_scoped3A = tpu.sem_alloc : memref<!tpu.dma_semaphore, #tpu.memory_space<semaphore_mem>>
      %dma_start3A_220 = arith.constant 0 : i32
      %dma_start3A_221 = tpu.memref_slice %arg6[%add3A_37, %dma_start3A_220] : memref<10240x128xf32, #tpu.memory_space<vmem_shared>> -> memref<64x128xf32, #tpu.memory_space<vmem_shared>>
      %dma_start3A_222 = arith.constant 0 : i32
      %dma_start3A_223 = tpu.memref_slice %arg6[%add3A_37, %dma_start3A_222] : memref<10240x128xf32, #tpu.memory_space<vmem_shared>> -> memref<64x128xf32, #tpu.memory_space<vmem_shared>>
      tpu.enqueue_dma source(%arg10 : memref<64x128xf32, #tpu.memory_space<vmem>>) target(%dma_start3A_223 : memref<64x128xf32, #tpu.memory_space<vmem_shared>>) target_semaphore(%run_scoped3A : memref<!tpu.dma_semaphore, #tpu.memory_space<semaphore_mem>>)
      %dma_wait3A_224 = arith.constant 0 : i32
      %dma_wait3A_225 = tpu.memref_slice %arg6[%add3A_37, %dma_wait3A_224] : memref<10240x128xf32, #tpu.memory_space<vmem_shared>> -> memref<64x128xf32, #tpu.memory_space<vmem_shared>>
      %dma_wait3A_226 = arith.constant 0 : i32
      %dma_wait3A_227 = tpu.memref_slice %arg6[%add3A_37, %dma_wait3A_226] : memref<10240x128xf32, #tpu.memory_space<vmem_shared>> -> memref<64x128xf32, #tpu.memory_space<vmem_shared>>
      tpu.wait_dma2 semaphore(%run_scoped3A : memref<!tpu.dma_semaphore, #tpu.memory_space<semaphore_mem>>) src(%arg10 : memref<64x128xf32, #tpu.memory_space<vmem>>) dst(%dma_wait3A_227 : memref<64x128xf32, #tpu.memory_space<vmem_shared>>)
      tpu.yield
    }) : () -> ()
    %mul3A_38 = arith.constant 640 : i32
    %mul3A_39 = arith.muli %arg1, %mul3A_38 : i32
    %add3A_40 = arith.constant 512 : i32
    %add3A_41 = arith.addi %mul3A_39, %add3A_40 : i32
    "tpu.region"() ({
      %run_scoped3A = tpu.sem_alloc : memref<!tpu.dma_semaphore, #tpu.memory_space<semaphore_mem>>
      %dma_start3A_220 = arith.constant 0 : i32
      %dma_start3A_221 = tpu.memref_slice %arg6[%add3A_41, %dma_start3A_220] : memref<10240x128xf32, #tpu.memory_space<vmem_shared>> -> memref<64x128xf32, #tpu.memory_space<vmem_shared>>
      %dma_start3A_222 = arith.constant 0 : i32
      %dma_start3A_223 = tpu.memref_slice %arg6[%add3A_41, %dma_start3A_222] : memref<10240x128xf32, #tpu.memory_space<vmem_shared>> -> memref<64x128xf32, #tpu.memory_space<vmem_shared>>
      tpu.enqueue_dma source(%arg10 : memref<64x128xf32, #tpu.memory_space<vmem>>) target(%dma_start3A_223 : memref<64x128xf32, #tpu.memory_space<vmem_shared>>) target_semaphore(%run_scoped3A : memref<!tpu.dma_semaphore, #tpu.memory_space<semaphore_mem>>)
      %dma_wait3A_224 = arith.constant 0 : i32
      %dma_wait3A_225 = tpu.memref_slice %arg6[%add3A_41, %dma_wait3A_224] : memref<10240x128xf32, #tpu.memory_space<vmem_shared>> -> memref<64x128xf32, #tpu.memory_space<vmem_shared>>
      %dma_wait3A_226 = arith.constant 0 : i32
      %dma_wait3A_227 = tpu.memref_slice %arg6[%add3A_41, %dma_wait3A_226] : memref<10240x128xf32, #tpu.memory_space<vmem_shared>> -> memref<64x128xf32, #tpu.memory_space<vmem_shared>>
      tpu.wait_dma2 semaphore(%run_scoped3A : memref<!tpu.dma_semaphore, #tpu.memory_space<semaphore_mem>>) src(%arg10 : memref<64x128xf32, #tpu.memory_space<vmem>>) dst(%dma_wait3A_227 : memref<64x128xf32, #tpu.memory_space<vmem_shared>>)
      tpu.yield
    }) : () -> ()
    %mul3A_42 = arith.constant 640 : i32
    %mul3A_43 = arith.muli %arg1, %mul3A_42 : i32
    %add3A_44 = arith.constant 576 : i32
    %add3A_45 = arith.addi %mul3A_43, %add3A_44 : i32
    "tpu.region"() ({
      %run_scoped3A = tpu.sem_alloc : memref<!tpu.dma_semaphore, #tpu.memory_space<semaphore_mem>>
      %dma_start3A_220 = arith.constant 0 : i32
      %dma_start3A_221 = tpu.memref_slice %arg6[%add3A_45, %dma_start3A_220] : memref<10240x128xf32, #tpu.memory_space<vmem_shared>> -> memref<64x128xf32, #tpu.memory_space<vmem_shared>>
      %dma_start3A_222 = arith.constant 0 : i32
      %dma_start3A_223 = tpu.memref_slice %arg6[%add3A_45, %dma_start3A_222] : memref<10240x128xf32, #tpu.memory_space<vmem_shared>> -> memref<64x128xf32, #tpu.memory_space<vmem_shared>>
      tpu.enqueue_dma source(%arg10 : memref<64x128xf32, #tpu.memory_space<vmem>>) target(%dma_start3A_223 : memref<64x128xf32, #tpu.memory_space<vmem_shared>>) target_semaphore(%run_scoped3A : memref<!tpu.dma_semaphore, #tpu.memory_space<semaphore_mem>>)
      %dma_wait3A_224 = arith.constant 0 : i32
      %dma_wait3A_225 = tpu.memref_slice %arg6[%add3A_45, %dma_wait3A_224] : memref<10240x128xf32, #tpu.memory_space<vmem_shared>> -> memref<64x128xf32, #tpu.memory_space<vmem_shared>>
      %dma_wait3A_226 = arith.constant 0 : i32
      %dma_wait3A_227 = tpu.memref_slice %arg6[%add3A_45, %dma_wait3A_226] : memref<10240x128xf32, #tpu.memory_space<vmem_shared>> -> memref<64x128xf32, #tpu.memory_space<vmem_shared>>
      tpu.wait_dma2 semaphore(%run_scoped3A : memref<!tpu.dma_semaphore, #tpu.memory_space<semaphore_mem>>) src(%arg10 : memref<64x128xf32, #tpu.memory_space<vmem>>) dst(%dma_wait3A_227 : memref<64x128xf32, #tpu.memory_space<vmem_shared>>)
      tpu.yield
    }) : () -> ()
    %get3A = arith.constant 0 : i32
    %get3A_46 = arith.index_cast %get3A : i32 to index
    %get3A_47 = arith.constant 0 : index
    %get3A_48 = tpu.vector_load %arg7[%get3A_46, %get3A_47] {strides = array<i32>} : memref<159x64xi32, #tpu.memory_space<vmem>>, vector<16xi32>,
    %and3A = arith.constant 65535 : i32
    %and3A_49 = vector.broadcast %and3A : i32 to vector<16xi32>
    %and3A_50 = arith.andi %get3A_48, %and3A_49 : vector<16xi32>
    %swap3A = arith.constant 0 : i32
    %swap3A_51 = arith.index_cast %swap3A : i32 to index
    %swap3A_52 = arith.constant 0 : index
    %swap3A_53 = tpu.vector_load %arg8[%swap3A_51, %swap3A_52] {strides = array<i32>} : memref<3x64xi32, #tpu.memory_space<vmem>>, vector<16xi32>,
    tpu.vector_store %arg8[%swap3A_51, %swap3A_52], %and3A_50 {strides = array<i32>} : memref<3x64xi32, #tpu.memory_space<vmem>>, vector<16xi32>,
    %shift_right_logical3A = arith.constant 16 : i32
    %shift_right_logical3A_54 = vector.broadcast %shift_right_logical3A : i32 to vector<16xi32>
    %shift_right_logical3A_55 = arith.shrui %get3A_48, %shift_right_logical3A_54 : vector<16xi32>
    %swap3A_56 = arith.constant 0 : i32
    %swap3A_57 = arith.index_cast %swap3A_56 : i32 to index
    %swap3A_58 = arith.constant 0 : index
    %swap3A_59 = tpu.vector_load %arg9[%swap3A_57, %swap3A_58] {strides = array<i32>} : memref<3x64xi32, #tpu.memory_space<vmem>>, vector<16xi32>,
    tpu.vector_store %arg9[%swap3A_57, %swap3A_58], %shift_right_logical3A_55 {strides = array<i32>} : memref<3x64xi32, #tpu.memory_space<vmem>>, vector<16xi32>,
    %get3A_60 = arith.constant 0 : i32
    %get3A_61 = arith.index_cast %get3A_60 : i32 to index
    %get3A_62 = arith.constant 16 : index
    %get3A_63 = tpu.vector_load %arg7[%get3A_61, %get3A_62] {strides = array<i32>} : memref<159x64xi32, #tpu.memory_space<vmem>>, vector<16xi32>,
    %and3A_64 = arith.constant 65535 : i32
    %and3A_65 = vector.broadcast %and3A_64 : i32 to vector<16xi32>
    %and3A_66 = arith.andi %get3A_63, %and3A_65 : vector<16xi32>
    %swap3A_67 = arith.constant 0 : i32
    %swap3A_68 = arith.index_cast %swap3A_67 : i32 to index
    %swap3A_69 = arith.constant 16 : index
    %swap3A_70 = tpu.vector_load %arg8[%swap3A_68, %swap3A_69] {strides = array<i32>} : memref<3x64xi32, #tpu.memory_space<vmem>>, vector<16xi32>,
    tpu.vector_store %arg8[%swap3A_68, %swap3A_69], %and3A_66 {strides = array<i32>} : memref<3x64xi32, #tpu.memory_space<vmem>>, vector<16xi32>,
    %shift_right_logical3A_71 = arith.constant 16 : i32
    %shift_right_logical3A_72 = vector.broadcast %shift_right_logical3A_71 : i32 to vector<16xi32>
    %shift_right_logical3A_73 = arith.shrui %get3A_63, %shift_right_logical3A_72 : vector<16xi32>
    %swap3A_74 = arith.constant 0 : i32
    %swap3A_75 = arith.index_cast %swap3A_74 : i32 to index
    %swap3A_76 = arith.constant 16 : index
    %swap3A_77 = tpu.vector_load %arg9[%swap3A_75, %swap3A_76] {strides = array<i32>} : memref<3x64xi32, #tpu.memory_space<vmem>>, vector<16xi32>,
    tpu.vector_store %arg9[%swap3A_75, %swap3A_76], %shift_right_logical3A_73 {strides = array<i32>} : memref<3x64xi32, #tpu.memory_space<vmem>>, vector<16xi32>,
    %get3A_78 = arith.constant 0 : i32
    %get3A_79 = arith.index_cast %get3A_78 : i32 to index
    %get3A_80 = arith.constant 32 : index
    %get3A_81 = tpu.vector_load %arg7[%get3A_79, %get3A_80] {strides = array<i32>} : memref<159x64xi32, #tpu.memory_space<vmem>>, vector<16xi32>,
    %and3A_82 = arith.constant 65535 : i32
    %and3A_83 = vector.broadcast %and3A_82 : i32 to vector<16xi32>
    %and3A_84 = arith.andi %get3A_81, %and3A_83 : vector<16xi32>
    %swap3A_85 = arith.constant 0 : i32
    %swap3A_86 = arith.index_cast %swap3A_85 : i32 to index
    %swap3A_87 = arith.constant 32 : index
    %swap3A_88 = tpu.vector_load %arg8[%swap3A_86, %swap3A_87] {strides = array<i32>} : memref<3x64xi32, #tpu.memory_space<vmem>>, vector<16xi32>,
    tpu.vector_store %arg8[%swap3A_86, %swap3A_87], %and3A_84 {strides = array<i32>} : memref<3x64xi32, #tpu.memory_space<vmem>>, vector<16xi32>,
    %shift_right_logical3A_89 = arith.constant 16 : i32
    %shift_right_logical3A_90 = vector.broadcast %shift_right_logical3A_89 : i32 to vector<16xi32>
    %shift_right_logical3A_91 = arith.shrui %get3A_81, %shift_right_logical3A_90 : vector<16xi32>
    %swap3A_92 = arith.constant 0 : i32
    %swap3A_93 = arith.index_cast %swap3A_92 : i32 to index
    %swap3A_94 = arith.constant 32 : index
    %swap3A_95 = tpu.vector_load %arg9[%swap3A_93, %swap3A_94] {strides = array<i32>} : memref<3x64xi32, #tpu.memory_space<vmem>>, vector<16xi32>,
    tpu.vector_store %arg9[%swap3A_93, %swap3A_94], %shift_right_logical3A_91 {strides = array<i32>} : memref<3x64xi32, #tpu.memory_space<vmem>>, vector<16xi32>,
    %get3A_96 = arith.constant 0 : i32
    %get3A_97 = arith.index_cast %get3A_96 : i32 to index
    %get3A_98 = arith.constant 48 : index
    %get3A_99 = tpu.vector_load %arg7[%get3A_97, %get3A_98] {strides = array<i32>} : memref<159x64xi32, #tpu.memory_space<vmem>>, vector<16xi32>,
    %and3A_100 = arith.constant 65535 : i32
    %and3A_101 = vector.broadcast %and3A_100 : i32 to vector<16xi32>
    %and3A_102 = arith.andi %get3A_99, %and3A_101 : vector<16xi32>
    %swap3A_103 = arith.constant 0 : i32
    %swap3A_104 = arith.index_cast %swap3A_103 : i32 to index
    %swap3A_105 = arith.constant 48 : index
    %swap3A_106 = tpu.vector_load %arg8[%swap3A_104, %swap3A_105] {strides = array<i32>} : memref<3x64xi32, #tpu.memory_space<vmem>>, vector<16xi32>,
    tpu.vector_store %arg8[%swap3A_104, %swap3A_105], %and3A_102 {strides = array<i32>} : memref<3x64xi32, #tpu.memory_space<vmem>>, vector<16xi32>,
    %shift_right_logical3A_107 = arith.constant 16 : i32
    %shift_right_logical3A_108 = vector.broadcast %shift_right_logical3A_107 : i32 to vector<16xi32>
    %shift_right_logical3A_109 = arith.shrui %get3A_99, %shift_right_logical3A_108 : vector<16xi32>
    %swap3A_110 = arith.constant 0 : i32
    %swap3A_111 = arith.index_cast %swap3A_110 : i32 to index
    %swap3A_112 = arith.constant 48 : index
    %swap3A_113 = tpu.vector_load %arg9[%swap3A_111, %swap3A_112] {strides = array<i32>} : memref<3x64xi32, #tpu.memory_space<vmem>>, vector<16xi32>,
    tpu.vector_store %arg9[%swap3A_111, %swap3A_112], %shift_right_logical3A_109 {strides = array<i32>} : memref<3x64xi32, #tpu.memory_space<vmem>>, vector<16xi32>,
    %dma_start3A = arith.constant 0 : i32
    %dma_start3A_114 = arith.constant 0 : i32
    %dma_start3A_115 = tpu.memref_slice %arg8[%dma_start3A, %dma_start3A_114] : memref<3x64xi32, #tpu.memory_space<vmem>> -> memref<1x64xi32, #tpu.memory_space<vmem>>
    %dma_start3A_116 = tpu.memref_squeeze %dma_start3A_115 : memref<1x64xi32, #tpu.memory_space<vmem>> -> memref<64xi32, #tpu.memory_space<vmem>>
    %dma_start3A_117 = arith.constant 0 : i32
    %dma_start3A_118 = arith.constant 0 : i32
    %dma_start3A_119 = tpu.memref_slice %arg2[%dma_start3A_117, %dma_start3A_118] : memref<10240x128xf32, #tpu.memory_space<hbm>> -> memref<10240x128xf32, #tpu.memory_space<hbm>>
    tpu.enqueue_indirect_dma source(%dma_start3A_119 : memref<10240x128xf32, #tpu.memory_space<hbm>>) target(%arg10 : memref<64x128xf32, #tpu.memory_space<vmem>>) offsets(%dma_start3A_116 : memref<64xi32, #tpu.memory_space<vmem>>) semaphore(%arg13 : memref<!tpu.dma_semaphore, #tpu.memory_space<semaphore_mem>>)
    %get3A_120 = arith.constant 1 : i32
    %get3A_121 = arith.index_cast %get3A_120 : i32 to index
    %get3A_122 = arith.constant 0 : index
    %get3A_123 = tpu.vector_load %arg7[%get3A_121, %get3A_122] {strides = array<i32>} : memref<159x64xi32, #tpu.memory_space<vmem>>, vector<16xi32>,
    %and3A_124 = arith.constant 65535 : i32
    %and3A_125 = vector.broadcast %and3A_124 : i32 to vector<16xi32>
    %and3A_126 = arith.andi %get3A_123, %and3A_125 : vector<16xi32>
    %swap3A_127 = arith.constant 1 : i32
    %swap3A_128 = arith.index_cast %swap3A_127 : i32 to index
    %swap3A_129 = arith.constant 0 : index
    %swap3A_130 = tpu.vector_load %arg8[%swap3A_128, %swap3A_129] {strides = array<i32>} : memref<3x64xi32, #tpu.memory_space<vmem>>, vector<16xi32>,
    tpu.vector_store %arg8[%swap3A_128, %swap3A_129], %and3A_126 {strides = array<i32>} : memref<3x64xi32, #tpu.memory_space<vmem>>, vector<16xi32>,
    %shift_right_logical3A_131 = arith.constant 16 : i32
    %shift_right_logical3A_132 = vector.broadcast %shift_right_logical3A_131 : i32 to vector<16xi32>
    %shift_right_logical3A_133 = arith.shrui %get3A_123, %shift_right_logical3A_132 : vector<16xi32>
    %swap3A_134 = arith.constant 1 : i32
    %swap3A_135 = arith.index_cast %swap3A_134 : i32 to index
    %swap3A_136 = arith.constant 0 : index
    %swap3A_137 = tpu.vector_load %arg9[%swap3A_135, %swap3A_136] {strides = array<i32>} : memref<3x64xi32, #tpu.memory_space<vmem>>, vector<16xi32>,
    tpu.vector_store %arg9[%swap3A_135, %swap3A_136], %shift_right_logical3A_133 {strides = array<i32>} : memref<3x64xi32, #tpu.memory_space<vmem>>, vector<16xi32>,
    %get3A_138 = arith.constant 1 : i32
    %get3A_139 = arith.index_cast %get3A_138 : i32 to index
    %get3A_140 = arith.constant 16 : index
    %get3A_141 = tpu.vector_load %arg7[%get3A_139, %get3A_140] {strides = array<i32>} : memref<159x64xi32, #tpu.memory_space<vmem>>, vector<16xi32>,
    %and3A_142 = arith.constant 65535 : i32
    %and3A_143 = vector.broadcast %and3A_142 : i32 to vector<16xi32>
    %and3A_144 = arith.andi %get3A_141, %and3A_143 : vector<16xi32>
    %swap3A_145 = arith.constant 1 : i32
    %swap3A_146 = arith.index_cast %swap3A_145 : i32 to index
    %swap3A_147 = arith.constant 16 : index
    %swap3A_148 = tpu.vector_load %arg8[%swap3A_146, %swap3A_147] {strides = array<i32>} : memref<3x64xi32, #tpu.memory_space<vmem>>, vector<16xi32>,
    tpu.vector_store %arg8[%swap3A_146, %swap3A_147], %and3A_144 {strides = array<i32>} : memref<3x64xi32, #tpu.memory_space<vmem>>, vector<16xi32>,
    %shift_right_logical3A_149 = arith.constant 16 : i32
    %shift_right_logical3A_150 = vector.broadcast %shift_right_logical3A_149 : i32 to vector<16xi32>
    %shift_right_logical3A_151 = arith.shrui %get3A_141, %shift_right_logical3A_150 : vector<16xi32>
    %swap3A_152 = arith.constant 1 : i32
    %swap3A_153 = arith.index_cast %swap3A_152 : i32 to index
    %swap3A_154 = arith.constant 16 : index
    %swap3A_155 = tpu.vector_load %arg9[%swap3A_153, %swap3A_154] {strides = array<i32>} : memref<3x64xi32, #tpu.memory_space<vmem>>, vector<16xi32>,
    tpu.vector_store %arg9[%swap3A_153, %swap3A_154], %shift_right_logical3A_151 {strides = array<i32>} : memref<3x64xi32, #tpu.memory_space<vmem>>, vector<16xi32>,
    %get3A_156 = arith.constant 1 : i32
    %get3A_157 = arith.index_cast %get3A_156 : i32 to index
    %get3A_158 = arith.constant 32 : index
    %get3A_159 = tpu.vector_load %arg7[%get3A_157, %get3A_158] {strides = array<i32>} : memref<159x64xi32, #tpu.memory_space<vmem>>, vector<16xi32>,
    %and3A_160 = arith.constant 65535 : i32
    %and3A_161 = vector.broadcast %and3A_160 : i32 to vector<16xi32>
    %and3A_162 = arith.andi %get3A_159, %and3A_161 : vector<16xi32>
    %swap3A_163 = arith.constant 1 : i32
    %swap3A_164 = arith.index_cast %swap3A_163 : i32 to index
    %swap3A_165 = arith.constant 32 : index
    %swap3A_166 = tpu.vector_load %arg8[%swap3A_164, %swap3A_165] {strides = array<i32>} : memref<3x64xi32, #tpu.memory_space<vmem>>, vector<16xi32>,
    tpu.vector_store %arg8[%swap3A_164, %swap3A_165], %and3A_162 {strides = array<i32>} : memref<3x64xi32, #tpu.memory_space<vmem>>, vector<16xi32>,
    %shift_right_logical3A_167 = arith.constant 16 : i32
    %shift_right_logical3A_168 = vector.broadcast %shift_right_logical3A_167 : i32 to vector<16xi32>
    %shift_right_logical3A_169 = arith.shrui %get3A_159, %shift_right_logical3A_168 : vector<16xi32>
    %swap3A_170 = arith.constant 1 : i32
    %swap3A_171 = arith.index_cast %swap3A_170 : i32 to index
    %swap3A_172 = arith.constant 32 : index
    %swap3A_173 = tpu.vector_load %arg9[%swap3A_171, %swap3A_172] {strides = array<i32>} : memref<3x64xi32, #tpu.memory_space<vmem>>, vector<16xi32>,
    tpu.vector_store %arg9[%swap3A_171, %swap3A_172], %shift_right_logical3A_169 {strides = array<i32>} : memref<3x64xi32, #tpu.memory_space<vmem>>, vector<16xi32>,
    %get3A_174 = arith.constant 1 : i32
    %get3A_175 = arith.index_cast %get3A_174 : i32 to index
    %get3A_176 = arith.constant 48 : index
    %get3A_177 = tpu.vector_load %arg7[%get3A_175, %get3A_176] {strides = array<i32>} : memref<159x64xi32, #tpu.memory_space<vmem>>, vector<16xi32>,
    %and3A_178 = arith.constant 65535 : i32
    %and3A_179 = vector.broadcast %and3A_178 : i32 to vector<16xi32>
    %and3A_180 = arith.andi %get3A_177, %and3A_179 : vector<16xi32>
    %swap3A_181 = arith.constant 1 : i32
    %swap3A_182 = arith.index_cast %swap3A_181 : i32 to index
    %swap3A_183 = arith.constant 48 : index
    %swap3A_184 = tpu.vector_load %arg8[%swap3A_182, %swap3A_183] {strides = array<i32>} : memref<3x64xi32, #tpu.memory_space<vmem>>, vector<16xi32>,
    tpu.vector_store %arg8[%swap3A_182, %swap3A_183], %and3A_180 {strides = array<i32>} : memref<3x64xi32, #tpu.memory_space<vmem>>, vector<16xi32>,
    %shift_right_logical3A_185 = arith.constant 16 : i32
    %shift_right_logical3A_186 = vector.broadcast %shift_right_logical3A_185 : i32 to vector<16xi32>
    %shift_right_logical3A_187 = arith.shrui %get3A_177, %shift_right_logical3A_186 : vector<16xi32>
    %swap3A_188 = arith.constant 1 : i32
    %swap3A_189 = arith.index_cast %swap3A_188 : i32 to index
    %swap3A_190 = arith.constant 48 : index
    %swap3A_191 = tpu.vector_load %arg9[%swap3A_189, %swap3A_190] {strides = array<i32>} : memref<3x64xi32, #tpu.memory_space<vmem>>, vector<16xi32>,
    tpu.vector_store %arg9[%swap3A_189, %swap3A_190], %shift_right_logical3A_187 {strides = array<i32>} : memref<3x64xi32, #tpu.memory_space<vmem>>, vector<16xi32>,
    %dma_start3A_192 = arith.constant 1 : i32
    %dma_start3A_193 = arith.constant 0 : i32
    %dma_start3A_194 = tpu.memref_slice %arg8[%dma_start3A_192, %dma_start3A_193] : memref<3x64xi32, #tpu.memory_space<vmem>> -> memref<1x64xi32, #tpu.memory_space<vmem>>
    %dma_start3A_195 = tpu.memref_squeeze %dma_start3A_194 : memref<1x64xi32, #tpu.memory_space<vmem>> -> memref<64xi32, #tpu.memory_space<vmem>>
    %dma_start3A_196 = arith.constant 0 : i32
    %dma_start3A_197 = arith.constant 0 : i32
    %dma_start3A_198 = tpu.memref_slice %arg2[%dma_start3A_196, %dma_start3A_197] : memref<10240x128xf32, #tpu.memory_space<hbm>> -> memref<10240x128xf32, #tpu.memory_space<hbm>>
    tpu.enqueue_indirect_dma source(%dma_start3A_198 : memref<10240x128xf32, #tpu.memory_space<hbm>>) target(%arg11 : memref<64x128xf32, #tpu.memory_space<vmem>>) offsets(%dma_start3A_195 : memref<64xi32, #tpu.memory_space<vmem>>) semaphore(%arg14 : memref<!tpu.dma_semaphore, #tpu.memory_space<semaphore_mem>>)
    %barrier3A = arith.constant 0 : index
    tpu.barrier barrier_id(%barrier3A)
    %scan3A_199 = arith.constant 0 : i32
    %scan3A_200 = arith.constant 53 : i32
    %scan3A_201 = arith.addi %scan3A_199, %scan3A_200 : i32
    %scan3A_202 = arith.constant 1 : i32
    scf.for %scan3A_220 = %scan3A_199 to %scan3A_201 step %scan3A_202  : i32 {
      %mul3A_221 = arith.constant 3 : i32
      %mul3A_222 = arith.muli %scan3A_220, %mul3A_221 : i32
      %add3A_223 = arith.constant 0 : i32
      %add3A_224 = arith.addi %mul3A_222, %add3A_223 : i32
      %ge3A = arith.constant 1 : i32
      %ge3A_225 = arith.cmpi sge, %add3A_224, %ge3A : i32
      %convert_element_type3A_226 = arith.extui %ge3A_225 : i1 to i32
      %cond3A_227 = arith.constant 0 : i32
      %cond3A_228 = arith.cmpi ne, %convert_element_type3A_226, %cond3A_227 : i32
      scf.if %cond3A_228 {
        %dma_wait3A_309 = arith.constant 2 : i32
        %dma_wait3A_310 = arith.constant 0 : i32
        %dma_wait3A_311 = tpu.memref_slice %arg9[%dma_wait3A_309, %dma_wait3A_310] : memref<3x64xi32, #tpu.memory_space<vmem>> -> memref<1x64xi32, #tpu.memory_space<vmem>>
        %dma_wait3A_312 = tpu.memref_squeeze %dma_wait3A_311 : memref<1x64xi32, #tpu.memory_space<vmem>> -> memref<64xi32, #tpu.memory_space<vmem>>
        %dma_wait3A_313 = arith.constant 0 : i32
        %dma_wait3A_314 = arith.constant 0 : i32
        %dma_wait3A_315 = tpu.memref_slice %arg6[%dma_wait3A_313, %dma_wait3A_314] : memref<10240x128xf32, #tpu.memory_space<vmem_shared>> -> memref<10240x128xf32, #tpu.memory_space<vmem_shared>>
        tpu.wait_indirect_dma semaphore(%arg18 : memref<!tpu.dma_semaphore, #tpu.memory_space<semaphore_mem>>) src(%arg12 : memref<64x128xf32, #tpu.memory_space<vmem>>) dst(%dma_wait3A_315 : memref<10240x128xf32, #tpu.memory_space<vmem_shared>>)
      } else {
      }
      %add3A_229 = arith.constant 2 : i32
      %add3A_230 = arith.addi %add3A_224, %add3A_229 : i32
      %lt3A = arith.constant 159 : i32
      %lt3A_231 = arith.cmpi slt, %add3A_230, %lt3A : i32
      %convert_element_type3A_232 = arith.extui %lt3A_231 : i1 to i32
      %cond3A_233 = arith.constant 0 : i32
      %cond3A_234 = arith.cmpi ne, %convert_element_type3A_232, %cond3A_233 : i32
      scf.if %cond3A_234 {
        %add3A_309 = arith.constant 2 : i32
        %add3A_310 = arith.addi %add3A_224, %add3A_309 : i32
        %get3A_311 = arith.index_cast %add3A_310 : i32 to index
        %get3A_312 = arith.constant 0 : index
        %get3A_313 = tpu.vector_load %arg7[%get3A_311, %get3A_312] {strides = array<i32>} : memref<159x64xi32, #tpu.memory_space<vmem>>, vector<16xi32>,
        %and3A_314 = arith.constant 65535 : i32
        %and3A_315 = vector.broadcast %and3A_314 : i32 to vector<16xi32>
        %and3A_316 = arith.andi %get3A_313, %and3A_315 : vector<16xi32>
        %swap3A_317 = arith.constant 2 : i32
        %swap3A_318 = arith.index_cast %swap3A_317 : i32 to index
        %swap3A_319 = arith.constant 0 : index
        %swap3A_320 = tpu.vector_load %arg8[%swap3A_318, %swap3A_319] {strides = array<i32>} : memref<3x64xi32, #tpu.memory_space<vmem>>, vector<16xi32>,
        tpu.vector_store %arg8[%swap3A_318, %swap3A_319], %and3A_316 {strides = array<i32>} : memref<3x64xi32, #tpu.memory_space<vmem>>, vector<16xi32>,
        %shift_right_logical3A_321 = arith.constant 16 : i32
        %shift_right_logical3A_322 = vector.broadcast %shift_right_logical3A_321 : i32 to vector<16xi32>
        %shift_right_logical3A_323 = arith.shrui %get3A_313, %shift_right_logical3A_322 : vector<16xi32>
        %swap3A_324 = arith.constant 2 : i32
        %swap3A_325 = arith.index_cast %swap3A_324 : i32 to index
        %swap3A_326 = arith.constant 0 : index
        %swap3A_327 = tpu.vector_load %arg9[%swap3A_325, %swap3A_326] {strides = array<i32>} : memref<3x64xi32, #tpu.memory_space<vmem>>, vector<16xi32>,
        tpu.vector_store %arg9[%swap3A_325, %swap3A_326], %shift_right_logical3A_323 {strides = array<i32>} : memref<3x64xi32, #tpu.memory_space<vmem>>, vector<16xi32>,
        %get3A_328 = arith.index_cast %add3A_310 : i32 to index
        %get3A_329 = arith.constant 16 : index
        %get3A_330 = tpu.vector_load %arg7[%get3A_328, %get3A_329] {strides = array<i32>} : memref<159x64xi32, #tpu.memory_space<vmem>>, vector<16xi32>,
        %and3A_331 = arith.constant 65535 : i32
        %and3A_332 = vector.broadcast %and3A_331 : i32 to vector<16xi32>
        %and3A_333 = arith.andi %get3A_330, %and3A_332 : vector<16xi32>
        %swap3A_334 = arith.constant 2 : i32
        %swap3A_335 = arith.index_cast %swap3A_334 : i32 to index
        %swap3A_336 = arith.constant 16 : index
        %swap3A_337 = tpu.vector_load %arg8[%swap3A_335, %swap3A_336] {strides = array<i32>} : memref<3x64xi32, #tpu.memory_space<vmem>>, vector<16xi32>,
        tpu.vector_store %arg8[%swap3A_335, %swap3A_336], %and3A_333 {strides = array<i32>} : memref<3x64xi32, #tpu.memory_space<vmem>>, vector<16xi32>,
        %shift_right_logical3A_338 = arith.constant 16 : i32
        %shift_right_logical3A_339 = vector.broadcast %shift_right_logical3A_338 : i32 to vector<16xi32>
        %shift_right_logical3A_340 = arith.shrui %get3A_330, %shift_right_logical3A_339 : vector<16xi32>
        %swap3A_341 = arith.constant 2 : i32
        %swap3A_342 = arith.index_cast %swap3A_341 : i32 to index
        %swap3A_343 = arith.constant 16 : index
        %swap3A_344 = tpu.vector_load %arg9[%swap3A_342, %swap3A_343] {strides = array<i32>} : memref<3x64xi32, #tpu.memory_space<vmem>>, vector<16xi32>,
        tpu.vector_store %arg9[%swap3A_342, %swap3A_343], %shift_right_logical3A_340 {strides = array<i32>} : memref<3x64xi32, #tpu.memory_space<vmem>>, vector<16xi32>,
        %get3A_345 = arith.index_cast %add3A_310 : i32 to index
        %get3A_346 = arith.constant 32 : index
        %get3A_347 = tpu.vector_load %arg7[%get3A_345, %get3A_346] {strides = array<i32>} : memref<159x64xi32, #tpu.memory_space<vmem>>, vector<16xi32>,
        %and3A_348 = arith.constant 65535 : i32
        %and3A_349 = vector.broadcast %and3A_348 : i32 to vector<16xi32>
        %and3A_350 = arith.andi %get3A_347, %and3A_349 : vector<16xi32>
        %swap3A_351 = arith.constant 2 : i32
        %swap3A_352 = arith.index_cast %swap3A_351 : i32 to index
        %swap3A_353 = arith.constant 32 : index
        %swap3A_354 = tpu.vector_load %arg8[%swap3A_352, %swap3A_353] {strides = array<i32>} : memref<3x64xi32, #tpu.memory_space<vmem>>, vector<16xi32>,
        tpu.vector_store %arg8[%swap3A_352, %swap3A_353], %and3A_350 {strides = array<i32>} : memref<3x64xi32, #tpu.memory_space<vmem>>, vector<16xi32>,
        %shift_right_logical3A_355 = arith.constant 16 : i32
        %shift_right_logical3A_356 = vector.broadcast %shift_right_logical3A_355 : i32 to vector<16xi32>
        %shift_right_logical3A_357 = arith.shrui %get3A_347, %shift_right_logical3A_356 : vector<16xi32>
        %swap3A_358 = arith.constant 2 : i32
        %swap3A_359 = arith.index_cast %swap3A_358 : i32 to index
        %swap3A_360 = arith.constant 32 : index
        %swap3A_361 = tpu.vector_load %arg9[%swap3A_359, %swap3A_360] {strides = array<i32>} : memref<3x64xi32, #tpu.memory_space<vmem>>, vector<16xi32>,
        tpu.vector_store %arg9[%swap3A_359, %swap3A_360], %shift_right_logical3A_357 {strides = array<i32>} : memref<3x64xi32, #tpu.memory_space<vmem>>, vector<16xi32>,
        %get3A_362 = arith.index_cast %add3A_310 : i32 to index
        %get3A_363 = arith.constant 48 : index
        %get3A_364 = tpu.vector_load %arg7[%get3A_362, %get3A_363] {strides = array<i32>} : memref<159x64xi32, #tpu.memory_space<vmem>>, vector<16xi32>,
        %and3A_365 = arith.constant 65535 : i32
        %and3A_366 = vector.broadcast %and3A_365 : i32 to vector<16xi32>
        %and3A_367 = arith.andi %get3A_364, %and3A_366 : vector<16xi32>
        %swap3A_368 = arith.constant 2 : i32
        %swap3A_369 = arith.index_cast %swap3A_368 : i32 to index
        %swap3A_370 = arith.constant 48 : index
        %swap3A_371 = tpu.vector_load %arg8[%swap3A_369, %swap3A_370] {strides = array<i32>} : memref<3x64xi32, #tpu.memory_space<vmem>>, vector<16xi32>,
        tpu.vector_store %arg8[%swap3A_369, %swap3A_370], %and3A_367 {strides = array<i32>} : memref<3x64xi32, #tpu.memory_space<vmem>>, vector<16xi32>,
        %shift_right_logical3A_372 = arith.constant 16 : i32
        %shift_right_logical3A_373 = vector.broadcast %shift_right_logical3A_372 : i32 to vector<16xi32>
        %shift_right_logical3A_374 = arith.shrui %get3A_364, %shift_right_logical3A_373 : vector<16xi32>
        %swap3A_375 = arith.constant 2 : i32
        %swap3A_376 = arith.index_cast %swap3A_375 : i32 to index
        %swap3A_377 = arith.constant 48 : index
        %swap3A_378 = tpu.vector_load %arg9[%swap3A_376, %swap3A_377] {strides = array<i32>} : memref<3x64xi32, #tpu.memory_space<vmem>>, vector<16xi32>,
        tpu.vector_store %arg9[%swap3A_376, %swap3A_377], %shift_right_logical3A_374 {strides = array<i32>} : memref<3x64xi32, #tpu.memory_space<vmem>>, vector<16xi32>,
        %dma_start3A_379 = arith.constant 2 : i32
        %dma_start3A_380 = arith.constant 0 : i32
        %dma_start3A_381 = tpu.memref_slice %arg8[%dma_start3A_379, %dma_start3A_380] : memref<3x64xi32, #tpu.memory_space<vmem>> -> memref<1x64xi32, #tpu.memory_space<vmem>>
        %dma_start3A_382 = tpu.memref_squeeze %dma_start3A_381 : memref<1x64xi32, #tpu.memory_space<vmem>> -> memref<64xi32, #tpu.memory_space<vmem>>
        %dma_start3A_383 = arith.constant 0 : i32
        %dma_start3A_384 = arith.constant 0 : i32
        %dma_start3A_385 = tpu.memref_slice %arg2[%dma_start3A_383, %dma_start3A_384] : memref<10240x128xf32, #tpu.memory_space<hbm>> -> memref<10240x128xf32, #tpu.memory_space<hbm>>
        tpu.enqueue_indirect_dma source(%dma_start3A_385 : memref<10240x128xf32, #tpu.memory_space<hbm>>) target(%arg12 : memref<64x128xf32, #tpu.memory_space<vmem>>) offsets(%dma_start3A_382 : memref<64xi32, #tpu.memory_space<vmem>>) semaphore(%arg15 : memref<!tpu.dma_semaphore, #tpu.memory_space<semaphore_mem>>)
      } else {
      }
      %dma_wait3A_235 = arith.constant 0 : i32
      %dma_wait3A_236 = arith.constant 0 : i32
      %dma_wait3A_237 = tpu.memref_slice %arg8[%dma_wait3A_235, %dma_wait3A_236] : memref<3x64xi32, #tpu.memory_space<vmem>> -> memref<1x64xi32, #tpu.memory_space<vmem>>
      %dma_wait3A_238 = tpu.memref_squeeze %dma_wait3A_237 : memref<1x64xi32, #tpu.memory_space<vmem>> -> memref<64xi32, #tpu.memory_space<vmem>>
      %dma_wait3A_239 = arith.constant 0 : i32
      %dma_wait3A_240 = arith.constant 0 : i32
      %dma_wait3A_241 = tpu.memref_slice %arg2[%dma_wait3A_239, %dma_wait3A_240] : memref<10240x128xf32, #tpu.memory_space<hbm>> -> memref<10240x128xf32, #tpu.memory_space<hbm>>
      tpu.wait_indirect_dma semaphore(%arg13 : memref<!tpu.dma_semaphore, #tpu.memory_space<semaphore_mem>>) src(%dma_wait3A_241 : memref<10240x128xf32, #tpu.memory_space<hbm>>) dst(%arg10 : memref<64x128xf32, #tpu.memory_space<vmem>>)
      %dma_start3A_242 = arith.constant 0 : i32
      %dma_start3A_243 = arith.constant 0 : i32
      %dma_start3A_244 = tpu.memref_slice %arg9[%dma_start3A_242, %dma_start3A_243] : memref<3x64xi32, #tpu.memory_space<vmem>> -> memref<1x64xi32, #tpu.memory_space<vmem>>
      %dma_start3A_245 = tpu.memref_squeeze %dma_start3A_244 : memref<1x64xi32, #tpu.memory_space<vmem>> -> memref<64xi32, #tpu.memory_space<vmem>>
      %dma_start3A_246 = arith.constant 0 : i32
      %dma_start3A_247 = arith.constant 0 : i32
      %dma_start3A_248 = tpu.memref_slice %arg6[%dma_start3A_246, %dma_start3A_247] : memref<10240x128xf32, #tpu.memory_space<vmem_shared>> -> memref<10240x128xf32, #tpu.memory_space<vmem_shared>>
      tpu.enqueue_indirect_dma source(%arg10 : memref<64x128xf32, #tpu.memory_space<vmem>>) target(%dma_start3A_248 : memref<10240x128xf32, #tpu.memory_space<vmem_shared>>) offsets(%dma_start3A_245 : memref<64xi32, #tpu.memory_space<vmem>>) semaphore(%arg16 : memref<!tpu.dma_semaphore, #tpu.memory_space<semaphore_mem>>) {add = true}
      %mul3A_249 = arith.constant 3 : i32
      %mul3A_250 = arith.muli %scan3A_220, %mul3A_249 : i32
      %add3A_251 = arith.constant 1 : i32
      %add3A_252 = arith.addi %mul3A_250, %add3A_251 : i32
      %ge3A_253 = arith.constant 1 : i32
      %ge3A_254 = arith.cmpi sge, %add3A_252, %ge3A_253 : i32
      %convert_element_type3A_255 = arith.extui %ge3A_254 : i1 to i32
      %cond3A_256 = arith.constant 0 : i32
      %cond3A_257 = arith.cmpi ne, %convert_element_type3A_255, %cond3A_256 : i32
      scf.if %cond3A_257 {
        %dma_wait3A_309 = arith.constant 0 : i32
        %dma_wait3A_310 = arith.constant 0 : i32
        %dma_wait3A_311 = tpu.memref_slice %arg9[%dma_wait3A_309, %dma_wait3A_310] : memref<3x64xi32, #tpu.memory_space<vmem>> -> memref<1x64xi32, #tpu.memory_space<vmem>>
        %dma_wait3A_312 = tpu.memref_squeeze %dma_wait3A_311 : memref<1x64xi32, #tpu.memory_space<vmem>> -> memref<64xi32, #tpu.memory_space<vmem>>
        %dma_wait3A_313 = arith.constant 0 : i32
        %dma_wait3A_314 = arith.constant 0 : i32
        %dma_wait3A_315 = tpu.memref_slice %arg6[%dma_wait3A_313, %dma_wait3A_314] : memref<10240x128xf32, #tpu.memory_space<vmem_shared>> -> memref<10240x128xf32, #tpu.memory_space<vmem_shared>>
        tpu.wait_indirect_dma semaphore(%arg16 : memref<!tpu.dma_semaphore, #tpu.memory_space<semaphore_mem>>) src(%arg10 : memref<64x128xf32, #tpu.memory_space<vmem>>) dst(%dma_wait3A_315 : memref<10240x128xf32, #tpu.memory_space<vmem_shared>>)
      } else {
      }
      %add3A_258 = arith.constant 2 : i32
      %add3A_259 = arith.addi %add3A_252, %add3A_258 : i32
      %lt3A_260 = arith.constant 159 : i32
      %lt3A_261 = arith.cmpi slt, %add3A_259, %lt3A_260 : i32
      %convert_element_type3A_262 = arith.extui %lt3A_261 : i1 to i32
      %cond3A_263 = arith.constant 0 : i32
      %cond3A_264 = arith.cmpi ne, %convert_element_type3A_262, %cond3A_263 : i32
      scf.if %cond3A_264 {
        %add3A_309 = arith.constant 2 : i32
        %add3A_310 = arith.addi %add3A_252, %add3A_309 : i32
        %get3A_311 = arith.index_cast %add3A_310 : i32 to index
        %get3A_312 = arith.constant 0 : index
        %get3A_313 = tpu.vector_load %arg7[%get3A_311, %get3A_312] {strides = array<i32>} : memref<159x64xi32, #tpu.memory_space<vmem>>, vector<16xi32>,
        %and3A_314 = arith.constant 65535 : i32
        %and3A_315 = vector.broadcast %and3A_314 : i32 to vector<16xi32>
        %and3A_316 = arith.andi %get3A_313, %and3A_315 : vector<16xi32>
        %swap3A_317 = arith.constant 0 : i32
        %swap3A_318 = arith.index_cast %swap3A_317 : i32 to index
        %swap3A_319 = arith.constant 0 : index
        %swap3A_320 = tpu.vector_load %arg8[%swap3A_318, %swap3A_319] {strides = array<i32>} : memref<3x64xi32, #tpu.memory_space<vmem>>, vector<16xi32>,
        tpu.vector_store %arg8[%swap3A_318, %swap3A_319], %and3A_316 {strides = array<i32>} : memref<3x64xi32, #tpu.memory_space<vmem>>, vector<16xi32>,
        %shift_right_logical3A_321 = arith.constant 16 : i32
        %shift_right_logical3A_322 = vector.broadcast %shift_right_logical3A_321 : i32 to vector<16xi32>
        %shift_right_logical3A_323 = arith.shrui %get3A_313, %shift_right_logical3A_322 : vector<16xi32>
        %swap3A_324 = arith.constant 0 : i32
        %swap3A_325 = arith.index_cast %swap3A_324 : i32 to index
        %swap3A_326 = arith.constant 0 : index
        %swap3A_327 = tpu.vector_load %arg9[%swap3A_325, %swap3A_326] {strides = array<i32>} : memref<3x64xi32, #tpu.memory_space<vmem>>, vector<16xi32>,
        tpu.vector_store %arg9[%swap3A_325, %swap3A_326], %shift_right_logical3A_323 {strides = array<i32>} : memref<3x64xi32, #tpu.memory_space<vmem>>, vector<16xi32>,
        %get3A_328 = arith.index_cast %add3A_310 : i32 to index
        %get3A_329 = arith.constant 16 : index
        %get3A_330 = tpu.vector_load %arg7[%get3A_328, %get3A_329] {strides = array<i32>} : memref<159x64xi32, #tpu.memory_space<vmem>>, vector<16xi32>,
        %and3A_331 = arith.constant 65535 : i32
        %and3A_332 = vector.broadcast %and3A_331 : i32 to vector<16xi32>
        %and3A_333 = arith.andi %get3A_330, %and3A_332 : vector<16xi32>
        %swap3A_334 = arith.constant 0 : i32
        %swap3A_335 = arith.index_cast %swap3A_334 : i32 to index
        %swap3A_336 = arith.constant 16 : index
        %swap3A_337 = tpu.vector_load %arg8[%swap3A_335, %swap3A_336] {strides = array<i32>} : memref<3x64xi32, #tpu.memory_space<vmem>>, vector<16xi32>,
        tpu.vector_store %arg8[%swap3A_335, %swap3A_336], %and3A_333 {strides = array<i32>} : memref<3x64xi32, #tpu.memory_space<vmem>>, vector<16xi32>,
        %shift_right_logical3A_338 = arith.constant 16 : i32
        %shift_right_logical3A_339 = vector.broadcast %shift_right_logical3A_338 : i32 to vector<16xi32>
        %shift_right_logical3A_340 = arith.shrui %get3A_330, %shift_right_logical3A_339 : vector<16xi32>
        %swap3A_341 = arith.constant 0 : i32
        %swap3A_342 = arith.index_cast %swap3A_341 : i32 to index
        %swap3A_343 = arith.constant 16 : index
        %swap3A_344 = tpu.vector_load %arg9[%swap3A_342, %swap3A_343] {strides = array<i32>} : memref<3x64xi32, #tpu.memory_space<vmem>>, vector<16xi32>,
        tpu.vector_store %arg9[%swap3A_342, %swap3A_343], %shift_right_logical3A_340 {strides = array<i32>} : memref<3x64xi32, #tpu.memory_space<vmem>>, vector<16xi32>,
        %get3A_345 = arith.index_cast %add3A_310 : i32 to index
        %get3A_346 = arith.constant 32 : index
        %get3A_347 = tpu.vector_load %arg7[%get3A_345, %get3A_346] {strides = array<i32>} : memref<159x64xi32, #tpu.memory_space<vmem>>, vector<16xi32>,
        %and3A_348 = arith.constant 65535 : i32
        %and3A_349 = vector.broadcast %and3A_348 : i32 to vector<16xi32>
        %and3A_350 = arith.andi %get3A_347, %and3A_349 : vector<16xi32>
        %swap3A_351 = arith.constant 0 : i32
        %swap3A_352 = arith.index_cast %swap3A_351 : i32 to index
        %swap3A_353 = arith.constant 32 : index
        %swap3A_354 = tpu.vector_load %arg8[%swap3A_352, %swap3A_353] {strides = array<i32>} : memref<3x64xi32, #tpu.memory_space<vmem>>, vector<16xi32>,
        tpu.vector_store %arg8[%swap3A_352, %swap3A_353], %and3A_350 {strides = array<i32>} : memref<3x64xi32, #tpu.memory_space<vmem>>, vector<16xi32>,
        %shift_right_logical3A_355 = arith.constant 16 : i32
        %shift_right_logical3A_356 = vector.broadcast %shift_right_logical3A_355 : i32 to vector<16xi32>
        %shift_right_logical3A_357 = arith.shrui %get3A_347, %shift_right_logical3A_356 : vector<16xi32>
        %swap3A_358 = arith.constant 0 : i32
        %swap3A_359 = arith.index_cast %swap3A_358 : i32 to index
        %swap3A_360 = arith.constant 32 : index
        %swap3A_361 = tpu.vector_load %arg9[%swap3A_359, %swap3A_360] {strides = array<i32>} : memref<3x64xi32, #tpu.memory_space<vmem>>, vector<16xi32>,
        tpu.vector_store %arg9[%swap3A_359, %swap3A_360], %shift_right_logical3A_357 {strides = array<i32>} : memref<3x64xi32, #tpu.memory_space<vmem>>, vector<16xi32>,
        %get3A_362 = arith.index_cast %add3A_310 : i32 to index
        %get3A_363 = arith.constant 48 : index
        %get3A_364 = tpu.vector_load %arg7[%get3A_362, %get3A_363] {strides = array<i32>} : memref<159x64xi32, #tpu.memory_space<vmem>>, vector<16xi32>,
        %and3A_365 = arith.constant 65535 : i32
        %and3A_366 = vector.broadcast %and3A_365 : i32 to vector<16xi32>
        %and3A_367 = arith.andi %get3A_364, %and3A_366 : vector<16xi32>
        %swap3A_368 = arith.constant 0 : i32
        %swap3A_369 = arith.index_cast %swap3A_368 : i32 to index
        %swap3A_370 = arith.constant 48 : index
        %swap3A_371 = tpu.vector_load %arg8[%swap3A_369, %swap3A_370] {strides = array<i32>} : memref<3x64xi32, #tpu.memory_space<vmem>>, vector<16xi32>,
        tpu.vector_store %arg8[%swap3A_369, %swap3A_370], %and3A_367 {strides = array<i32>} : memref<3x64xi32, #tpu.memory_space<vmem>>, vector<16xi32>,
        %shift_right_logical3A_372 = arith.constant 16 : i32
        %shift_right_logical3A_373 = vector.broadcast %shift_right_logical3A_372 : i32 to vector<16xi32>
        %shift_right_logical3A_374 = arith.shrui %get3A_364, %shift_right_logical3A_373 : vector<16xi32>
        %swap3A_375 = arith.constant 0 : i32
        %swap3A_376 = arith.index_cast %swap3A_375 : i32 to index
        %swap3A_377 = arith.constant 48 : index
        %swap3A_378 = tpu.vector_load %arg9[%swap3A_376, %swap3A_377] {strides = array<i32>} : memref<3x64xi32, #tpu.memory_space<vmem>>, vector<16xi32>,
        tpu.vector_store %arg9[%swap3A_376, %swap3A_377], %shift_right_logical3A_374 {strides = array<i32>} : memref<3x64xi32, #tpu.memory_space<vmem>>, vector<16xi32>,
        %dma_start3A_379 = arith.constant 0 : i32
        %dma_start3A_380 = arith.constant 0 : i32
        %dma_start3A_381 = tpu.memref_slice %arg8[%dma_start3A_379, %dma_start3A_380] : memref<3x64xi32, #tpu.memory_space<vmem>> -> memref<1x64xi32, #tpu.memory_space<vmem>>
        %dma_start3A_382 = tpu.memref_squeeze %dma_start3A_381 : memref<1x64xi32, #tpu.memory_space<vmem>> -> memref<64xi32, #tpu.memory_space<vmem>>
        %dma_start3A_383 = arith.constant 0 : i32
        %dma_start3A_384 = arith.constant 0 : i32
        %dma_start3A_385 = tpu.memref_slice %arg2[%dma_start3A_383, %dma_start3A_384] : memref<10240x128xf32, #tpu.memory_space<hbm>> -> memref<10240x128xf32, #tpu.memory_space<hbm>>
        tpu.enqueue_indirect_dma source(%dma_start3A_385 : memref<10240x128xf32, #tpu.memory_space<hbm>>) target(%arg10 : memref<64x128xf32, #tpu.memory_space<vmem>>) offsets(%dma_start3A_382 : memref<64xi32, #tpu.memory_space<vmem>>) semaphore(%arg13 : memref<!tpu.dma_semaphore, #tpu.memory_space<semaphore_mem>>)
      } else {
      }
      %dma_wait3A_265 = arith.constant 1 : i32
      %dma_wait3A_266 = arith.constant 0 : i32
      %dma_wait3A_267 = tpu.memref_slice %arg8[%dma_wait3A_265, %dma_wait3A_266] : memref<3x64xi32, #tpu.memory_space<vmem>> -> memref<1x64xi32, #tpu.memory_space<vmem>>
      %dma_wait3A_268 = tpu.memref_squeeze %dma_wait3A_267 : memref<1x64xi32, #tpu.memory_space<vmem>> -> memref<64xi32, #tpu.memory_space<vmem>>
      %dma_wait3A_269 = arith.constant 0 : i32
      %dma_wait3A_270 = arith.constant 0 : i32
      %dma_wait3A_271 = tpu.memref_slice %arg2[%dma_wait3A_269, %dma_wait3A_270] : memref<10240x128xf32, #tpu.memory_space<hbm>> -> memref<10240x128xf32, #tpu.memory_space<hbm>>
      tpu.wait_indirect_dma semaphore(%arg14 : memref<!tpu.dma_semaphore, #tpu.memory_space<semaphore_mem>>) src(%dma_wait3A_271 : memref<10240x128xf32, #tpu.memory_space<hbm>>) dst(%arg11 : memref<64x128xf32, #tpu.memory_space<vmem>>)
      %dma_start3A_272 = arith.constant 1 : i32
      %dma_start3A_273 = arith.constant 0 : i32
      %dma_start3A_274 = tpu.memref_slice %arg9[%dma_start3A_272, %dma_start3A_273] : memref<3x64xi32, #tpu.memory_space<vmem>> -> memref<1x64xi32, #tpu.memory_space<vmem>>
      %dma_start3A_275 = tpu.memref_squeeze %dma_start3A_274 : memref<1x64xi32, #tpu.memory_space<vmem>> -> memref<64xi32, #tpu.memory_space<vmem>>
      %dma_start3A_276 = arith.constant 0 : i32
      %dma_start3A_277 = arith.constant 0 : i32
      %dma_start3A_278 = tpu.memref_slice %arg6[%dma_start3A_276, %dma_start3A_277] : memref<10240x128xf32, #tpu.memory_space<vmem_shared>> -> memref<10240x128xf32, #tpu.memory_space<vmem_shared>>
      tpu.enqueue_indirect_dma source(%arg11 : memref<64x128xf32, #tpu.memory_space<vmem>>) target(%dma_start3A_278 : memref<10240x128xf32, #tpu.memory_space<vmem_shared>>) offsets(%dma_start3A_275 : memref<64xi32, #tpu.memory_space<vmem>>) semaphore(%arg17 : memref<!tpu.dma_semaphore, #tpu.memory_space<semaphore_mem>>) {add = true}
      %mul3A_279 = arith.constant 3 : i32
      %mul3A_280 = arith.muli %scan3A_220, %mul3A_279 : i32
      %add3A_281 = arith.constant 2 : i32
      %add3A_282 = arith.addi %mul3A_280, %add3A_281 : i32
      %ge3A_283 = arith.constant 1 : i32
      %ge3A_284 = arith.cmpi sge, %add3A_282, %ge3A_283 : i32
      %convert_element_type3A_285 = arith.extui %ge3A_284 : i1 to i32
      %cond3A_286 = arith.constant 0 : i32
      %cond3A_287 = arith.cmpi ne, %convert_element_type3A_285, %cond3A_286 : i32
      scf.if %cond3A_287 {
        %dma_wait3A_309 = arith.constant 1 : i32
        %dma_wait3A_310 = arith.constant 0 : i32
        %dma_wait3A_311 = tpu.memref_slice %arg9[%dma_wait3A_309, %dma_wait3A_310] : memref<3x64xi32, #tpu.memory_space<vmem>> -> memref<1x64xi32, #tpu.memory_space<vmem>>
        %dma_wait3A_312 = tpu.memref_squeeze %dma_wait3A_311 : memref<1x64xi32, #tpu.memory_space<vmem>> -> memref<64xi32, #tpu.memory_space<vmem>>
        %dma_wait3A_313 = arith.constant 0 : i32
        %dma_wait3A_314 = arith.constant 0 : i32
        %dma_wait3A_315 = tpu.memref_slice %arg6[%dma_wait3A_313, %dma_wait3A_314] : memref<10240x128xf32, #tpu.memory_space<vmem_shared>> -> memref<10240x128xf32, #tpu.memory_space<vmem_shared>>
        tpu.wait_indirect_dma semaphore(%arg17 : memref<!tpu.dma_semaphore, #tpu.memory_space<semaphore_mem>>) src(%arg11 : memref<64x128xf32, #tpu.memory_space<vmem>>) dst(%dma_wait3A_315 : memref<10240x128xf32, #tpu.memory_space<vmem_shared>>)
      } else {
      }
      %add3A_288 = arith.constant 2 : i32
      %add3A_289 = arith.addi %add3A_282, %add3A_288 : i32
      %lt3A_290 = arith.constant 159 : i32
      %lt3A_291 = arith.cmpi slt, %add3A_289, %lt3A_290 : i32
      %convert_element_type3A_292 = arith.extui %lt3A_291 : i1 to i32
      %cond3A_293 = arith.constant 0 : i32
      %cond3A_294 = arith.cmpi ne, %convert_element_type3A_292, %cond3A_293 : i32
      scf.if %cond3A_294 {
        %add3A_309 = arith.constant 2 : i32
        %add3A_310 = arith.addi %add3A_282, %add3A_309 : i32
        %get3A_311 = arith.index_cast %add3A_310 : i32 to index
        %get3A_312 = arith.constant 0 : index
        %get3A_313 = tpu.vector_load %arg7[%get3A_311, %get3A_312] {strides = array<i32>} : memref<159x64xi32, #tpu.memory_space<vmem>>, vector<16xi32>,
        %and3A_314 = arith.constant 65535 : i32
        %and3A_315 = vector.broadcast %and3A_314 : i32 to vector<16xi32>
        %and3A_316 = arith.andi %get3A_313, %and3A_315 : vector<16xi32>
        %swap3A_317 = arith.constant 1 : i32
        %swap3A_318 = arith.index_cast %swap3A_317 : i32 to index
        %swap3A_319 = arith.constant 0 : index
        %swap3A_320 = tpu.vector_load %arg8[%swap3A_318, %swap3A_319] {strides = array<i32>} : memref<3x64xi32, #tpu.memory_space<vmem>>, vector<16xi32>,
        tpu.vector_store %arg8[%swap3A_318, %swap3A_319], %and3A_316 {strides = array<i32>} : memref<3x64xi32, #tpu.memory_space<vmem>>, vector<16xi32>,
        %shift_right_logical3A_321 = arith.constant 16 : i32
        %shift_right_logical3A_322 = vector.broadcast %shift_right_logical3A_321 : i32 to vector<16xi32>
        %shift_right_logical3A_323 = arith.shrui %get3A_313, %shift_right_logical3A_322 : vector<16xi32>
        %swap3A_324 = arith.constant 1 : i32
        %swap3A_325 = arith.index_cast %swap3A_324 : i32 to index
        %swap3A_326 = arith.constant 0 : index
        %swap3A_327 = tpu.vector_load %arg9[%swap3A_325, %swap3A_326] {strides = array<i32>} : memref<3x64xi32, #tpu.memory_space<vmem>>, vector<16xi32>,
        tpu.vector_store %arg9[%swap3A_325, %swap3A_326], %shift_right_logical3A_323 {strides = array<i32>} : memref<3x64xi32, #tpu.memory_space<vmem>>, vector<16xi32>,
        %get3A_328 = arith.index_cast %add3A_310 : i32 to index
        %get3A_329 = arith.constant 16 : index
        %get3A_330 = tpu.vector_load %arg7[%get3A_328, %get3A_329] {strides = array<i32>} : memref<159x64xi32, #tpu.memory_space<vmem>>, vector<16xi32>,
        %and3A_331 = arith.constant 65535 : i32
        %and3A_332 = vector.broadcast %and3A_331 : i32 to vector<16xi32>
        %and3A_333 = arith.andi %get3A_330, %and3A_332 : vector<16xi32>
        %swap3A_334 = arith.constant 1 : i32
        %swap3A_335 = arith.index_cast %swap3A_334 : i32 to index
        %swap3A_336 = arith.constant 16 : index
        %swap3A_337 = tpu.vector_load %arg8[%swap3A_335, %swap3A_336] {strides = array<i32>} : memref<3x64xi32, #tpu.memory_space<vmem>>, vector<16xi32>,
        tpu.vector_store %arg8[%swap3A_335, %swap3A_336], %and3A_333 {strides = array<i32>} : memref<3x64xi32, #tpu.memory_space<vmem>>, vector<16xi32>,
        %shift_right_logical3A_338 = arith.constant 16 : i32
        %shift_right_logical3A_339 = vector.broadcast %shift_right_logical3A_338 : i32 to vector<16xi32>
        %shift_right_logical3A_340 = arith.shrui %get3A_330, %shift_right_logical3A_339 : vector<16xi32>
        %swap3A_341 = arith.constant 1 : i32
        %swap3A_342 = arith.index_cast %swap3A_341 : i32 to index
        %swap3A_343 = arith.constant 16 : index
        %swap3A_344 = tpu.vector_load %arg9[%swap3A_342, %swap3A_343] {strides = array<i32>} : memref<3x64xi32, #tpu.memory_space<vmem>>, vector<16xi32>,
        tpu.vector_store %arg9[%swap3A_342, %swap3A_343], %shift_right_logical3A_340 {strides = array<i32>} : memref<3x64xi32, #tpu.memory_space<vmem>>, vector<16xi32>,
        %get3A_345 = arith.index_cast %add3A_310 : i32 to index
        %get3A_346 = arith.constant 32 : index
        %get3A_347 = tpu.vector_load %arg7[%get3A_345, %get3A_346] {strides = array<i32>} : memref<159x64xi32, #tpu.memory_space<vmem>>, vector<16xi32>,
        %and3A_348 = arith.constant 65535 : i32
        %and3A_349 = vector.broadcast %and3A_348 : i32 to vector<16xi32>
        %and3A_350 = arith.andi %get3A_347, %and3A_349 : vector<16xi32>
        %swap3A_351 = arith.constant 1 : i32
        %swap3A_352 = arith.index_cast %swap3A_351 : i32 to index
        %swap3A_353 = arith.constant 32 : index
        %swap3A_354 = tpu.vector_load %arg8[%swap3A_352, %swap3A_353] {strides = array<i32>} : memref<3x64xi32, #tpu.memory_space<vmem>>, vector<16xi32>,
        tpu.vector_store %arg8[%swap3A_352, %swap3A_353], %and3A_350 {strides = array<i32>} : memref<3x64xi32, #tpu.memory_space<vmem>>, vector<16xi32>,
        %shift_right_logical3A_355 = arith.constant 16 : i32
        %shift_right_logical3A_356 = vector.broadcast %shift_right_logical3A_355 : i32 to vector<16xi32>
        %shift_right_logical3A_357 = arith.shrui %get3A_347, %shift_right_logical3A_356 : vector<16xi32>
        %swap3A_358 = arith.constant 1 : i32
        %swap3A_359 = arith.index_cast %swap3A_358 : i32 to index
        %swap3A_360 = arith.constant 32 : index
        %swap3A_361 = tpu.vector_load %arg9[%swap3A_359, %swap3A_360] {strides = array<i32>} : memref<3x64xi32, #tpu.memory_space<vmem>>, vector<16xi32>,
        tpu.vector_store %arg9[%swap3A_359, %swap3A_360], %shift_right_logical3A_357 {strides = array<i32>} : memref<3x64xi32, #tpu.memory_space<vmem>>, vector<16xi32>,
        %get3A_362 = arith.index_cast %add3A_310 : i32 to index
        %get3A_363 = arith.constant 48 : index
        %get3A_364 = tpu.vector_load %arg7[%get3A_362, %get3A_363] {strides = array<i32>} : memref<159x64xi32, #tpu.memory_space<vmem>>, vector<16xi32>,
        %and3A_365 = arith.constant 65535 : i32
        %and3A_366 = vector.broadcast %and3A_365 : i32 to vector<16xi32>
        %and3A_367 = arith.andi %get3A_364, %and3A_366 : vector<16xi32>
        %swap3A_368 = arith.constant 1 : i32
        %swap3A_369 = arith.index_cast %swap3A_368 : i32 to index
        %swap3A_370 = arith.constant 48 : index
        %swap3A_371 = tpu.vector_load %arg8[%swap3A_369, %swap3A_370] {strides = array<i32>} : memref<3x64xi32, #tpu.memory_space<vmem>>, vector<16xi32>,
        tpu.vector_store %arg8[%swap3A_369, %swap3A_370], %and3A_367 {strides = array<i32>} : memref<3x64xi32, #tpu.memory_space<vmem>>, vector<16xi32>,
        %shift_right_logical3A_372 = arith.constant 16 : i32
        %shift_right_logical3A_373 = vector.broadcast %shift_right_logical3A_372 : i32 to vector<16xi32>
        %shift_right_logical3A_374 = arith.shrui %get3A_364, %shift_right_logical3A_373 : vector<16xi32>
        %swap3A_375 = arith.constant 1 : i32
        %swap3A_376 = arith.index_cast %swap3A_375 : i32 to index
        %swap3A_377 = arith.constant 48 : index
        %swap3A_378 = tpu.vector_load %arg9[%swap3A_376, %swap3A_377] {strides = array<i32>} : memref<3x64xi32, #tpu.memory_space<vmem>>, vector<16xi32>,
        tpu.vector_store %arg9[%swap3A_376, %swap3A_377], %shift_right_logical3A_374 {strides = array<i32>} : memref<3x64xi32, #tpu.memory_space<vmem>>, vector<16xi32>,
        %dma_start3A_379 = arith.constant 1 : i32
        %dma_start3A_380 = arith.constant 0 : i32
        %dma_start3A_381 = tpu.memref_slice %arg8[%dma_start3A_379, %dma_start3A_380] : memref<3x64xi32, #tpu.memory_space<vmem>> -> memref<1x64xi32, #tpu.memory_space<vmem>>
        %dma_start3A_382 = tpu.memref_squeeze %dma_start3A_381 : memref<1x64xi32, #tpu.memory_space<vmem>> -> memref<64xi32, #tpu.memory_space<vmem>>
        %dma_start3A_383 = arith.constant 0 : i32
        %dma_start3A_384 = arith.constant 0 : i32
        %dma_start3A_385 = tpu.memref_slice %arg2[%dma_start3A_383, %dma_start3A_384] : memref<10240x128xf32, #tpu.memory_space<hbm>> -> memref<10240x128xf32, #tpu.memory_space<hbm>>
        tpu.enqueue_indirect_dma source(%dma_start3A_385 : memref<10240x128xf32, #tpu.memory_space<hbm>>) target(%arg11 : memref<64x128xf32, #tpu.memory_space<vmem>>) offsets(%dma_start3A_382 : memref<64xi32, #tpu.memory_space<vmem>>) semaphore(%arg14 : memref<!tpu.dma_semaphore, #tpu.memory_space<semaphore_mem>>)
      } else {
      }
      %dma_wait3A_295 = arith.constant 2 : i32
      %dma_wait3A_296 = arith.constant 0 : i32
      %dma_wait3A_297 = tpu.memref_slice %arg8[%dma_wait3A_295, %dma_wait3A_296] : memref<3x64xi32, #tpu.memory_space<vmem>> -> memref<1x64xi32, #tpu.memory_space<vmem>>
      %dma_wait3A_298 = tpu.memref_squeeze %dma_wait3A_297 : memref<1x64xi32, #tpu.memory_space<vmem>> -> memref<64xi32, #tpu.memory_space<vmem>>
      %dma_wait3A_299 = arith.constant 0 : i32
      %dma_wait3A_300 = arith.constant 0 : i32
      %dma_wait3A_301 = tpu.memref_slice %arg2[%dma_wait3A_299, %dma_wait3A_300] : memref<10240x128xf32, #tpu.memory_space<hbm>> -> memref<10240x128xf32, #tpu.memory_space<hbm>>
      tpu.wait_indirect_dma semaphore(%arg15 : memref<!tpu.dma_semaphore, #tpu.memory_space<semaphore_mem>>) src(%dma_wait3A_301 : memref<10240x128xf32, #tpu.memory_space<hbm>>) dst(%arg12 : memref<64x128xf32, #tpu.memory_space<vmem>>)
      %dma_start3A_302 = arith.constant 2 : i32
      %dma_start3A_303 = arith.constant 0 : i32
      %dma_start3A_304 = tpu.memref_slice %arg9[%dma_start3A_302, %dma_start3A_303] : memref<3x64xi32, #tpu.memory_space<vmem>> -> memref<1x64xi32, #tpu.memory_space<vmem>>
      %dma_start3A_305 = tpu.memref_squeeze %dma_start3A_304 : memref<1x64xi32, #tpu.memory_space<vmem>> -> memref<64xi32, #tpu.memory_space<vmem>>
      %dma_start3A_306 = arith.constant 0 : i32
      %dma_start3A_307 = arith.constant 0 : i32
      %dma_start3A_308 = tpu.memref_slice %arg6[%dma_start3A_306, %dma_start3A_307] : memref<10240x128xf32, #tpu.memory_space<vmem_shared>> -> memref<10240x128xf32, #tpu.memory_space<vmem_shared>>
      tpu.enqueue_indirect_dma source(%arg12 : memref<64x128xf32, #tpu.memory_space<vmem>>) target(%dma_start3A_308 : memref<10240x128xf32, #tpu.memory_space<vmem_shared>>) offsets(%dma_start3A_305 : memref<64xi32, #tpu.memory_space<vmem>>) semaphore(%arg18 : memref<!tpu.dma_semaphore, #tpu.memory_space<semaphore_mem>>) {add = true}
    }
    %scan3A_203 = arith.constant 53 : i32
    %dma_wait3A = arith.constant 2 : i32
    %dma_wait3A_204 = arith.constant 0 : i32
    %dma_wait3A_205 = tpu.memref_slice %arg9[%dma_wait3A, %dma_wait3A_204] : memref<3x64xi32, #tpu.memory_space<vmem>> -> memref<1x64xi32, #tpu.memory_space<vmem>>
    %dma_wait3A_206 = tpu.memref_squeeze %dma_wait3A_205 : memref<1x64xi32, #tpu.memory_space<vmem>> -> memref<64xi32, #tpu.memory_space<vmem>>
    %dma_wait3A_207 = arith.constant 0 : i32
    %dma_wait3A_208 = arith.constant 0 : i32
    %dma_wait3A_209 = tpu.memref_slice %arg6[%dma_wait3A_207, %dma_wait3A_208] : memref<10240x128xf32, #tpu.memory_space<vmem_shared>> -> memref<10240x128xf32, #tpu.memory_space<vmem_shared>>
    tpu.wait_indirect_dma semaphore(%arg18 : memref<!tpu.dma_semaphore, #tpu.memory_space<semaphore_mem>>) src(%arg12 : memref<64x128xf32, #tpu.memory_space<vmem>>) dst(%dma_wait3A_209 : memref<10240x128xf32, #tpu.memory_space<vmem_shared>>)
    %barrier3A_210 = arith.constant 0 : index
    tpu.barrier barrier_id(%barrier3A_210)
    %mul3A_211 = arith.constant 640 : i32
    %mul3A_212 = arith.muli %arg1, %mul3A_211 : i32
    %eq3A = arith.constant 0 : i32
    %eq3A_213 = arith.cmpi eq, %arg0, %eq3A : i32
    %convert_element_type3A = arith.extui %eq3A_213 : i1 to i32
    %cond3A = arith.constant 0 : i32
    %cond3A_214 = arith.cmpi ne, %convert_element_type3A, %cond3A : i32
    scf.if %cond3A_214 {
      "tpu.region"() ({
        %run_scoped3A = tpu.sem_alloc : memref<!tpu.dma_semaphore, #tpu.memory_space<semaphore_mem>>
        %dma_start3A_220 = arith.constant 0 : i32
        %dma_start3A_221 = tpu.memref_slice %arg4[%mul3A_212, %dma_start3A_220] : memref<10240x128xf32, #tpu.memory_space<hbm>> -> memref<640x128xf32, #tpu.memory_space<hbm>>
        %dma_start3A_222 = arith.constant 0 : i32
        %dma_start3A_223 = tpu.memref_slice %arg6[%mul3A_212, %dma_start3A_222] : memref<10240x128xf32, #tpu.memory_space<vmem_shared>> -> memref<640x128xf32, #tpu.memory_space<vmem_shared>>
        tpu.enqueue_dma source(%dma_start3A_223 : memref<640x128xf32, #tpu.memory_space<vmem_shared>>) target(%dma_start3A_221 : memref<640x128xf32, #tpu.memory_space<hbm>>) target_semaphore(%run_scoped3A : memref<!tpu.dma_semaphore, #tpu.memory_space<semaphore_mem>>)
        %dma_wait3A_224 = arith.constant 0 : i32
        %dma_wait3A_225 = tpu.memref_slice %arg4[%mul3A_212, %dma_wait3A_224] : memref<10240x128xf32, #tpu.memory_space<hbm>> -> memref<640x128xf32, #tpu.memory_space<hbm>>
        %dma_wait3A_226 = arith.constant 0 : i32
        %dma_wait3A_227 = tpu.memref_slice %arg6[%mul3A_212, %dma_wait3A_226] : memref<10240x128xf32, #tpu.memory_space<vmem_shared>> -> memref<640x128xf32, #tpu.memory_space<vmem_shared>>
        tpu.wait_dma2 semaphore(%run_scoped3A : memref<!tpu.dma_semaphore, #tpu.memory_space<semaphore_mem>>) src(%dma_wait3A_227 : memref<640x128xf32, #tpu.memory_space<vmem_shared>>) dst(%dma_wait3A_225 : memref<640x128xf32, #tpu.memory_space<hbm>>)
        tpu.yield
      }) : () -> ()
    } else {
    }
    %eq3A_215 = arith.constant 1 : i32
    %eq3A_216 = arith.cmpi eq, %arg0, %eq3A_215 : i32
    %convert_element_type3A_217 = arith.extui %eq3A_216 : i1 to i32
    %cond3A_218 = arith.constant 0 : i32
    %cond3A_219 = arith.cmpi ne, %convert_element_type3A_217, %cond3A_218 : i32
    scf.if %cond3A_219 {
      "tpu.region"() ({
        %run_scoped3A = tpu.sem_alloc : memref<!tpu.dma_semaphore, #tpu.memory_space<semaphore_mem>>
        %dma_start3A_220 = arith.constant 0 : i32
        %dma_start3A_221 = tpu.memref_slice %arg5[%mul3A_212, %dma_start3A_220] : memref<10240x128xf32, #tpu.memory_space<hbm>> -> memref<640x128xf32, #tpu.memory_space<hbm>>
        %dma_start3A_222 = arith.constant 0 : i32
        %dma_start3A_223 = tpu.memref_slice %arg6[%mul3A_212, %dma_start3A_222] : memref<10240x128xf32, #tpu.memory_space<vmem_shared>> -> memref<640x128xf32, #tpu.memory_space<vmem_shared>>
        tpu.enqueue_dma source(%dma_start3A_223 : memref<640x128xf32, #tpu.memory_space<vmem_shared>>) target(%dma_start3A_221 : memref<640x128xf32, #tpu.memory_space<hbm>>) target_semaphore(%run_scoped3A : memref<!tpu.dma_semaphore, #tpu.memory_space<semaphore_mem>>)
        %dma_wait3A_224 = arith.constant 0 : i32
        %dma_wait3A_225 = tpu.memref_slice %arg5[%mul3A_212, %dma_wait3A_224] : memref<10240x128xf32, #tpu.memory_space<hbm>> -> memref<640x128xf32, #tpu.memory_space<hbm>>
        %dma_wait3A_226 = arith.constant 0 : i32
        %dma_wait3A_227 = tpu.memref_slice %arg6[%mul3A_212, %dma_wait3A_226] : memref<10240x128xf32, #tpu.memory_space<vmem_shared>> -> memref<640x128xf32, #tpu.memory_space<vmem_shared>>
        tpu.wait_dma2 semaphore(%run_scoped3A : memref<!tpu.dma_semaphore, #tpu.memory_space<semaphore_mem>>) src(%dma_wait3A_227 : memref<640x128xf32, #tpu.memory_space<vmem_shared>>) dst(%dma_wait3A_225 : memref<640x128xf32, #tpu.memory_space<hbm>>)
        tpu.yield
      }) : () -> ()
    } else {
    }
    return
  }
}

#map = affine_map<(d0, d1) -> (0, 0)>
#map1 = affine_map<(d0, d1) -> (0, 0, 0)>
module attributes {stable_mosaic.version = 14 : i64} {
  func.func @_spmm_body(%arg0: i32, %arg1: i32, %arg2: memref<10240x128xf32, #tpu.memory_space<hbm>>, %arg3: memref<32x159x64xi32, #tpu.memory_space<hbm>>, %arg4: memref<10240x128xf32, #tpu.memory_space<hbm>>, %arg5: memref<10240x128xf32, #tpu.memory_space<hbm>>, %arg6: memref<10240x128xf32, #tpu.memory_space<vmem_shared>>, %arg7: memref<159x64xi32, #tpu.memory_space<vmem>>, %arg8: memref<3x64xi32, #tpu.memory_space<vmem>>, %arg9: memref<3x64xi32, #tpu.memory_space<vmem>>, %arg10: memref<64x128xf32, #tpu.memory_space<vmem>>, %arg11: memref<64x128xf32, #tpu.memory_space<vmem>>, %arg12: memref<64x128xf32, #tpu.memory_space<vmem>>, %arg13: memref<!tpu.dma_semaphore, #tpu.memory_space<semaphore_mem>>, %arg14: memref<!tpu.dma_semaphore, #tpu.memory_space<semaphore_mem>>, %arg15: memref<!tpu.dma_semaphore, #tpu.memory_space<semaphore_mem>>, %arg16: memref<!tpu.dma_semaphore, #tpu.memory_space<semaphore_mem>>, %arg17: memref<!tpu.dma_semaphore, #tpu.memory_space<semaphore_mem>>, %arg18: memref<!tpu.dma_semaphore, #tpu.memory_space<semaphore_mem>>) attributes {dimension_semantics = [#tpu.dimension_semantics<core_parallel>, #tpu.dimension_semantics<subcore_parallel>], iteration_bounds = array<i64: 2, 16>, scalar_prefetch = 0 : i64, scratch_operands = 13 : i64, tpu.core_type = #tpu.core_type<sc_vector_subcore>, window_params = [{transform_indices = #map}, {transform_indices = #map1}, {transform_indices = #map}, {transform_indices = #map}]} {
    %mul3A = arith.constant 2 : i32
    %mul3A_0 = arith.muli %arg1, %mul3A : i32
    %add3A = arith.addi %mul3A_0, %arg0 : i32
    "tpu.region"() ({
      %run_scoped3A = tpu.sem_alloc : memref<!tpu.dma_semaphore, #tpu.memory_space<semaphore_mem>>
      %dma_start3A_220 = arith.constant 0 : i32
      %dma_start3A_221 = arith.constant 0 : i32
      %dma_start3A_222 = tpu.memref_slice %arg3[%add3A, %dma_start3A_220, %dma_start3A_221] : memref<32x159x64xi32, #tpu.memory_space<hbm>> -> memref<1x159x64xi32, #tpu.memory_space<hbm>>
      %dma_start3A_223 = tpu.memref_squeeze %dma_start3A_222 : memref<1x159x64xi32, #tpu.memory_space<hbm>> -> memref<159x64xi32, #tpu.memory_space<hbm>>
      %dma_start3A_224 = arith.constant 0 : i32
      %dma_start3A_225 = arith.constant 0 : i32
      %dma_start3A_226 = tpu.memref_slice %arg3[%add3A, %dma_start3A_224, %dma_start3A_225] : memref<32x159x64xi32, #tpu.memory_space<hbm>> -> memref<1x159x64xi32, #tpu.memory_space<hbm>>
      %dma_start3A_227 = tpu.memref_squeeze %dma_start3A_226 : memref<1x159x64xi32, #tpu.memory_space<hbm>> -> memref<159x64xi32, #tpu.memory_space<hbm>>
      tpu.enqueue_dma source(%dma_start3A_227 : memref<159x64xi32, #tpu.memory_space<hbm>>) target(%arg7 : memref<159x64xi32, #tpu.memory_space<vmem>>) target_semaphore(%run_scoped3A : memref<!tpu.dma_semaphore, #tpu.memory_space<semaphore_mem>>)
      %dma_wait3A_228 = arith.constant 0 : i32
      %dma_wait3A_229 = arith.constant 0 : i32
      %dma_wait3A_230 = tpu.memref_slice %arg3[%add3A, %dma_wait3A_228, %dma_wait3A_229] : memref<32x159x64xi32, #tpu.memory_space<hbm>> -> memref<1x159x64xi32, #tpu.memory_space<hbm>>
      %dma_wait3A_231 = tpu.memref_squeeze %dma_wait3A_230 : memref<1x159x64xi32, #tpu.memory_space<hbm>> -> memref<159x64xi32, #tpu.memory_space<hbm>>
      %dma_wait3A_232 = arith.constant 0 : i32
      %dma_wait3A_233 = arith.constant 0 : i32
      %dma_wait3A_234 = tpu.memref_slice %arg3[%add3A, %dma_wait3A_232, %dma_wait3A_233] : memref<32x159x64xi32, #tpu.memory_space<hbm>> -> memref<1x159x64xi32, #tpu.memory_space<hbm>>
      %dma_wait3A_235 = tpu.memref_squeeze %dma_wait3A_234 : memref<1x159x64xi32, #tpu.memory_space<hbm>> -> memref<159x64xi32, #tpu.memory_space<hbm>>
      tpu.wait_dma2 semaphore(%run_scoped3A : memref<!tpu.dma_semaphore, #tpu.memory_space<semaphore_mem>>) src(%dma_wait3A_235 : memref<159x64xi32, #tpu.memory_space<hbm>>) dst(%arg7 : memref<159x64xi32, #tpu.memory_space<vmem>>)
      tpu.yield
    }) : () -> ()
    %broadcast_in_dim3A = arith.constant 0.000000e+00 : f32
    %broadcast_in_dim3A_1 = vector.broadcast %broadcast_in_dim3A : f32 to vector<16xf32>
    %scan3A = arith.constant 0 : i32
    %scan3A_2 = arith.constant 64 : i32
    %scan3A_3 = arith.addi %scan3A, %scan3A_2 : i32
    %scan3A_4 = arith.constant 1 : i32
    scf.for %scan3A_220 = %scan3A to %scan3A_3 step %scan3A_4  : i32 {
      %swap3A_221 = arith.index_cast %scan3A_220 : i32 to index
      %swap3A_222 = arith.constant 0 : index
      %swap3A_223 = tpu.vector_load %arg10[%swap3A_221, %swap3A_222] {strides = array<i32>} : memref<64x128xf32, #tpu.memory_space<vmem>>, vector<16xf32>,
      tpu.vector_store %arg10[%swap3A_221, %swap3A_222], %broadcast_in_dim3A_1 {strides = array<i32>} : memref<64x128xf32, #tpu.memory_space<vmem>>, vector<16xf32>,
      %swap3A_224 = arith.index_cast %scan3A_220 : i32 to index
      %swap3A_225 = arith.constant 16 : index
      %swap3A_226 = tpu.vector_load %arg10[%swap3A_224, %swap3A_225] {strides = array<i32>} : memref<64x128xf32, #tpu.memory_space<vmem>>, vector<16xf32>,
      tpu.vector_store %arg10[%swap3A_224, %swap3A_225], %broadcast_in_dim3A_1 {strides = array<i32>} : memref<64x128xf32, #tpu.memory_space<vmem>>, vector<16xf32>,
      %swap3A_227 = arith.index_cast %scan3A_220 : i32 to index
      %swap3A_228 = arith.constant 32 : index
      %swap3A_229 = tpu.vector_load %arg10[%swap3A_227, %swap3A_228] {strides = array<i32>} : memref<64x128xf32, #tpu.memory_space<vmem>>, vector<16xf32>,
      tpu.vector_store %arg10[%swap3A_227, %swap3A_228], %broadcast_in_dim3A_1 {strides = array<i32>} : memref<64x128xf32, #tpu.memory_space<vmem>>, vector<16xf32>,
      %swap3A_230 = arith.index_cast %scan3A_220 : i32 to index
      %swap3A_231 = arith.constant 48 : index
      %swap3A_232 = tpu.vector_load %arg10[%swap3A_230, %swap3A_231] {strides = array<i32>} : memref<64x128xf32, #tpu.memory_space<vmem>>, vector<16xf32>,
      tpu.vector_store %arg10[%swap3A_230, %swap3A_231], %broadcast_in_dim3A_1 {strides = array<i32>} : memref<64x128xf32, #tpu.memory_space<vmem>>, vector<16xf32>,
      %swap3A_233 = arith.index_cast %scan3A_220 : i32 to index
      %swap3A_234 = arith.constant 64 : index
      %swap3A_235 = tpu.vector_load %arg10[%swap3A_233, %swap3A_234] {strides = array<i32>} : memref<64x128xf32, #tpu.memory_space<vmem>>, vector<16xf32>,
      tpu.vector_store %arg10[%swap3A_233, %swap3A_234], %broadcast_in_dim3A_1 {strides = array<i32>} : memref<64x128xf32, #tpu.memory_space<vmem>>, vector<16xf32>,
      %swap3A_236 = arith.index_cast %scan3A_220 : i32 to index
      %swap3A_237 = arith.constant 80 : index
      %swap3A_238 = tpu.vector_load %arg10[%swap3A_236, %swap3A_237] {strides = array<i32>} : memref<64x128xf32, #tpu.memory_space<vmem>>, vector<16xf32>,
      tpu.vector_store %arg10[%swap3A_236, %swap3A_237], %broadcast_in_dim3A_1 {strides = array<i32>} : memref<64x128xf32, #tpu.memory_space<vmem>>, vector<16xf32>,
      %swap3A_239 = arith.index_cast %scan3A_220 : i32 to index
      %swap3A_240 = arith.constant 96 : index
      %swap3A_241 = tpu.vector_load %arg10[%swap3A_239, %swap3A_240] {strides = array<i32>} : memref<64x128xf32, #tpu.memory_space<vmem>>, vector<16xf32>,
      tpu.vector_store %arg10[%swap3A_239, %swap3A_240], %broadcast_in_dim3A_1 {strides = array<i32>} : memref<64x128xf32, #tpu.memory_space<vmem>>, vector<16xf32>,
      %swap3A_242 = arith.index_cast %scan3A_220 : i32 to index
      %swap3A_243 = arith.constant 112 : index
      %swap3A_244 = tpu.vector_load %arg10[%swap3A_242, %swap3A_243] {strides = array<i32>} : memref<64x128xf32, #tpu.memory_space<vmem>>, vector<16xf32>,
      tpu.vector_store %arg10[%swap3A_242, %swap3A_243], %broadcast_in_dim3A_1 {strides = array<i32>} : memref<64x128xf32, #tpu.memory_space<vmem>>, vector<16xf32>,
    }
    %scan3A_5 = arith.constant 64 : i32
    %mul3A_6 = arith.constant 640 : i32
    %mul3A_7 = arith.muli %arg1, %mul3A_6 : i32
    %add3A_8 = arith.constant 0 : i32
    %add3A_9 = arith.addi %mul3A_7, %add3A_8 : i32
    "tpu.region"() ({
      %run_scoped3A = tpu.sem_alloc : memref<!tpu.dma_semaphore, #tpu.memory_space<semaphore_mem>>
      %dma_start3A_220 = arith.constant 0 : i32
      %dma_start3A_221 = tpu.memref_slice %arg6[%add3A_9, %dma_start3A_220] : memref<10240x128xf32, #tpu.memory_space<vmem_shared>> -> memref<64x128xf32, #tpu.memory_space<vmem_shared>>
      %dma_start3A_222 = arith.constant 0 : i32
      %dma_start3A_223 = tpu.memref_slice %arg6[%add3A_9, %dma_start3A_222] : memref<10240x128xf32, #tpu.memory_space<vmem_shared>> -> memref<64x128xf32, #tpu.memory_space<vmem_shared>>
      tpu.enqueue_dma source(%arg10 : memref<64x128xf32, #tpu.memory_space<vmem>>) target(%dma_start3A_223 : memref<64x128xf32, #tpu.memory_space<vmem_shared>>) target_semaphore(%run_scoped3A : memref<!tpu.dma_semaphore, #tpu.memory_space<semaphore_mem>>)
      %dma_wait3A_224 = arith.constant 0 : i32
      %dma_wait3A_225 = tpu.memref_slice %arg6[%add3A_9, %dma_wait3A_224] : memref<10240x128xf32, #tpu.memory_space<vmem_shared>> -> memref<64x128xf32, #tpu.memory_space<vmem_shared>>
      %dma_wait3A_226 = arith.constant 0 : i32
      %dma_wait3A_227 = tpu.memref_slice %arg6[%add3A_9, %dma_wait3A_226] : memref<10240x128xf32, #tpu.memory_space<vmem_shared>> -> memref<64x128xf32, #tpu.memory_space<vmem_shared>>
      tpu.wait_dma2 semaphore(%run_scoped3A : memref<!tpu.dma_semaphore, #tpu.memory_space<semaphore_mem>>) src(%arg10 : memref<64x128xf32, #tpu.memory_space<vmem>>) dst(%dma_wait3A_227 : memref<64x128xf32, #tpu.memory_space<vmem_shared>>)
      tpu.yield
    }) : () -> ()
    %mul3A_10 = arith.constant 640 : i32
    %mul3A_11 = arith.muli %arg1, %mul3A_10 : i32
    %add3A_12 = arith.constant 64 : i32
    %add3A_13 = arith.addi %mul3A_11, %add3A_12 : i32
    "tpu.region"() ({
      %run_scoped3A = tpu.sem_alloc : memref<!tpu.dma_semaphore, #tpu.memory_space<semaphore_mem>>
      %dma_start3A_220 = arith.constant 0 : i32
      %dma_start3A_221 = tpu.memref_slice %arg6[%add3A_13, %dma_start3A_220] : memref<10240x128xf32, #tpu.memory_space<vmem_shared>> -> memref<64x128xf32, #tpu.memory_space<vmem_shared>>
      %dma_start3A_222 = arith.constant 0 : i32
      %dma_start3A_223 = tpu.memref_slice %arg6[%add3A_13, %dma_start3A_222] : memref<10240x128xf32, #tpu.memory_space<vmem_shared>> -> memref<64x128xf32, #tpu.memory_space<vmem_shared>>
      tpu.enqueue_dma source(%arg10 : memref<64x128xf32, #tpu.memory_space<vmem>>) target(%dma_start3A_223 : memref<64x128xf32, #tpu.memory_space<vmem_shared>>) target_semaphore(%run_scoped3A : memref<!tpu.dma_semaphore, #tpu.memory_space<semaphore_mem>>)
      %dma_wait3A_224 = arith.constant 0 : i32
      %dma_wait3A_225 = tpu.memref_slice %arg6[%add3A_13, %dma_wait3A_224] : memref<10240x128xf32, #tpu.memory_space<vmem_shared>> -> memref<64x128xf32, #tpu.memory_space<vmem_shared>>
      %dma_wait3A_226 = arith.constant 0 : i32
      %dma_wait3A_227 = tpu.memref_slice %arg6[%add3A_13, %dma_wait3A_226] : memref<10240x128xf32, #tpu.memory_space<vmem_shared>> -> memref<64x128xf32, #tpu.memory_space<vmem_shared>>
      tpu.wait_dma2 semaphore(%run_scoped3A : memref<!tpu.dma_semaphore, #tpu.memory_space<semaphore_mem>>) src(%arg10 : memref<64x128xf32, #tpu.memory_space<vmem>>) dst(%dma_wait3A_227 : memref<64x128xf32, #tpu.memory_space<vmem_shared>>)
      tpu.yield
    }) : () -> ()
    %mul3A_14 = arith.constant 640 : i32
    %mul3A_15 = arith.muli %arg1, %mul3A_14 : i32
    %add3A_16 = arith.constant 128 : i32
    %add3A_17 = arith.addi %mul3A_15, %add3A_16 : i32
    "tpu.region"() ({
      %run_scoped3A = tpu.sem_alloc : memref<!tpu.dma_semaphore, #tpu.memory_space<semaphore_mem>>
      %dma_start3A_220 = arith.constant 0 : i32
      %dma_start3A_221 = tpu.memref_slice %arg6[%add3A_17, %dma_start3A_220] : memref<10240x128xf32, #tpu.memory_space<vmem_shared>> -> memref<64x128xf32, #tpu.memory_space<vmem_shared>>
      %dma_start3A_222 = arith.constant 0 : i32
      %dma_start3A_223 = tpu.memref_slice %arg6[%add3A_17, %dma_start3A_222] : memref<10240x128xf32, #tpu.memory_space<vmem_shared>> -> memref<64x128xf32, #tpu.memory_space<vmem_shared>>
      tpu.enqueue_dma source(%arg10 : memref<64x128xf32, #tpu.memory_space<vmem>>) target(%dma_start3A_223 : memref<64x128xf32, #tpu.memory_space<vmem_shared>>) target_semaphore(%run_scoped3A : memref<!tpu.dma_semaphore, #tpu.memory_space<semaphore_mem>>)
      %dma_wait3A_224 = arith.constant 0 : i32
      %dma_wait3A_225 = tpu.memref_slice %arg6[%add3A_17, %dma_wait3A_224] : memref<10240x128xf32, #tpu.memory_space<vmem_shared>> -> memref<64x128xf32, #tpu.memory_space<vmem_shared>>
      %dma_wait3A_226 = arith.constant 0 : i32
      %dma_wait3A_227 = tpu.memref_slice %arg6[%add3A_17, %dma_wait3A_226] : memref<10240x128xf32, #tpu.memory_space<vmem_shared>> -> memref<64x128xf32, #tpu.memory_space<vmem_shared>>
      tpu.wait_dma2 semaphore(%run_scoped3A : memref<!tpu.dma_semaphore, #tpu.memory_space<semaphore_mem>>) src(%arg10 : memref<64x128xf32, #tpu.memory_space<vmem>>) dst(%dma_wait3A_227 : memref<64x128xf32, #tpu.memory_space<vmem_shared>>)
      tpu.yield
    }) : () -> ()
    %mul3A_18 = arith.constant 640 : i32
    %mul3A_19 = arith.muli %arg1, %mul3A_18 : i32
    %add3A_20 = arith.constant 192 : i32
    %add3A_21 = arith.addi %mul3A_19, %add3A_20 : i32
    "tpu.region"() ({
      %run_scoped3A = tpu.sem_alloc : memref<!tpu.dma_semaphore, #tpu.memory_space<semaphore_mem>>
      %dma_start3A_220 = arith.constant 0 : i32
      %dma_start3A_221 = tpu.memref_slice %arg6[%add3A_21, %dma_start3A_220] : memref<10240x128xf32, #tpu.memory_space<vmem_shared>> -> memref<64x128xf32, #tpu.memory_space<vmem_shared>>
      %dma_start3A_222 = arith.constant 0 : i32
      %dma_start3A_223 = tpu.memref_slice %arg6[%add3A_21, %dma_start3A_222] : memref<10240x128xf32, #tpu.memory_space<vmem_shared>> -> memref<64x128xf32, #tpu.memory_space<vmem_shared>>
      tpu.enqueue_dma source(%arg10 : memref<64x128xf32, #tpu.memory_space<vmem>>) target(%dma_start3A_223 : memref<64x128xf32, #tpu.memory_space<vmem_shared>>) target_semaphore(%run_scoped3A : memref<!tpu.dma_semaphore, #tpu.memory_space<semaphore_mem>>)
      %dma_wait3A_224 = arith.constant 0 : i32
      %dma_wait3A_225 = tpu.memref_slice %arg6[%add3A_21, %dma_wait3A_224] : memref<10240x128xf32, #tpu.memory_space<vmem_shared>> -> memref<64x128xf32, #tpu.memory_space<vmem_shared>>
      %dma_wait3A_226 = arith.constant 0 : i32
      %dma_wait3A_227 = tpu.memref_slice %arg6[%add3A_21, %dma_wait3A_226] : memref<10240x128xf32, #tpu.memory_space<vmem_shared>> -> memref<64x128xf32, #tpu.memory_space<vmem_shared>>
      tpu.wait_dma2 semaphore(%run_scoped3A : memref<!tpu.dma_semaphore, #tpu.memory_space<semaphore_mem>>) src(%arg10 : memref<64x128xf32, #tpu.memory_space<vmem>>) dst(%dma_wait3A_227 : memref<64x128xf32, #tpu.memory_space<vmem_shared>>)
      tpu.yield
    }) : () -> ()
    %mul3A_22 = arith.constant 640 : i32
    %mul3A_23 = arith.muli %arg1, %mul3A_22 : i32
    %add3A_24 = arith.constant 256 : i32
    %add3A_25 = arith.addi %mul3A_23, %add3A_24 : i32
    "tpu.region"() ({
      %run_scoped3A = tpu.sem_alloc : memref<!tpu.dma_semaphore, #tpu.memory_space<semaphore_mem>>
      %dma_start3A_220 = arith.constant 0 : i32
      %dma_start3A_221 = tpu.memref_slice %arg6[%add3A_25, %dma_start3A_220] : memref<10240x128xf32, #tpu.memory_space<vmem_shared>> -> memref<64x128xf32, #tpu.memory_space<vmem_shared>>
      %dma_start3A_222 = arith.constant 0 : i32
      %dma_start3A_223 = tpu.memref_slice %arg6[%add3A_25, %dma_start3A_222] : memref<10240x128xf32, #tpu.memory_space<vmem_shared>> -> memref<64x128xf32, #tpu.memory_space<vmem_shared>>
      tpu.enqueue_dma source(%arg10 : memref<64x128xf32, #tpu.memory_space<vmem>>) target(%dma_start3A_223 : memref<64x128xf32, #tpu.memory_space<vmem_shared>>) target_semaphore(%run_scoped3A : memref<!tpu.dma_semaphore, #tpu.memory_space<semaphore_mem>>)
      %dma_wait3A_224 = arith.constant 0 : i32
      %dma_wait3A_225 = tpu.memref_slice %arg6[%add3A_25, %dma_wait3A_224] : memref<10240x128xf32, #tpu.memory_space<vmem_shared>> -> memref<64x128xf32, #tpu.memory_space<vmem_shared>>
      %dma_wait3A_226 = arith.constant 0 : i32
      %dma_wait3A_227 = tpu.memref_slice %arg6[%add3A_25, %dma_wait3A_226] : memref<10240x128xf32, #tpu.memory_space<vmem_shared>> -> memref<64x128xf32, #tpu.memory_space<vmem_shared>>
      tpu.wait_dma2 semaphore(%run_scoped3A : memref<!tpu.dma_semaphore, #tpu.memory_space<semaphore_mem>>) src(%arg10 : memref<64x128xf32, #tpu.memory_space<vmem>>) dst(%dma_wait3A_227 : memref<64x128xf32, #tpu.memory_space<vmem_shared>>)
      tpu.yield
    }) : () -> ()
    %mul3A_26 = arith.constant 640 : i32
    %mul3A_27 = arith.muli %arg1, %mul3A_26 : i32
    %add3A_28 = arith.constant 320 : i32
    %add3A_29 = arith.addi %mul3A_27, %add3A_28 : i32
    "tpu.region"() ({
      %run_scoped3A = tpu.sem_alloc : memref<!tpu.dma_semaphore, #tpu.memory_space<semaphore_mem>>
      %dma_start3A_220 = arith.constant 0 : i32
      %dma_start3A_221 = tpu.memref_slice %arg6[%add3A_29, %dma_start3A_220] : memref<10240x128xf32, #tpu.memory_space<vmem_shared>> -> memref<64x128xf32, #tpu.memory_space<vmem_shared>>
      %dma_start3A_222 = arith.constant 0 : i32
      %dma_start3A_223 = tpu.memref_slice %arg6[%add3A_29, %dma_start3A_222] : memref<10240x128xf32, #tpu.memory_space<vmem_shared>> -> memref<64x128xf32, #tpu.memory_space<vmem_shared>>
      tpu.enqueue_dma source(%arg10 : memref<64x128xf32, #tpu.memory_space<vmem>>) target(%dma_start3A_223 : memref<64x128xf32, #tpu.memory_space<vmem_shared>>) target_semaphore(%run_scoped3A : memref<!tpu.dma_semaphore, #tpu.memory_space<semaphore_mem>>)
      %dma_wait3A_224 = arith.constant 0 : i32
      %dma_wait3A_225 = tpu.memref_slice %arg6[%add3A_29, %dma_wait3A_224] : memref<10240x128xf32, #tpu.memory_space<vmem_shared>> -> memref<64x128xf32, #tpu.memory_space<vmem_shared>>
      %dma_wait3A_226 = arith.constant 0 : i32
      %dma_wait3A_227 = tpu.memref_slice %arg6[%add3A_29, %dma_wait3A_226] : memref<10240x128xf32, #tpu.memory_space<vmem_shared>> -> memref<64x128xf32, #tpu.memory_space<vmem_shared>>
      tpu.wait_dma2 semaphore(%run_scoped3A : memref<!tpu.dma_semaphore, #tpu.memory_space<semaphore_mem>>) src(%arg10 : memref<64x128xf32, #tpu.memory_space<vmem>>) dst(%dma_wait3A_227 : memref<64x128xf32, #tpu.memory_space<vmem_shared>>)
      tpu.yield
    }) : () -> ()
    %mul3A_30 = arith.constant 640 : i32
    %mul3A_31 = arith.muli %arg1, %mul3A_30 : i32
    %add3A_32 = arith.constant 384 : i32
    %add3A_33 = arith.addi %mul3A_31, %add3A_32 : i32
    "tpu.region"() ({
      %run_scoped3A = tpu.sem_alloc : memref<!tpu.dma_semaphore, #tpu.memory_space<semaphore_mem>>
      %dma_start3A_220 = arith.constant 0 : i32
      %dma_start3A_221 = tpu.memref_slice %arg6[%add3A_33, %dma_start3A_220] : memref<10240x128xf32, #tpu.memory_space<vmem_shared>> -> memref<64x128xf32, #tpu.memory_space<vmem_shared>>
      %dma_start3A_222 = arith.constant 0 : i32
      %dma_start3A_223 = tpu.memref_slice %arg6[%add3A_33, %dma_start3A_222] : memref<10240x128xf32, #tpu.memory_space<vmem_shared>> -> memref<64x128xf32, #tpu.memory_space<vmem_shared>>
      tpu.enqueue_dma source(%arg10 : memref<64x128xf32, #tpu.memory_space<vmem>>) target(%dma_start3A_223 : memref<64x128xf32, #tpu.memory_space<vmem_shared>>) target_semaphore(%run_scoped3A : memref<!tpu.dma_semaphore, #tpu.memory_space<semaphore_mem>>)
      %dma_wait3A_224 = arith.constant 0 : i32
      %dma_wait3A_225 = tpu.memref_slice %arg6[%add3A_33, %dma_wait3A_224] : memref<10240x128xf32, #tpu.memory_space<vmem_shared>> -> memref<64x128xf32, #tpu.memory_space<vmem_shared>>
      %dma_wait3A_226 = arith.constant 0 : i32
      %dma_wait3A_227 = tpu.memref_slice %arg6[%add3A_33, %dma_wait3A_226] : memref<10240x128xf32, #tpu.memory_space<vmem_shared>> -> memref<64x128xf32, #tpu.memory_space<vmem_shared>>
      tpu.wait_dma2 semaphore(%run_scoped3A : memref<!tpu.dma_semaphore, #tpu.memory_space<semaphore_mem>>) src(%arg10 : memref<64x128xf32, #tpu.memory_space<vmem>>) dst(%dma_wait3A_227 : memref<64x128xf32, #tpu.memory_space<vmem_shared>>)
      tpu.yield
    }) : () -> ()
    %mul3A_34 = arith.constant 640 : i32
    %mul3A_35 = arith.muli %arg1, %mul3A_34 : i32
    %add3A_36 = arith.constant 448 : i32
    %add3A_37 = arith.addi %mul3A_35, %add3A_36 : i32
    "tpu.region"() ({
      %run_scoped3A = tpu.sem_alloc : memref<!tpu.dma_semaphore, #tpu.memory_space<semaphore_mem>>
      %dma_start3A_220 = arith.constant 0 : i32
      %dma_start3A_221 = tpu.memref_slice %arg6[%add3A_37, %dma_start3A_220] : memref<10240x128xf32, #tpu.memory_space<vmem_shared>> -> memref<64x128xf32, #tpu.memory_space<vmem_shared>>
      %dma_start3A_222 = arith.constant 0 : i32
      %dma_start3A_223 = tpu.memref_slice %arg6[%add3A_37, %dma_start3A_222] : memref<10240x128xf32, #tpu.memory_space<vmem_shared>> -> memref<64x128xf32, #tpu.memory_space<vmem_shared>>
      tpu.enqueue_dma source(%arg10 : memref<64x128xf32, #tpu.memory_space<vmem>>) target(%dma_start3A_223 : memref<64x128xf32, #tpu.memory_space<vmem_shared>>) target_semaphore(%run_scoped3A : memref<!tpu.dma_semaphore, #tpu.memory_space<semaphore_mem>>)
      %dma_wait3A_224 = arith.constant 0 : i32
      %dma_wait3A_225 = tpu.memref_slice %arg6[%add3A_37, %dma_wait3A_224] : memref<10240x128xf32, #tpu.memory_space<vmem_shared>> -> memref<64x128xf32, #tpu.memory_space<vmem_shared>>
      %dma_wait3A_226 = arith.constant 0 : i32
      %dma_wait3A_227 = tpu.memref_slice %arg6[%add3A_37, %dma_wait3A_226] : memref<10240x128xf32, #tpu.memory_space<vmem_shared>> -> memref<64x128xf32, #tpu.memory_space<vmem_shared>>
      tpu.wait_dma2 semaphore(%run_scoped3A : memref<!tpu.dma_semaphore, #tpu.memory_space<semaphore_mem>>) src(%arg10 : memref<64x128xf32, #tpu.memory_space<vmem>>) dst(%dma_wait3A_227 : memref<64x128xf32, #tpu.memory_space<vmem_shared>>)
      tpu.yield
    }) : () -> ()
    %mul3A_38 = arith.constant 640 : i32
    %mul3A_39 = arith.muli %arg1, %mul3A_38 : i32
    %add3A_40 = arith.constant 512 : i32
    %add3A_41 = arith.addi %mul3A_39, %add3A_40 : i32
    "tpu.region"() ({
      %run_scoped3A = tpu.sem_alloc : memref<!tpu.dma_semaphore, #tpu.memory_space<semaphore_mem>>
      %dma_start3A_220 = arith.constant 0 : i32
      %dma_start3A_221 = tpu.memref_slice %arg6[%add3A_41, %dma_start3A_220] : memref<10240x128xf32, #tpu.memory_space<vmem_shared>> -> memref<64x128xf32, #tpu.memory_space<vmem_shared>>
      %dma_start3A_222 = arith.constant 0 : i32
      %dma_start3A_223 = tpu.memref_slice %arg6[%add3A_41, %dma_start3A_222] : memref<10240x128xf32, #tpu.memory_space<vmem_shared>> -> memref<64x128xf32, #tpu.memory_space<vmem_shared>>
      tpu.enqueue_dma source(%arg10 : memref<64x128xf32, #tpu.memory_space<vmem>>) target(%dma_start3A_223 : memref<64x128xf32, #tpu.memory_space<vmem_shared>>) target_semaphore(%run_scoped3A : memref<!tpu.dma_semaphore, #tpu.memory_space<semaphore_mem>>)
      %dma_wait3A_224 = arith.constant 0 : i32
      %dma_wait3A_225 = tpu.memref_slice %arg6[%add3A_41, %dma_wait3A_224] : memref<10240x128xf32, #tpu.memory_space<vmem_shared>> -> memref<64x128xf32, #tpu.memory_space<vmem_shared>>
      %dma_wait3A_226 = arith.constant 0 : i32
      %dma_wait3A_227 = tpu.memref_slice %arg6[%add3A_41, %dma_wait3A_226] : memref<10240x128xf32, #tpu.memory_space<vmem_shared>> -> memref<64x128xf32, #tpu.memory_space<vmem_shared>>
      tpu.wait_dma2 semaphore(%run_scoped3A : memref<!tpu.dma_semaphore, #tpu.memory_space<semaphore_mem>>) src(%arg10 : memref<64x128xf32, #tpu.memory_space<vmem>>) dst(%dma_wait3A_227 : memref<64x128xf32, #tpu.memory_space<vmem_shared>>)
      tpu.yield
    }) : () -> ()
    %mul3A_42 = arith.constant 640 : i32
    %mul3A_43 = arith.muli %arg1, %mul3A_42 : i32
    %add3A_44 = arith.constant 576 : i32
    %add3A_45 = arith.addi %mul3A_43, %add3A_44 : i32
    "tpu.region"() ({
      %run_scoped3A = tpu.sem_alloc : memref<!tpu.dma_semaphore, #tpu.memory_space<semaphore_mem>>
      %dma_start3A_220 = arith.constant 0 : i32
      %dma_start3A_221 = tpu.memref_slice %arg6[%add3A_45, %dma_start3A_220] : memref<10240x128xf32, #tpu.memory_space<vmem_shared>> -> memref<64x128xf32, #tpu.memory_space<vmem_shared>>
      %dma_start3A_222 = arith.constant 0 : i32
      %dma_start3A_223 = tpu.memref_slice %arg6[%add3A_45, %dma_start3A_222] : memref<10240x128xf32, #tpu.memory_space<vmem_shared>> -> memref<64x128xf32, #tpu.memory_space<vmem_shared>>
      tpu.enqueue_dma source(%arg10 : memref<64x128xf32, #tpu.memory_space<vmem>>) target(%dma_start3A_223 : memref<64x128xf32, #tpu.memory_space<vmem_shared>>) target_semaphore(%run_scoped3A : memref<!tpu.dma_semaphore, #tpu.memory_space<semaphore_mem>>)
      %dma_wait3A_224 = arith.constant 0 : i32
      %dma_wait3A_225 = tpu.memref_slice %arg6[%add3A_45, %dma_wait3A_224] : memref<10240x128xf32, #tpu.memory_space<vmem_shared>> -> memref<64x128xf32, #tpu.memory_space<vmem_shared>>
      %dma_wait3A_226 = arith.constant 0 : i32
      %dma_wait3A_227 = tpu.memref_slice %arg6[%add3A_45, %dma_wait3A_226] : memref<10240x128xf32, #tpu.memory_space<vmem_shared>> -> memref<64x128xf32, #tpu.memory_space<vmem_shared>>
      tpu.wait_dma2 semaphore(%run_scoped3A : memref<!tpu.dma_semaphore, #tpu.memory_space<semaphore_mem>>) src(%arg10 : memref<64x128xf32, #tpu.memory_space<vmem>>) dst(%dma_wait3A_227 : memref<64x128xf32, #tpu.memory_space<vmem_shared>>)
      tpu.yield
    }) : () -> ()
    %get3A = arith.constant 0 : i32
    %get3A_46 = arith.index_cast %get3A : i32 to index
    %get3A_47 = arith.constant 0 : index
    %get3A_48 = tpu.vector_load %arg7[%get3A_46, %get3A_47] {strides = array<i32>} : memref<159x64xi32, #tpu.memory_space<vmem>>, vector<16xi32>,
    %and3A = arith.constant 65535 : i32
    %and3A_49 = vector.broadcast %and3A : i32 to vector<16xi32>
    %and3A_50 = arith.andi %get3A_48, %and3A_49 : vector<16xi32>
    %swap3A = arith.constant 0 : i32
    %swap3A_51 = arith.index_cast %swap3A : i32 to index
    %swap3A_52 = arith.constant 0 : index
    %swap3A_53 = tpu.vector_load %arg8[%swap3A_51, %swap3A_52] {strides = array<i32>} : memref<3x64xi32, #tpu.memory_space<vmem>>, vector<16xi32>,
    tpu.vector_store %arg8[%swap3A_51, %swap3A_52], %and3A_50 {strides = array<i32>} : memref<3x64xi32, #tpu.memory_space<vmem>>, vector<16xi32>,
    %shift_right_logical3A = arith.constant 16 : i32
    %shift_right_logical3A_54 = vector.broadcast %shift_right_logical3A : i32 to vector<16xi32>
    %shift_right_logical3A_55 = arith.shrui %get3A_48, %shift_right_logical3A_54 : vector<16xi32>
    %swap3A_56 = arith.constant 0 : i32
    %swap3A_57 = arith.index_cast %swap3A_56 : i32 to index
    %swap3A_58 = arith.constant 0 : index
    %swap3A_59 = tpu.vector_load %arg9[%swap3A_57, %swap3A_58] {strides = array<i32>} : memref<3x64xi32, #tpu.memory_space<vmem>>, vector<16xi32>,
    tpu.vector_store %arg9[%swap3A_57, %swap3A_58], %shift_right_logical3A_55 {strides = array<i32>} : memref<3x64xi32, #tpu.memory_space<vmem>>, vector<16xi32>,
    %get3A_60 = arith.constant 0 : i32
    %get3A_61 = arith.index_cast %get3A_60 : i32 to index
    %get3A_62 = arith.constant 16 : index
    %get3A_63 = tpu.vector_load %arg7[%get3A_61, %get3A_62] {strides = array<i32>} : memref<159x64xi32, #tpu.memory_space<vmem>>, vector<16xi32>,
    %and3A_64 = arith.constant 65535 : i32
    %and3A_65 = vector.broadcast %and3A_64 : i32 to vector<16xi32>
    %and3A_66 = arith.andi %get3A_63, %and3A_65 : vector<16xi32>
    %swap3A_67 = arith.constant 0 : i32
    %swap3A_68 = arith.index_cast %swap3A_67 : i32 to index
    %swap3A_69 = arith.constant 16 : index
    %swap3A_70 = tpu.vector_load %arg8[%swap3A_68, %swap3A_69] {strides = array<i32>} : memref<3x64xi32, #tpu.memory_space<vmem>>, vector<16xi32>,
    tpu.vector_store %arg8[%swap3A_68, %swap3A_69], %and3A_66 {strides = array<i32>} : memref<3x64xi32, #tpu.memory_space<vmem>>, vector<16xi32>,
    %shift_right_logical3A_71 = arith.constant 16 : i32
    %shift_right_logical3A_72 = vector.broadcast %shift_right_logical3A_71 : i32 to vector<16xi32>
    %shift_right_logical3A_73 = arith.shrui %get3A_63, %shift_right_logical3A_72 : vector<16xi32>
    %swap3A_74 = arith.constant 0 : i32
    %swap3A_75 = arith.index_cast %swap3A_74 : i32 to index
    %swap3A_76 = arith.constant 16 : index
    %swap3A_77 = tpu.vector_load %arg9[%swap3A_75, %swap3A_76] {strides = array<i32>} : memref<3x64xi32, #tpu.memory_space<vmem>>, vector<16xi32>,
    tpu.vector_store %arg9[%swap3A_75, %swap3A_76], %shift_right_logical3A_73 {strides = array<i32>} : memref<3x64xi32, #tpu.memory_space<vmem>>, vector<16xi32>,
    %get3A_78 = arith.constant 0 : i32
    %get3A_79 = arith.index_cast %get3A_78 : i32 to index
    %get3A_80 = arith.constant 32 : index
    %get3A_81 = tpu.vector_load %arg7[%get3A_79, %get3A_80] {strides = array<i32>} : memref<159x64xi32, #tpu.memory_space<vmem>>, vector<16xi32>,
    %and3A_82 = arith.constant 65535 : i32
    %and3A_83 = vector.broadcast %and3A_82 : i32 to vector<16xi32>
    %and3A_84 = arith.andi %get3A_81, %and3A_83 : vector<16xi32>
    %swap3A_85 = arith.constant 0 : i32
    %swap3A_86 = arith.index_cast %swap3A_85 : i32 to index
    %swap3A_87 = arith.constant 32 : index
    %swap3A_88 = tpu.vector_load %arg8[%swap3A_86, %swap3A_87] {strides = array<i32>} : memref<3x64xi32, #tpu.memory_space<vmem>>, vector<16xi32>,
    tpu.vector_store %arg8[%swap3A_86, %swap3A_87], %and3A_84 {strides = array<i32>} : memref<3x64xi32, #tpu.memory_space<vmem>>, vector<16xi32>,
    %shift_right_logical3A_89 = arith.constant 16 : i32
    %shift_right_logical3A_90 = vector.broadcast %shift_right_logical3A_89 : i32 to vector<16xi32>
    %shift_right_logical3A_91 = arith.shrui %get3A_81, %shift_right_logical3A_90 : vector<16xi32>
    %swap3A_92 = arith.constant 0 : i32
    %swap3A_93 = arith.index_cast %swap3A_92 : i32 to index
    %swap3A_94 = arith.constant 32 : index
    %swap3A_95 = tpu.vector_load %arg9[%swap3A_93, %swap3A_94] {strides = array<i32>} : memref<3x64xi32, #tpu.memory_space<vmem>>, vector<16xi32>,
    tpu.vector_store %arg9[%swap3A_93, %swap3A_94], %shift_right_logical3A_91 {strides = array<i32>} : memref<3x64xi32, #tpu.memory_space<vmem>>, vector<16xi32>,
    %get3A_96 = arith.constant 0 : i32
    %get3A_97 = arith.index_cast %get3A_96 : i32 to index
    %get3A_98 = arith.constant 48 : index
    %get3A_99 = tpu.vector_load %arg7[%get3A_97, %get3A_98] {strides = array<i32>} : memref<159x64xi32, #tpu.memory_space<vmem>>, vector<16xi32>,
    %and3A_100 = arith.constant 65535 : i32
    %and3A_101 = vector.broadcast %and3A_100 : i32 to vector<16xi32>
    %and3A_102 = arith.andi %get3A_99, %and3A_101 : vector<16xi32>
    %swap3A_103 = arith.constant 0 : i32
    %swap3A_104 = arith.index_cast %swap3A_103 : i32 to index
    %swap3A_105 = arith.constant 48 : index
    %swap3A_106 = tpu.vector_load %arg8[%swap3A_104, %swap3A_105] {strides = array<i32>} : memref<3x64xi32, #tpu.memory_space<vmem>>, vector<16xi32>,
    tpu.vector_store %arg8[%swap3A_104, %swap3A_105], %and3A_102 {strides = array<i32>} : memref<3x64xi32, #tpu.memory_space<vmem>>, vector<16xi32>,
    %shift_right_logical3A_107 = arith.constant 16 : i32
    %shift_right_logical3A_108 = vector.broadcast %shift_right_logical3A_107 : i32 to vector<16xi32>
    %shift_right_logical3A_109 = arith.shrui %get3A_99, %shift_right_logical3A_108 : vector<16xi32>
    %swap3A_110 = arith.constant 0 : i32
    %swap3A_111 = arith.index_cast %swap3A_110 : i32 to index
    %swap3A_112 = arith.constant 48 : index
    %swap3A_113 = tpu.vector_load %arg9[%swap3A_111, %swap3A_112] {strides = array<i32>} : memref<3x64xi32, #tpu.memory_space<vmem>>, vector<16xi32>,
    tpu.vector_store %arg9[%swap3A_111, %swap3A_112], %shift_right_logical3A_109 {strides = array<i32>} : memref<3x64xi32, #tpu.memory_space<vmem>>, vector<16xi32>,
    %dma_start3A = arith.constant 0 : i32
    %dma_start3A_114 = arith.constant 0 : i32
    %dma_start3A_115 = tpu.memref_slice %arg8[%dma_start3A, %dma_start3A_114] : memref<3x64xi32, #tpu.memory_space<vmem>> -> memref<1x64xi32, #tpu.memory_space<vmem>>
    %dma_start3A_116 = tpu.memref_squeeze %dma_start3A_115 : memref<1x64xi32, #tpu.memory_space<vmem>> -> memref<64xi32, #tpu.memory_space<vmem>>
    %dma_start3A_117 = arith.constant 0 : i32
    %dma_start3A_118 = arith.constant 0 : i32
    %dma_start3A_119 = tpu.memref_slice %arg2[%dma_start3A_117, %dma_start3A_118] : memref<10240x128xf32, #tpu.memory_space<hbm>> -> memref<10240x128xf32, #tpu.memory_space<hbm>>
    tpu.enqueue_indirect_dma source(%dma_start3A_119 : memref<10240x128xf32, #tpu.memory_space<hbm>>) target(%arg10 : memref<64x128xf32, #tpu.memory_space<vmem>>) offsets(%dma_start3A_116 : memref<64xi32, #tpu.memory_space<vmem>>) semaphore(%arg13 : memref<!tpu.dma_semaphore, #tpu.memory_space<semaphore_mem>>)
    %get3A_120 = arith.constant 1 : i32
    %get3A_121 = arith.index_cast %get3A_120 : i32 to index
    %get3A_122 = arith.constant 0 : index
    %get3A_123 = tpu.vector_load %arg7[%get3A_121, %get3A_122] {strides = array<i32>} : memref<159x64xi32, #tpu.memory_space<vmem>>, vector<16xi32>,
    %and3A_124 = arith.constant 65535 : i32
    %and3A_125 = vector.broadcast %and3A_124 : i32 to vector<16xi32>
    %and3A_126 = arith.andi %get3A_123, %and3A_125 : vector<16xi32>
    %swap3A_127 = arith.constant 1 : i32
    %swap3A_128 = arith.index_cast %swap3A_127 : i32 to index
    %swap3A_129 = arith.constant 0 : index
    %swap3A_130 = tpu.vector_load %arg8[%swap3A_128, %swap3A_129] {strides = array<i32>} : memref<3x64xi32, #tpu.memory_space<vmem>>, vector<16xi32>,
    tpu.vector_store %arg8[%swap3A_128, %swap3A_129], %and3A_126 {strides = array<i32>} : memref<3x64xi32, #tpu.memory_space<vmem>>, vector<16xi32>,
    %shift_right_logical3A_131 = arith.constant 16 : i32
    %shift_right_logical3A_132 = vector.broadcast %shift_right_logical3A_131 : i32 to vector<16xi32>
    %shift_right_logical3A_133 = arith.shrui %get3A_123, %shift_right_logical3A_132 : vector<16xi32>
    %swap3A_134 = arith.constant 1 : i32
    %swap3A_135 = arith.index_cast %swap3A_134 : i32 to index
    %swap3A_136 = arith.constant 0 : index
    %swap3A_137 = tpu.vector_load %arg9[%swap3A_135, %swap3A_136] {strides = array<i32>} : memref<3x64xi32, #tpu.memory_space<vmem>>, vector<16xi32>,
    tpu.vector_store %arg9[%swap3A_135, %swap3A_136], %shift_right_logical3A_133 {strides = array<i32>} : memref<3x64xi32, #tpu.memory_space<vmem>>, vector<16xi32>,
    %get3A_138 = arith.constant 1 : i32
    %get3A_139 = arith.index_cast %get3A_138 : i32 to index
    %get3A_140 = arith.constant 16 : index
    %get3A_141 = tpu.vector_load %arg7[%get3A_139, %get3A_140] {strides = array<i32>} : memref<159x64xi32, #tpu.memory_space<vmem>>, vector<16xi32>,
    %and3A_142 = arith.constant 65535 : i32
    %and3A_143 = vector.broadcast %and3A_142 : i32 to vector<16xi32>
    %and3A_144 = arith.andi %get3A_141, %and3A_143 : vector<16xi32>
    %swap3A_145 = arith.constant 1 : i32
    %swap3A_146 = arith.index_cast %swap3A_145 : i32 to index
    %swap3A_147 = arith.constant 16 : index
    %swap3A_148 = tpu.vector_load %arg8[%swap3A_146, %swap3A_147] {strides = array<i32>} : memref<3x64xi32, #tpu.memory_space<vmem>>, vector<16xi32>,
    tpu.vector_store %arg8[%swap3A_146, %swap3A_147], %and3A_144 {strides = array<i32>} : memref<3x64xi32, #tpu.memory_space<vmem>>, vector<16xi32>,
    %shift_right_logical3A_149 = arith.constant 16 : i32
    %shift_right_logical3A_150 = vector.broadcast %shift_right_logical3A_149 : i32 to vector<16xi32>
    %shift_right_logical3A_151 = arith.shrui %get3A_141, %shift_right_logical3A_150 : vector<16xi32>
    %swap3A_152 = arith.constant 1 : i32
    %swap3A_153 = arith.index_cast %swap3A_152 : i32 to index
    %swap3A_154 = arith.constant 16 : index
    %swap3A_155 = tpu.vector_load %arg9[%swap3A_153, %swap3A_154] {strides = array<i32>} : memref<3x64xi32, #tpu.memory_space<vmem>>, vector<16xi32>,
    tpu.vector_store %arg9[%swap3A_153, %swap3A_154], %shift_right_logical3A_151 {strides = array<i32>} : memref<3x64xi32, #tpu.memory_space<vmem>>, vector<16xi32>,
    %get3A_156 = arith.constant 1 : i32
    %get3A_157 = arith.index_cast %get3A_156 : i32 to index
    %get3A_158 = arith.constant 32 : index
    %get3A_159 = tpu.vector_load %arg7[%get3A_157, %get3A_158] {strides = array<i32>} : memref<159x64xi32, #tpu.memory_space<vmem>>, vector<16xi32>,
    %and3A_160 = arith.constant 65535 : i32
    %and3A_161 = vector.broadcast %and3A_160 : i32 to vector<16xi32>
    %and3A_162 = arith.andi %get3A_159, %and3A_161 : vector<16xi32>
    %swap3A_163 = arith.constant 1 : i32
    %swap3A_164 = arith.index_cast %swap3A_163 : i32 to index
    %swap3A_165 = arith.constant 32 : index
    %swap3A_166 = tpu.vector_load %arg8[%swap3A_164, %swap3A_165] {strides = array<i32>} : memref<3x64xi32, #tpu.memory_space<vmem>>, vector<16xi32>,
    tpu.vector_store %arg8[%swap3A_164, %swap3A_165], %and3A_162 {strides = array<i32>} : memref<3x64xi32, #tpu.memory_space<vmem>>, vector<16xi32>,
    %shift_right_logical3A_167 = arith.constant 16 : i32
    %shift_right_logical3A_168 = vector.broadcast %shift_right_logical3A_167 : i32 to vector<16xi32>
    %shift_right_logical3A_169 = arith.shrui %get3A_159, %shift_right_logical3A_168 : vector<16xi32>
    %swap3A_170 = arith.constant 1 : i32
    %swap3A_171 = arith.index_cast %swap3A_170 : i32 to index
    %swap3A_172 = arith.constant 32 : index
    %swap3A_173 = tpu.vector_load %arg9[%swap3A_171, %swap3A_172] {strides = array<i32>} : memref<3x64xi32, #tpu.memory_space<vmem>>, vector<16xi32>,
    tpu.vector_store %arg9[%swap3A_171, %swap3A_172], %shift_right_logical3A_169 {strides = array<i32>} : memref<3x64xi32, #tpu.memory_space<vmem>>, vector<16xi32>,
    %get3A_174 = arith.constant 1 : i32
    %get3A_175 = arith.index_cast %get3A_174 : i32 to index
    %get3A_176 = arith.constant 48 : index
    %get3A_177 = tpu.vector_load %arg7[%get3A_175, %get3A_176] {strides = array<i32>} : memref<159x64xi32, #tpu.memory_space<vmem>>, vector<16xi32>,
    %and3A_178 = arith.constant 65535 : i32
    %and3A_179 = vector.broadcast %and3A_178 : i32 to vector<16xi32>
    %and3A_180 = arith.andi %get3A_177, %and3A_179 : vector<16xi32>
    %swap3A_181 = arith.constant 1 : i32
    %swap3A_182 = arith.index_cast %swap3A_181 : i32 to index
    %swap3A_183 = arith.constant 48 : index
    %swap3A_184 = tpu.vector_load %arg8[%swap3A_182, %swap3A_183] {strides = array<i32>} : memref<3x64xi32, #tpu.memory_space<vmem>>, vector<16xi32>,
    tpu.vector_store %arg8[%swap3A_182, %swap3A_183], %and3A_180 {strides = array<i32>} : memref<3x64xi32, #tpu.memory_space<vmem>>, vector<16xi32>,
    %shift_right_logical3A_185 = arith.constant 16 : i32
    %shift_right_logical3A_186 = vector.broadcast %shift_right_logical3A_185 : i32 to vector<16xi32>
    %shift_right_logical3A_187 = arith.shrui %get3A_177, %shift_right_logical3A_186 : vector<16xi32>
    %swap3A_188 = arith.constant 1 : i32
    %swap3A_189 = arith.index_cast %swap3A_188 : i32 to index
    %swap3A_190 = arith.constant 48 : index
    %swap3A_191 = tpu.vector_load %arg9[%swap3A_189, %swap3A_190] {strides = array<i32>} : memref<3x64xi32, #tpu.memory_space<vmem>>, vector<16xi32>,
    tpu.vector_store %arg9[%swap3A_189, %swap3A_190], %shift_right_logical3A_187 {strides = array<i32>} : memref<3x64xi32, #tpu.memory_space<vmem>>, vector<16xi32>,
    %dma_start3A_192 = arith.constant 1 : i32
    %dma_start3A_193 = arith.constant 0 : i32
    %dma_start3A_194 = tpu.memref_slice %arg8[%dma_start3A_192, %dma_start3A_193] : memref<3x64xi32, #tpu.memory_space<vmem>> -> memref<1x64xi32, #tpu.memory_space<vmem>>
    %dma_start3A_195 = tpu.memref_squeeze %dma_start3A_194 : memref<1x64xi32, #tpu.memory_space<vmem>> -> memref<64xi32, #tpu.memory_space<vmem>>
    %dma_start3A_196 = arith.constant 0 : i32
    %dma_start3A_197 = arith.constant 0 : i32
    %dma_start3A_198 = tpu.memref_slice %arg2[%dma_start3A_196, %dma_start3A_197] : memref<10240x128xf32, #tpu.memory_space<hbm>> -> memref<10240x128xf32, #tpu.memory_space<hbm>>
    tpu.enqueue_indirect_dma source(%dma_start3A_198 : memref<10240x128xf32, #tpu.memory_space<hbm>>) target(%arg11 : memref<64x128xf32, #tpu.memory_space<vmem>>) offsets(%dma_start3A_195 : memref<64xi32, #tpu.memory_space<vmem>>) semaphore(%arg14 : memref<!tpu.dma_semaphore, #tpu.memory_space<semaphore_mem>>)
    %barrier3A = arith.constant 0 : index
    tpu.barrier barrier_id(%barrier3A)
    %scan3A_199 = arith.constant 0 : i32
    %scan3A_200 = arith.constant 53 : i32
    %scan3A_201 = arith.addi %scan3A_199, %scan3A_200 : i32
    %scan3A_202 = arith.constant 1 : i32
    scf.for %scan3A_220 = %scan3A_199 to %scan3A_201 step %scan3A_202  : i32 {
      %mul3A_221 = arith.constant 3 : i32
      %mul3A_222 = arith.muli %scan3A_220, %mul3A_221 : i32
      %add3A_223 = arith.constant 0 : i32
      %add3A_224 = arith.addi %mul3A_222, %add3A_223 : i32
      %ge3A = arith.constant 1 : i32
      %ge3A_225 = arith.cmpi sge, %add3A_224, %ge3A : i32
      %convert_element_type3A_226 = arith.extui %ge3A_225 : i1 to i32
      %cond3A_227 = arith.constant 0 : i32
      %cond3A_228 = arith.cmpi ne, %convert_element_type3A_226, %cond3A_227 : i32
      scf.if %cond3A_228 {
        %dma_wait3A_309 = arith.constant 2 : i32
        %dma_wait3A_310 = arith.constant 0 : i32
        %dma_wait3A_311 = tpu.memref_slice %arg9[%dma_wait3A_309, %dma_wait3A_310] : memref<3x64xi32, #tpu.memory_space<vmem>> -> memref<1x64xi32, #tpu.memory_space<vmem>>
        %dma_wait3A_312 = tpu.memref_squeeze %dma_wait3A_311 : memref<1x64xi32, #tpu.memory_space<vmem>> -> memref<64xi32, #tpu.memory_space<vmem>>
        %dma_wait3A_313 = arith.constant 0 : i32
        %dma_wait3A_314 = arith.constant 0 : i32
        %dma_wait3A_315 = tpu.memref_slice %arg6[%dma_wait3A_313, %dma_wait3A_314] : memref<10240x128xf32, #tpu.memory_space<vmem_shared>> -> memref<10240x128xf32, #tpu.memory_space<vmem_shared>>
        tpu.wait_indirect_dma semaphore(%arg18 : memref<!tpu.dma_semaphore, #tpu.memory_space<semaphore_mem>>) src(%arg12 : memref<64x128xf32, #tpu.memory_space<vmem>>) dst(%dma_wait3A_315 : memref<10240x128xf32, #tpu.memory_space<vmem_shared>>)
      } else {
      }
      %add3A_229 = arith.constant 2 : i32
      %add3A_230 = arith.addi %add3A_224, %add3A_229 : i32
      %lt3A = arith.constant 159 : i32
      %lt3A_231 = arith.cmpi slt, %add3A_230, %lt3A : i32
      %convert_element_type3A_232 = arith.extui %lt3A_231 : i1 to i32
      %cond3A_233 = arith.constant 0 : i32
      %cond3A_234 = arith.cmpi ne, %convert_element_type3A_232, %cond3A_233 : i32
      scf.if %cond3A_234 {
        %add3A_309 = arith.constant 2 : i32
        %add3A_310 = arith.addi %add3A_224, %add3A_309 : i32
        %get3A_311 = arith.index_cast %add3A_310 : i32 to index
        %get3A_312 = arith.constant 0 : index
        %get3A_313 = tpu.vector_load %arg7[%get3A_311, %get3A_312] {strides = array<i32>} : memref<159x64xi32, #tpu.memory_space<vmem>>, vector<16xi32>,
        %and3A_314 = arith.constant 65535 : i32
        %and3A_315 = vector.broadcast %and3A_314 : i32 to vector<16xi32>
        %and3A_316 = arith.andi %get3A_313, %and3A_315 : vector<16xi32>
        %swap3A_317 = arith.constant 2 : i32
        %swap3A_318 = arith.index_cast %swap3A_317 : i32 to index
        %swap3A_319 = arith.constant 0 : index
        %swap3A_320 = tpu.vector_load %arg8[%swap3A_318, %swap3A_319] {strides = array<i32>} : memref<3x64xi32, #tpu.memory_space<vmem>>, vector<16xi32>,
        tpu.vector_store %arg8[%swap3A_318, %swap3A_319], %and3A_316 {strides = array<i32>} : memref<3x64xi32, #tpu.memory_space<vmem>>, vector<16xi32>,
        %shift_right_logical3A_321 = arith.constant 16 : i32
        %shift_right_logical3A_322 = vector.broadcast %shift_right_logical3A_321 : i32 to vector<16xi32>
        %shift_right_logical3A_323 = arith.shrui %get3A_313, %shift_right_logical3A_322 : vector<16xi32>
        %swap3A_324 = arith.constant 2 : i32
        %swap3A_325 = arith.index_cast %swap3A_324 : i32 to index
        %swap3A_326 = arith.constant 0 : index
        %swap3A_327 = tpu.vector_load %arg9[%swap3A_325, %swap3A_326] {strides = array<i32>} : memref<3x64xi32, #tpu.memory_space<vmem>>, vector<16xi32>,
        tpu.vector_store %arg9[%swap3A_325, %swap3A_326], %shift_right_logical3A_323 {strides = array<i32>} : memref<3x64xi32, #tpu.memory_space<vmem>>, vector<16xi32>,
        %get3A_328 = arith.index_cast %add3A_310 : i32 to index
        %get3A_329 = arith.constant 16 : index
        %get3A_330 = tpu.vector_load %arg7[%get3A_328, %get3A_329] {strides = array<i32>} : memref<159x64xi32, #tpu.memory_space<vmem>>, vector<16xi32>,
        %and3A_331 = arith.constant 65535 : i32
        %and3A_332 = vector.broadcast %and3A_331 : i32 to vector<16xi32>
        %and3A_333 = arith.andi %get3A_330, %and3A_332 : vector<16xi32>
        %swap3A_334 = arith.constant 2 : i32
        %swap3A_335 = arith.index_cast %swap3A_334 : i32 to index
        %swap3A_336 = arith.constant 16 : index
        %swap3A_337 = tpu.vector_load %arg8[%swap3A_335, %swap3A_336] {strides = array<i32>} : memref<3x64xi32, #tpu.memory_space<vmem>>, vector<16xi32>,
        tpu.vector_store %arg8[%swap3A_335, %swap3A_336], %and3A_333 {strides = array<i32>} : memref<3x64xi32, #tpu.memory_space<vmem>>, vector<16xi32>,
        %shift_right_logical3A_338 = arith.constant 16 : i32
        %shift_right_logical3A_339 = vector.broadcast %shift_right_logical3A_338 : i32 to vector<16xi32>
        %shift_right_logical3A_340 = arith.shrui %get3A_330, %shift_right_logical3A_339 : vector<16xi32>
        %swap3A_341 = arith.constant 2 : i32
        %swap3A_342 = arith.index_cast %swap3A_341 : i32 to index
        %swap3A_343 = arith.constant 16 : index
        %swap3A_344 = tpu.vector_load %arg9[%swap3A_342, %swap3A_343] {strides = array<i32>} : memref<3x64xi32, #tpu.memory_space<vmem>>, vector<16xi32>,
        tpu.vector_store %arg9[%swap3A_342, %swap3A_343], %shift_right_logical3A_340 {strides = array<i32>} : memref<3x64xi32, #tpu.memory_space<vmem>>, vector<16xi32>,
        %get3A_345 = arith.index_cast %add3A_310 : i32 to index
        %get3A_346 = arith.constant 32 : index
        %get3A_347 = tpu.vector_load %arg7[%get3A_345, %get3A_346] {strides = array<i32>} : memref<159x64xi32, #tpu.memory_space<vmem>>, vector<16xi32>,
        %and3A_348 = arith.constant 65535 : i32
        %and3A_349 = vector.broadcast %and3A_348 : i32 to vector<16xi32>
        %and3A_350 = arith.andi %get3A_347, %and3A_349 : vector<16xi32>
        %swap3A_351 = arith.constant 2 : i32
        %swap3A_352 = arith.index_cast %swap3A_351 : i32 to index
        %swap3A_353 = arith.constant 32 : index
        %swap3A_354 = tpu.vector_load %arg8[%swap3A_352, %swap3A_353] {strides = array<i32>} : memref<3x64xi32, #tpu.memory_space<vmem>>, vector<16xi32>,
        tpu.vector_store %arg8[%swap3A_352, %swap3A_353], %and3A_350 {strides = array<i32>} : memref<3x64xi32, #tpu.memory_space<vmem>>, vector<16xi32>,
        %shift_right_logical3A_355 = arith.constant 16 : i32
        %shift_right_logical3A_356 = vector.broadcast %shift_right_logical3A_355 : i32 to vector<16xi32>
        %shift_right_logical3A_357 = arith.shrui %get3A_347, %shift_right_logical3A_356 : vector<16xi32>
        %swap3A_358 = arith.constant 2 : i32
        %swap3A_359 = arith.index_cast %swap3A_358 : i32 to index
        %swap3A_360 = arith.constant 32 : index
        %swap3A_361 = tpu.vector_load %arg9[%swap3A_359, %swap3A_360] {strides = array<i32>} : memref<3x64xi32, #tpu.memory_space<vmem>>, vector<16xi32>,
        tpu.vector_store %arg9[%swap3A_359, %swap3A_360], %shift_right_logical3A_357 {strides = array<i32>} : memref<3x64xi32, #tpu.memory_space<vmem>>, vector<16xi32>,
        %get3A_362 = arith.index_cast %add3A_310 : i32 to index
        %get3A_363 = arith.constant 48 : index
        %get3A_364 = tpu.vector_load %arg7[%get3A_362, %get3A_363] {strides = array<i32>} : memref<159x64xi32, #tpu.memory_space<vmem>>, vector<16xi32>,
        %and3A_365 = arith.constant 65535 : i32
        %and3A_366 = vector.broadcast %and3A_365 : i32 to vector<16xi32>
        %and3A_367 = arith.andi %get3A_364, %and3A_366 : vector<16xi32>
        %swap3A_368 = arith.constant 2 : i32
        %swap3A_369 = arith.index_cast %swap3A_368 : i32 to index
        %swap3A_370 = arith.constant 48 : index
        %swap3A_371 = tpu.vector_load %arg8[%swap3A_369, %swap3A_370] {strides = array<i32>} : memref<3x64xi32, #tpu.memory_space<vmem>>, vector<16xi32>,
        tpu.vector_store %arg8[%swap3A_369, %swap3A_370], %and3A_367 {strides = array<i32>} : memref<3x64xi32, #tpu.memory_space<vmem>>, vector<16xi32>,
        %shift_right_logical3A_372 = arith.constant 16 : i32
        %shift_right_logical3A_373 = vector.broadcast %shift_right_logical3A_372 : i32 to vector<16xi32>
        %shift_right_logical3A_374 = arith.shrui %get3A_364, %shift_right_logical3A_373 : vector<16xi32>
        %swap3A_375 = arith.constant 2 : i32
        %swap3A_376 = arith.index_cast %swap3A_375 : i32 to index
        %swap3A_377 = arith.constant 48 : index
        %swap3A_378 = tpu.vector_load %arg9[%swap3A_376, %swap3A_377] {strides = array<i32>} : memref<3x64xi32, #tpu.memory_space<vmem>>, vector<16xi32>,
        tpu.vector_store %arg9[%swap3A_376, %swap3A_377], %shift_right_logical3A_374 {strides = array<i32>} : memref<3x64xi32, #tpu.memory_space<vmem>>, vector<16xi32>,
        %dma_start3A_379 = arith.constant 2 : i32
        %dma_start3A_380 = arith.constant 0 : i32
        %dma_start3A_381 = tpu.memref_slice %arg8[%dma_start3A_379, %dma_start3A_380] : memref<3x64xi32, #tpu.memory_space<vmem>> -> memref<1x64xi32, #tpu.memory_space<vmem>>
        %dma_start3A_382 = tpu.memref_squeeze %dma_start3A_381 : memref<1x64xi32, #tpu.memory_space<vmem>> -> memref<64xi32, #tpu.memory_space<vmem>>
        %dma_start3A_383 = arith.constant 0 : i32
        %dma_start3A_384 = arith.constant 0 : i32
        %dma_start3A_385 = tpu.memref_slice %arg2[%dma_start3A_383, %dma_start3A_384] : memref<10240x128xf32, #tpu.memory_space<hbm>> -> memref<10240x128xf32, #tpu.memory_space<hbm>>
        tpu.enqueue_indirect_dma source(%dma_start3A_385 : memref<10240x128xf32, #tpu.memory_space<hbm>>) target(%arg12 : memref<64x128xf32, #tpu.memory_space<vmem>>) offsets(%dma_start3A_382 : memref<64xi32, #tpu.memory_space<vmem>>) semaphore(%arg15 : memref<!tpu.dma_semaphore, #tpu.memory_space<semaphore_mem>>)
      } else {
      }
      %dma_wait3A_235 = arith.constant 0 : i32
      %dma_wait3A_236 = arith.constant 0 : i32
      %dma_wait3A_237 = tpu.memref_slice %arg8[%dma_wait3A_235, %dma_wait3A_236] : memref<3x64xi32, #tpu.memory_space<vmem>> -> memref<1x64xi32, #tpu.memory_space<vmem>>
      %dma_wait3A_238 = tpu.memref_squeeze %dma_wait3A_237 : memref<1x64xi32, #tpu.memory_space<vmem>> -> memref<64xi32, #tpu.memory_space<vmem>>
      %dma_wait3A_239 = arith.constant 0 : i32
      %dma_wait3A_240 = arith.constant 0 : i32
      %dma_wait3A_241 = tpu.memref_slice %arg2[%dma_wait3A_239, %dma_wait3A_240] : memref<10240x128xf32, #tpu.memory_space<hbm>> -> memref<10240x128xf32, #tpu.memory_space<hbm>>
      tpu.wait_indirect_dma semaphore(%arg13 : memref<!tpu.dma_semaphore, #tpu.memory_space<semaphore_mem>>) src(%dma_wait3A_241 : memref<10240x128xf32, #tpu.memory_space<hbm>>) dst(%arg10 : memref<64x128xf32, #tpu.memory_space<vmem>>)
      %dma_start3A_242 = arith.constant 0 : i32
      %dma_start3A_243 = arith.constant 0 : i32
      %dma_start3A_244 = tpu.memref_slice %arg9[%dma_start3A_242, %dma_start3A_243] : memref<3x64xi32, #tpu.memory_space<vmem>> -> memref<1x64xi32, #tpu.memory_space<vmem>>
      %dma_start3A_245 = tpu.memref_squeeze %dma_start3A_244 : memref<1x64xi32, #tpu.memory_space<vmem>> -> memref<64xi32, #tpu.memory_space<vmem>>
      %dma_start3A_246 = arith.constant 0 : i32
      %dma_start3A_247 = arith.constant 0 : i32
      %dma_start3A_248 = tpu.memref_slice %arg6[%dma_start3A_246, %dma_start3A_247] : memref<10240x128xf32, #tpu.memory_space<vmem_shared>> -> memref<10240x128xf32, #tpu.memory_space<vmem_shared>>
      tpu.enqueue_indirect_dma source(%arg10 : memref<64x128xf32, #tpu.memory_space<vmem>>) target(%dma_start3A_248 : memref<10240x128xf32, #tpu.memory_space<vmem_shared>>) offsets(%dma_start3A_245 : memref<64xi32, #tpu.memory_space<vmem>>) semaphore(%arg16 : memref<!tpu.dma_semaphore, #tpu.memory_space<semaphore_mem>>) {add = true}
      %mul3A_249 = arith.constant 3 : i32
      %mul3A_250 = arith.muli %scan3A_220, %mul3A_249 : i32
      %add3A_251 = arith.constant 1 : i32
      %add3A_252 = arith.addi %mul3A_250, %add3A_251 : i32
      %ge3A_253 = arith.constant 1 : i32
      %ge3A_254 = arith.cmpi sge, %add3A_252, %ge3A_253 : i32
      %convert_element_type3A_255 = arith.extui %ge3A_254 : i1 to i32
      %cond3A_256 = arith.constant 0 : i32
      %cond3A_257 = arith.cmpi ne, %convert_element_type3A_255, %cond3A_256 : i32
      scf.if %cond3A_257 {
        %dma_wait3A_309 = arith.constant 0 : i32
        %dma_wait3A_310 = arith.constant 0 : i32
        %dma_wait3A_311 = tpu.memref_slice %arg9[%dma_wait3A_309, %dma_wait3A_310] : memref<3x64xi32, #tpu.memory_space<vmem>> -> memref<1x64xi32, #tpu.memory_space<vmem>>
        %dma_wait3A_312 = tpu.memref_squeeze %dma_wait3A_311 : memref<1x64xi32, #tpu.memory_space<vmem>> -> memref<64xi32, #tpu.memory_space<vmem>>
        %dma_wait3A_313 = arith.constant 0 : i32
        %dma_wait3A_314 = arith.constant 0 : i32
        %dma_wait3A_315 = tpu.memref_slice %arg6[%dma_wait3A_313, %dma_wait3A_314] : memref<10240x128xf32, #tpu.memory_space<vmem_shared>> -> memref<10240x128xf32, #tpu.memory_space<vmem_shared>>
        tpu.wait_indirect_dma semaphore(%arg16 : memref<!tpu.dma_semaphore, #tpu.memory_space<semaphore_mem>>) src(%arg10 : memref<64x128xf32, #tpu.memory_space<vmem>>) dst(%dma_wait3A_315 : memref<10240x128xf32, #tpu.memory_space<vmem_shared>>)
      } else {
      }
      %add3A_258 = arith.constant 2 : i32
      %add3A_259 = arith.addi %add3A_252, %add3A_258 : i32
      %lt3A_260 = arith.constant 159 : i32
      %lt3A_261 = arith.cmpi slt, %add3A_259, %lt3A_260 : i32
      %convert_element_type3A_262 = arith.extui %lt3A_261 : i1 to i32
      %cond3A_263 = arith.constant 0 : i32
      %cond3A_264 = arith.cmpi ne, %convert_element_type3A_262, %cond3A_263 : i32
      scf.if %cond3A_264 {
        %add3A_309 = arith.constant 2 : i32
        %add3A_310 = arith.addi %add3A_252, %add3A_309 : i32
        %get3A_311 = arith.index_cast %add3A_310 : i32 to index
        %get3A_312 = arith.constant 0 : index
        %get3A_313 = tpu.vector_load %arg7[%get3A_311, %get3A_312] {strides = array<i32>} : memref<159x64xi32, #tpu.memory_space<vmem>>, vector<16xi32>,
        %and3A_314 = arith.constant 65535 : i32
        %and3A_315 = vector.broadcast %and3A_314 : i32 to vector<16xi32>
        %and3A_316 = arith.andi %get3A_313, %and3A_315 : vector<16xi32>
        %swap3A_317 = arith.constant 0 : i32
        %swap3A_318 = arith.index_cast %swap3A_317 : i32 to index
        %swap3A_319 = arith.constant 0 : index
        %swap3A_320 = tpu.vector_load %arg8[%swap3A_318, %swap3A_319] {strides = array<i32>} : memref<3x64xi32, #tpu.memory_space<vmem>>, vector<16xi32>,
        tpu.vector_store %arg8[%swap3A_318, %swap3A_319], %and3A_316 {strides = array<i32>} : memref<3x64xi32, #tpu.memory_space<vmem>>, vector<16xi32>,
        %shift_right_logical3A_321 = arith.constant 16 : i32
        %shift_right_logical3A_322 = vector.broadcast %shift_right_logical3A_321 : i32 to vector<16xi32>
        %shift_right_logical3A_323 = arith.shrui %get3A_313, %shift_right_logical3A_322 : vector<16xi32>
        %swap3A_324 = arith.constant 0 : i32
        %swap3A_325 = arith.index_cast %swap3A_324 : i32 to index
        %swap3A_326 = arith.constant 0 : index
        %swap3A_327 = tpu.vector_load %arg9[%swap3A_325, %swap3A_326] {strides = array<i32>} : memref<3x64xi32, #tpu.memory_space<vmem>>, vector<16xi32>,
        tpu.vector_store %arg9[%swap3A_325, %swap3A_326], %shift_right_logical3A_323 {strides = array<i32>} : memref<3x64xi32, #tpu.memory_space<vmem>>, vector<16xi32>,
        %get3A_328 = arith.index_cast %add3A_310 : i32 to index
        %get3A_329 = arith.constant 16 : index
        %get3A_330 = tpu.vector_load %arg7[%get3A_328, %get3A_329] {strides = array<i32>} : memref<159x64xi32, #tpu.memory_space<vmem>>, vector<16xi32>,
        %and3A_331 = arith.constant 65535 : i32
        %and3A_332 = vector.broadcast %and3A_331 : i32 to vector<16xi32>
        %and3A_333 = arith.andi %get3A_330, %and3A_332 : vector<16xi32>
        %swap3A_334 = arith.constant 0 : i32
        %swap3A_335 = arith.index_cast %swap3A_334 : i32 to index
        %swap3A_336 = arith.constant 16 : index
        %swap3A_337 = tpu.vector_load %arg8[%swap3A_335, %swap3A_336] {strides = array<i32>} : memref<3x64xi32, #tpu.memory_space<vmem>>, vector<16xi32>,
        tpu.vector_store %arg8[%swap3A_335, %swap3A_336], %and3A_333 {strides = array<i32>} : memref<3x64xi32, #tpu.memory_space<vmem>>, vector<16xi32>,
        %shift_right_logical3A_338 = arith.constant 16 : i32
        %shift_right_logical3A_339 = vector.broadcast %shift_right_logical3A_338 : i32 to vector<16xi32>
        %shift_right_logical3A_340 = arith.shrui %get3A_330, %shift_right_logical3A_339 : vector<16xi32>
        %swap3A_341 = arith.constant 0 : i32
        %swap3A_342 = arith.index_cast %swap3A_341 : i32 to index
        %swap3A_343 = arith.constant 16 : index
        %swap3A_344 = tpu.vector_load %arg9[%swap3A_342, %swap3A_343] {strides = array<i32>} : memref<3x64xi32, #tpu.memory_space<vmem>>, vector<16xi32>,
        tpu.vector_store %arg9[%swap3A_342, %swap3A_343], %shift_right_logical3A_340 {strides = array<i32>} : memref<3x64xi32, #tpu.memory_space<vmem>>, vector<16xi32>,
        %get3A_345 = arith.index_cast %add3A_310 : i32 to index
        %get3A_346 = arith.constant 32 : index
        %get3A_347 = tpu.vector_load %arg7[%get3A_345, %get3A_346] {strides = array<i32>} : memref<159x64xi32, #tpu.memory_space<vmem>>, vector<16xi32>,
        %and3A_348 = arith.constant 65535 : i32
        %and3A_349 = vector.broadcast %and3A_348 : i32 to vector<16xi32>
        %and3A_350 = arith.andi %get3A_347, %and3A_349 : vector<16xi32>
        %swap3A_351 = arith.constant 0 : i32
        %swap3A_352 = arith.index_cast %swap3A_351 : i32 to index
        %swap3A_353 = arith.constant 32 : index
        %swap3A_354 = tpu.vector_load %arg8[%swap3A_352, %swap3A_353] {strides = array<i32>} : memref<3x64xi32, #tpu.memory_space<vmem>>, vector<16xi32>,
        tpu.vector_store %arg8[%swap3A_352, %swap3A_353], %and3A_350 {strides = array<i32>} : memref<3x64xi32, #tpu.memory_space<vmem>>, vector<16xi32>,
        %shift_right_logical3A_355 = arith.constant 16 : i32
        %shift_right_logical3A_356 = vector.broadcast %shift_right_logical3A_355 : i32 to vector<16xi32>
        %shift_right_logical3A_357 = arith.shrui %get3A_347, %shift_right_logical3A_356 : vector<16xi32>
        %swap3A_358 = arith.constant 0 : i32
        %swap3A_359 = arith.index_cast %swap3A_358 : i32 to index
        %swap3A_360 = arith.constant 32 : index
        %swap3A_361 = tpu.vector_load %arg9[%swap3A_359, %swap3A_360] {strides = array<i32>} : memref<3x64xi32, #tpu.memory_space<vmem>>, vector<16xi32>,
        tpu.vector_store %arg9[%swap3A_359, %swap3A_360], %shift_right_logical3A_357 {strides = array<i32>} : memref<3x64xi32, #tpu.memory_space<vmem>>, vector<16xi32>,
        %get3A_362 = arith.index_cast %add3A_310 : i32 to index
        %get3A_363 = arith.constant 48 : index
        %get3A_364 = tpu.vector_load %arg7[%get3A_362, %get3A_363] {strides = array<i32>} : memref<159x64xi32, #tpu.memory_space<vmem>>, vector<16xi32>,
        %and3A_365 = arith.constant 65535 : i32
        %and3A_366 = vector.broadcast %and3A_365 : i32 to vector<16xi32>
        %and3A_367 = arith.andi %get3A_364, %and3A_366 : vector<16xi32>
        %swap3A_368 = arith.constant 0 : i32
        %swap3A_369 = arith.index_cast %swap3A_368 : i32 to index
        %swap3A_370 = arith.constant 48 : index
        %swap3A_371 = tpu.vector_load %arg8[%swap3A_369, %swap3A_370] {strides = array<i32>} : memref<3x64xi32, #tpu.memory_space<vmem>>, vector<16xi32>,
        tpu.vector_store %arg8[%swap3A_369, %swap3A_370], %and3A_367 {strides = array<i32>} : memref<3x64xi32, #tpu.memory_space<vmem>>, vector<16xi32>,
        %shift_right_logical3A_372 = arith.constant 16 : i32
        %shift_right_logical3A_373 = vector.broadcast %shift_right_logical3A_372 : i32 to vector<16xi32>
        %shift_right_logical3A_374 = arith.shrui %get3A_364, %shift_right_logical3A_373 : vector<16xi32>
        %swap3A_375 = arith.constant 0 : i32
        %swap3A_376 = arith.index_cast %swap3A_375 : i32 to index
        %swap3A_377 = arith.constant 48 : index
        %swap3A_378 = tpu.vector_load %arg9[%swap3A_376, %swap3A_377] {strides = array<i32>} : memref<3x64xi32, #tpu.memory_space<vmem>>, vector<16xi32>,
        tpu.vector_store %arg9[%swap3A_376, %swap3A_377], %shift_right_logical3A_374 {strides = array<i32>} : memref<3x64xi32, #tpu.memory_space<vmem>>, vector<16xi32>,
        %dma_start3A_379 = arith.constant 0 : i32
        %dma_start3A_380 = arith.constant 0 : i32
        %dma_start3A_381 = tpu.memref_slice %arg8[%dma_start3A_379, %dma_start3A_380] : memref<3x64xi32, #tpu.memory_space<vmem>> -> memref<1x64xi32, #tpu.memory_space<vmem>>
        %dma_start3A_382 = tpu.memref_squeeze %dma_start3A_381 : memref<1x64xi32, #tpu.memory_space<vmem>> -> memref<64xi32, #tpu.memory_space<vmem>>
        %dma_start3A_383 = arith.constant 0 : i32
        %dma_start3A_384 = arith.constant 0 : i32
        %dma_start3A_385 = tpu.memref_slice %arg2[%dma_start3A_383, %dma_start3A_384] : memref<10240x128xf32, #tpu.memory_space<hbm>> -> memref<10240x128xf32, #tpu.memory_space<hbm>>
        tpu.enqueue_indirect_dma source(%dma_start3A_385 : memref<10240x128xf32, #tpu.memory_space<hbm>>) target(%arg10 : memref<64x128xf32, #tpu.memory_space<vmem>>) offsets(%dma_start3A_382 : memref<64xi32, #tpu.memory_space<vmem>>) semaphore(%arg13 : memref<!tpu.dma_semaphore, #tpu.memory_space<semaphore_mem>>)
      } else {
      }
      %dma_wait3A_265 = arith.constant 1 : i32
      %dma_wait3A_266 = arith.constant 0 : i32
      %dma_wait3A_267 = tpu.memref_slice %arg8[%dma_wait3A_265, %dma_wait3A_266] : memref<3x64xi32, #tpu.memory_space<vmem>> -> memref<1x64xi32, #tpu.memory_space<vmem>>
      %dma_wait3A_268 = tpu.memref_squeeze %dma_wait3A_267 : memref<1x64xi32, #tpu.memory_space<vmem>> -> memref<64xi32, #tpu.memory_space<vmem>>
      %dma_wait3A_269 = arith.constant 0 : i32
      %dma_wait3A_270 = arith.constant 0 : i32
      %dma_wait3A_271 = tpu.memref_slice %arg2[%dma_wait3A_269, %dma_wait3A_270] : memref<10240x128xf32, #tpu.memory_space<hbm>> -> memref<10240x128xf32, #tpu.memory_space<hbm>>
      tpu.wait_indirect_dma semaphore(%arg14 : memref<!tpu.dma_semaphore, #tpu.memory_space<semaphore_mem>>) src(%dma_wait3A_271 : memref<10240x128xf32, #tpu.memory_space<hbm>>) dst(%arg11 : memref<64x128xf32, #tpu.memory_space<vmem>>)
      %dma_start3A_272 = arith.constant 1 : i32
      %dma_start3A_273 = arith.constant 0 : i32
      %dma_start3A_274 = tpu.memref_slice %arg9[%dma_start3A_272, %dma_start3A_273] : memref<3x64xi32, #tpu.memory_space<vmem>> -> memref<1x64xi32, #tpu.memory_space<vmem>>
      %dma_start3A_275 = tpu.memref_squeeze %dma_start3A_274 : memref<1x64xi32, #tpu.memory_space<vmem>> -> memref<64xi32, #tpu.memory_space<vmem>>
      %dma_start3A_276 = arith.constant 0 : i32
      %dma_start3A_277 = arith.constant 0 : i32
      %dma_start3A_278 = tpu.memref_slice %arg6[%dma_start3A_276, %dma_start3A_277] : memref<10240x128xf32, #tpu.memory_space<vmem_shared>> -> memref<10240x128xf32, #tpu.memory_space<vmem_shared>>
      tpu.enqueue_indirect_dma source(%arg11 : memref<64x128xf32, #tpu.memory_space<vmem>>) target(%dma_start3A_278 : memref<10240x128xf32, #tpu.memory_space<vmem_shared>>) offsets(%dma_start3A_275 : memref<64xi32, #tpu.memory_space<vmem>>) semaphore(%arg17 : memref<!tpu.dma_semaphore, #tpu.memory_space<semaphore_mem>>) {add = true}
      %mul3A_279 = arith.constant 3 : i32
      %mul3A_280 = arith.muli %scan3A_220, %mul3A_279 : i32
      %add3A_281 = arith.constant 2 : i32
      %add3A_282 = arith.addi %mul3A_280, %add3A_281 : i32
      %ge3A_283 = arith.constant 1 : i32
      %ge3A_284 = arith.cmpi sge, %add3A_282, %ge3A_283 : i32
      %convert_element_type3A_285 = arith.extui %ge3A_284 : i1 to i32
      %cond3A_286 = arith.constant 0 : i32
      %cond3A_287 = arith.cmpi ne, %convert_element_type3A_285, %cond3A_286 : i32
      scf.if %cond3A_287 {
        %dma_wait3A_309 = arith.constant 1 : i32
        %dma_wait3A_310 = arith.constant 0 : i32
        %dma_wait3A_311 = tpu.memref_slice %arg9[%dma_wait3A_309, %dma_wait3A_310] : memref<3x64xi32, #tpu.memory_space<vmem>> -> memref<1x64xi32, #tpu.memory_space<vmem>>
        %dma_wait3A_312 = tpu.memref_squeeze %dma_wait3A_311 : memref<1x64xi32, #tpu.memory_space<vmem>> -> memref<64xi32, #tpu.memory_space<vmem>>
        %dma_wait3A_313 = arith.constant 0 : i32
        %dma_wait3A_314 = arith.constant 0 : i32
        %dma_wait3A_315 = tpu.memref_slice %arg6[%dma_wait3A_313, %dma_wait3A_314] : memref<10240x128xf32, #tpu.memory_space<vmem_shared>> -> memref<10240x128xf32, #tpu.memory_space<vmem_shared>>
        tpu.wait_indirect_dma semaphore(%arg17 : memref<!tpu.dma_semaphore, #tpu.memory_space<semaphore_mem>>) src(%arg11 : memref<64x128xf32, #tpu.memory_space<vmem>>) dst(%dma_wait3A_315 : memref<10240x128xf32, #tpu.memory_space<vmem_shared>>)
      } else {
      }
      %add3A_288 = arith.constant 2 : i32
      %add3A_289 = arith.addi %add3A_282, %add3A_288 : i32
      %lt3A_290 = arith.constant 159 : i32
      %lt3A_291 = arith.cmpi slt, %add3A_289, %lt3A_290 : i32
      %convert_element_type3A_292 = arith.extui %lt3A_291 : i1 to i32
      %cond3A_293 = arith.constant 0 : i32
      %cond3A_294 = arith.cmpi ne, %convert_element_type3A_292, %cond3A_293 : i32
      scf.if %cond3A_294 {
        %add3A_309 = arith.constant 2 : i32
        %add3A_310 = arith.addi %add3A_282, %add3A_309 : i32
        %get3A_311 = arith.index_cast %add3A_310 : i32 to index
        %get3A_312 = arith.constant 0 : index
        %get3A_313 = tpu.vector_load %arg7[%get3A_311, %get3A_312] {strides = array<i32>} : memref<159x64xi32, #tpu.memory_space<vmem>>, vector<16xi32>,
        %and3A_314 = arith.constant 65535 : i32
        %and3A_315 = vector.broadcast %and3A_314 : i32 to vector<16xi32>
        %and3A_316 = arith.andi %get3A_313, %and3A_315 : vector<16xi32>
        %swap3A_317 = arith.constant 1 : i32
        %swap3A_318 = arith.index_cast %swap3A_317 : i32 to index
        %swap3A_319 = arith.constant 0 : index
        %swap3A_320 = tpu.vector_load %arg8[%swap3A_318, %swap3A_319] {strides = array<i32>} : memref<3x64xi32, #tpu.memory_space<vmem>>, vector<16xi32>,
        tpu.vector_store %arg8[%swap3A_318, %swap3A_319], %and3A_316 {strides = array<i32>} : memref<3x64xi32, #tpu.memory_space<vmem>>, vector<16xi32>,
        %shift_right_logical3A_321 = arith.constant 16 : i32
        %shift_right_logical3A_322 = vector.broadcast %shift_right_logical3A_321 : i32 to vector<16xi32>
        %shift_right_logical3A_323 = arith.shrui %get3A_313, %shift_right_logical3A_322 : vector<16xi32>
        %swap3A_324 = arith.constant 1 : i32
        %swap3A_325 = arith.index_cast %swap3A_324 : i32 to index
        %swap3A_326 = arith.constant 0 : index
        %swap3A_327 = tpu.vector_load %arg9[%swap3A_325, %swap3A_326] {strides = array<i32>} : memref<3x64xi32, #tpu.memory_space<vmem>>, vector<16xi32>,
        tpu.vector_store %arg9[%swap3A_325, %swap3A_326], %shift_right_logical3A_323 {strides = array<i32>} : memref<3x64xi32, #tpu.memory_space<vmem>>, vector<16xi32>,
        %get3A_328 = arith.index_cast %add3A_310 : i32 to index
        %get3A_329 = arith.constant 16 : index
        %get3A_330 = tpu.vector_load %arg7[%get3A_328, %get3A_329] {strides = array<i32>} : memref<159x64xi32, #tpu.memory_space<vmem>>, vector<16xi32>,
        %and3A_331 = arith.constant 65535 : i32
        %and3A_332 = vector.broadcast %and3A_331 : i32 to vector<16xi32>
        %and3A_333 = arith.andi %get3A_330, %and3A_332 : vector<16xi32>
        %swap3A_334 = arith.constant 1 : i32
        %swap3A_335 = arith.index_cast %swap3A_334 : i32 to index
        %swap3A_336 = arith.constant 16 : index
        %swap3A_337 = tpu.vector_load %arg8[%swap3A_335, %swap3A_336] {strides = array<i32>} : memref<3x64xi32, #tpu.memory_space<vmem>>, vector<16xi32>,
        tpu.vector_store %arg8[%swap3A_335, %swap3A_336], %and3A_333 {strides = array<i32>} : memref<3x64xi32, #tpu.memory_space<vmem>>, vector<16xi32>,
        %shift_right_logical3A_338 = arith.constant 16 : i32
        %shift_right_logical3A_339 = vector.broadcast %shift_right_logical3A_338 : i32 to vector<16xi32>
        %shift_right_logical3A_340 = arith.shrui %get3A_330, %shift_right_logical3A_339 : vector<16xi32>
        %swap3A_341 = arith.constant 1 : i32
        %swap3A_342 = arith.index_cast %swap3A_341 : i32 to index
        %swap3A_343 = arith.constant 16 : index
        %swap3A_344 = tpu.vector_load %arg9[%swap3A_342, %swap3A_343] {strides = array<i32>} : memref<3x64xi32, #tpu.memory_space<vmem>>, vector<16xi32>,
        tpu.vector_store %arg9[%swap3A_342, %swap3A_343], %shift_right_logical3A_340 {strides = array<i32>} : memref<3x64xi32, #tpu.memory_space<vmem>>, vector<16xi32>,
        %get3A_345 = arith.index_cast %add3A_310 : i32 to index
        %get3A_346 = arith.constant 32 : index
        %get3A_347 = tpu.vector_load %arg7[%get3A_345, %get3A_346] {strides = array<i32>} : memref<159x64xi32, #tpu.memory_space<vmem>>, vector<16xi32>,
        %and3A_348 = arith.constant 65535 : i32
        %and3A_349 = vector.broadcast %and3A_348 : i32 to vector<16xi32>
        %and3A_350 = arith.andi %get3A_347, %and3A_349 : vector<16xi32>
        %swap3A_351 = arith.constant 1 : i32
        %swap3A_352 = arith.index_cast %swap3A_351 : i32 to index
        %swap3A_353 = arith.constant 32 : index
        %swap3A_354 = tpu.vector_load %arg8[%swap3A_352, %swap3A_353] {strides = array<i32>} : memref<3x64xi32, #tpu.memory_space<vmem>>, vector<16xi32>,
        tpu.vector_store %arg8[%swap3A_352, %swap3A_353], %and3A_350 {strides = array<i32>} : memref<3x64xi32, #tpu.memory_space<vmem>>, vector<16xi32>,
        %shift_right_logical3A_355 = arith.constant 16 : i32
        %shift_right_logical3A_356 = vector.broadcast %shift_right_logical3A_355 : i32 to vector<16xi32>
        %shift_right_logical3A_357 = arith.shrui %get3A_347, %shift_right_logical3A_356 : vector<16xi32>
        %swap3A_358 = arith.constant 1 : i32
        %swap3A_359 = arith.index_cast %swap3A_358 : i32 to index
        %swap3A_360 = arith.constant 32 : index
        %swap3A_361 = tpu.vector_load %arg9[%swap3A_359, %swap3A_360] {strides = array<i32>} : memref<3x64xi32, #tpu.memory_space<vmem>>, vector<16xi32>,
        tpu.vector_store %arg9[%swap3A_359, %swap3A_360], %shift_right_logical3A_357 {strides = array<i32>} : memref<3x64xi32, #tpu.memory_space<vmem>>, vector<16xi32>,
        %get3A_362 = arith.index_cast %add3A_310 : i32 to index
        %get3A_363 = arith.constant 48 : index
        %get3A_364 = tpu.vector_load %arg7[%get3A_362, %get3A_363] {strides = array<i32>} : memref<159x64xi32, #tpu.memory_space<vmem>>, vector<16xi32>,
        %and3A_365 = arith.constant 65535 : i32
        %and3A_366 = vector.broadcast %and3A_365 : i32 to vector<16xi32>
        %and3A_367 = arith.andi %get3A_364, %and3A_366 : vector<16xi32>
        %swap3A_368 = arith.constant 1 : i32
        %swap3A_369 = arith.index_cast %swap3A_368 : i32 to index
        %swap3A_370 = arith.constant 48 : index
        %swap3A_371 = tpu.vector_load %arg8[%swap3A_369, %swap3A_370] {strides = array<i32>} : memref<3x64xi32, #tpu.memory_space<vmem>>, vector<16xi32>,
        tpu.vector_store %arg8[%swap3A_369, %swap3A_370], %and3A_367 {strides = array<i32>} : memref<3x64xi32, #tpu.memory_space<vmem>>, vector<16xi32>,
        %shift_right_logical3A_372 = arith.constant 16 : i32
        %shift_right_logical3A_373 = vector.broadcast %shift_right_logical3A_372 : i32 to vector<16xi32>
        %shift_right_logical3A_374 = arith.shrui %get3A_364, %shift_right_logical3A_373 : vector<16xi32>
        %swap3A_375 = arith.constant 1 : i32
        %swap3A_376 = arith.index_cast %swap3A_375 : i32 to index
        %swap3A_377 = arith.constant 48 : index
        %swap3A_378 = tpu.vector_load %arg9[%swap3A_376, %swap3A_377] {strides = array<i32>} : memref<3x64xi32, #tpu.memory_space<vmem>>, vector<16xi32>,
        tpu.vector_store %arg9[%swap3A_376, %swap3A_377], %shift_right_logical3A_374 {strides = array<i32>} : memref<3x64xi32, #tpu.memory_space<vmem>>, vector<16xi32>,
        %dma_start3A_379 = arith.constant 1 : i32
        %dma_start3A_380 = arith.constant 0 : i32
        %dma_start3A_381 = tpu.memref_slice %arg8[%dma_start3A_379, %dma_start3A_380] : memref<3x64xi32, #tpu.memory_space<vmem>> -> memref<1x64xi32, #tpu.memory_space<vmem>>
        %dma_start3A_382 = tpu.memref_squeeze %dma_start3A_381 : memref<1x64xi32, #tpu.memory_space<vmem>> -> memref<64xi32, #tpu.memory_space<vmem>>
        %dma_start3A_383 = arith.constant 0 : i32
        %dma_start3A_384 = arith.constant 0 : i32
        %dma_start3A_385 = tpu.memref_slice %arg2[%dma_start3A_383, %dma_start3A_384] : memref<10240x128xf32, #tpu.memory_space<hbm>> -> memref<10240x128xf32, #tpu.memory_space<hbm>>
        tpu.enqueue_indirect_dma source(%dma_start3A_385 : memref<10240x128xf32, #tpu.memory_space<hbm>>) target(%arg11 : memref<64x128xf32, #tpu.memory_space<vmem>>) offsets(%dma_start3A_382 : memref<64xi32, #tpu.memory_space<vmem>>) semaphore(%arg14 : memref<!tpu.dma_semaphore, #tpu.memory_space<semaphore_mem>>)
      } else {
      }
      %dma_wait3A_295 = arith.constant 2 : i32
      %dma_wait3A_296 = arith.constant 0 : i32
      %dma_wait3A_297 = tpu.memref_slice %arg8[%dma_wait3A_295, %dma_wait3A_296] : memref<3x64xi32, #tpu.memory_space<vmem>> -> memref<1x64xi32, #tpu.memory_space<vmem>>
      %dma_wait3A_298 = tpu.memref_squeeze %dma_wait3A_297 : memref<1x64xi32, #tpu.memory_space<vmem>> -> memref<64xi32, #tpu.memory_space<vmem>>
      %dma_wait3A_299 = arith.constant 0 : i32
      %dma_wait3A_300 = arith.constant 0 : i32
      %dma_wait3A_301 = tpu.memref_slice %arg2[%dma_wait3A_299, %dma_wait3A_300] : memref<10240x128xf32, #tpu.memory_space<hbm>> -> memref<10240x128xf32, #tpu.memory_space<hbm>>
      tpu.wait_indirect_dma semaphore(%arg15 : memref<!tpu.dma_semaphore, #tpu.memory_space<semaphore_mem>>) src(%dma_wait3A_301 : memref<10240x128xf32, #tpu.memory_space<hbm>>) dst(%arg12 : memref<64x128xf32, #tpu.memory_space<vmem>>)
      %dma_start3A_302 = arith.constant 2 : i32
      %dma_start3A_303 = arith.constant 0 : i32
      %dma_start3A_304 = tpu.memref_slice %arg9[%dma_start3A_302, %dma_start3A_303] : memref<3x64xi32, #tpu.memory_space<vmem>> -> memref<1x64xi32, #tpu.memory_space<vmem>>
      %dma_start3A_305 = tpu.memref_squeeze %dma_start3A_304 : memref<1x64xi32, #tpu.memory_space<vmem>> -> memref<64xi32, #tpu.memory_space<vmem>>
      %dma_start3A_306 = arith.constant 0 : i32
      %dma_start3A_307 = arith.constant 0 : i32
      %dma_start3A_308 = tpu.memref_slice %arg6[%dma_start3A_306, %dma_start3A_307] : memref<10240x128xf32, #tpu.memory_space<vmem_shared>> -> memref<10240x128xf32, #tpu.memory_space<vmem_shared>>
      tpu.enqueue_indirect_dma source(%arg12 : memref<64x128xf32, #tpu.memory_space<vmem>>) target(%dma_start3A_308 : memref<10240x128xf32, #tpu.memory_space<vmem_shared>>) offsets(%dma_start3A_305 : memref<64xi32, #tpu.memory_space<vmem>>) semaphore(%arg18 : memref<!tpu.dma_semaphore, #tpu.memory_space<semaphore_mem>>) {add = true}
    }
    %scan3A_203 = arith.constant 53 : i32
    %dma_wait3A = arith.constant 2 : i32
    %dma_wait3A_204 = arith.constant 0 : i32
    %dma_wait3A_205 = tpu.memref_slice %arg9[%dma_wait3A, %dma_wait3A_204] : memref<3x64xi32, #tpu.memory_space<vmem>> -> memref<1x64xi32, #tpu.memory_space<vmem>>
    %dma_wait3A_206 = tpu.memref_squeeze %dma_wait3A_205 : memref<1x64xi32, #tpu.memory_space<vmem>> -> memref<64xi32, #tpu.memory_space<vmem>>
    %dma_wait3A_207 = arith.constant 0 : i32
    %dma_wait3A_208 = arith.constant 0 : i32
    %dma_wait3A_209 = tpu.memref_slice %arg6[%dma_wait3A_207, %dma_wait3A_208] : memref<10240x128xf32, #tpu.memory_space<vmem_shared>> -> memref<10240x128xf32, #tpu.memory_space<vmem_shared>>
    tpu.wait_indirect_dma semaphore(%arg18 : memref<!tpu.dma_semaphore, #tpu.memory_space<semaphore_mem>>) src(%arg12 : memref<64x128xf32, #tpu.memory_space<vmem>>) dst(%dma_wait3A_209 : memref<10240x128xf32, #tpu.memory_space<vmem_shared>>)
    %barrier3A_210 = arith.constant 0 : index
    tpu.barrier barrier_id(%barrier3A_210)
    %mul3A_211 = arith.constant 640 : i32
    %mul3A_212 = arith.muli %arg1, %mul3A_211 : i32
    %eq3A = arith.constant 0 : i32
    %eq3A_213 = arith.cmpi eq, %arg0, %eq3A : i32
    %convert_element_type3A = arith.extui %eq3A_213 : i1 to i32
    %cond3A = arith.constant 0 : i32
    %cond3A_214 = arith.cmpi ne, %convert_element_type3A, %cond3A : i32
    scf.if %cond3A_214 {
      "tpu.region"() ({
        %run_scoped3A = tpu.sem_alloc : memref<!tpu.dma_semaphore, #tpu.memory_space<semaphore_mem>>
        %dma_start3A_220 = arith.constant 0 : i32
        %dma_start3A_221 = tpu.memref_slice %arg4[%mul3A_212, %dma_start3A_220] : memref<10240x128xf32, #tpu.memory_space<hbm>> -> memref<640x128xf32, #tpu.memory_space<hbm>>
        %dma_start3A_222 = arith.constant 0 : i32
        %dma_start3A_223 = tpu.memref_slice %arg6[%mul3A_212, %dma_start3A_222] : memref<10240x128xf32, #tpu.memory_space<vmem_shared>> -> memref<640x128xf32, #tpu.memory_space<vmem_shared>>
        tpu.enqueue_dma source(%dma_start3A_223 : memref<640x128xf32, #tpu.memory_space<vmem_shared>>) target(%dma_start3A_221 : memref<640x128xf32, #tpu.memory_space<hbm>>) target_semaphore(%run_scoped3A : memref<!tpu.dma_semaphore, #tpu.memory_space<semaphore_mem>>)
        %dma_wait3A_224 = arith.constant 0 : i32
        %dma_wait3A_225 = tpu.memref_slice %arg4[%mul3A_212, %dma_wait3A_224] : memref<10240x128xf32, #tpu.memory_space<hbm>> -> memref<640x128xf32, #tpu.memory_space<hbm>>
        %dma_wait3A_226 = arith.constant 0 : i32
        %dma_wait3A_227 = tpu.memref_slice %arg6[%mul3A_212, %dma_wait3A_226] : memref<10240x128xf32, #tpu.memory_space<vmem_shared>> -> memref<640x128xf32, #tpu.memory_space<vmem_shared>>
        tpu.wait_dma2 semaphore(%run_scoped3A : memref<!tpu.dma_semaphore, #tpu.memory_space<semaphore_mem>>) src(%dma_wait3A_227 : memref<640x128xf32, #tpu.memory_space<vmem_shared>>) dst(%dma_wait3A_225 : memref<640x128xf32, #tpu.memory_space<hbm>>)
        tpu.yield
      }) : () -> ()
    } else {
    }
    %eq3A_215 = arith.constant 1 : i32
    %eq3A_216 = arith.cmpi eq, %arg0, %eq3A_215 : i32
    %convert_element_type3A_217 = arith.extui %eq3A_216 : i1 to i32
    %cond3A_218 = arith.constant 0 : i32
    %cond3A_219 = arith.cmpi ne, %convert_element_type3A_217, %cond3A_218 : i32
    scf.if %cond3A_219 {
      "tpu.region"() ({
        %run_scoped3A = tpu.sem_alloc : memref<!tpu.dma_semaphore, #tpu.memory_space<semaphore_mem>>
        %dma_start3A_220 = arith.constant 0 : i32
        %dma_start3A_221 = tpu.memref_slice %arg5[%mul3A_212, %dma_start3A_220] : memref<10240x128xf32, #tpu.memory_space<hbm>> -> memref<640x128xf32, #tpu.memory_space<hbm>>
        %dma_start3A_222 = arith.constant 0 : i32
        %dma_start3A_223 = tpu.memref_slice %arg6[%mul3A_212, %dma_start3A_222] : memref<10240x128xf32, #tpu.memory_space<vmem_shared>> -> memref<640x128xf32, #tpu.memory_space<vmem_shared>>
        tpu.enqueue_dma source(%dma_start3A_223 : memref<640x128xf32, #tpu.memory_space<vmem_shared>>) target(%dma_start3A_221 : memref<640x128xf32, #tpu.memory_space<hbm>>) target_semaphore(%run_scoped3A : memref<!tpu.dma_semaphore, #tpu.memory_space<semaphore_mem>>)
        %dma_wait3A_224 = arith.constant 0 : i32
        %dma_wait3A_225 = tpu.memref_slice %arg5[%mul3A_212, %dma_wait3A_224] : memref<10240x128xf32, #tpu.memory_space<hbm>> -> memref<640x128xf32, #tpu.memory_space<hbm>>
        %dma_wait3A_226 = arith.constant 0 : i32
        %dma_wait3A_227 = tpu.memref_slice %arg6[%mul3A_212, %dma_wait3A_226] : memref<10240x128xf32, #tpu.memory_space<vmem_shared>> -> memref<640x128xf32, #tpu.memory_space<vmem_shared>>
        tpu.wait_dma2 semaphore(%run_scoped3A : memref<!tpu.dma_semaphore, #tpu.memory_space<semaphore_mem>>) src(%dma_wait3A_227 : memref<640x128xf32, #tpu.memory_space<vmem_shared>>) dst(%dma_wait3A_225 : memref<640x128xf32, #tpu.memory_space<hbm>>)
        tpu.yield
      }) : () -> ()
    } else {
    }
    return
  }
}

module attributes {stable_mosaic.version = 14 : i64} {
  func.func @_first_body(%arg0: i32, %arg1: memref<1280x128xf32, #tpu.memory_space<vmem>>, %arg2: memref<1280x128xf32, #tpu.memory_space<vmem>>, %arg3: memref<128x128xf32, #tpu.memory_space<vmem>>, %arg4: memref<1280x128xf32, #tpu.memory_space<vmem>>) attributes {dimension_semantics = [#tpu.dimension_semantics<arbitrary>], iteration_bounds = array<i64: 8>, scalar_prefetch = 0 : i64, scratch_operands = 0 : i64, tpu.core_type = #tpu.core_type<tc>, window_params = [{transform_indices = @transform_0, window_bounds = array<i64: 1280, 128>}, {transform_indices = @transform_1, window_bounds = array<i64: 1280, 128>}, {pipeline_mode = #tpu.pipeline_mode<synchronous>, transform_indices = @transform_2, window_bounds = array<i64: 128, 128>}, {transform_indices = @transform_3, window_bounds = array<i64: 1280, 128>}]} {
    %get3A = arith.constant 0 : index
    %get3A_0 = arith.constant 0 : index
    %get3A_1 = vector.load %arg1[%get3A, %get3A_0] : memref<1280x128xf32, #tpu.memory_space<vmem>>, vector<1280x128xf32>
    %get3A_2 = arith.constant 0 : index
    %get3A_3 = arith.constant 0 : index
    %get3A_4 = vector.load %arg3[%get3A_2, %get3A_3] : memref<128x128xf32, #tpu.memory_space<vmem>>, vector<128x128xf32>
    %dot_general3A = arith.constant dense<0.000000e+00> : vector<1280x128xf32>
    %dot_general3A_5 = tpu.matmul %get3A_1, %get3A_4, %dot_general3A {dimension_numbers = #tpu.dot_dimension_numbers<[1], [0], [0], [1], [0, 0, 1, 1], [], []>, transpose_lhs_hint = false} : vector<1280x128xf32>, vector<128x128xf32>, vector<1280x128xf32> -> vector<1280x128xf32>
    %get3A_6 = arith.constant 0 : index
    %get3A_7 = arith.constant 0 : index
    %get3A_8 = vector.load %arg2[%get3A_6, %get3A_7] : memref<1280x128xf32, #tpu.memory_space<vmem>>, vector<1280x128xf32>
    %mul3A = arith.mulf %dot_general3A_5, %get3A_8 : vector<1280x128xf32>
    %swap3A = arith.constant 0 : index
    %swap3A_9 = arith.constant 0 : index
    %swap3A_10 = vector.load %arg4[%swap3A, %swap3A_9] : memref<1280x128xf32, #tpu.memory_space<vmem>>, vector<1280x128xf32>
    tpu.vector_store %arg4[%swap3A, %swap3A_9], %mul3A {strides = array<i32>} : memref<1280x128xf32, #tpu.memory_space<vmem>>, vector<1280x128xf32>,
    return
  }
  func.func @transform_0(%arg0: i32) -> (i32, i32) {
    %c0_i32 = arith.constant 0 : i32
    %c0_i32_0 = arith.constant 0 : i32
    return %arg0, %c0_i32 : i32, i32
  }
  func.func @transform_1(%arg0: i32) -> (i32, i32) {
    %c0_i32 = arith.constant 0 : i32
    %c0_i32_0 = arith.constant 0 : i32
    return %arg0, %c0_i32 : i32, i32
  }
  func.func @transform_2(%arg0: i32) -> (i32, i32) {
    %c0_i32 = arith.constant 0 : i32
    %c0_i32_0 = arith.constant 0 : i32
    %c0_i32_1 = arith.constant 0 : i32
    return %c0_i32, %c0_i32_0 : i32, i32
  }
  func.func @transform_3(%arg0: i32) -> (i32, i32) {
    %c0_i32 = arith.constant 0 : i32
    %c0_i32_0 = arith.constant 0 : i32
    return %arg0, %c0_i32 : i32, i32
  }
}

module attributes {stable_mosaic.version = 14 : i64} {
  func.func @_mid_body(%arg0: i32, %arg1: memref<1280x128xf32, #tpu.memory_space<vmem>>, %arg2: memref<1280x128xf32, #tpu.memory_space<vmem>>, %arg3: memref<1280x128xf32, #tpu.memory_space<vmem>>, %arg4: memref<1280x128xf32, #tpu.memory_space<vmem>>, %arg5: memref<1x128xf32, #tpu.memory_space<vmem>>, %arg6: memref<128x128xf32, #tpu.memory_space<vmem>>, %arg7: memref<1280x128xf32, #tpu.memory_space<vmem>>) attributes {dimension_semantics = [#tpu.dimension_semantics<arbitrary>], iteration_bounds = array<i64: 8>, scalar_prefetch = 0 : i64, scratch_operands = 0 : i64, tpu.core_type = #tpu.core_type<tc>, window_params = [{transform_indices = @transform_0, window_bounds = array<i64: 1280, 128>}, {transform_indices = @transform_1, window_bounds = array<i64: 1280, 128>}, {transform_indices = @transform_2, window_bounds = array<i64: 1280, 128>}, {transform_indices = @transform_3, window_bounds = array<i64: 1280, 128>}, {pipeline_mode = #tpu.pipeline_mode<synchronous>, transform_indices = @transform_4, window_bounds = array<i64: 1, 128>}, {pipeline_mode = #tpu.pipeline_mode<synchronous>, transform_indices = @transform_5, window_bounds = array<i64: 128, 128>}, {transform_indices = @transform_6, window_bounds = array<i64: 1280, 128>}]} {
    %get3A = arith.constant 0 : index
    %get3A_0 = arith.constant 0 : index
    %get3A_1 = vector.load %arg1[%get3A, %get3A_0] : memref<1280x128xf32, #tpu.memory_space<vmem>>, vector<1280x128xf32>
    %get3A_2 = arith.constant 0 : index
    %get3A_3 = arith.constant 0 : index
    %get3A_4 = vector.load %arg2[%get3A_2, %get3A_3] : memref<1280x128xf32, #tpu.memory_space<vmem>>, vector<1280x128xf32>
    %add3A = arith.addf %get3A_1, %get3A_4 : vector<1280x128xf32>
    %get3A_5 = arith.constant 0 : index
    %get3A_6 = arith.constant 0 : index
    %get3A_7 = vector.load %arg3[%get3A_5, %get3A_6] : memref<1280x128xf32, #tpu.memory_space<vmem>>, vector<1280x128xf32>
    %add3A_8 = arith.addf %add3A, %get3A_7 : vector<1280x128xf32>
    %get3A_9 = arith.constant 0 : index
    %get3A_10 = arith.constant 0 : index
    %get3A_11 = vector.load %arg4[%get3A_9, %get3A_10] : memref<1280x128xf32, #tpu.memory_space<vmem>>, vector<1280x128xf32>
    %mul3A = arith.mulf %add3A_8, %get3A_11 : vector<1280x128xf32>
    %get3A_12 = arith.constant 0 : index
    %get3A_13 = arith.constant 0 : index
    %get3A_14 = vector.load %arg5[%get3A_12, %get3A_13] : memref<1x128xf32, #tpu.memory_space<vmem>>, vector<1x128xf32>
    %add3A_15 = vector.broadcast %get3A_14 : vector<1x128xf32> to vector<1280x128xf32>
    %add3A_16 = arith.addf %mul3A, %add3A_15 : vector<1280x128xf32>
    %max3A = arith.constant 0.000000e+00 : f32
    %max3A_17 = vector.broadcast %max3A : f32 to vector<1280x128xf32>
    %max3A_18 = arith.maximumf %add3A_16, %max3A_17 : vector<1280x128xf32>
    %get3A_19 = arith.constant 0 : index
    %get3A_20 = arith.constant 0 : index
    %get3A_21 = vector.load %arg6[%get3A_19, %get3A_20] : memref<128x128xf32, #tpu.memory_space<vmem>>, vector<128x128xf32>
    %dot_general3A = arith.constant dense<0.000000e+00> : vector<1280x128xf32>
    %dot_general3A_22 = tpu.matmul %max3A_18, %get3A_21, %dot_general3A {dimension_numbers = #tpu.dot_dimension_numbers<[1], [0], [0], [1], [0, 0, 1, 1], [], []>, transpose_lhs_hint = false} : vector<1280x128xf32>, vector<128x128xf32>, vector<1280x128xf32> -> vector<1280x128xf32>
    %get3A_23 = arith.constant 0 : index
    %get3A_24 = arith.constant 0 : index
    %get3A_25 = vector.load %arg4[%get3A_23, %get3A_24] : memref<1280x128xf32, #tpu.memory_space<vmem>>, vector<1280x128xf32>
    %mul3A_26 = arith.mulf %dot_general3A_22, %get3A_25 : vector<1280x128xf32>
    %swap3A = arith.constant 0 : index
    %swap3A_27 = arith.constant 0 : index
    %swap3A_28 = vector.load %arg7[%swap3A, %swap3A_27] : memref<1280x128xf32, #tpu.memory_space<vmem>>, vector<1280x128xf32>
    tpu.vector_store %arg7[%swap3A, %swap3A_27], %mul3A_26 {strides = array<i32>} : memref<1280x128xf32, #tpu.memory_space<vmem>>, vector<1280x128xf32>,
    return
  }
  func.func @transform_0(%arg0: i32) -> (i32, i32) {
    %c0_i32 = arith.constant 0 : i32
    %c0_i32_0 = arith.constant 0 : i32
    return %arg0, %c0_i32 : i32, i32
  }
  func.func @transform_1(%arg0: i32) -> (i32, i32) {
    %c0_i32 = arith.constant 0 : i32
    %c0_i32_0 = arith.constant 0 : i32
    return %arg0, %c0_i32 : i32, i32
  }
  func.func @transform_2(%arg0: i32) -> (i32, i32) {
    %c0_i32 = arith.constant 0 : i32
    %c0_i32_0 = arith.constant 0 : i32
    return %arg0, %c0_i32 : i32, i32
  }
  func.func @transform_3(%arg0: i32) -> (i32, i32) {
    %c0_i32 = arith.constant 0 : i32
    %c0_i32_0 = arith.constant 0 : i32
    return %arg0, %c0_i32 : i32, i32
  }
  func.func @transform_4(%arg0: i32) -> (i32, i32) {
    %c0_i32 = arith.constant 0 : i32
    %c0_i32_0 = arith.constant 0 : i32
    %c0_i32_1 = arith.constant 0 : i32
    return %c0_i32, %c0_i32_0 : i32, i32
  }
  func.func @transform_5(%arg0: i32) -> (i32, i32) {
    %c0_i32 = arith.constant 0 : i32
    %c0_i32_0 = arith.constant 0 : i32
    %c0_i32_1 = arith.constant 0 : i32
    return %c0_i32, %c0_i32_0 : i32, i32
  }
  func.func @transform_6(%arg0: i32) -> (i32, i32) {
    %c0_i32 = arith.constant 0 : i32
    %c0_i32_0 = arith.constant 0 : i32
    return %arg0, %c0_i32 : i32, i32
  }
}

module attributes {stable_mosaic.version = 14 : i64} {
  func.func @_pool_body(%arg0: i32, %arg1: memref<1280x128xf32, #tpu.memory_space<vmem>>, %arg2: memref<1280x128xf32, #tpu.memory_space<vmem>>, %arg3: memref<1280x128xf32, #tpu.memory_space<vmem>>, %arg4: memref<1280x128xf32, #tpu.memory_space<vmem>>, %arg5: memref<1x128xf32, #tpu.memory_space<vmem>>, %arg6: memref<1280x128xi32, #tpu.memory_space<vmem>>, %arg7: memref<128x128xf32, #tpu.memory_space<vmem>>, %arg8: memref<128x128xf32, #tpu.memory_space<vmem>>, %arg9: memref<128x128xf32, #tpu.memory_space<vmem>>) attributes {dimension_semantics = [#tpu.dimension_semantics<arbitrary>], iteration_bounds = array<i64: 8>, scalar_prefetch = 0 : i64, scratch_operands = 2 : i64, tpu.core_type = #tpu.core_type<tc>, window_params = [{transform_indices = @transform_0, window_bounds = array<i64: 1280, 128>}, {transform_indices = @transform_1, window_bounds = array<i64: 1280, 128>}, {transform_indices = @transform_2, window_bounds = array<i64: 1280, 128>}, {transform_indices = @transform_3, window_bounds = array<i64: 1280, 128>}, {pipeline_mode = #tpu.pipeline_mode<synchronous>, transform_indices = @transform_4, window_bounds = array<i64: 1, 128>}, {transform_indices = @transform_5, window_bounds = array<i64: 1280, 128>}, {pipeline_mode = #tpu.pipeline_mode<synchronous>, transform_indices = @transform_6, window_bounds = array<i64: 128, 128>}]} {
    %eq3A = arith.constant 0 : i32
    %eq3A_0 = arith.cmpi eq, %arg0, %eq3A : i32
    %convert_element_type3A = arith.extui %eq3A_0 : i1 to i32
    %cond3A = arith.constant 0 : i32
    %cond3A_1 = arith.cmpi ne, %convert_element_type3A, %cond3A : i32
    scf.if %cond3A_1 {
      %broadcast_in_dim3A_49 = arith.constant 0.000000e+00 : f32
      %broadcast_in_dim3A_50 = vector.broadcast %broadcast_in_dim3A_49 : f32 to vector<128x128xf32>
      %swap3A_51 = arith.constant 0 : index
      %swap3A_52 = arith.constant 0 : index
      %swap3A_53 = vector.load %arg8[%swap3A_51, %swap3A_52] : memref<128x128xf32, #tpu.memory_space<vmem>>, vector<128x128xf32>
      tpu.vector_store %arg8[%swap3A_51, %swap3A_52], %broadcast_in_dim3A_50 {strides = array<i32>} : memref<128x128xf32, #tpu.memory_space<vmem>>, vector<128x128xf32>,
      %broadcast_in_dim3A_54 = arith.constant 0.000000e+00 : f32
      %broadcast_in_dim3A_55 = vector.broadcast %broadcast_in_dim3A_54 : f32 to vector<128x128xf32>
      %swap3A_56 = arith.constant 0 : index
      %swap3A_57 = arith.constant 0 : index
      %swap3A_58 = vector.load %arg9[%swap3A_56, %swap3A_57] : memref<128x128xf32, #tpu.memory_space<vmem>>, vector<128x128xf32>
      tpu.vector_store %arg9[%swap3A_56, %swap3A_57], %broadcast_in_dim3A_55 {strides = array<i32>} : memref<128x128xf32, #tpu.memory_space<vmem>>, vector<128x128xf32>,
    } else {
    }
    %get3A = arith.constant 0 : index
    %get3A_2 = arith.constant 0 : index
    %get3A_3 = vector.load %arg1[%get3A, %get3A_2] : memref<1280x128xf32, #tpu.memory_space<vmem>>, vector<1280x128xf32>
    %get3A_4 = arith.constant 0 : index
    %get3A_5 = arith.constant 0 : index
    %get3A_6 = vector.load %arg2[%get3A_4, %get3A_5] : memref<1280x128xf32, #tpu.memory_space<vmem>>, vector<1280x128xf32>
    %add3A = arith.addf %get3A_3, %get3A_6 : vector<1280x128xf32>
    %get3A_7 = arith.constant 0 : index
    %get3A_8 = arith.constant 0 : index
    %get3A_9 = vector.load %arg3[%get3A_7, %get3A_8] : memref<1280x128xf32, #tpu.memory_space<vmem>>, vector<1280x128xf32>
    %add3A_10 = arith.addf %add3A, %get3A_9 : vector<1280x128xf32>
    %get3A_11 = arith.constant 0 : index
    %get3A_12 = arith.constant 0 : index
    %get3A_13 = vector.load %arg4[%get3A_11, %get3A_12] : memref<1280x128xf32, #tpu.memory_space<vmem>>, vector<1280x128xf32>
    %mul3A = arith.mulf %add3A_10, %get3A_13 : vector<1280x128xf32>
    %get3A_14 = arith.constant 0 : index
    %get3A_15 = arith.constant 0 : index
    %get3A_16 = vector.load %arg5[%get3A_14, %get3A_15] : memref<1x128xf32, #tpu.memory_space<vmem>>, vector<1x128xf32>
    %add3A_17 = vector.broadcast %get3A_16 : vector<1x128xf32> to vector<1280x128xf32>
    %add3A_18 = arith.addf %mul3A, %add3A_17 : vector<1280x128xf32>
    %max3A = arith.constant 0.000000e+00 : f32
    %max3A_19 = vector.broadcast %max3A : f32 to vector<1280x128xf32>
    %max3A_20 = arith.maximumf %add3A_18, %max3A_19 : vector<1280x128xf32>
    %iota3A = tpu.iota {dimensions = array<i32: 1>} : vector<1280x128xi32>
    %get3A_21 = arith.constant 0 : index
    %get3A_22 = arith.constant 0 : index
    %get3A_23 = vector.load %arg6[%get3A_21, %get3A_22] : memref<1280x128xi32, #tpu.memory_space<vmem>>, vector<1280x128xi32>
    %eq3A_24 = arith.cmpi eq, %get3A_23, %iota3A : vector<1280x128xi32>
    %convert_element_type3A_25 = arith.extui %eq3A_24 : vector<1280x128xi1> to vector<1280x128xi32>
    %convert_element_type3A_26 = arith.sitofp %convert_element_type3A_25 : vector<1280x128xi32> to vector<1280x128xf32>
    %get3A_27 = arith.constant 0 : index
    %get3A_28 = arith.constant 0 : index
    %get3A_29 = vector.load %arg8[%get3A_27, %get3A_28] : memref<128x128xf32, #tpu.memory_space<vmem>>, vector<128x128xf32>
    %dot_general3A = arith.constant dense<0.000000e+00> : vector<128x128xf32>
    %dot_general3A_30 = tpu.matmul %convert_element_type3A_26, %max3A_20, %dot_general3A {dimension_numbers = #tpu.dot_dimension_numbers<[0], [0], [1], [1], [0, 1, 1, 1], [], []>, transpose_lhs_hint = false} : vector<1280x128xf32>, vector<1280x128xf32>, vector<128x128xf32> -> vector<128x128xf32>
    %add3A_31 = arith.addf %get3A_29, %dot_general3A_30 : vector<128x128xf32>
    %swap3A = arith.constant 0 : index
    %swap3A_32 = arith.constant 0 : index
    %swap3A_33 = vector.load %arg8[%swap3A, %swap3A_32] : memref<128x128xf32, #tpu.memory_space<vmem>>, vector<128x128xf32>
    tpu.vector_store %arg8[%swap3A, %swap3A_32], %add3A_31 {strides = array<i32>} : memref<128x128xf32, #tpu.memory_space<vmem>>, vector<128x128xf32>,
    %get3A_34 = arith.constant 0 : index
    %get3A_35 = arith.constant 0 : index
    %get3A_36 = vector.load %arg9[%get3A_34, %get3A_35] : memref<128x128xf32, #tpu.memory_space<vmem>>, vector<128x128xf32>
    %broadcast_in_dim3A = arith.constant 1.000000e+00 : f32
    %broadcast_in_dim3A_37 = vector.broadcast %broadcast_in_dim3A : f32 to vector<1280x128xf32>
    %dot_general3A_38 = arith.constant dense<0.000000e+00> : vector<128x128xf32>
    %dot_general3A_39 = tpu.matmul %convert_element_type3A_26, %broadcast_in_dim3A_37, %dot_general3A_38 {dimension_numbers = #tpu.dot_dimension_numbers<[0], [0], [1], [1], [0, 1, 1, 1], [], []>, transpose_lhs_hint = false} : vector<1280x128xf32>, vector<1280x128xf32>, vector<128x128xf32> -> vector<128x128xf32>
    %add3A_40 = arith.addf %get3A_36, %dot_general3A_39 : vector<128x128xf32>
    %swap3A_41 = arith.constant 0 : index
    %swap3A_42 = arith.constant 0 : index
    %swap3A_43 = vector.load %arg9[%swap3A_41, %swap3A_42] : memref<128x128xf32, #tpu.memory_space<vmem>>, vector<128x128xf32>
    tpu.vector_store %arg9[%swap3A_41, %swap3A_42], %add3A_40 {strides = array<i32>} : memref<128x128xf32, #tpu.memory_space<vmem>>, vector<128x128xf32>,
    %eq3A_44 = arith.constant 7 : i32
    %eq3A_45 = arith.cmpi eq, %arg0, %eq3A_44 : i32
    %convert_element_type3A_46 = arith.extui %eq3A_45 : i1 to i32
    %cond3A_47 = arith.constant 0 : i32
    %cond3A_48 = arith.cmpi ne, %convert_element_type3A_46, %cond3A_47 : i32
    scf.if %cond3A_48 {
      %get3A_49 = arith.constant 0 : index
      %get3A_50 = arith.constant 0 : index
      %get3A_51 = vector.load %arg8[%get3A_49, %get3A_50] : memref<128x128xf32, #tpu.memory_space<vmem>>, vector<128x128xf32>
      %get3A_52 = arith.constant 0 : index
      %get3A_53 = arith.constant 0 : index
      %get3A_54 = vector.load %arg9[%get3A_52, %get3A_53] : memref<128x128xf32, #tpu.memory_space<vmem>>, vector<128x128xf32>
      %max3A_55 = arith.constant 1.000000e+00 : f32
      %max3A_56 = vector.broadcast %max3A_55 : f32 to vector<128x128xf32>
      %max3A_57 = arith.maximumf %get3A_54, %max3A_56 : vector<128x128xf32>
      %div3A = arith.divf %get3A_51, %max3A_57 : vector<128x128xf32>
      %swap3A_58 = arith.constant 0 : index
      %swap3A_59 = arith.constant 0 : index
      %swap3A_60 = vector.load %arg7[%swap3A_58, %swap3A_59] : memref<128x128xf32, #tpu.memory_space<vmem>>, vector<128x128xf32>
      tpu.vector_store %arg7[%swap3A_58, %swap3A_59], %div3A {strides = array<i32>} : memref<128x128xf32, #tpu.memory_space<vmem>>, vector<128x128xf32>,
    } else {
    }
    return
  }
  func.func @transform_0(%arg0: i32) -> (i32, i32) {
    %c0_i32 = arith.constant 0 : i32
    %c0_i32_0 = arith.constant 0 : i32
    return %arg0, %c0_i32 : i32, i32
  }
  func.func @transform_1(%arg0: i32) -> (i32, i32) {
    %c0_i32 = arith.constant 0 : i32
    %c0_i32_0 = arith.constant 0 : i32
    return %arg0, %c0_i32 : i32, i32
  }
  func.func @transform_2(%arg0: i32) -> (i32, i32) {
    %c0_i32 = arith.constant 0 : i32
    %c0_i32_0 = arith.constant 0 : i32
    return %arg0, %c0_i32 : i32, i32
  }
  func.func @transform_3(%arg0: i32) -> (i32, i32) {
    %c0_i32 = arith.constant 0 : i32
    %c0_i32_0 = arith.constant 0 : i32
    return %arg0, %c0_i32 : i32, i32
  }
  func.func @transform_4(%arg0: i32) -> (i32, i32) {
    %c0_i32 = arith.constant 0 : i32
    %c0_i32_0 = arith.constant 0 : i32
    %c0_i32_1 = arith.constant 0 : i32
    return %c0_i32, %c0_i32_0 : i32, i32
  }
  func.func @transform_5(%arg0: i32) -> (i32, i32) {
    %c0_i32 = arith.constant 0 : i32
    %c0_i32_0 = arith.constant 0 : i32
    return %arg0, %c0_i32 : i32, i32
  }
  func.func @transform_6(%arg0: i32) -> (i32, i32) {
    %c0_i32 = arith.constant 0 : i32
    %c0_i32_0 = arith.constant 0 : i32
    %c0_i32_1 = arith.constant 0 : i32
    return %c0_i32, %c0_i32_0 : i32, i32
  }
}

</mosaic_0001>

<sc_bundles>
// kernel: kernel.12.cloned.1.call-start
scs
__scs_entry_jumppad:
0x0: {  	(pc) =	sbr.rel $0x88, $3  }
0x1: {  	(tag) =	ssettag $0x0;
	lr =	simm.s32 $0x1  }
0x2: {  	[smem:$0x3F96] =	sst lr;
	_ =	strace $0xD0000000  }
0x3: {  	_ = 	snop  }
0x4: {  	_ = 	snop  }
0x5: {  	_ = 	snop  }
0x6: {  	_ = 	snop  }
0x7: {  	_ = 	snop  }
__scs_overlays_trampoline_lowered:
0x8: {  	[smem:$0x3FA5] =	sst s0  }
0x9: {  	[smem:$0x3FA6] =	sst s1  }
0xa: {  	[smem:$0x3FA7] =	sst s2  }
0xb: {  	[smem:$0x3FA8] =	sst s3  }
0xc: {  	[smem:$0x3FA9] =	sst s4  }
0xd: {  	[smem:$0x3FAA] =	sst s5  }
0xe: {  	[smem:$0x3FAB] =	sst s6  }
0xf: {  	[smem:$0x3FAC] =	sst s7  }
0x10: {  	[smem:$0x3FAD] =	sst s8  }
0x11: {  	[smem:$0x3FAE] =	sst s9;
	s0 =	simm.s32 @!p0 $0x0  }
0x12: {  	s1 =	sld [smem:$0x3F94];
	s0 =	simm.s32 @p0 $0x1  }
0x13: {  	[smem:$0x3FAF] =	sst s0;
	s0 =	simm.s32 @!p1 $0x0  }
0x14: {  	s2 =	sld [smem:$0x3F93];
	s0 =	simm.s32 @p1 $0x1  }
0x15: {  	[smem:$0x3FB0] =	sst s0;
	s0 =	simm.s32 @!p2 $0x0  }
0x16: {  	s3 =	sld [smem:$0x3FDB];
	s0 =	simm.s32 @p2 $0x1  }
0x17: {  	s4 =	simm.s32 $0x1BF5;
	[smem:$0x3FB2] =	sst s0  }
0x18: {  	s0 =	sld [smem:$0x3F95];
	_ =	swait.ge [sflag:s4], $0x0  }
0x19: {  	s7 =	sld [smem:$0x3F96]  }
0x1a: {  	s8 =	sadd.s32 $0xFFFFE003, lr  }
0x1b: {  	s9 =	sadd.s32 $0xFFFFFEF7, lr;
	s5 =	simm.s32 $0xFFFFFFFF;
	p2 =	slt.u32 s8, $0xFFFFF086  }
0x1c: {  	p1 =	slt.u32 s9, $0xF7A;
	s5 =	simm.s32 @!p2 $0x0  }
0x1d: {  	s5 =	simm.s32 @p1 $0x1;
	p0 =	seq.s32 s7, s2  }
0x1e: {  	s7 =	smul.u32 @!p0 $0xF7A, s2;
	p2 =	seq.s32 @!p0 s5, $0x0  }
0x1f: {  	s9 =	smul.u32 $0xF7A, s1;
	s8 =	simm.s32 @!p0 $0x1BF5;
	p2 =	por !p2, p0  }
0x20: {  	[sflag:s8] =	ssyncset.s32 @!p0 $0xFFFFF086;
	s6 =	sadd.s32 @!p0 s3, s7;
	s7 =	simm.s32 @!p0 $0x108  }
0x21: {  	s3 =	sadd.s32 s3, s9;
	s6 =	sadd.s32 @!p0 $0x88, s6;
	s7 =	simm.s32 @p2 $0x1082  }
0x22: {  	[simem:s7], [sflag:s8] =	dma.local @!p0 [hbm:s6], $0xF7A  }
0x23: {  	s9 =	sor.u32 $0xD0000000, s2;
	s6 =	simm.s32 $0x108;
	_ =	swait.ge @!p0 [sflag:s8], $0x0  }
0x24: {  	s3 =	sadd.s32 $0x88, s3;
	s6 =	simm.s32 @!p1 $0x1082;
	[sflag:s4] =	ssyncset.s32 $0xFFFFF086  }
0x25: {  	[simem:s6], [sflag:s4] =	dma.local [hbm:s3], $0xF7A  }
0x26: {  	[smem:$0x3F96] =	sst s1;
	(tag) =	ssettag s2;
	_ =	strace s9  }
0x27: {  	s1 =	sld [smem:$0x3FA6]  }
0x28: {  	s2 =	sld [smem:$0x3FA7]  }
0x29: {  	s4 =	sld [smem:$0x3FA9]  }
0x2a: {  	p0 =	seq.s32 s5, $0x0;
	s5 =	sld [smem:$0x3FAA]  }
0x2b: {  	s6 =	sld [smem:$0x3FAB]  }
0x2c: {  	s7 =	sld [smem:$0x3FAC]  }
0x2d: {  	s3 =	simm.s32 $0x108;
	s8 =	sld [smem:$0x3FAD]  }
0x2e: {  	s3 =	simm.s32 @!p0 $0x1082;
	s9 =	sld [smem:$0x3FAE]  }
0x2f: {  	lr =	sadd.s32 s0, s3;
	s0 =	sld [smem:$0x3FA5]  }
0x30: {  	s3 =	sld [smem:$0x3FA8]  }
0x31: {  	[smem:$0x3FB1] =	sst s10  }
0x32: {  	s10 =	sld [smem:$0x3FAF];
	_ =	sdelay $0x3  }
0x33: {  	p0 =	seq.s32 s10, $0x1;
	s10 =	sld [smem:$0x3FB1];
	_ =	sdelay $0x3  }
0x34: {  	[smem:$0x3FB1] =	sst s10  }
0x35: {  	s10 =	sld [smem:$0x3FB0];
	_ =	sdelay $0x3  }
0x36: {  	p1 =	seq.s32 s10, $0x1;
	s10 =	sld [smem:$0x3FB1];
	_ =	sdelay $0x3  }
0x37: {  	[smem:$0x3FB1] =	sst s10  }
0x38: {  	s10 =	sld [smem:$0x3FB2]  }
0x39: {  	_ = 	snop;
	(pc) =	sbr.ind lr, $3  }
0x3a: {  	_ = 	snop  }
0x3b: {  	_ = 	snop  }
0x3c: {  	p2 =	seq.s32 s10, $0x1;
	s10 =	sld [smem:$0x3FB1]  }
0x3d: {  	_ =	shalt  }
0x3e: {  	_ =	shalt  }
0x3f: {  	_ =	shalt  }
0x40: {  	_ =	shalt  }
0x41: {  	_ =	shalt  }
0x42: {  	_ =	shalt  }
0x43: {  	_ =	shalt  }
0x44: {  	_ =	shalt  }
0x45: {  	_ =	shalt  }
0x46: {  	_ =	shalt  }
0x47: {  	_ =	shalt  }
0x48: {  	_ =	shalt  }
0x49: {  	_ =	shalt  }
0x4a: {  	_ =	shalt  }
0x4b: {  	_ =	shalt  }
0x4c: {  	_ =	shalt  }
0x4d: {  	_ =	shalt  }
0x4e: {  	_ =	shalt  }
0x4f: {  	_ =	shalt  }
0x50: {  	_ =	shalt  }
0x51: {  	_ =	shalt  }
0x52: {  	_ =	shalt  }
0x53: {  	_ =	shalt  }
0x54: {  	_ =	shalt  }
0x55: {  	_ =	shalt  }
0x56: {  	_ =	shalt  }
0x57: {  	_ =	shalt  }
0x58: {  	_ =	shalt  }
0x59: {  	_ =	shalt  }
0x5a: {  	_ =	shalt  }
0x5b: {  	_ =	shalt  }
0x5c: {  	_ =	shalt  }
0x5d: {  	_ =	shalt  }
0x5e: {  	_ =	shalt  }
0x5f: {  	_ =	shalt  }
0x60: {  	_ =	shalt  }
0x61: {  	_ =	shalt  }
0x62: {  	_ =	shalt  }
0x63: {  	_ =	shalt  }
0x64: {  	_ =	shalt  }
0x65: {  	_ =	shalt  }
0x66: {  	_ =	shalt  }
0x67: {  	_ =	shalt  }
0x68: {  	_ =	shalt  }
0x69: {  	_ =	shalt  }
0x6a: {  	_ =	shalt  }
0x6b: {  	_ =	shalt  }
0x6c: {  	_ =	shalt  }
0x6d: {  	_ =	shalt  }
0x6e: {  	_ =	shalt  }
0x6f: {  	_ =	shalt  }
0x70: {  	_ =	shalt  }
0x71: {  	_ =	shalt  }
0x72: {  	_ =	shalt  }
0x73: {  	_ =	shalt  }
0x74: {  	_ =	shalt  }
0x75: {  	_ =	shalt  }
0x76: {  	_ =	shalt  }
0x77: {  	_ =	shalt  }
0x78: {  	_ =	shalt  }
0x79: {  	_ =	shalt  }
0x7a: {  	_ =	shalt  }
0x7b: {  	_ =	shalt  }
0x7c: {  	_ =	shalt  }
0x7d: {  	_ =	shalt  }
0x7e: {  	_ =	shalt  }
0x7f: {  	_ =	shalt  }
0x80: {  	_ =	shalt  }
0x81: {  	_ =	shalt  }
0x82: {  	_ =	shalt  }
0x83: {  	_ =	shalt  }
0x84: {  	_ =	shalt  }
0x85: {  	_ =	shalt  }
0x86: {  	_ =	shalt  }
0x87: {  	_ =	shalt  }
.Lfunc_end0:
.L_simem_size_0:
called_computation_lowered:
.L_overlay_start_0:
0x88: {  	s2 =	sld [smem:$0x3FD9]  }
0x89: {  	s3 =	sld [smem:$0x3FFE];
	_ =	sdelay $0x1  }
0x8a: {  	s1 =	srdreg.scid  }
0x8b: {  	s0 =	sand.u32 $0x1, s1  }
0x8c: {  	s16 =	sshll.u32 s0, $0xA;
	s2 =	sadd.s32 s3, s2  }
0x8d: {  	s2 =	sadd.s32 s2, s16  }
0x8e: {  	[smem:$0x3FBD] =	sst s2  }
0x8f: {  	_ = 	snop  }
0x90: {  	(tm) =	ssettm $0x1  }
0x91: {  	s17 =	sld [smem:$0x3FFB];
	_ =	sdelay $0x3  }
0x92: {  	_ =	strace s17  }
0x93: {  	s2 =	sld [smem:$0x3FFC];
	_ =	sdelay $0x3  }
0x94: {  	_ =	strace s2  }
0x95: {  	s2 =	sld [smem:$0x3FFD];
	_ =	sdelay $0x3  }
0x96: {  	_ =	strace s2  }
0x97: {  	_ =	strace $0x8FFFFFFF  }
0x98: {  	s18 =	sld [smem:$0x3FDB];
	_ =	sdelay $0x1  }
0x99: {  	s19 =	simm.s32 $_scs_section_size  }
0x9a: {  	s4 =	simm.s32 $_size__tile_overlayer_lowered;
	s5 =	simm.s32 $_tile_overlayer_lowered  }
0x9b: {  	s22 =	simm.s32 $0x1BFF;
	s21 =	sshll.u32 s5, $0x1;
	s2 =	sadd.s32 s19, s18  }
0x9c: {  	s6 =	simm.s32 $0x0;
	s20 =	sshll.u32 s4, $0x1;
	s4 =	sadd.s32 s21, s2  }
0x9d: {  	[timem:s6], [sflag:s22] =	dma.local [hbm:s4], s20  }
0x9e: {  	_ =	swait.ge [sflag:s22], s20  }
0x9f: {  	s3 =	ssub.s32 $0x0, s20;
	[sflag:s22] =	ssyncset.done $0x0  }
0xa0: {  	[sflag:s22] =	ssyncadd.s32 s3;
	_ =	sdelay $0x1  }
0xa1: {  	s23 =	simm.s32 $0x1B8B  }
0xa2: {  	_ =	swait.ge [sflag:s23], $0x1  }
0xa3: {  	[sflag:s23] =	ssyncset.done $0x0  }
0xa4: {  	s25 =	simm.s32 $0x1B8E;
	s24 =	sld [smem:$0x3FFE];
	[sflag:s23] =	ssyncadd.s32 $0xFFFFFFFF  }
0xa5: {  	s26 =	simm.s32 $execute0_lowered;
	[smem:$0x3FD2] =	sst s25  }
0xa6: {  	s4 =	sshll.u32 s26, $0x1;
	_ =	strace $0x80000046;
	[dreg:$0x1] =	wrdreg $0xFFFFFFFF  }
0xa7: {  	s28 =	simm.s32 $_size_execute0_lowered;
	s2 =	sadd.s32 s2, s4;
	[dreg:$0x0] =	wrdreg $0x0  }
0xa8: {  	s4 =	sshll.u32 s28, $0x1;
	[dreg:$0x2] =	wrdreg s2  }
0xa9: {  	[dreg:$0x3] =	wrdreg s4  }
0xaa: {  	[dreg:$0x4] =	wrdreg $0xC0  }
0xab: {  	_ =	task [dreg:s6], $0x5FFFF  }
0xac: {  	[dreg:$0x1] =	wrdreg $0xFFFFFFFF  }
0xad: {  	[dreg:$0x0] =	wrdreg $0x60  }
0xae: {  	[dreg:$0x2] =	wrdreg s24  }
0xaf: {  	[dreg:$0x3] =	wrdreg $0x9  }
0xb0: {  	_ =	task.clear_ibuf [dreg:s6], $0x4FFFF;
	_ =	strace $0x90000046  }
0xb1: {  	s29 =	simm.s32 $0x9;
	_ =	strace $0x80000048  }
0xb2: {  	_ =	swait.ge [sflag:s29], $0x1  }
0xb3: {  	[sflag:s29] =	ssyncadd.s32 $0xFFFFFFFF  }
0xb4: {  	_ =	strace $0x90000048  }
0xb5: {  	_ =	sfence  }
0xb6: {  	s30 =	sld [smem:$0x0];
	_ =	sdelay $0x2  }
0xb7: {  	s31 =	sshll.u32 s1, $0xD;
	s1 =	sshrl.u32 s1, $0x2  }
0xb8: {  	s3 =	sand.u32 $0x4000, s31;
	s1 =	sadd.s32 s1, s30  }
0xb9: {  	s0 =	sor.u32 s3, s0;
	s1 =	sshll.u32 s1, $0x11  }
0xba: {  	s0 =	sor.u32 s1, s0  }
0xbb: {  	s0 =	sadd.s32 $0x8F2B, s0  }
0xbc: {  	[sflag:s0] =	ssyncadd.remote.s32 $0x1  }
0xbd: {  	_ =	sfence.sel $0xFFFF  }
0xbe: {  	[dreg:$0x0] =	wrdreg $0xFFFFFFFF;
	(pc) =	sbr.abs _section_cstart, $3  }
0xbf: {  	[dreg:$0x1] =	wrdreg $0xFFFFFFFF  }
0xc0: {  	_ =	task.clear_ibuf [dreg:s6], $0x2FFFF;
	_ =	strace $0x9FFFFFFF  }
0xc1: {  	(tm) =	ssettm $0x7FFFFFFF  }
tec
execute0_lowered:
.L_overlay_start_1:
0x0: {  	(tag) =	ssettag $0x1  }
0x1: {  	s1 =	srdreg.scid  }
0x2: {  	s0 =	stileid.u32;
	s5 =	rddreg [dreg:$0x0]  }
0x3: {  	s2 =	simm.s32 $0x0;
	s8 =	simm.s32 $0x80;
	s9 =	simm.s32 $0x400  }
0x4: {  	s10 =	simm.s32 $0x0;
	s3 =	sand.u32 $0x1, s1;
	s29 =	sshll.u32 s0, $0x1  }
0x5: {  	s30 =	sshrl.u32 s0, $0x2;
	s1 =	rddreg [dreg:$0x1];
	s4 =	sor.u32 s3, s29  }
0x6: {  	[smem:$0x7FF] =	sst s2;
	s6 =	smul.u32 $0x14000, s30;
	s7 =	sshll.u32 s4, $0x7  }
0x7: {  	s3 =	ssub.s32 $0x2, s3;
	s4 =	smul.u32 $0xA00, s4;
	s7 =	sand.u32 $0x380, s7  }
0x8: {  	_ =	strace $0x80000047;
	s31 =	sshrl.u32 s3, $0x1;
	s6 =	sor.u32 s6, s7  }
0x9: {  	s4 =	sadd.s32 s4, s5;
	s7 =	simm.s32 $0x5000;
	s6 =	sshrl.u32 s6, $0x3  }
0xa: {  	s5 =	sadd.s32 s6, s5;
	s6 =	ssub.s32 s3, s31;
	s3 =	sadd.s32 $0x6000, s4  }
0xb: {  	v0 =	vimm.f32 $0.0e+00;
	v1 =	vimm.f32 $1.000000000e+00;
	s4 =	sadd.s32 $0x1A000, s5;
	s5 =	smax.u32 s6, $0x1;
	s6 =	simm.s32 $0x1  }
.LBB2_1:
0xc: {  	[tilespmem:s2], [sflag:$0x1] =	stream.linear.gather [hbm4b:s3+s2], $0x4F80, $0x38;
	[tilespmem:$0x7800] =	vst v63  }
0xd: {  	_ =	swait.ge [sflag:s6], $0x4F80  }
0xe: {  	[sflag:s6] =	ssyncset.done $0x0  }
0xf: {  	s11 =	simm.s32 $0x0;
	[sflag:s6] =	ssyncadd.s32 $0xFFFFB080  }
.LBB2_2:
0x10: {  	p0 =	sne.s32 s11, $0x9FC0  }
.Ltmp0:
0x11: {  	_ = 	snop;
	(pc) =	sbr.rel @p0 .LBB2_2-.Ltmp0, $3  }
0x12: {  	_ =	sdelay $0x1  }
0x13: {  	s12 =	sshra.s32 s11, $0x2  }
0x14: {  	s11 =	sadd.s32 $0x40, s11;
	[tilespmem:s12+$0x5000] =	vst v0  }
0x15: {  	s11 =	simm.s32 $0x0  }
.LBB2_4:
0x16: {  	s12 =	sshra.s32 s11, $0x2  }
0x17: {  	v2 =	vld [tilespmem:s12+$0x0];
	_ =	sdelay $0x4  }
0x18: {  	v2 =	vshrl.u32 v2, $0x10;
	_ =	sdelay $0x4  }
0x19: {  	[tilespmem:v2+s7+$0x0] =	vst.idx.add.f32.msk $0xffff, v1  }
0x1a: {  	v2 =	vld [tilespmem:s12+$0x10];
	_ =	sdelay $0x4  }
0x1b: {  	v2 =	vshrl.u32 v2, $0x10;
	_ =	sdelay $0x4  }
0x1c: {  	[tilespmem:v2+s7+$0x0] =	vst.idx.add.f32.msk $0xffff, v1  }
0x1d: {  	v2 =	vld [tilespmem:s12+$0x20];
	_ =	sdelay $0x4  }
0x1e: {  	v2 =	vshrl.u32 v2, $0x10;
	_ =	sdelay $0x4  }
0x1f: {  	[tilespmem:v2+s7+$0x0] =	vst.idx.add.f32.msk $0xffff, v1  }
0x20: {  	v2 =	vld [tilespmem:s12+$0x30];
	_ =	sdelay $0x4  }
0x21: {  	p0 =	sne.s32 s11, $0x13C00;
	v2 =	vshrl.u32 v2, $0x10  }
.Ltmp1:
0x22: {  	_ = 	snop;
	(pc) =	sbr.rel @p0 .LBB2_4-.Ltmp1, $2  }
0x23: {  	_ =	sdelay $0x2  }
0x24: {  	s11 =	sadd.s32 $0x200, s11;
	[tilespmem:v2+s7+$0x0] =	vst.idx.add.f32.msk $0xffff, v1  }
0x25: {  	s10 =	sadd.s32 $0x1, s10  }
0x26: {  	p0 =	sne.s32 s10, s5  }
.Ltmp2:
0x27: {  	_ = 	snop;
	(pc) =	sbr.rel @p0 .LBB2_1-.Ltmp2, $4  }
0x28: {  	[hbm4b:s4+s8] =	stream.strided.scatter [tilespmem:s7], [sflag:$0x1], $0x2800, s9, s8, $0x38;
	[tilespmem:$0x7800] =	vst v63  }
0x29: {  	_ =	swait.ge [sflag:s6], $0x2800  }
0x2a: {  	[sflag:s6] =	ssyncset.done $0x0  }
0x2b: {  	[sflag:s6] =	ssyncadd.s32 $0xFFFFD800  }
0x2c: {  	_ =	sfence.sel $0x180000  }
0x2d: {  	[bflag:$0x0] =	sbarrier.arrive $0xFFFF  }
0x2e: {  	p0 =	sne.s32 s0, $0x0;
	_ =	strace $0x90000047  }
0x2f: {  	s0 =	sadd.s32 @!p0 $0x100000, s1;
	[bflag:$0x2] =	sbarrier.arrive $0xFFFF  }
0x30: {  	[sflag:s0] =	ssyncadd.tile.s32 @!p0 $0x1;
	_ =	shalt  }
.Lfunc_end2:
_tile_overlayer_lowered:
.L_overlay_start_2:
0x31: {  	(tag) =	ssettag $0x2  }
0x32: {  	s0 =	rddreg [dreg:$0x0];
	s2 =	stileid.u32  }
0x33: {  	s1 =	rddreg [dreg:$0x1];
	p0 =	sne.s32 s2, $0x0  }
0x34: {  	s3 =	rddreg [dreg:$0x2];
	[bflag:$0x3] =	sbarrier.arrive $0xFFFF;
	s2 =	simm.s32 @!p0 $0x1C01  }
0x35: {  	[timem:s3], [sflag:s2] =	dma.local @!p0 [hbm:s0], s1  }
0x36: {  	s0 =	simm.s32 @!p0 $0x1  }
0x37: {  	_ =	swait.ge @!p0 [sflag:s0], s1  }
0x38: {  	s1 =	ssub.s32 @!p0 $0x0, s1;
	[sflag:s0] =	ssyncset.done @!p0 $0x0  }
0x39: {  	[sflag:s0] =	ssyncadd.s32 @!p0 s1  }
0x3a: {  	[bflag:$0x3] =	sbarrier.arrive $0xFFFF  }
0x3b: {  	_ =	shalt  }

// kernel: kernel.15.cloned.1.call-start
scs
__scs_entry_jumppad:
0x0: {  	(pc) =	sbr.rel $0x88, $3  }
0x1: {  	(tag) =	ssettag $0x0;
	lr =	simm.s32 $0x1  }
0x2: {  	[smem:$0x3F96] =	sst lr;
	_ =	strace $0xD0000000  }
0x3: {  	_ = 	snop  }
0x4: {  	_ = 	snop  }
0x5: {  	_ = 	snop  }
0x6: {  	_ = 	snop  }
0x7: {  	_ = 	snop  }
__scs_overlays_trampoline_lowered:
0x8: {  	[smem:$0x3FA5] =	sst s0  }
0x9: {  	[smem:$0x3FA6] =	sst s1  }
0xa: {  	[smem:$0x3FA7] =	sst s2  }
0xb: {  	[smem:$0x3FA8] =	sst s3  }
0xc: {  	[smem:$0x3FA9] =	sst s4  }
0xd: {  	[smem:$0x3FAA] =	sst s5  }
0xe: {  	[smem:$0x3FAB] =	sst s6  }
0xf: {  	[smem:$0x3FAC] =	sst s7  }
0x10: {  	[smem:$0x3FAD] =	sst s8  }
0x11: {  	[smem:$0x3FAE] =	sst s9;
	s0 =	simm.s32 @!p0 $0x0  }
0x12: {  	s1 =	sld [smem:$0x3F94];
	s0 =	simm.s32 @p0 $0x1  }
0x13: {  	[smem:$0x3FAF] =	sst s0;
	s0 =	simm.s32 @!p1 $0x0  }
0x14: {  	s2 =	sld [smem:$0x3F93];
	s0 =	simm.s32 @p1 $0x1  }
0x15: {  	[smem:$0x3FB0] =	sst s0;
	s0 =	simm.s32 @!p2 $0x0  }
0x16: {  	s3 =	sld [smem:$0x3FDB];
	s0 =	simm.s32 @p2 $0x1  }
0x17: {  	s4 =	simm.s32 $0x1BF5;
	[smem:$0x3FB2] =	sst s0  }
0x18: {  	s0 =	sld [smem:$0x3F95];
	_ =	swait.ge [sflag:s4], $0x0  }
0x19: {  	s7 =	sld [smem:$0x3F96]  }
0x1a: {  	s8 =	sadd.s32 $0xFFFFE003, lr  }
0x1b: {  	s9 =	sadd.s32 $0xFFFFFEF7, lr;
	s5 =	simm.s32 $0xFFFFFFFF;
	p2 =	slt.u32 s8, $0xFFFFF086  }
0x1c: {  	p1 =	slt.u32 s9, $0xF7A;
	s5 =	simm.s32 @!p2 $0x0  }
0x1d: {  	s5 =	simm.s32 @p1 $0x1;
	p0 =	seq.s32 s7, s2  }
0x1e: {  	s7 =	smul.u32 @!p0 $0xF7A, s2;
	p2 =	seq.s32 @!p0 s5, $0x0  }
0x1f: {  	s9 =	smul.u32 $0xF7A, s1;
	s8 =	simm.s32 @!p0 $0x1BF5;
	p2 =	por !p2, p0  }
0x20: {  	[sflag:s8] =	ssyncset.s32 @!p0 $0xFFFFF086;
	s6 =	sadd.s32 @!p0 s3, s7;
	s7 =	simm.s32 @!p0 $0x108  }
0x21: {  	s3 =	sadd.s32 s3, s9;
	s6 =	sadd.s32 @!p0 $0x88, s6;
	s7 =	simm.s32 @p2 $0x1082  }
0x22: {  	[simem:s7], [sflag:s8] =	dma.local @!p0 [hbm:s6], $0xF7A  }
0x23: {  	s9 =	sor.u32 $0xD0000000, s2;
	s6 =	simm.s32 $0x108;
	_ =	swait.ge @!p0 [sflag:s8], $0x0  }
0x24: {  	s3 =	sadd.s32 $0x88, s3;
	s6 =	simm.s32 @!p1 $0x1082;
	[sflag:s4] =	ssyncset.s32 $0xFFFFF086  }
0x25: {  	[simem:s6], [sflag:s4] =	dma.local [hbm:s3], $0xF7A  }
0x26: {  	[smem:$0x3F96] =	sst s1;
	(tag) =	ssettag s2;
	_ =	strace s9  }
0x27: {  	s1 =	sld [smem:$0x3FA6]  }
0x28: {  	s2 =	sld [smem:$0x3FA7]  }
0x29: {  	s4 =	sld [smem:$0x3FA9]  }
0x2a: {  	p0 =	seq.s32 s5, $0x0;
	s5 =	sld [smem:$0x3FAA]  }
0x2b: {  	s6 =	sld [smem:$0x3FAB]  }
0x2c: {  	s7 =	sld [smem:$0x3FAC]  }
0x2d: {  	s3 =	simm.s32 $0x108;
	s8 =	sld [smem:$0x3FAD]  }
0x2e: {  	s3 =	simm.s32 @!p0 $0x1082;
	s9 =	sld [smem:$0x3FAE]  }
0x2f: {  	lr =	sadd.s32 s0, s3;
	s0 =	sld [smem:$0x3FA5]  }
0x30: {  	s3 =	sld [smem:$0x3FA8]  }
0x31: {  	[smem:$0x3FB1] =	sst s10  }
0x32: {  	s10 =	sld [smem:$0x3FAF];
	_ =	sdelay $0x3  }
0x33: {  	p0 =	seq.s32 s10, $0x1;
	s10 =	sld [smem:$0x3FB1];
	_ =	sdelay $0x3  }
0x34: {  	[smem:$0x3FB1] =	sst s10  }
0x35: {  	s10 =	sld [smem:$0x3FB0];
	_ =	sdelay $0x3  }
0x36: {  	p1 =	seq.s32 s10, $0x1;
	s10 =	sld [smem:$0x3FB1];
	_ =	sdelay $0x3  }
0x37: {  	[smem:$0x3FB1] =	sst s10  }
0x38: {  	s10 =	sld [smem:$0x3FB2]  }
0x39: {  	_ = 	snop;
	(pc) =	sbr.ind lr, $3  }
0x3a: {  	_ = 	snop  }
0x3b: {  	_ = 	snop  }
0x3c: {  	p2 =	seq.s32 s10, $0x1;
	s10 =	sld [smem:$0x3FB1]  }
0x3d: {  	_ =	shalt  }
0x3e: {  	_ =	shalt  }
0x3f: {  	_ =	shalt  }
0x40: {  	_ =	shalt  }
0x41: {  	_ =	shalt  }
0x42: {  	_ =	shalt  }
0x43: {  	_ =	shalt  }
0x44: {  	_ =	shalt  }
0x45: {  	_ =	shalt  }
0x46: {  	_ =	shalt  }
0x47: {  	_ =	shalt  }
0x48: {  	_ =	shalt  }
0x49: {  	_ =	shalt  }
0x4a: {  	_ =	shalt  }
0x4b: {  	_ =	shalt  }
0x4c: {  	_ =	shalt  }
0x4d: {  	_ =	shalt  }
0x4e: {  	_ =	shalt  }
0x4f: {  	_ =	shalt  }
0x50: {  	_ =	shalt  }
0x51: {  	_ =	shalt  }
0x52: {  	_ =	shalt  }
0x53: {  	_ =	shalt  }
0x54: {  	_ =	shalt  }
0x55: {  	_ =	shalt  }
0x56: {  	_ =	shalt  }
0x57: {  	_ =	shalt  }
0x58: {  	_ =	shalt  }
0x59: {  	_ =	shalt  }
0x5a: {  	_ =	shalt  }
0x5b: {  	_ =	shalt  }
0x5c: {  	_ =	shalt  }
0x5d: {  	_ =	shalt  }
0x5e: {  	_ =	shalt  }
0x5f: {  	_ =	shalt  }
0x60: {  	_ =	shalt  }
0x61: {  	_ =	shalt  }
0x62: {  	_ =	shalt  }
0x63: {  	_ =	shalt  }
0x64: {  	_ =	shalt  }
0x65: {  	_ =	shalt  }
0x66: {  	_ =	shalt  }
0x67: {  	_ =	shalt  }
0x68: {  	_ =	shalt  }
0x69: {  	_ =	shalt  }
0x6a: {  	_ =	shalt  }
0x6b: {  	_ =	shalt  }
0x6c: {  	_ =	shalt  }
0x6d: {  	_ =	shalt  }
0x6e: {  	_ =	shalt  }
0x6f: {  	_ =	shalt  }
0x70: {  	_ =	shalt  }
0x71: {  	_ =	shalt  }
0x72: {  	_ =	shalt  }
0x73: {  	_ =	shalt  }
0x74: {  	_ =	shalt  }
0x75: {  	_ =	shalt  }
0x76: {  	_ =	shalt  }
0x77: {  	_ =	shalt  }
0x78: {  	_ =	shalt  }
0x79: {  	_ =	shalt  }
0x7a: {  	_ =	shalt  }
0x7b: {  	_ =	shalt  }
0x7c: {  	_ =	shalt  }
0x7d: {  	_ =	shalt  }
0x7e: {  	_ =	shalt  }
0x7f: {  	_ =	shalt  }
0x80: {  	_ =	shalt  }
0x81: {  	_ =	shalt  }
0x82: {  	_ =	shalt  }
0x83: {  	_ =	shalt  }
0x84: {  	_ =	shalt  }
0x85: {  	_ =	shalt  }
0x86: {  	_ =	shalt  }
0x87: {  	_ =	shalt  }
.Lfunc_end0:
.L_simem_size_0:
called_computation.1_lowered:
.L_overlay_start_0:
0x88: {  	s2 =	sld [smem:$0x3FD9]  }
0x89: {  	s3 =	sld [smem:$0x3FFE];
	_ =	sdelay $0x1  }
0x8a: {  	s1 =	srdreg.scid  }
0x8b: {  	s0 =	sand.u32 $0x1, s1  }
0x8c: {  	s16 =	sshll.u32 s0, $0xA;
	s2 =	sadd.s32 s3, s2  }
0x8d: {  	s2 =	sadd.s32 s2, s16  }
0x8e: {  	[smem:$0x3FBD] =	sst s2  }
0x8f: {  	_ = 	snop  }
0x90: {  	(tm) =	ssettm $0x1  }
0x91: {  	s17 =	sld [smem:$0x3FFB];
	_ =	sdelay $0x3  }
0x92: {  	_ =	strace s17  }
0x93: {  	s2 =	sld [smem:$0x3FFC];
	_ =	sdelay $0x3  }
0x94: {  	_ =	strace s2  }
0x95: {  	s2 =	sld [smem:$0x3FFD];
	_ =	sdelay $0x3  }
0x96: {  	_ =	strace s2  }
0x97: {  	_ =	strace $0x8FFFFFFF  }
0x98: {  	s18 =	sld [smem:$0x3FDB];
	_ =	sdelay $0x1  }
0x99: {  	s19 =	simm.s32 $_scs_section_size  }
0x9a: {  	s4 =	simm.s32 $_size__tile_overlayer_lowered;
	s5 =	simm.s32 $_tile_overlayer_lowered  }
0x9b: {  	s22 =	simm.s32 $0x1BFF;
	s21 =	sshll.u32 s5, $0x1;
	s2 =	sadd.s32 s19, s18  }
0x9c: {  	s6 =	simm.s32 $0x0;
	s20 =	sshll.u32 s4, $0x1;
	s4 =	sadd.s32 s21, s2  }
0x9d: {  	[timem:s6], [sflag:s22] =	dma.local [hbm:s4], s20  }
0x9e: {  	_ =	swait.ge [sflag:s22], s20  }
0x9f: {  	s3 =	ssub.s32 $0x0, s20;
	[sflag:s22] =	ssyncset.done $0x0  }
0xa0: {  	[sflag:s22] =	ssyncadd.s32 s3;
	_ =	sdelay $0x1  }
0xa1: {  	s23 =	simm.s32 $0x1B8B  }
0xa2: {  	_ =	swait.ge [sflag:s23], $0x1  }
0xa3: {  	[sflag:s23] =	ssyncset.done $0x0  }
0xa4: {  	s25 =	simm.s32 $0x1B8E;
	s24 =	sld [smem:$0x3FFE];
	[sflag:s23] =	ssyncadd.s32 $0xFFFFFFFF  }
0xa5: {  	s26 =	simm.s32 $execute0_lowered;
	[smem:$0x3FD2] =	sst s25  }
0xa6: {  	s4 =	sshll.u32 s26, $0x1;
	_ =	strace $0x80000049;
	[dreg:$0x1] =	wrdreg $0xFFFFFFFF  }
0xa7: {  	s28 =	simm.s32 $_size_execute0_lowered;
	s2 =	sadd.s32 s2, s4;
	[dreg:$0x0] =	wrdreg $0x0  }
0xa8: {  	s4 =	sshll.u32 s28, $0x1;
	[dreg:$0x2] =	wrdreg s2  }
0xa9: {  	[dreg:$0x3] =	wrdreg s4  }
0xaa: {  	[dreg:$0x4] =	wrdreg $0xC0  }
0xab: {  	_ =	task [dreg:s6], $0x5FFFF  }
0xac: {  	[dreg:$0x1] =	wrdreg $0xFFFFFFFF  }
0xad: {  	[dreg:$0x0] =	wrdreg $0x60  }
0xae: {  	[dreg:$0x2] =	wrdreg s24  }
0xaf: {  	[dreg:$0x3] =	wrdreg $0x0  }
0xb0: {  	[dreg:$0x4] =	wrdreg $0x9  }
0xb1: {  	_ =	task.clear_ibuf [dreg:s6], $0x5FFFF;
	_ =	strace $0x90000049  }
0xb2: {  	s29 =	simm.s32 $0x9;
	_ =	strace $0x8000004B  }
0xb3: {  	_ =	swait.ge [sflag:s29], $0x1  }
0xb4: {  	[sflag:s29] =	ssyncadd.s32 $0xFFFFFFFF  }
0xb5: {  	_ =	strace $0x9000004B  }
0xb6: {  	_ =	sfence  }
0xb7: {  	s30 =	sld [smem:$0x0];
	_ =	sdelay $0x2  }
0xb8: {  	s31 =	sshll.u32 s1, $0xD;
	s1 =	sshrl.u32 s1, $0x2  }
0xb9: {  	s3 =	sand.u32 $0x4000, s31;
	s1 =	sadd.s32 s1, s30  }
0xba: {  	s0 =	sor.u32 s3, s0;
	s1 =	sshll.u32 s1, $0x11  }
0xbb: {  	s0 =	sor.u32 s1, s0  }
0xbc: {  	s0 =	sadd.s32 $0x8F2B, s0  }
0xbd: {  	[sflag:s0] =	ssyncadd.remote.s32 $0x1  }
0xbe: {  	_ =	sfence.sel $0xFFFF  }
0xbf: {  	[dreg:$0x0] =	wrdreg $0xFFFFFFFF;
	(pc) =	sbr.abs _section_cstart, $3  }
0xc0: {  	[dreg:$0x1] =	wrdreg $0xFFFFFFFF  }
0xc1: {  	_ =	task.clear_ibuf [dreg:s6], $0x2FFFF;
	_ =	strace $0x9FFFFFFF  }
0xc2: {  	(tm) =	ssettm $0x7FFFFFFF  }
0xc3: {  	_ =	shalt  }
tec
execute0_lowered:
.L_overlay_start_1:
0x0: {  	(tag) =	ssettag $0x1  }
0x1: {  	s0 =	rddreg [dreg:$0x0]  }
0x2: {  	s2 =	rddreg [dreg:$0x1]  }
0x3: {  	s1 =	srdreg.scid;
	s14 =	stileid.u32;
	s4 =	simm.s32 $0x0  }
0x4: {  	s19 =	simm.s32 $0x7;
	s20 =	simm.s32 $0x19400;
	s21 =	simm.s32 $0x40  }
0x5: {  	s28 =	simm.s32 $0x1;
	s29 =	simm.s32 $0x19200;
	s30 =	simm.s32 $0x4  }
0x6: {  	s31 =	simm.s32 $0x3;
	s18 =	simm.s32 $0x0;
	s1 =	sand.u32 $0x1, s1  }
0x7: {  	s3 =	sshll.u32 s14, $0x1;
	[smem:$0x7FF] =	sst s4;
	s5 =	smul.u32 $0x50000, s14  }
0x8: {  	s4 =	sadd.s32 $0x42000, s0;
	s26 =	smul.u32 $0x2800, s14;
	s3 =	sor.u32 s1, s3  }
0x9: {  	_ =	strace $0x8000004A;
	s6 =	ssub.s32 $0x2, s1;
	p0 =	seq.s32 s1, $0x1  }
0xa: {  	s1 =	simm.s32 $0x92000;
	s3 =	smul.u32 $0xA00, s3;
	s5 =	sshrl.u32 s5, $0x2  }
0xb: {  	s7 =	sshrl.u32 s6, $0x1;
	s1 =	simm.s32 @!p0 $0x6A000;
	s5 =	sadd.s32 s5, s2  }
0xc: {  	s6 =	ssub.s32 s6, s7;
	s3 =	sadd.s32 s3, s0;
	s25 =	sadd.s32 $0x2000, s5  }
0xd: {  	s8 =	sadd.s32 $0x4000, s5;
	s9 =	sadd.s32 $0x6000, s5;
	s10 =	sadd.s32 $0x8000, s5  }
0xe: {  	s11 =	sadd.s32 $0xA000, s5;
	s12 =	sadd.s32 $0xC000, s5;
	s13 =	sadd.s32 $0xE000, s5  }
0xf: {  	s14 =	sadd.s32 $0x10000, s5;
	s15 =	sadd.s32 $0x12000, s5;
	s0 =	sadd.s32 s1, s0  }
0x10: {  	s16 =	smax.u32 s6, $0x1;
	s3 =	sadd.s32 $0x6000, s3;
	[dreg:$0x4] =	wrdreg s25  }
0x11: {  	s17 =	sadd.s32 s0, s26;
	s25 =	simm.s32 $0x19100;
	s26 =	simm.s32 $0x1D400  }
0x12: {  	v0 =	vimm.f32 $0.0e+00;
	s0 =	simm.s32 $0x19300;
	[dreg:$0x3] =	wrdreg s3;
	s3 =	simm.s32 $0x6  }
.LBB2_1:
0x13: {  	s1 =	simm.s32 $0x0;
	s6 =	rddreg [dreg:$0x3];
	s7 =	simm.s32 $0x14000  }
0x14: {  	[tilespmem:s7], [sflag:$0x7] =	stream.linear.gather [hbm4b:s6+s1], $0x4F80, $0x38;
	[tilespmem:$0x1F400] =	vst v63  }
0x15: {  	_ =	swait.ge [sflag:s19], $0x4F80  }
0x16: {  	[sflag:s19] =	ssyncset.done $0x0  }
0x17: {  	s1 =	simm.s32 $0x0;
	s6 =	simm.s32 $0x200;
	[sflag:s19] =	ssyncadd.s32 $0xFFFFB080  }
.LBB2_2:
0x18: {  	p0 =	sne.s32 s6, $0x7E00;
	[tilespmem:s1+$0x19470] =	vst v0  }
0x19: {  	[tilespmem:s1+$0x19400] =	vst v0  }
0x1a: {  	[tilespmem:s1+$0x19410] =	vst v0  }
.Ltmp0:
0x1b: {  	[tilespmem:s1+$0x19420] =	vst v0;
	(pc) =	sbr.rel @p0 .LBB2_2-.Ltmp0, $4  }
0x1c: {  	[tilespmem:s1+$0x19430] =	vst v0  }
0x1d: {  	[tilespmem:s1+$0x19440] =	vst v0  }
0x1e: {  	[tilespmem:s1+$0x19450] =	vst v0  }
0x1f: {  	[tilespmem:s1+$0x19460] =	vst v0;
	s1 =	sshra.s32 s6, $0x2;
	s6 =	sadd.s32 $0x200, s6  }
0x20: {  	[tilespmem:s1+$0x19470] =	vst v0  }
0x21: {  	[tilespmem:s1+$0x19400] =	vst v0  }
0x22: {  	[tilespmem:s1+$0x19410] =	vst v0  }
0x23: {  	[tilespmem:s1+$0x19420] =	vst v0  }
0x24: {  	[tilespmem:s1+$0x19430] =	vst v0  }
0x25: {  	[tilespmem:s1+$0x19440] =	vst v0  }
0x26: {  	[tilespmem:s1+$0x19450] =	vst v0  }
0x27: {  	[tilespmem:s1+$0x19460] =	vst v0  }
0x28: {  	[spmem:s5] =	stream.linear.scatter [tilespmem:s20], [sflag:$0x7], $0x2000, $0x38;
	[tilespmem:$0x1F400] =	vst v63  }
0x29: {  	_ =	swait.ge [sflag:s19], $0x2000  }
0x2a: {  	[sflag:s19] =	ssyncset.done $0x0  }
0x2b: {  	s7 =	rddreg [dreg:$0x4];
	[sflag:s19] =	ssyncadd.s32 $0xFFFFE000  }
0x2c: {  	[spmem:s7] =	stream.linear.scatter [tilespmem:s20], [sflag:$0x7], $0x2000, $0x38;
	[tilespmem:$0x1F400] =	vst v63  }
0x2d: {  	_ =	swait.ge [sflag:s19], $0x2000  }
0x2e: {  	[sflag:s19] =	ssyncset.done $0x0  }
0x2f: {  	[sflag:s19] =	ssyncadd.s32 $0xFFFFE000  }
0x30: {  	[spmem:s8] =	stream.linear.scatter [tilespmem:s20], [sflag:$0x7], $0x2000, $0x38;
	[tilespmem:$0x1F400] =	vst v63  }
0x31: {  	_ =	swait.ge [sflag:s19], $0x2000  }
0x32: {  	[sflag:s19] =	ssyncset.done $0x0  }
0x33: {  	[sflag:s19] =	ssyncadd.s32 $0xFFFFE000  }
0x34: {  	[spmem:s9] =	stream.linear.scatter [tilespmem:s20], [sflag:$0x7], $0x2000, $0x38;
	[tilespmem:$0x1F400] =	vst v63  }
0x35: {  	_ =	swait.ge [sflag:s19], $0x2000  }
0x36: {  	[sflag:s19] =	ssyncset.done $0x0  }
0x37: {  	[sflag:s19] =	ssyncadd.s32 $0xFFFFE000  }
0x38: {  	[spmem:s10] =	stream.linear.scatter [tilespmem:s20], [sflag:$0x7], $0x2000, $0x38;
	[tilespmem:$0x1F400] =	vst v63  }
0x39: {  	_ =	swait.ge [sflag:s19], $0x2000  }
0x3a: {  	[sflag:s19] =	ssyncset.done $0x0  }
0x3b: {  	[sflag:s19] =	ssyncadd.s32 $0xFFFFE000  }
0x3c: {  	[spmem:s11] =	stream.linear.scatter [tilespmem:s20], [sflag:$0x7], $0x2000, $0x38;
	[tilespmem:$0x1F400] =	vst v63  }
0x3d: {  	_ =	swait.ge [sflag:s19], $0x2000  }
0x3e: {  	[sflag:s19] =	ssyncset.done $0x0  }
0x3f: {  	[sflag:s19] =	ssyncadd.s32 $0xFFFFE000  }
0x40: {  	[spmem:s12] =	stream.linear.scatter [tilespmem:s20], [sflag:$0x7], $0x2000, $0x38;
	[tilespmem:$0x1F400] =	vst v63  }
0x41: {  	_ =	swait.ge [sflag:s19], $0x2000  }
0x42: {  	[sflag:s19] =	ssyncset.done $0x0  }
0x43: {  	[sflag:s19] =	ssyncadd.s32 $0xFFFFE000  }
0x44: {  	[spmem:s13] =	stream.linear.scatter [tilespmem:s20], [sflag:$0x7], $0x2000, $0x38;
	[tilespmem:$0x1F400] =	vst v63  }
0x45: {  	_ =	swait.ge [sflag:s19], $0x2000  }
0x46: {  	[sflag:s19] =	ssyncset.done $0x0  }
0x47: {  	[sflag:s19] =	ssyncadd.s32 $0xFFFFE000  }
0x48: {  	[spmem:s14] =	stream.linear.scatter [tilespmem:s20], [sflag:$0x7], $0x2000, $0x38;
	[tilespmem:$0x1F400] =	vst v63  }
0x49: {  	_ =	swait.ge [sflag:s19], $0x2000  }
0x4a: {  	[sflag:s19] =	ssyncset.done $0x0  }
0x4b: {  	[sflag:s19] =	ssyncadd.s32 $0xFFFFE000  }
0x4c: {  	[spmem:s15] =	stream.linear.scatter [tilespmem:s20], [sflag:$0x7], $0x2000, $0x38;
	[tilespmem:$0x1F400] =	vst v63  }
0x4d: {  	_ =	swait.ge [sflag:s19], $0x2000  }
0x4e: {  	[sflag:s19] =	ssyncset.done $0x0  }
0x4f: {  	[sflag:s19] =	ssyncadd.s32 $0xFFFFE000  }
0x50: {  	v1 =	vld [tilespmem:$0x14000];
	_ =	sdelay $0x1  }
0x51: {  	v2 =	vld [tilespmem:$0x14010];
	_ =	sdelay $0x1  }
0x52: {  	v3 =	vld [tilespmem:$0x14020]  }
0x53: {  	v4 =	vand.u32 $0xFFFF, v1  }
0x54: {  	v61 =	vld [tilespmem:$0x14030];
	v1 =	vshrl.u32 v1, $0x10;
	[tilespmem:$0x19000] =	vst v4  }
0x55: {  	[tilespmem:$0x19200] =	vst v1;
	v1 =	vand.u32 $0xFFFF, v2  }
0x56: {  	[tilespmem:$0x19010] =	vst v1;
	v1 =	vshrl.u32 v2, $0x10  }
0x57: {  	[tilespmem:$0x19210] =	vst v1;
	v1 =	vand.u32 $0xFFFF, v3  }
0x58: {  	[tilespmem:$0x19020] =	vst v1;
	v1 =	vshrl.u32 v3, $0x10  }
0x59: {  	[tilespmem:$0x19220] =	vst v1;
	v1 =	vand.u32 $0xFFFF, v61  }
0x5a: {  	[tilespmem:$0x19030] =	vst v1;
	v1 =	vshrl.u32 v61, $0x10  }
0x5b: {  	s22 =	simm.s32 $0x19000;
	[tilespmem:$0x19230] =	vst v1  }
0x5c: {  	[tilespmem:s20], [sflag:$0x1] =	stream.indirect.gather [hbm4b:s4+s21], $0x80, s22, s21, $0xb8;
	[tilespmem:$0x1F400] =	vst v63  }
0x5d: {  	v1 =	vld [tilespmem:$0x14080];
	_ =	sdelay $0x1  }
0x5e: {  	v2 =	vld [tilespmem:$0x14090];
	_ =	sdelay $0x1  }
0x5f: {  	v3 =	vld [tilespmem:$0x140A0]  }
0x60: {  	v62 =	vand.u32 $0xFFFF, v1  }
0x61: {  	v63 =	vld [tilespmem:$0x140B0];
	v1 =	vshrl.u32 v1, $0x10;
	[tilespmem:$0x19080] =	vst v62  }
0x62: {  	[tilespmem:$0x19280] =	vst v1;
	v1 =	vand.u32 $0xFFFF, v2  }
0x63: {  	[tilespmem:$0x19090] =	vst v1;
	v1 =	vshrl.u32 v2, $0x10  }
0x64: {  	[tilespmem:$0x19290] =	vst v1;
	v1 =	vand.u32 $0xFFFF, v3  }
0x65: {  	[tilespmem:$0x190A0] =	vst v1;
	v1 =	vshrl.u32 v3, $0x10  }
0x66: {  	[tilespmem:$0x192A0] =	vst v1;
	v1 =	vand.u32 $0xFFFF, v63  }
0x67: {  	[tilespmem:$0x190B0] =	vst v1;
	v1 =	vshrl.u32 v63, $0x10  }
0x68: {  	s23 =	simm.s32 $0x19080;
	s6 =	simm.s32 $0x1B400;
	p0 =	por $0x1, $0x1;
	[tilespmem:$0x192B0] =	vst v1  }
0x69: {  	[tilespmem:s6], [sflag:$0x2] =	stream.indirect.gather [hbm4b:s4+s21], $0x80, s23, s21, $0xb8;
	[tilespmem:$0x1F400] =	vst v63  }
0x6a: {  	s1 =	simm.s32 @!p0 $0x6;
	[bflag:$0x0] =	sbarrier.arrive $0xFFFF  }
0x6b: {  	_ =	swait.ge @!p0 [sflag:s1], $0x2000  }
0x6c: {  	[sflag:s1] =	ssyncset.done @!p0 $0x0  }
0x6d: {  	s24 =	simm.s32 $0x0;
	[sflag:s1] =	ssyncadd.s32 @!p0 $0xFFFFE000  }
0x6e: {  	v1 =	vld [tilespmem:s24+$0x14100];
	_ =	sdelay $0x4  }
0x6f: {  	v2 =	vand.u32 $0xFFFF, v1  }
0x70: {  	v1 =	vshrl.u32 v1, $0x10;
	[tilespmem:$0x19100] =	vst v2  }
0x71: {  	[tilespmem:$0x19300] =	vst v1  }
0x72: {  	v1 =	vld [tilespmem:s24+$0x14110];
	_ =	sdelay $0x4  }
0x73: {  	v2 =	vand.u32 $0xFFFF, v1  }
0x74: {  	v1 =	vshrl.u32 v1, $0x10;
	[tilespmem:$0x19110] =	vst v2  }
0x75: {  	[tilespmem:$0x19310] =	vst v1  }
0x76: {  	v1 =	vld [tilespmem:s24+$0x14120];
	_ =	sdelay $0x4  }
0x77: {  	v2 =	vand.u32 $0xFFFF, v1  }
0x78: {  	v1 =	vshrl.u32 v1, $0x10;
	[tilespmem:$0x19120] =	vst v2  }
0x79: {  	[tilespmem:$0x19320] =	vst v1  }
0x7a: {  	v1 =	vld [tilespmem:s24+$0x14130];
	_ =	sdelay $0x4  }
0x7b: {  	v2 =	vand.u32 $0xFFFF, v1  }
0x7c: {  	v1 =	vshrl.u32 v1, $0x10;
	[tilespmem:$0x19130] =	vst v2  }
0x7d: {  	[tilespmem:$0x19330] =	vst v1  }
0x7e: {  	[tilespmem:s26], [sflag:$0x3] =	stream.indirect.gather [hbm4b:s4+s21], $0x80, s25, s21, $0xb8;
	[tilespmem:$0x1F400] =	vst v63  }
0x7f: {  	_ =	swait.ge [sflag:s28], $0x2000  }
0x80: {  	[sflag:s28] =	ssyncset.done $0x0  }
0x81: {  	[sflag:s28] =	ssyncadd.s32 $0xFFFFE000  }
0x82: {  	[spmem:s2] =	stream.indirect.scatter.add.f32 [tilespmem:s20], [sflag:$0x4], $0x80, s29, s21, $0xb8;
	[tilespmem:$0x1F400] =	vst v63  }
0x83: {  	_ =	swait.ge [sflag:s30], $0x2000  }
0x84: {  	p1 =	por $0x0, $0x0;
	[sflag:s30] =	ssyncset.done $0x0  }
0x85: {  	s1 =	simm.s32 @p1 $0x2;
	[sflag:s30] =	ssyncadd.s32 $0xFFFFE000  }
0x86: {  	_ =	swait.ge @p1 [sflag:s1], $0x2000  }
0x87: {  	s22 =	simm.s32 @p1 $0x5;
	s6 =	simm.s32 @p1 $0x1B400;
	[sflag:s1] =	ssyncset.done @p1 $0x0  }
0x88: {  	s23 =	simm.s32 @p1 $0x19280;
	[sflag:s1] =	ssyncadd.s32 @p1 $0xFFFFE000;
	s1 =	simm.s32 @p1 $0x40  }
0x89: {  	[spmem:s2] =	stream.indirect.scatter.add.f32 @p1 [tilespmem:s6], [sflag:$0x5], $0x80, s23, s1, $0xb8;
	[tilespmem:$0x1F400] =	vst v63  }
0x8a: {  	_ =	swait.ge @p1 [sflag:s22], $0x2000  }
0x8b: {  	[sflag:s22] =	ssyncset.done @p1 $0x0  }
0x8c: {  	s23 =	simm.s32 @!p1 $0x0;
	[sflag:s22] =	ssyncadd.s32 @p1 $0xFFFFE000  }
0x8d: {  	v1 =	vld @!p1 [tilespmem:s23+$0x14180];
	_ =	sdelay $0x4  }
0x8e: {  	v2 =	vand.u32 @!p1 $0xFFFF, v1  }
0x8f: {  	v1 =	vshrl.u32 @!p1 v1, $0x10;
	[tilespmem:$0x19000] =	vst @!p1 v2  }
0x90: {  	[tilespmem:$0x19200] =	vst @!p1 v1  }
0x91: {  	v1 =	vld @!p1 [tilespmem:s23+$0x14190];
	_ =	sdelay $0x4  }
0x92: {  	v2 =	vand.u32 @!p1 $0xFFFF, v1  }
0x93: {  	v1 =	vshrl.u32 @!p1 v1, $0x10;
	[tilespmem:$0x19010] =	vst @!p1 v2  }
0x94: {  	[tilespmem:$0x19210] =	vst @!p1 v1  }
0x95: {  	v1 =	vld @!p1 [tilespmem:s23+$0x141A0];
	_ =	sdelay $0x4  }
0x96: {  	v2 =	vand.u32 @!p1 $0xFFFF, v1  }
0x97: {  	v1 =	vshrl.u32 @!p1 v1, $0x10;
	[tilespmem:$0x19020] =	vst @!p1 v2  }
0x98: {  	[tilespmem:$0x19220] =	vst @!p1 v1  }
0x99: {  	v1 =	vld @!p1 [tilespmem:s23+$0x141B0];
	_ =	sdelay $0x4  }
0x9a: {  	v2 =	vand.u32 @!p1 $0xFFFF, v1  }
0x9b: {  	v1 =	vshrl.u32 @!p1 v1, $0x10;
	[tilespmem:$0x19030] =	vst @!p1 v2  }
0x9c: {  	s1 =	simm.s32 @!p1 $0x40;
	s6 =	simm.s32 @!p1 $0x19000;
	s22 =	simm.s32 @!p1 $0x19400;
	[tilespmem:$0x19230] =	vst @!p1 v1  }
0x9d: {  	[tilespmem:s22], [sflag:$0x1] =	stream.indirect.gather @!p1 [hbm4b:s4+s1], $0x80, s6, s1, $0xb8;
	[tilespmem:$0x1F400] =	vst v63  }
0x9e: {  	s6 =	simm.s32 @!p1 $0x2  }
0x9f: {  	_ =	swait.ge @!p1 [sflag:s6], $0x2000  }
0xa0: {  	[sflag:s6] =	ssyncset.done @!p1 $0x0  }
0xa1: {  	s22 =	simm.s32 @!p1 $0x19280;
	[sflag:s6] =	ssyncadd.s32 @!p1 $0xFFFFE000;
	s6 =	simm.s32 @!p1 $0x1B400  }
0xa2: {  	[spmem:s2] =	stream.indirect.scatter.add.f32 @!p1 [tilespmem:s6], [sflag:$0x5], $0x80, s22, s1, $0xb8;
	[tilespmem:$0x1F400] =	vst v63  }
0xa3: {  	s22 =	simm.s32 @!p1 $0x5  }
0xa4: {  	_ =	swait.ge @!p1 [sflag:s22], $0x2000  }
0xa5: {  	[sflag:s22] =	ssyncset.done @!p1 $0x0  }
0xa6: {  	[sflag:s22] =	ssyncadd.s32 @!p1 $0xFFFFE000  }
0xa7: {  	v1 =	vld @!p1 [tilespmem:s23+$0x14200];
	_ =	sdelay $0x4  }
0xa8: {  	v2 =	vand.u32 @!p1 $0xFFFF, v1  }
0xa9: {  	v1 =	vshrl.u32 @!p1 v1, $0x10;
	[tilespmem:$0x19080] =	vst @!p1 v2  }
0xaa: {  	[tilespmem:$0x19280] =	vst @!p1 v1  }
0xab: {  	v1 =	vld @!p1 [tilespmem:s23+$0x14210];
	_ =	sdelay $0x4  }
0xac: {  	v2 =	vand.u32 @!p1 $0xFFFF, v1  }
0xad: {  	v1 =	vshrl.u32 @!p1 v1, $0x10;
	[tilespmem:$0x19090] =	vst @!p1 v2  }
0xae: {  	[tilespmem:$0x19290] =	vst @!p1 v1  }
0xaf: {  	v1 =	vld @!p1 [tilespmem:s23+$0x14220];
	_ =	sdelay $0x4  }
0xb0: {  	v2 =	vand.u32 @!p1 $0xFFFF, v1  }
0xb1: {  	s22 =	simm.s32 $0x600;
	v1 =	vshrl.u32 @!p1 v1, $0x10;
	[tilespmem:$0x190A0] =	vst @!p1 v2  }
.LBB2_4:
0xb2: {  	[tilespmem:$0x192A0] =	vst @!p1 v1;
	s24 =	smov.u32 s22;
	s22 =	sadd.s32 $0x600, s22  }
0xb3: {  	p0 =	sne.s32 s22, $0x13E00;
	v1 =	vld @!p1 [tilespmem:s23+$0x14230];
	_ =	sdelay $0x4  }
0xb4: {  	v2 =	vand.u32 @!p1 $0xFFFF, v1;
	v1 =	vshrl.u32 @!p1 v1, $0x10  }
0xb5: {  	[tilespmem:$0x190B0] =	vst @!p1 v2  }
0xb6: {  	s23 =	simm.s32 @!p1 $0x19080;
	[tilespmem:$0x192B0] =	vst @!p1 v1  }
0xb7: {  	[tilespmem:s6], [sflag:$0x2] =	stream.indirect.gather @!p1 [hbm4b:s4+s1], $0x80, s23, s1, $0xb8;
	[tilespmem:$0x1F400] =	vst v63  }
0xb8: {  	_ =	swait.ge [sflag:s31], $0x2000  }
0xb9: {  	p1 =	seq.s32 s24, $0x0;
	[sflag:s31] =	ssyncset.done $0x0  }
0xba: {  	s1 =	simm.s32 @!p1 $0x6;
	[sflag:s31] =	ssyncadd.s32 $0xFFFFE000  }
0xbb: {  	[spmem:s2] =	stream.indirect.scatter.add.f32 [tilespmem:s26], [sflag:$0x6], $0x80, s0, s21, $0xb8;
	[tilespmem:$0x1F400] =	vst v63  }
0xbc: {  	_ =	swait.ge @!p1 [sflag:s1], $0x2000  }
0xbd: {  	[sflag:s1] =	ssyncset.done @!p1 $0x0  }
0xbe: {  	[sflag:s1] =	ssyncadd.s32 @!p1 $0xFFFFE000;
	s1 =	sshra.s32 s24, $0x2  }
0xbf: {  	v1 =	vld [tilespmem:s1+$0x14100];
	_ =	sdelay $0x4  }
0xc0: {  	v2 =	vand.u32 $0xFFFF, v1;
	v1 =	vshrl.u32 v1, $0x10  }
0xc1: {  	[tilespmem:$0x19100] =	vst v2  }
0xc2: {  	[tilespmem:$0x19300] =	vst v1  }
0xc3: {  	v1 =	vld [tilespmem:s1+$0x14110];
	_ =	sdelay $0x4  }
0xc4: {  	v2 =	vand.u32 $0xFFFF, v1;
	v1 =	vshrl.u32 v1, $0x10  }
0xc5: {  	[tilespmem:$0x19110] =	vst v2  }
0xc6: {  	[tilespmem:$0x19310] =	vst v1  }
0xc7: {  	v1 =	vld [tilespmem:s1+$0x14120];
	_ =	sdelay $0x4  }
0xc8: {  	v2 =	vand.u32 $0xFFFF, v1;
	v1 =	vshrl.u32 v1, $0x10  }
0xc9: {  	[tilespmem:$0x19120] =	vst v2  }
0xca: {  	[tilespmem:$0x19320] =	vst v1  }
0xcb: {  	v1 =	vld [tilespmem:s1+$0x14130];
	_ =	sdelay $0x4  }
0xcc: {  	v2 =	vand.u32 $0xFFFF, v1;
	v1 =	vshrl.u32 v1, $0x10  }
0xcd: {  	[tilespmem:$0x19130] =	vst v2  }
0xce: {  	[tilespmem:$0x19330] =	vst v1  }
0xcf: {  	[tilespmem:s26], [sflag:$0x3] =	stream.indirect.gather [hbm4b:s4+s21], $0x80, s25, s21, $0xb8;
	[tilespmem:$0x1F400] =	vst v63  }
0xd0: {  	_ =	swait.ge [sflag:s28], $0x2000  }
0xd1: {  	[sflag:s28] =	ssyncset.done $0x0  }
0xd2: {  	[sflag:s28] =	ssyncadd.s32 $0xFFFFE000  }
0xd3: {  	[spmem:s2] =	stream.indirect.scatter.add.f32 [tilespmem:s20], [sflag:$0x4], $0x80, s29, s21, $0xb8;
	[tilespmem:$0x1F400] =	vst v63  }
0xd4: {  	_ =	swait.ge [sflag:s30], $0x2000  }
0xd5: {  	p1 =	seq.s32 s24, $0x13800;
	[sflag:s30] =	ssyncset.done $0x0  }
0xd6: {  	s1 =	simm.s32 @p1 $0x2;
	[sflag:s30] =	ssyncadd.s32 $0xFFFFE000  }
0xd7: {  	_ =	swait.ge @p1 [sflag:s1], $0x2000  }
0xd8: {  	s6 =	simm.s32 @p1 $0x1B400;
	s23 =	simm.s32 @p1 $0x5;
	[sflag:s1] =	ssyncset.done @p1 $0x0  }
0xd9: {  	s7 =	simm.s32 @p1 $0x19280;
	[sflag:s1] =	ssyncadd.s32 @p1 $0xFFFFE000;
	s1 =	simm.s32 @p1 $0x40  }
0xda: {  	[spmem:s2] =	stream.indirect.scatter.add.f32 @p1 [tilespmem:s6], [sflag:$0x5], $0x80, s7, s1, $0xb8;
	[tilespmem:$0x1F400] =	vst v63  }
0xdb: {  	_ =	swait.ge @p1 [sflag:s23], $0x2000  }
0xdc: {  	[sflag:s23] =	ssyncset.done @p1 $0x0  }
0xdd: {  	[sflag:s23] =	ssyncadd.s32 @p1 $0xFFFFE000;
	s23 =	sshra.s32 @!p1 s24, $0x2  }
0xde: {  	v1 =	vld @!p1 [tilespmem:s23+$0x14180];
	_ =	sdelay $0x4  }
0xdf: {  	v2 =	vand.u32 @!p1 $0xFFFF, v1;
	v1 =	vshrl.u32 @!p1 v1, $0x10  }
0xe0: {  	[tilespmem:$0x19000] =	vst @!p1 v2  }
0xe1: {  	[tilespmem:$0x19200] =	vst @!p1 v1  }
0xe2: {  	v1 =	vld @!p1 [tilespmem:s23+$0x14190];
	_ =	sdelay $0x4  }
0xe3: {  	v2 =	vand.u32 @!p1 $0xFFFF, v1;
	v1 =	vshrl.u32 @!p1 v1, $0x10  }
0xe4: {  	[tilespmem:$0x19010] =	vst @!p1 v2  }
0xe5: {  	[tilespmem:$0x19210] =	vst @!p1 v1  }
0xe6: {  	v1 =	vld @!p1 [tilespmem:s23+$0x141A0];
	_ =	sdelay $0x4  }
0xe7: {  	v2 =	vand.u32 @!p1 $0xFFFF, v1;
	v1 =	vshrl.u32 @!p1 v1, $0x10  }
0xe8: {  	[tilespmem:$0x19020] =	vst @!p1 v2  }
0xe9: {  	[tilespmem:$0x19220] =	vst @!p1 v1  }
0xea: {  	v1 =	vld @!p1 [tilespmem:s23+$0x141B0];
	_ =	sdelay $0x4  }
0xeb: {  	v2 =	vand.u32 @!p1 $0xFFFF, v1;
	v1 =	vshrl.u32 @!p1 v1, $0x10  }
0xec: {  	s6 =	simm.s32 @!p1 $0x2;
	[tilespmem:$0x19030] =	vst @!p1 v2  }
0xed: {  	s1 =	simm.s32 @!p1 $0x40;
	s7 =	simm.s32 @!p1 $0x19000;
	s24 =	simm.s32 @!p1 $0x19400;
	[tilespmem:$0x19230] =	vst @!p1 v1  }
0xee: {  	[tilespmem:s24], [sflag:$0x1] =	stream.indirect.gather @!p1 [hbm4b:s4+s1], $0x80, s7, s1, $0xb8;
	[tilespmem:$0x1F400] =	vst v63  }
0xef: {  	_ =	swait.ge @!p1 [sflag:s6], $0x2000  }
0xf0: {  	s7 =	simm.s32 @!p1 $0x5;
	[sflag:s6] =	ssyncset.done @!p1 $0x0  }
0xf1: {  	s24 =	simm.s32 @!p1 $0x19280;
	[sflag:s6] =	ssyncadd.s32 @!p1 $0xFFFFE000;
	s6 =	simm.s32 @!p1 $0x1B400  }
0xf2: {  	[spmem:s2] =	stream.indirect.scatter.add.f32 @!p1 [tilespmem:s6], [sflag:$0x5], $0x80, s24, s1, $0xb8;
	[tilespmem:$0x1F400] =	vst v63  }
0xf3: {  	_ =	swait.ge @!p1 [sflag:s7], $0x2000  }
0xf4: {  	[sflag:s7] =	ssyncset.done @!p1 $0x0  }
0xf5: {  	[sflag:s7] =	ssyncadd.s32 @!p1 $0xFFFFE000  }
0xf6: {  	v1 =	vld @!p1 [tilespmem:s23+$0x14200];
	_ =	sdelay $0x4  }
0xf7: {  	v2 =	vand.u32 @!p1 $0xFFFF, v1;
	v1 =	vshrl.u32 @!p1 v1, $0x10  }
0xf8: {  	[tilespmem:$0x19080] =	vst @!p1 v2  }
0xf9: {  	[tilespmem:$0x19280] =	vst @!p1 v1  }
0xfa: {  	v1 =	vld @!p1 [tilespmem:s23+$0x14210];
	_ =	sdelay $0x4  }
0xfb: {  	v2 =	vand.u32 @!p1 $0xFFFF, v1;
	v1 =	vshrl.u32 @!p1 v1, $0x10  }
0xfc: {  	[tilespmem:$0x19090] =	vst @!p1 v2  }
0xfd: {  	[tilespmem:$0x19290] =	vst @!p1 v1  }
0xfe: {  	v1 =	vld @!p1 [tilespmem:s23+$0x14220];
	_ =	sdelay $0x1  }
.Ltmp1:
0xff: {  	(pc) =	sbr.rel @p0 .LBB2_4-.Ltmp1, $3  }
0x100: {  	_ =	sdelay $0x1  }
0x101: {  	v2 =	vand.u32 @!p1 $0xFFFF, v1;
	v1 =	vshrl.u32 @!p1 v1, $0x10  }
0x102: {  	[tilespmem:$0x190A0] =	vst @!p1 v2  }
0x103: {  	[tilespmem:$0x192A0] =	vst @!p1 v1  }
0x104: {  	v1 =	vld @!p1 [tilespmem:s23+$0x14230];
	_ =	sdelay $0x4  }
0x105: {  	v2 =	vand.u32 @!p1 $0xFFFF, v1  }
0x106: {  	v1 =	vshrl.u32 @!p1 v1, $0x10;
	[tilespmem:$0x190B0] =	vst @!p1 v2  }
0x107: {  	s7 =	simm.s32 @!p1 $0x19080;
	[tilespmem:$0x192B0] =	vst @!p1 v1  }
0x108: {  	[tilespmem:s6], [sflag:$0x2] =	stream.indirect.gather @!p1 [hbm4b:s4+s1], $0x80, s7, s1, $0xb8;
	[tilespmem:$0x1F400] =	vst v63  }
0x109: {  	_ =	swait.ge [sflag:s31], $0x2000  }
0x10a: {  	[sflag:s31] =	ssyncset.done $0x0  }
0x10b: {  	[sflag:s31] =	ssyncadd.s32 $0xFFFFE000  }
0x10c: {  	[spmem:s2] =	stream.indirect.scatter.add.f32 [tilespmem:s26], [sflag:$0x6], $0x80, s0, s21, $0xb8;
	[tilespmem:$0x1F400] =	vst v63  }
0x10d: {  	s24 =	sshrl.u32 s5, $0x3;
	_ =	swait.ge [sflag:s3], $0x2000  }
0x10e: {  	s18 =	sadd.s32 $0x1, s18;
	s23 =	stileid.u32;
	[sflag:s3] =	ssyncset.done $0x0  }
0x10f: {  	p0 =	sne.s32 s18, s16;
	s1 =	sshll.u32 s23, $0x6;
	[sflag:s3] =	ssyncadd.s32 $0xFFFFE000  }
.Ltmp2:
0x110: {  	s1 =	sor.u32 $0x1C07, s1;
	[bflag:$0x0] =	sbarrier.arrive $0xFFFF;
	(pc) =	sbr.rel @p0 .LBB2_1-.Ltmp2, $4  }
0x111: {  	[hbm:s17], [sflag:s1] =	dma.local [spmem:s24], $0x2800  }
0x112: {  	_ =	swait.ge [sflag:s19], $0x2800  }
0x113: {  	[sflag:s19] =	ssyncset.done $0x0  }
0x114: {  	[sflag:s19] =	ssyncadd.s32 $0xFFFFD800  }
0x115: {  	_ =	sfence.sel $0x180000  }
0x116: {  	[bflag:$0x0] =	sbarrier.arrive $0xFFFF  }
0x117: {  	_ =	strace $0x9000004A  }
0x118: {  	s0 =	stileid.u32;
	[bflag:$0x2] =	sbarrier.arrive $0xFFFF  }
0x119: {  	p0 =	sne.s32 s0, $0x0;
	s0 =	rddreg [dreg:$0x2]  }
0x11a: {  	s0 =	sadd.s32 @!p0 $0x100000, s0  }
0x11b: {  	[sflag:s0] =	ssyncadd.tile.s32 @!p0 $0x1;
	_ =	shalt  }
.Lfunc_end2:
_tile_overlayer_lowered:
.L_overlay_start_2:
0x11c: {  	(tag) =	ssettag $0x2  }
0x11d: {  	s0 =	rddreg [dreg:$0x0];
	s2 =	stileid.u32  }
0x11e: {  	s1 =	rddreg [dreg:$0x1];
	p0 =	sne.s32 s2, $0x0  }
0x11f: {  	s3 =	rddreg [dreg:$0x2];
	[bflag:$0x3] =	sbarrier.arrive $0xFFFF;
	s2 =	simm.s32 @!p0 $0x1C07  }
0x120: {  	[timem:s3], [sflag:s2] =	dma.local @!p0 [hbm:s0], s1  }
0x121: {  	s0 =	simm.s32 @!p0 $0x7  }
0x122: {  	_ =	swait.ge @!p0 [sflag:s0], s1  }
0x123: {  	s1 =	ssub.s32 @!p0 $0x0, s1;
	[sflag:s0] =	ssyncset.done @!p0 $0x0  }
0x124: {  	[sflag:s0] =	ssyncadd.s32 @!p0 s1  }
0x125: {  	[bflag:$0x3] =	sbarrier.arrive $0xFFFF  }
0x126: {  	_ =	shalt  }

// kernel: kernel.18.cloned.1.call-start
scs
__scs_entry_jumppad:
0x0: {  	(pc) =	sbr.rel $0x88, $3  }
0x1: {  	(tag) =	ssettag $0x0;
	lr =	simm.s32 $0x1  }
0x2: {  	[smem:$0x3F96] =	sst lr;
	_ =	strace $0xD0000000  }
0x3: {  	_ = 	snop  }
0x4: {  	_ = 	snop  }
0x5: {  	_ = 	snop  }
0x6: {  	_ = 	snop  }
0x7: {  	_ = 	snop  }
__scs_overlays_trampoline_lowered:
0x8: {  	[smem:$0x3FA5] =	sst s0  }
0x9: {  	[smem:$0x3FA6] =	sst s1  }
0xa: {  	[smem:$0x3FA7] =	sst s2  }
0xb: {  	[smem:$0x3FA8] =	sst s3  }
0xc: {  	[smem:$0x3FA9] =	sst s4  }
0xd: {  	[smem:$0x3FAA] =	sst s5  }
0xe: {  	[smem:$0x3FAB] =	sst s6  }
0xf: {  	[smem:$0x3FAC] =	sst s7  }
0x10: {  	[smem:$0x3FAD] =	sst s8  }
0x11: {  	[smem:$0x3FAE] =	sst s9;
	s0 =	simm.s32 @!p0 $0x0  }
0x12: {  	s1 =	sld [smem:$0x3F94];
	s0 =	simm.s32 @p0 $0x1  }
0x13: {  	[smem:$0x3FAF] =	sst s0;
	s0 =	simm.s32 @!p1 $0x0  }
0x14: {  	s2 =	sld [smem:$0x3F93];
	s0 =	simm.s32 @p1 $0x1  }
0x15: {  	[smem:$0x3FB0] =	sst s0;
	s0 =	simm.s32 @!p2 $0x0  }
0x16: {  	s3 =	sld [smem:$0x3FDB];
	s0 =	simm.s32 @p2 $0x1  }
0x17: {  	s4 =	simm.s32 $0x1BF5;
	[smem:$0x3FB2] =	sst s0  }
0x18: {  	s0 =	sld [smem:$0x3F95];
	_ =	swait.ge [sflag:s4], $0x0  }
0x19: {  	s7 =	sld [smem:$0x3F96]  }
0x1a: {  	s8 =	sadd.s32 $0xFFFFE003, lr  }
0x1b: {  	s9 =	sadd.s32 $0xFFFFFEF7, lr;
	s5 =	simm.s32 $0xFFFFFFFF;
	p2 =	slt.u32 s8, $0xFFFFF086  }
0x1c: {  	p1 =	slt.u32 s9, $0xF7A;
	s5 =	simm.s32 @!p2 $0x0  }
0x1d: {  	s5 =	simm.s32 @p1 $0x1;
	p0 =	seq.s32 s7, s2  }
0x1e: {  	s7 =	smul.u32 @!p0 $0xF7A, s2;
	p2 =	seq.s32 @!p0 s5, $0x0  }
0x1f: {  	s9 =	smul.u32 $0xF7A, s1;
	s8 =	simm.s32 @!p0 $0x1BF5;
	p2 =	por !p2, p0  }
0x20: {  	[sflag:s8] =	ssyncset.s32 @!p0 $0xFFFFF086;
	s6 =	sadd.s32 @!p0 s3, s7;
	s7 =	simm.s32 @!p0 $0x108  }
0x21: {  	s3 =	sadd.s32 s3, s9;
	s6 =	sadd.s32 @!p0 $0x88, s6;
	s7 =	simm.s32 @p2 $0x1082  }
0x22: {  	[simem:s7], [sflag:s8] =	dma.local @!p0 [hbm:s6], $0xF7A  }
0x23: {  	s9 =	sor.u32 $0xD0000000, s2;
	s6 =	simm.s32 $0x108;
	_ =	swait.ge @!p0 [sflag:s8], $0x0  }
0x24: {  	s3 =	sadd.s32 $0x88, s3;
	s6 =	simm.s32 @!p1 $0x1082;
	[sflag:s4] =	ssyncset.s32 $0xFFFFF086  }
0x25: {  	[simem:s6], [sflag:s4] =	dma.local [hbm:s3], $0xF7A  }
0x26: {  	[smem:$0x3F96] =	sst s1;
	(tag) =	ssettag s2;
	_ =	strace s9  }
0x27: {  	s1 =	sld [smem:$0x3FA6]  }
0x28: {  	s2 =	sld [smem:$0x3FA7]  }
0x29: {  	s4 =	sld [smem:$0x3FA9]  }
0x2a: {  	p0 =	seq.s32 s5, $0x0;
	s5 =	sld [smem:$0x3FAA]  }
0x2b: {  	s6 =	sld [smem:$0x3FAB]  }
0x2c: {  	s7 =	sld [smem:$0x3FAC]  }
0x2d: {  	s3 =	simm.s32 $0x108;
	s8 =	sld [smem:$0x3FAD]  }
0x2e: {  	s3 =	simm.s32 @!p0 $0x1082;
	s9 =	sld [smem:$0x3FAE]  }
0x2f: {  	lr =	sadd.s32 s0, s3;
	s0 =	sld [smem:$0x3FA5]  }
0x30: {  	s3 =	sld [smem:$0x3FA8]  }
0x31: {  	[smem:$0x3FB1] =	sst s10  }
0x32: {  	s10 =	sld [smem:$0x3FAF];
	_ =	sdelay $0x3  }
0x33: {  	p0 =	seq.s32 s10, $0x1;
	s10 =	sld [smem:$0x3FB1];
	_ =	sdelay $0x3  }
0x34: {  	[smem:$0x3FB1] =	sst s10  }
0x35: {  	s10 =	sld [smem:$0x3FB0];
	_ =	sdelay $0x3  }
0x36: {  	p1 =	seq.s32 s10, $0x1;
	s10 =	sld [smem:$0x3FB1];
	_ =	sdelay $0x3  }
0x37: {  	[smem:$0x3FB1] =	sst s10  }
0x38: {  	s10 =	sld [smem:$0x3FB2]  }
0x39: {  	_ = 	snop;
	(pc) =	sbr.ind lr, $3  }
0x3a: {  	_ = 	snop  }
0x3b: {  	_ = 	snop  }
0x3c: {  	p2 =	seq.s32 s10, $0x1;
	s10 =	sld [smem:$0x3FB1]  }
0x3d: {  	_ =	shalt  }
0x3e: {  	_ =	shalt  }
0x3f: {  	_ =	shalt  }
0x40: {  	_ =	shalt  }
0x41: {  	_ =	shalt  }
0x42: {  	_ =	shalt  }
0x43: {  	_ =	shalt  }
0x44: {  	_ =	shalt  }
0x45: {  	_ =	shalt  }
0x46: {  	_ =	shalt  }
0x47: {  	_ =	shalt  }
0x48: {  	_ =	shalt  }
0x49: {  	_ =	shalt  }
0x4a: {  	_ =	shalt  }
0x4b: {  	_ =	shalt  }
0x4c: {  	_ =	shalt  }
0x4d: {  	_ =	shalt  }
0x4e: {  	_ =	shalt  }
0x4f: {  	_ =	shalt  }
0x50: {  	_ =	shalt  }
0x51: {  	_ =	shalt  }
0x52: {  	_ =	shalt  }
0x53: {  	_ =	shalt  }
0x54: {  	_ =	shalt  }
0x55: {  	_ =	shalt  }
0x56: {  	_ =	shalt  }
0x57: {  	_ =	shalt  }
0x58: {  	_ =	shalt  }
0x59: {  	_ =	shalt  }
0x5a: {  	_ =	shalt  }
0x5b: {  	_ =	shalt  }
0x5c: {  	_ =	shalt  }
0x5d: {  	_ =	shalt  }
0x5e: {  	_ =	shalt  }
0x5f: {  	_ =	shalt  }
0x60: {  	_ =	shalt  }
0x61: {  	_ =	shalt  }
0x62: {  	_ =	shalt  }
0x63: {  	_ =	shalt  }
0x64: {  	_ =	shalt  }
0x65: {  	_ =	shalt  }
0x66: {  	_ =	shalt  }
0x67: {  	_ =	shalt  }
0x68: {  	_ =	shalt  }
0x69: {  	_ =	shalt  }
0x6a: {  	_ =	shalt  }
0x6b: {  	_ =	shalt  }
0x6c: {  	_ =	shalt  }
0x6d: {  	_ =	shalt  }
0x6e: {  	_ =	shalt  }
0x6f: {  	_ =	shalt  }
0x70: {  	_ =	shalt  }
0x71: {  	_ =	shalt  }
0x72: {  	_ =	shalt  }
0x73: {  	_ =	shalt  }
0x74: {  	_ =	shalt  }
0x75: {  	_ =	shalt  }
0x76: {  	_ =	shalt  }
0x77: {  	_ =	shalt  }
0x78: {  	_ =	shalt  }
0x79: {  	_ =	shalt  }
0x7a: {  	_ =	shalt  }
0x7b: {  	_ =	shalt  }
0x7c: {  	_ =	shalt  }
0x7d: {  	_ =	shalt  }
0x7e: {  	_ =	shalt  }
0x7f: {  	_ =	shalt  }
0x80: {  	_ =	shalt  }
0x81: {  	_ =	shalt  }
0x82: {  	_ =	shalt  }
0x83: {  	_ =	shalt  }
0x84: {  	_ =	shalt  }
0x85: {  	_ =	shalt  }
0x86: {  	_ =	shalt  }
0x87: {  	_ =	shalt  }
.Lfunc_end0:
.L_simem_size_0:
called_computation.2_lowered:
.L_overlay_start_0:
0x88: {  	s2 =	sld [smem:$0x3FD9]  }
0x89: {  	s3 =	sld [smem:$0x3FFE];
	_ =	sdelay $0x1  }
0x8a: {  	s1 =	srdreg.scid  }
0x8b: {  	s0 =	sand.u32 $0x1, s1  }
0x8c: {  	s16 =	sshll.u32 s0, $0xA;
	s2 =	sadd.s32 s3, s2  }
0x8d: {  	s2 =	sadd.s32 s2, s16  }
0x8e: {  	[smem:$0x3FBD] =	sst s2  }
0x8f: {  	_ = 	snop  }
0x90: {  	(tm) =	ssettm $0x1  }
0x91: {  	s17 =	sld [smem:$0x3FFB];
	_ =	sdelay $0x3  }
0x92: {  	_ =	strace s17  }
0x93: {  	s2 =	sld [smem:$0x3FFC];
	_ =	sdelay $0x3  }
0x94: {  	_ =	strace s2  }
0x95: {  	s2 =	sld [smem:$0x3FFD];
	_ =	sdelay $0x3  }
0x96: {  	_ =	strace s2  }
0x97: {  	_ =	strace $0x8FFFFFFF  }
0x98: {  	s18 =	sld [smem:$0x3FDB];
	_ =	sdelay $0x1  }
0x99: {  	s19 =	simm.s32 $_scs_section_size  }
0x9a: {  	s4 =	simm.s32 $_size__tile_overlayer_lowered;
	s5 =	simm.s32 $_tile_overlayer_lowered  }
0x9b: {  	s22 =	simm.s32 $0x1BFF;
	s21 =	sshll.u32 s5, $0x1;
	s2 =	sadd.s32 s19, s18  }
0x9c: {  	s6 =	simm.s32 $0x0;
	s20 =	sshll.u32 s4, $0x1;
	s4 =	sadd.s32 s21, s2  }
0x9d: {  	[timem:s6], [sflag:s22] =	dma.local [hbm:s4], s20  }
0x9e: {  	_ =	swait.ge [sflag:s22], s20  }
0x9f: {  	s3 =	ssub.s32 $0x0, s20;
	[sflag:s22] =	ssyncset.done $0x0  }
0xa0: {  	[sflag:s22] =	ssyncadd.s32 s3;
	_ =	sdelay $0x1  }
0xa1: {  	s23 =	simm.s32 $0x1B8B  }
0xa2: {  	_ =	swait.ge [sflag:s23], $0x1  }
0xa3: {  	[sflag:s23] =	ssyncset.done $0x0  }
0xa4: {  	s25 =	simm.s32 $0x1B8E;
	s24 =	sld [smem:$0x3FFE];
	[sflag:s23] =	ssyncadd.s32 $0xFFFFFFFF  }
0xa5: {  	s26 =	simm.s32 $execute0_lowered;
	[smem:$0x3FD2] =	sst s25  }
0xa6: {  	s4 =	sshll.u32 s26, $0x1;
	_ =	strace $0x8000004C;
	[dreg:$0x1] =	wrdreg $0xFFFFFFFF  }
0xa7: {  	s28 =	simm.s32 $_size_execute0_lowered;
	s2 =	sadd.s32 s2, s4;
	[dreg:$0x0] =	wrdreg $0x0  }
0xa8: {  	s4 =	sshll.u32 s28, $0x1;
	[dreg:$0x2] =	wrdreg s2  }
0xa9: {  	[dreg:$0x3] =	wrdreg s4  }
0xaa: {  	[dreg:$0x4] =	wrdreg $0xC0  }
0xab: {  	_ =	task [dreg:s6], $0x5FFFF  }
0xac: {  	[dreg:$0x1] =	wrdreg $0xFFFFFFFF  }
0xad: {  	[dreg:$0x0] =	wrdreg $0x60  }
0xae: {  	[dreg:$0x2] =	wrdreg s24  }
0xaf: {  	[dreg:$0x3] =	wrdreg $0x0  }
0xb0: {  	[dreg:$0x4] =	wrdreg $0x9  }
0xb1: {  	_ =	task.clear_ibuf [dreg:s6], $0x5FFFF;
	_ =	strace $0x9000004C  }
0xb2: {  	s29 =	simm.s32 $0x9;
	_ =	strace $0x8000004E  }
0xb3: {  	_ =	swait.ge [sflag:s29], $0x1  }
0xb4: {  	[sflag:s29] =	ssyncadd.s32 $0xFFFFFFFF  }
0xb5: {  	_ =	strace $0x9000004E  }
0xb6: {  	_ =	sfence  }
0xb7: {  	s30 =	sld [smem:$0x0];
	_ =	sdelay $0x2  }
0xb8: {  	s31 =	sshll.u32 s1, $0xD;
	s1 =	sshrl.u32 s1, $0x2  }
0xb9: {  	s3 =	sand.u32 $0x4000, s31;
	s1 =	sadd.s32 s1, s30  }
0xba: {  	s0 =	sor.u32 s3, s0;
	s1 =	sshll.u32 s1, $0x11  }
0xbb: {  	s0 =	sor.u32 s1, s0  }
0xbc: {  	s0 =	sadd.s32 $0x8F2B, s0  }
0xbd: {  	[sflag:s0] =	ssyncadd.remote.s32 $0x1  }
0xbe: {  	_ =	sfence.sel $0xFFFF  }
0xbf: {  	[dreg:$0x0] =	wrdreg $0xFFFFFFFF;
	(pc) =	sbr.abs _section_cstart, $3  }
0xc0: {  	[dreg:$0x1] =	wrdreg $0xFFFFFFFF  }
0xc1: {  	_ =	task.clear_ibuf [dreg:s6], $0x2FFFF;
	_ =	strace $0x9FFFFFFF  }
0xc2: {  	(tm) =	ssettm $0x7FFFFFFF  }
0xc3: {  	_ =	shalt  }
tec
execute0_lowered:
.L_overlay_start_1:
0x0: {  	(tag) =	ssettag $0x1  }
0x1: {  	s0 =	rddreg [dreg:$0x0]  }
0x2: {  	s2 =	rddreg [dreg:$0x1]  }
0x3: {  	s1 =	srdreg.scid;
	s14 =	stileid.u32;
	s4 =	simm.s32 $0x0  }
0x4: {  	s19 =	simm.s32 $0x7;
	s20 =	simm.s32 $0x19400;
	s21 =	simm.s32 $0x40  }
0x5: {  	s28 =	simm.s32 $0x1;
	s29 =	simm.s32 $0x19200;
	s30 =	simm.s32 $0x4  }
0x6: {  	s31 =	simm.s32 $0x3;
	s18 =	simm.s32 $0x0;
	s1 =	sand.u32 $0x1, s1  }
0x7: {  	s3 =	sshll.u32 s14, $0x1;
	[smem:$0x7FF] =	sst s4;
	s5 =	smul.u32 $0x50000, s14  }
0x8: {  	s4 =	sadd.s32 $0x42000, s0;
	s26 =	smul.u32 $0x2800, s14;
	s3 =	sor.u32 s1, s3  }
0x9: {  	_ =	strace $0x8000004D;
	s6 =	ssub.s32 $0x2, s1;
	p0 =	seq.s32 s1, $0x1  }
0xa: {  	s1 =	simm.s32 $0x92000;
	s3 =	smul.u32 $0xA00, s3;
	s5 =	sshrl.u32 s5, $0x2  }
0xb: {  	s7 =	sshrl.u32 s6, $0x1;
	s1 =	simm.s32 @!p0 $0x6A000;
	s5 =	sadd.s32 s5, s2  }
0xc: {  	s6 =	ssub.s32 s6, s7;
	s3 =	sadd.s32 s3, s0;
	s25 =	sadd.s32 $0x2000, s5  }
0xd: {  	s8 =	sadd.s32 $0x4000, s5;
	s9 =	sadd.s32 $0x6000, s5;
	s10 =	sadd.s32 $0x8000, s5  }
0xe: {  	s11 =	sadd.s32 $0xA000, s5;
	s12 =	sadd.s32 $0xC000, s5;
	s13 =	sadd.s32 $0xE000, s5  }
0xf: {  	s14 =	sadd.s32 $0x10000, s5;
	s15 =	sadd.s32 $0x12000, s5;
	s0 =	sadd.s32 s1, s0  }
0x10: {  	s16 =	smax.u32 s6, $0x1;
	s3 =	sadd.s32 $0x6000, s3;
	[dreg:$0x4] =	wrdreg s25  }
0x11: {  	s17 =	sadd.s32 s0, s26;
	s25 =	simm.s32 $0x19100;
	s26 =	simm.s32 $0x1D400  }
0x12: {  	v0 =	vimm.f32 $0.0e+00;
	s0 =	simm.s32 $0x19300;
	[dreg:$0x3] =	wrdreg s3;
	s3 =	simm.s32 $0x6  }
.LBB2_1:
0x13: {  	s1 =	simm.s32 $0x0;
	s6 =	rddreg [dreg:$0x3];
	s7 =	simm.s32 $0x14000  }
0x14: {  	[tilespmem:s7], [sflag:$0x7] =	stream.linear.gather [hbm4b:s6+s1], $0x4F80, $0x38;
	[tilespmem:$0x1F400] =	vst v63  }
0x15: {  	_ =	swait.ge [sflag:s19], $0x4F80  }
0x16: {  	[sflag:s19] =	ssyncset.done $0x0  }
0x17: {  	s1 =	simm.s32 $0x0;
	s6 =	simm.s32 $0x200;
	[sflag:s19] =	ssyncadd.s32 $0xFFFFB080  }
.LBB2_2:
0x18: {  	p0 =	sne.s32 s6, $0x7E00;
	[tilespmem:s1+$0x19470] =	vst v0  }
0x19: {  	[tilespmem:s1+$0x19400] =	vst v0  }
0x1a: {  	[tilespmem:s1+$0x19410] =	vst v0  }
.Ltmp0:
0x1b: {  	[tilespmem:s1+$0x19420] =	vst v0;
	(pc) =	sbr.rel @p0 .LBB2_2-.Ltmp0, $4  }
0x1c: {  	[tilespmem:s1+$0x19430] =	vst v0  }
0x1d: {  	[tilespmem:s1+$0x19440] =	vst v0  }
0x1e: {  	[tilespmem:s1+$0x19450] =	vst v0  }
0x1f: {  	[tilespmem:s1+$0x19460] =	vst v0;
	s1 =	sshra.s32 s6, $0x2;
	s6 =	sadd.s32 $0x200, s6  }
0x20: {  	[tilespmem:s1+$0x19470] =	vst v0  }
0x21: {  	[tilespmem:s1+$0x19400] =	vst v0  }
0x22: {  	[tilespmem:s1+$0x19410] =	vst v0  }
0x23: {  	[tilespmem:s1+$0x19420] =	vst v0  }
0x24: {  	[tilespmem:s1+$0x19430] =	vst v0  }
0x25: {  	[tilespmem:s1+$0x19440] =	vst v0  }
0x26: {  	[tilespmem:s1+$0x19450] =	vst v0  }
0x27: {  	[tilespmem:s1+$0x19460] =	vst v0  }
0x28: {  	[spmem:s5] =	stream.linear.scatter [tilespmem:s20], [sflag:$0x7], $0x2000, $0x38;
	[tilespmem:$0x1F400] =	vst v63  }
0x29: {  	_ =	swait.ge [sflag:s19], $0x2000  }
0x2a: {  	[sflag:s19] =	ssyncset.done $0x0  }
0x2b: {  	s7 =	rddreg [dreg:$0x4];
	[sflag:s19] =	ssyncadd.s32 $0xFFFFE000  }
0x2c: {  	[spmem:s7] =	stream.linear.scatter [tilespmem:s20], [sflag:$0x7], $0x2000, $0x38;
	[tilespmem:$0x1F400] =	vst v63  }
0x2d: {  	_ =	swait.ge [sflag:s19], $0x2000  }
0x2e: {  	[sflag:s19] =	ssyncset.done $0x0  }
0x2f: {  	[sflag:s19] =	ssyncadd.s32 $0xFFFFE000  }
0x30: {  	[spmem:s8] =	stream.linear.scatter [tilespmem:s20], [sflag:$0x7], $0x2000, $0x38;
	[tilespmem:$0x1F400] =	vst v63  }
0x31: {  	_ =	swait.ge [sflag:s19], $0x2000  }
0x32: {  	[sflag:s19] =	ssyncset.done $0x0  }
0x33: {  	[sflag:s19] =	ssyncadd.s32 $0xFFFFE000  }
0x34: {  	[spmem:s9] =	stream.linear.scatter [tilespmem:s20], [sflag:$0x7], $0x2000, $0x38;
	[tilespmem:$0x1F400] =	vst v63  }
0x35: {  	_ =	swait.ge [sflag:s19], $0x2000  }
0x36: {  	[sflag:s19] =	ssyncset.done $0x0  }
0x37: {  	[sflag:s19] =	ssyncadd.s32 $0xFFFFE000  }
0x38: {  	[spmem:s10] =	stream.linear.scatter [tilespmem:s20], [sflag:$0x7], $0x2000, $0x38;
	[tilespmem:$0x1F400] =	vst v63  }
0x39: {  	_ =	swait.ge [sflag:s19], $0x2000  }
0x3a: {  	[sflag:s19] =	ssyncset.done $0x0  }
0x3b: {  	[sflag:s19] =	ssyncadd.s32 $0xFFFFE000  }
0x3c: {  	[spmem:s11] =	stream.linear.scatter [tilespmem:s20], [sflag:$0x7], $0x2000, $0x38;
	[tilespmem:$0x1F400] =	vst v63  }
0x3d: {  	_ =	swait.ge [sflag:s19], $0x2000  }
0x3e: {  	[sflag:s19] =	ssyncset.done $0x0  }
0x3f: {  	[sflag:s19] =	ssyncadd.s32 $0xFFFFE000  }
0x40: {  	[spmem:s12] =	stream.linear.scatter [tilespmem:s20], [sflag:$0x7], $0x2000, $0x38;
	[tilespmem:$0x1F400] =	vst v63  }
0x41: {  	_ =	swait.ge [sflag:s19], $0x2000  }
0x42: {  	[sflag:s19] =	ssyncset.done $0x0  }
0x43: {  	[sflag:s19] =	ssyncadd.s32 $0xFFFFE000  }
0x44: {  	[spmem:s13] =	stream.linear.scatter [tilespmem:s20], [sflag:$0x7], $0x2000, $0x38;
	[tilespmem:$0x1F400] =	vst v63  }
0x45: {  	_ =	swait.ge [sflag:s19], $0x2000  }
0x46: {  	[sflag:s19] =	ssyncset.done $0x0  }
0x47: {  	[sflag:s19] =	ssyncadd.s32 $0xFFFFE000  }
0x48: {  	[spmem:s14] =	stream.linear.scatter [tilespmem:s20], [sflag:$0x7], $0x2000, $0x38;
	[tilespmem:$0x1F400] =	vst v63  }
0x49: {  	_ =	swait.ge [sflag:s19], $0x2000  }
0x4a: {  	[sflag:s19] =	ssyncset.done $0x0  }
0x4b: {  	[sflag:s19] =	ssyncadd.s32 $0xFFFFE000  }
0x4c: {  	[spmem:s15] =	stream.linear.scatter [tilespmem:s20], [sflag:$0x7], $0x2000, $0x38;
	[tilespmem:$0x1F400] =	vst v63  }
0x4d: {  	_ =	swait.ge [sflag:s19], $0x2000  }
0x4e: {  	[sflag:s19] =	ssyncset.done $0x0  }
0x4f: {  	[sflag:s19] =	ssyncadd.s32 $0xFFFFE000  }
0x50: {  	v1 =	vld [tilespmem:$0x14000];
	_ =	sdelay $0x1  }
0x51: {  	v2 =	vld [tilespmem:$0x14010];
	_ =	sdelay $0x1  }
0x52: {  	v3 =	vld [tilespmem:$0x14020]  }
0x53: {  	v4 =	vand.u32 $0xFFFF, v1  }
0x54: {  	v61 =	vld [tilespmem:$0x14030];
	v1 =	vshrl.u32 v1, $0x10;
	[tilespmem:$0x19000] =	vst v4  }
0x55: {  	[tilespmem:$0x19200] =	vst v1;
	v1 =	vand.u32 $0xFFFF, v2  }
0x56: {  	[tilespmem:$0x19010] =	vst v1;
	v1 =	vshrl.u32 v2, $0x10  }
0x57: {  	[tilespmem:$0x19210] =	vst v1;
	v1 =	vand.u32 $0xFFFF, v3  }
0x58: {  	[tilespmem:$0x19020] =	vst v1;
	v1 =	vshrl.u32 v3, $0x10  }
0x59: {  	[tilespmem:$0x19220] =	vst v1;
	v1 =	vand.u32 $0xFFFF, v61  }
0x5a: {  	[tilespmem:$0x19030] =	vst v1;
	v1 =	vshrl.u32 v61, $0x10  }
0x5b: {  	s22 =	simm.s32 $0x19000;
	[tilespmem:$0x19230] =	vst v1  }
0x5c: {  	[tilespmem:s20], [sflag:$0x1] =	stream.indirect.gather [hbm4b:s4+s21], $0x80, s22, s21, $0xb8;
	[tilespmem:$0x1F400] =	vst v63  }
0x5d: {  	v1 =	vld [tilespmem:$0x14080];
	_ =	sdelay $0x1  }
0x5e: {  	v2 =	vld [tilespmem:$0x14090];
	_ =	sdelay $0x1  }
0x5f: {  	v3 =	vld [tilespmem:$0x140A0]  }
0x60: {  	v62 =	vand.u32 $0xFFFF, v1  }
0x61: {  	v63 =	vld [tilespmem:$0x140B0];
	v1 =	vshrl.u32 v1, $0x10;
	[tilespmem:$0x19080] =	vst v62  }
0x62: {  	[tilespmem:$0x19280] =	vst v1;
	v1 =	vand.u32 $0xFFFF, v2  }
0x63: {  	[tilespmem:$0x19090] =	vst v1;
	v1 =	vshrl.u32 v2, $0x10  }
0x64: {  	[tilespmem:$0x19290] =	vst v1;
	v1 =	vand.u32 $0xFFFF, v3  }
0x65: {  	[tilespmem:$0x190A0] =	vst v1;
	v1 =	vshrl.u32 v3, $0x10  }
0x66: {  	[tilespmem:$0x192A0] =	vst v1;
	v1 =	vand.u32 $0xFFFF, v63  }
0x67: {  	[tilespmem:$0x190B0] =	vst v1;
	v1 =	vshrl.u32 v63, $0x10  }
0x68: {  	s23 =	simm.s32 $0x19080;
	s6 =	simm.s32 $0x1B400;
	p0 =	por $0x1, $0x1;
	[tilespmem:$0x192B0] =	vst v1  }
0x69: {  	[tilespmem:s6], [sflag:$0x2] =	stream.indirect.gather [hbm4b:s4+s21], $0x80, s23, s21, $0xb8;
	[tilespmem:$0x1F400] =	vst v63  }
0x6a: {  	s1 =	simm.s32 @!p0 $0x6;
	[bflag:$0x0] =	sbarrier.arrive $0xFFFF  }
0x6b: {  	_ =	swait.ge @!p0 [sflag:s1], $0x2000  }
0x6c: {  	[sflag:s1] =	ssyncset.done @!p0 $0x0  }
0x6d: {  	s24 =	simm.s32 $0x0;
	[sflag:s1] =	ssyncadd.s32 @!p0 $0xFFFFE000  }
0x6e: {  	v1 =	vld [tilespmem:s24+$0x14100];
	_ =	sdelay $0x4  }
0x6f: {  	v2 =	vand.u32 $0xFFFF, v1  }
0x70: {  	v1 =	vshrl.u32 v1, $0x10;
	[tilespmem:$0x19100] =	vst v2  }
0x71: {  	[tilespmem:$0x19300] =	vst v1  }
0x72: {  	v1 =	vld [tilespmem:s24+$0x14110];
	_ =	sdelay $0x4  }
0x73: {  	v2 =	vand.u32 $0xFFFF, v1  }
0x74: {  	v1 =	vshrl.u32 v1, $0x10;
	[tilespmem:$0x19110] =	vst v2  }
0x75: {  	[tilespmem:$0x19310] =	vst v1  }
0x76: {  	v1 =	vld [tilespmem:s24+$0x14120];
	_ =	sdelay $0x4  }
0x77: {  	v2 =	vand.u32 $0xFFFF, v1  }
0x78: {  	v1 =	vshrl.u32 v1, $0x10;
	[tilespmem:$0x19120] =	vst v2  }
0x79: {  	[tilespmem:$0x19320] =	vst v1  }
0x7a: {  	v1 =	vld [tilespmem:s24+$0x14130];
	_ =	sdelay $0x4  }
0x7b: {  	v2 =	vand.u32 $0xFFFF, v1  }
0x7c: {  	v1 =	vshrl.u32 v1, $0x10;
	[tilespmem:$0x19130] =	vst v2  }
0x7d: {  	[tilespmem:$0x19330] =	vst v1  }
0x7e: {  	[tilespmem:s26], [sflag:$0x3] =	stream.indirect.gather [hbm4b:s4+s21], $0x80, s25, s21, $0xb8;
	[tilespmem:$0x1F400] =	vst v63  }
0x7f: {  	_ =	swait.ge [sflag:s28], $0x2000  }
0x80: {  	[sflag:s28] =	ssyncset.done $0x0  }
0x81: {  	[sflag:s28] =	ssyncadd.s32 $0xFFFFE000  }
0x82: {  	[spmem:s2] =	stream.indirect.scatter.add.f32 [tilespmem:s20], [sflag:$0x4], $0x80, s29, s21, $0xb8;
	[tilespmem:$0x1F400] =	vst v63  }
0x83: {  	_ =	swait.ge [sflag:s30], $0x2000  }
0x84: {  	p1 =	por $0x0, $0x0;
	[sflag:s30] =	ssyncset.done $0x0  }
0x85: {  	s1 =	simm.s32 @p1 $0x2;
	[sflag:s30] =	ssyncadd.s32 $0xFFFFE000  }
0x86: {  	_ =	swait.ge @p1 [sflag:s1], $0x2000  }
0x87: {  	s22 =	simm.s32 @p1 $0x5;
	s6 =	simm.s32 @p1 $0x1B400;
	[sflag:s1] =	ssyncset.done @p1 $0x0  }
0x88: {  	s23 =	simm.s32 @p1 $0x19280;
	[sflag:s1] =	ssyncadd.s32 @p1 $0xFFFFE000;
	s1 =	simm.s32 @p1 $0x40  }
0x89: {  	[spmem:s2] =	stream.indirect.scatter.add.f32 @p1 [tilespmem:s6], [sflag:$0x5], $0x80, s23, s1, $0xb8;
	[tilespmem:$0x1F400] =	vst v63  }
0x8a: {  	_ =	swait.ge @p1 [sflag:s22], $0x2000  }
0x8b: {  	[sflag:s22] =	ssyncset.done @p1 $0x0  }
0x8c: {  	s23 =	simm.s32 @!p1 $0x0;
	[sflag:s22] =	ssyncadd.s32 @p1 $0xFFFFE000  }
0x8d: {  	v1 =	vld @!p1 [tilespmem:s23+$0x14180];
	_ =	sdelay $0x4  }
0x8e: {  	v2 =	vand.u32 @!p1 $0xFFFF, v1  }
0x8f: {  	v1 =	vshrl.u32 @!p1 v1, $0x10;
	[tilespmem:$0x19000] =	vst @!p1 v2  }
0x90: {  	[tilespmem:$0x19200] =	vst @!p1 v1  }
0x91: {  	v1 =	vld @!p1 [tilespmem:s23+$0x14190];
	_ =	sdelay $0x4  }
0x92: {  	v2 =	vand.u32 @!p1 $0xFFFF, v1  }
0x93: {  	v1 =	vshrl.u32 @!p1 v1, $0x10;
	[tilespmem:$0x19010] =	vst @!p1 v2  }
0x94: {  	[tilespmem:$0x19210] =	vst @!p1 v1  }
0x95: {  	v1 =	vld @!p1 [tilespmem:s23+$0x141A0];
	_ =	sdelay $0x4  }
0x96: {  	v2 =	vand.u32 @!p1 $0xFFFF, v1  }
0x97: {  	v1 =	vshrl.u32 @!p1 v1, $0x10;
	[tilespmem:$0x19020] =	vst @!p1 v2  }
0x98: {  	[tilespmem:$0x19220] =	vst @!p1 v1  }
0x99: {  	v1 =	vld @!p1 [tilespmem:s23+$0x141B0];
	_ =	sdelay $0x4  }
0x9a: {  	v2 =	vand.u32 @!p1 $0xFFFF, v1  }
0x9b: {  	v1 =	vshrl.u32 @!p1 v1, $0x10;
	[tilespmem:$0x19030] =	vst @!p1 v2  }
0x9c: {  	s1 =	simm.s32 @!p1 $0x40;
	s6 =	simm.s32 @!p1 $0x19000;
	s22 =	simm.s32 @!p1 $0x19400;
	[tilespmem:$0x19230] =	vst @!p1 v1  }
0x9d: {  	[tilespmem:s22], [sflag:$0x1] =	stream.indirect.gather @!p1 [hbm4b:s4+s1], $0x80, s6, s1, $0xb8;
	[tilespmem:$0x1F400] =	vst v63  }
0x9e: {  	s6 =	simm.s32 @!p1 $0x2  }
0x9f: {  	_ =	swait.ge @!p1 [sflag:s6], $0x2000  }
0xa0: {  	[sflag:s6] =	ssyncset.done @!p1 $0x0  }
0xa1: {  	s22 =	simm.s32 @!p1 $0x19280;
	[sflag:s6] =	ssyncadd.s32 @!p1 $0xFFFFE000;
	s6 =	simm.s32 @!p1 $0x1B400  }
0xa2: {  	[spmem:s2] =	stream.indirect.scatter.add.f32 @!p1 [tilespmem:s6], [sflag:$0x5], $0x80, s22, s1, $0xb8;
	[tilespmem:$0x1F400] =	vst v63  }
0xa3: {  	s22 =	simm.s32 @!p1 $0x5  }
0xa4: {  	_ =	swait.ge @!p1 [sflag:s22], $0x2000  }
0xa5: {  	[sflag:s22] =	ssyncset.done @!p1 $0x0  }
0xa6: {  	[sflag:s22] =	ssyncadd.s32 @!p1 $0xFFFFE000  }
0xa7: {  	v1 =	vld @!p1 [tilespmem:s23+$0x14200];
	_ =	sdelay $0x4  }
0xa8: {  	v2 =	vand.u32 @!p1 $0xFFFF, v1  }
0xa9: {  	v1 =	vshrl.u32 @!p1 v1, $0x10;
	[tilespmem:$0x19080] =	vst @!p1 v2  }
0xaa: {  	[tilespmem:$0x19280] =	vst @!p1 v1  }
0xab: {  	v1 =	vld @!p1 [tilespmem:s23+$0x14210];
	_ =	sdelay $0x4  }
0xac: {  	v2 =	vand.u32 @!p1 $0xFFFF, v1  }
0xad: {  	v1 =	vshrl.u32 @!p1 v1, $0x10;
	[tilespmem:$0x19090] =	vst @!p1 v2  }
0xae: {  	[tilespmem:$0x19290] =	vst @!p1 v1  }
0xaf: {  	v1 =	vld @!p1 [tilespmem:s23+$0x14220];
	_ =	sdelay $0x4  }
0xb0: {  	v2 =	vand.u32 @!p1 $0xFFFF, v1  }
0xb1: {  	s22 =	simm.s32 $0x600;
	v1 =	vshrl.u32 @!p1 v1, $0x10;
	[tilespmem:$0x190A0] =	vst @!p1 v2  }
.LBB2_4:
0xb2: {  	[tilespmem:$0x192A0] =	vst @!p1 v1;
	s24 =	smov.u32 s22;
	s22 =	sadd.s32 $0x600, s22  }
0xb3: {  	p0 =	sne.s32 s22, $0x13E00;
	v1 =	vld @!p1 [tilespmem:s23+$0x14230];
	_ =	sdelay $0x4  }
0xb4: {  	v2 =	vand.u32 @!p1 $0xFFFF, v1;
	v1 =	vshrl.u32 @!p1 v1, $0x10  }
0xb5: {  	[tilespmem:$0x190B0] =	vst @!p1 v2  }
0xb6: {  	s23 =	simm.s32 @!p1 $0x19080;
	[tilespmem:$0x192B0] =	vst @!p1 v1  }
0xb7: {  	[tilespmem:s6], [sflag:$0x2] =	stream.indirect.gather @!p1 [hbm4b:s4+s1], $0x80, s23, s1, $0xb8;
	[tilespmem:$0x1F400] =	vst v63  }
0xb8: {  	_ =	swait.ge [sflag:s31], $0x2000  }
0xb9: {  	p1 =	seq.s32 s24, $0x0;
	[sflag:s31] =	ssyncset.done $0x0  }
0xba: {  	s1 =	simm.s32 @!p1 $0x6;
	[sflag:s31] =	ssyncadd.s32 $0xFFFFE000  }
0xbb: {  	[spmem:s2] =	stream.indirect.scatter.add.f32 [tilespmem:s26], [sflag:$0x6], $0x80, s0, s21, $0xb8;
	[tilespmem:$0x1F400] =	vst v63  }
0xbc: {  	_ =	swait.ge @!p1 [sflag:s1], $0x2000  }
0xbd: {  	[sflag:s1] =	ssyncset.done @!p1 $0x0  }
0xbe: {  	[sflag:s1] =	ssyncadd.s32 @!p1 $0xFFFFE000;
	s1 =	sshra.s32 s24, $0x2  }
0xbf: {  	v1 =	vld [tilespmem:s1+$0x14100];
	_ =	sdelay $0x4  }
0xc0: {  	v2 =	vand.u32 $0xFFFF, v1;
	v1 =	vshrl.u32 v1, $0x10  }
0xc1: {  	[tilespmem:$0x19100] =	vst v2  }
0xc2: {  	[tilespmem:$0x19300] =	vst v1  }
0xc3: {  	v1 =	vld [tilespmem:s1+$0x14110];
	_ =	sdelay $0x4  }
0xc4: {  	v2 =	vand.u32 $0xFFFF, v1;
	v1 =	vshrl.u32 v1, $0x10  }
0xc5: {  	[tilespmem:$0x19110] =	vst v2  }
0xc6: {  	[tilespmem:$0x19310] =	vst v1  }
0xc7: {  	v1 =	vld [tilespmem:s1+$0x14120];
	_ =	sdelay $0x4  }
0xc8: {  	v2 =	vand.u32 $0xFFFF, v1;
	v1 =	vshrl.u32 v1, $0x10  }
0xc9: {  	[tilespmem:$0x19120] =	vst v2  }
0xca: {  	[tilespmem:$0x19320] =	vst v1  }
0xcb: {  	v1 =	vld [tilespmem:s1+$0x14130];
	_ =	sdelay $0x4  }
0xcc: {  	v2 =	vand.u32 $0xFFFF, v1;
	v1 =	vshrl.u32 v1, $0x10  }
0xcd: {  	[tilespmem:$0x19130] =	vst v2  }
0xce: {  	[tilespmem:$0x19330] =	vst v1  }
0xcf: {  	[tilespmem:s26], [sflag:$0x3] =	stream.indirect.gather [hbm4b:s4+s21], $0x80, s25, s21, $0xb8;
	[tilespmem:$0x1F400] =	vst v63  }
0xd0: {  	_ =	swait.ge [sflag:s28], $0x2000  }
0xd1: {  	[sflag:s28] =	ssyncset.done $0x0  }
0xd2: {  	[sflag:s28] =	ssyncadd.s32 $0xFFFFE000  }
0xd3: {  	[spmem:s2] =	stream.indirect.scatter.add.f32 [tilespmem:s20], [sflag:$0x4], $0x80, s29, s21, $0xb8;
	[tilespmem:$0x1F400] =	vst v63  }
0xd4: {  	_ =	swait.ge [sflag:s30], $0x2000  }
0xd5: {  	p1 =	seq.s32 s24, $0x13800;
	[sflag:s30] =	ssyncset.done $0x0  }
0xd6: {  	s1 =	simm.s32 @p1 $0x2;
	[sflag:s30] =	ssyncadd.s32 $0xFFFFE000  }
0xd7: {  	_ =	swait.ge @p1 [sflag:s1], $0x2000  }
0xd8: {  	s6 =	simm.s32 @p1 $0x1B400;
	s23 =	simm.s32 @p1 $0x5;
	[sflag:s1] =	ssyncset.done @p1 $0x0  }
0xd9: {  	s7 =	simm.s32 @p1 $0x19280;
	[sflag:s1] =	ssyncadd.s32 @p1 $0xFFFFE000;
	s1 =	simm.s32 @p1 $0x40  }
0xda: {  	[spmem:s2] =	stream.indirect.scatter.add.f32 @p1 [tilespmem:s6], [sflag:$0x5], $0x80, s7, s1, $0xb8;
	[tilespmem:$0x1F400] =	vst v63  }
0xdb: {  	_ =	swait.ge @p1 [sflag:s23], $0x2000  }
0xdc: {  	[sflag:s23] =	ssyncset.done @p1 $0x0  }
0xdd: {  	[sflag:s23] =	ssyncadd.s32 @p1 $0xFFFFE000;
	s23 =	sshra.s32 @!p1 s24, $0x2  }
0xde: {  	v1 =	vld @!p1 [tilespmem:s23+$0x14180];
	_ =	sdelay $0x4  }
0xdf: {  	v2 =	vand.u32 @!p1 $0xFFFF, v1;
	v1 =	vshrl.u32 @!p1 v1, $0x10  }
0xe0: {  	[tilespmem:$0x19000] =	vst @!p1 v2  }
0xe1: {  	[tilespmem:$0x19200] =	vst @!p1 v1  }
0xe2: {  	v1 =	vld @!p1 [tilespmem:s23+$0x14190];
	_ =	sdelay $0x4  }
0xe3: {  	v2 =	vand.u32 @!p1 $0xFFFF, v1;
	v1 =	vshrl.u32 @!p1 v1, $0x10  }
0xe4: {  	[tilespmem:$0x19010] =	vst @!p1 v2  }
0xe5: {  	[tilespmem:$0x19210] =	vst @!p1 v1  }
0xe6: {  	v1 =	vld @!p1 [tilespmem:s23+$0x141A0];
	_ =	sdelay $0x4  }
0xe7: {  	v2 =	vand.u32 @!p1 $0xFFFF, v1;
	v1 =	vshrl.u32 @!p1 v1, $0x10  }
0xe8: {  	[tilespmem:$0x19020] =	vst @!p1 v2  }
0xe9: {  	[tilespmem:$0x19220] =	vst @!p1 v1  }
0xea: {  	v1 =	vld @!p1 [tilespmem:s23+$0x141B0];
	_ =	sdelay $0x4  }
0xeb: {  	v2 =	vand.u32 @!p1 $0xFFFF, v1;
	v1 =	vshrl.u32 @!p1 v1, $0x10  }
0xec: {  	s6 =	simm.s32 @!p1 $0x2;
	[tilespmem:$0x19030] =	vst @!p1 v2  }
0xed: {  	s1 =	simm.s32 @!p1 $0x40;
	s7 =	simm.s32 @!p1 $0x19000;
	s24 =	simm.s32 @!p1 $0x19400;
	[tilespmem:$0x19230] =	vst @!p1 v1  }
0xee: {  	[tilespmem:s24], [sflag:$0x1] =	stream.indirect.gather @!p1 [hbm4b:s4+s1], $0x80, s7, s1, $0xb8;
	[tilespmem:$0x1F400] =	vst v63  }
0xef: {  	_ =	swait.ge @!p1 [sflag:s6], $0x2000  }
0xf0: {  	s7 =	simm.s32 @!p1 $0x5;
	[sflag:s6] =	ssyncset.done @!p1 $0x0  }
0xf1: {  	s24 =	simm.s32 @!p1 $0x19280;
	[sflag:s6] =	ssyncadd.s32 @!p1 $0xFFFFE000;
	s6 =	simm.s32 @!p1 $0x1B400  }
0xf2: {  	[spmem:s2] =	stream.indirect.scatter.add.f32 @!p1 [tilespmem:s6], [sflag:$0x5], $0x80, s24, s1, $0xb8;
	[tilespmem:$0x1F400] =	vst v63  }
0xf3: {  	_ =	swait.ge @!p1 [sflag:s7], $0x2000  }
0xf4: {  	[sflag:s7] =	ssyncset.done @!p1 $0x0  }
0xf5: {  	[sflag:s7] =	ssyncadd.s32 @!p1 $0xFFFFE000  }
0xf6: {  	v1 =	vld @!p1 [tilespmem:s23+$0x14200];
	_ =	sdelay $0x4  }
0xf7: {  	v2 =	vand.u32 @!p1 $0xFFFF, v1;
	v1 =	vshrl.u32 @!p1 v1, $0x10  }
0xf8: {  	[tilespmem:$0x19080] =	vst @!p1 v2  }
0xf9: {  	[tilespmem:$0x19280] =	vst @!p1 v1  }
0xfa: {  	v1 =	vld @!p1 [tilespmem:s23+$0x14210];
	_ =	sdelay $0x4  }
0xfb: {  	v2 =	vand.u32 @!p1 $0xFFFF, v1;
	v1 =	vshrl.u32 @!p1 v1, $0x10  }
0xfc: {  	[tilespmem:$0x19090] =	vst @!p1 v2  }
0xfd: {  	[tilespmem:$0x19290] =	vst @!p1 v1  }
0xfe: {  	v1 =	vld @!p1 [tilespmem:s23+$0x14220];
	_ =	sdelay $0x1  }
.Ltmp1:
0xff: {  	(pc) =	sbr.rel @p0 .LBB2_4-.Ltmp1, $3  }
0x100: {  	_ =	sdelay $0x1  }
0x101: {  	v2 =	vand.u32 @!p1 $0xFFFF, v1;
	v1 =	vshrl.u32 @!p1 v1, $0x10  }
0x102: {  	[tilespmem:$0x190A0] =	vst @!p1 v2  }
0x103: {  	[tilespmem:$0x192A0] =	vst @!p1 v1  }
0x104: {  	v1 =	vld @!p1 [tilespmem:s23+$0x14230];
	_ =	sdelay $0x4  }
0x105: {  	v2 =	vand.u32 @!p1 $0xFFFF, v1  }
0x106: {  	v1 =	vshrl.u32 @!p1 v1, $0x10;
	[tilespmem:$0x190B0] =	vst @!p1 v2  }
0x107: {  	s7 =	simm.s32 @!p1 $0x19080;
	[tilespmem:$0x192B0] =	vst @!p1 v1  }
0x108: {  	[tilespmem:s6], [sflag:$0x2] =	stream.indirect.gather @!p1 [hbm4b:s4+s1], $0x80, s7, s1, $0xb8;
	[tilespmem:$0x1F400] =	vst v63  }
0x109: {  	_ =	swait.ge [sflag:s31], $0x2000  }
0x10a: {  	[sflag:s31] =	ssyncset.done $0x0  }
0x10b: {  	[sflag:s31] =	ssyncadd.s32 $0xFFFFE000  }
0x10c: {  	[spmem:s2] =	stream.indirect.scatter.add.f32 [tilespmem:s26], [sflag:$0x6], $0x80, s0, s21, $0xb8;
	[tilespmem:$0x1F400] =	vst v63  }
0x10d: {  	s24 =	sshrl.u32 s5, $0x3;
	_ =	swait.ge [sflag:s3], $0x2000  }
0x10e: {  	s18 =	sadd.s32 $0x1, s18;
	s23 =	stileid.u32;
	[sflag:s3] =	ssyncset.done $0x0  }
0x10f: {  	p0 =	sne.s32 s18, s16;
	s1 =	sshll.u32 s23, $0x6;
	[sflag:s3] =	ssyncadd.s32 $0xFFFFE000  }
.Ltmp2:
0x110: {  	s1 =	sor.u32 $0x1C07, s1;
	[bflag:$0x0] =	sbarrier.arrive $0xFFFF;
	(pc) =	sbr.rel @p0 .LBB2_1-.Ltmp2, $4  }
0x111: {  	[hbm:s17], [sflag:s1] =	dma.local [spmem:s24], $0x2800  }
0x112: {  	_ =	swait.ge [sflag:s19], $0x2800  }
0x113: {  	[sflag:s19] =	ssyncset.done $0x0  }
0x114: {  	[sflag:s19] =	ssyncadd.s32 $0xFFFFD800  }
0x115: {  	_ =	sfence.sel $0x180000  }
0x116: {  	[bflag:$0x0] =	sbarrier.arrive $0xFFFF  }
0x117: {  	_ =	strace $0x9000004D  }
0x118: {  	s0 =	stileid.u32;
	[bflag:$0x2] =	sbarrier.arrive $0xFFFF  }
0x119: {  	p0 =	sne.s32 s0, $0x0;
	s0 =	rddreg [dreg:$0x2]  }
0x11a: {  	s0 =	sadd.s32 @!p0 $0x100000, s0  }
0x11b: {  	[sflag:s0] =	ssyncadd.tile.s32 @!p0 $0x1;
	_ =	shalt  }
.Lfunc_end2:
_tile_overlayer_lowered:
.L_overlay_start_2:
0x11c: {  	(tag) =	ssettag $0x2  }
0x11d: {  	s0 =	rddreg [dreg:$0x0];
	s2 =	stileid.u32  }
0x11e: {  	s1 =	rddreg [dreg:$0x1];
	p0 =	sne.s32 s2, $0x0  }
0x11f: {  	s3 =	rddreg [dreg:$0x2];
	[bflag:$0x3] =	sbarrier.arrive $0xFFFF;
	s2 =	simm.s32 @!p0 $0x1C07  }
0x120: {  	[timem:s3], [sflag:s2] =	dma.local @!p0 [hbm:s0], s1  }
0x121: {  	s0 =	simm.s32 @!p0 $0x7  }
0x122: {  	_ =	swait.ge @!p0 [sflag:s0], s1  }
0x123: {  	s1 =	ssub.s32 @!p0 $0x0, s1;
	[sflag:s0] =	ssyncset.done @!p0 $0x0  }
0x124: {  	[sflag:s0] =	ssyncadd.s32 @!p0 s1  }
0x125: {  	[bflag:$0x3] =	sbarrier.arrive $0xFFFF  }
0x126: {  	_ =	shalt  }

// kernel: kernel.21.cloned.1.call-start
scs
__scs_entry_jumppad:
0x0: {  	(pc) =	sbr.rel $0x88, $3  }
0x1: {  	(tag) =	ssettag $0x0;
	lr =	simm.s32 $0x1  }
0x2: {  	[smem:$0x3F96] =	sst lr;
	_ =	strace $0xD0000000  }
0x3: {  	_ = 	snop  }
0x4: {  	_ = 	snop  }
0x5: {  	_ = 	snop  }
0x6: {  	_ = 	snop  }
0x7: {  	_ = 	snop  }
__scs_overlays_trampoline_lowered:
0x8: {  	[smem:$0x3FA5] =	sst s0  }
0x9: {  	[smem:$0x3FA6] =	sst s1  }
0xa: {  	[smem:$0x3FA7] =	sst s2  }
0xb: {  	[smem:$0x3FA8] =	sst s3  }
0xc: {  	[smem:$0x3FA9] =	sst s4  }
0xd: {  	[smem:$0x3FAA] =	sst s5  }
0xe: {  	[smem:$0x3FAB] =	sst s6  }
0xf: {  	[smem:$0x3FAC] =	sst s7  }
0x10: {  	[smem:$0x3FAD] =	sst s8  }
0x11: {  	[smem:$0x3FAE] =	sst s9;
	s0 =	simm.s32 @!p0 $0x0  }
0x12: {  	s1 =	sld [smem:$0x3F94];
	s0 =	simm.s32 @p0 $0x1  }
0x13: {  	[smem:$0x3FAF] =	sst s0;
	s0 =	simm.s32 @!p1 $0x0  }
0x14: {  	s2 =	sld [smem:$0x3F93];
	s0 =	simm.s32 @p1 $0x1  }
0x15: {  	[smem:$0x3FB0] =	sst s0;
	s0 =	simm.s32 @!p2 $0x0  }
0x16: {  	s3 =	sld [smem:$0x3FDB];
	s0 =	simm.s32 @p2 $0x1  }
0x17: {  	s4 =	simm.s32 $0x1BF5;
	[smem:$0x3FB2] =	sst s0  }
0x18: {  	s0 =	sld [smem:$0x3F95];
	_ =	swait.ge [sflag:s4], $0x0  }
0x19: {  	s7 =	sld [smem:$0x3F96]  }
0x1a: {  	s8 =	sadd.s32 $0xFFFFE003, lr  }
0x1b: {  	s9 =	sadd.s32 $0xFFFFFEF7, lr;
	s5 =	simm.s32 $0xFFFFFFFF;
	p2 =	slt.u32 s8, $0xFFFFF086  }
0x1c: {  	p1 =	slt.u32 s9, $0xF7A;
	s5 =	simm.s32 @!p2 $0x0  }
0x1d: {  	s5 =	simm.s32 @p1 $0x1;
	p0 =	seq.s32 s7, s2  }
0x1e: {  	s7 =	smul.u32 @!p0 $0xF7A, s2;
	p2 =	seq.s32 @!p0 s5, $0x0  }
0x1f: {  	s9 =	smul.u32 $0xF7A, s1;
	s8 =	simm.s32 @!p0 $0x1BF5;
	p2 =	por !p2, p0  }
0x20: {  	[sflag:s8] =	ssyncset.s32 @!p0 $0xFFFFF086;
	s6 =	sadd.s32 @!p0 s3, s7;
	s7 =	simm.s32 @!p0 $0x108  }
0x21: {  	s3 =	sadd.s32 s3, s9;
	s6 =	sadd.s32 @!p0 $0x88, s6;
	s7 =	simm.s32 @p2 $0x1082  }
0x22: {  	[simem:s7], [sflag:s8] =	dma.local @!p0 [hbm:s6], $0xF7A  }
0x23: {  	s9 =	sor.u32 $0xD0000000, s2;
	s6 =	simm.s32 $0x108;
	_ =	swait.ge @!p0 [sflag:s8], $0x0  }
0x24: {  	s3 =	sadd.s32 $0x88, s3;
	s6 =	simm.s32 @!p1 $0x1082;
	[sflag:s4] =	ssyncset.s32 $0xFFFFF086  }
0x25: {  	[simem:s6], [sflag:s4] =	dma.local [hbm:s3], $0xF7A  }
0x26: {  	[smem:$0x3F96] =	sst s1;
	(tag) =	ssettag s2;
	_ =	strace s9  }
0x27: {  	s1 =	sld [smem:$0x3FA6]  }
0x28: {  	s2 =	sld [smem:$0x3FA7]  }
0x29: {  	s4 =	sld [smem:$0x3FA9]  }
0x2a: {  	p0 =	seq.s32 s5, $0x0;
	s5 =	sld [smem:$0x3FAA]  }
0x2b: {  	s6 =	sld [smem:$0x3FAB]  }
0x2c: {  	s7 =	sld [smem:$0x3FAC]  }
0x2d: {  	s3 =	simm.s32 $0x108;
	s8 =	sld [smem:$0x3FAD]  }
0x2e: {  	s3 =	simm.s32 @!p0 $0x1082;
	s9 =	sld [smem:$0x3FAE]  }
0x2f: {  	lr =	sadd.s32 s0, s3;
	s0 =	sld [smem:$0x3FA5]  }
0x30: {  	s3 =	sld [smem:$0x3FA8]  }
0x31: {  	[smem:$0x3FB1] =	sst s10  }
0x32: {  	s10 =	sld [smem:$0x3FAF];
	_ =	sdelay $0x3  }
0x33: {  	p0 =	seq.s32 s10, $0x1;
	s10 =	sld [smem:$0x3FB1];
	_ =	sdelay $0x3  }
0x34: {  	[smem:$0x3FB1] =	sst s10  }
0x35: {  	s10 =	sld [smem:$0x3FB0];
	_ =	sdelay $0x3  }
0x36: {  	p1 =	seq.s32 s10, $0x1;
	s10 =	sld [smem:$0x3FB1];
	_ =	sdelay $0x3  }
0x37: {  	[smem:$0x3FB1] =	sst s10  }
0x38: {  	s10 =	sld [smem:$0x3FB2]  }
0x39: {  	_ = 	snop;
	(pc) =	sbr.ind lr, $3  }
0x3a: {  	_ = 	snop  }
0x3b: {  	_ = 	snop  }
0x3c: {  	p2 =	seq.s32 s10, $0x1;
	s10 =	sld [smem:$0x3FB1]  }
0x3d: {  	_ =	shalt  }
0x3e: {  	_ =	shalt  }
0x3f: {  	_ =	shalt  }
0x40: {  	_ =	shalt  }
0x41: {  	_ =	shalt  }
0x42: {  	_ =	shalt  }
0x43: {  	_ =	shalt  }
0x44: {  	_ =	shalt  }
0x45: {  	_ =	shalt  }
0x46: {  	_ =	shalt  }
0x47: {  	_ =	shalt  }
0x48: {  	_ =	shalt  }
0x49: {  	_ =	shalt  }
0x4a: {  	_ =	shalt  }
0x4b: {  	_ =	shalt  }
0x4c: {  	_ =	shalt  }
0x4d: {  	_ =	shalt  }
0x4e: {  	_ =	shalt  }
0x4f: {  	_ =	shalt  }
0x50: {  	_ =	shalt  }
0x51: {  	_ =	shalt  }
0x52: {  	_ =	shalt  }
0x53: {  	_ =	shalt  }
0x54: {  	_ =	shalt  }
0x55: {  	_ =	shalt  }
0x56: {  	_ =	shalt  }
0x57: {  	_ =	shalt  }
0x58: {  	_ =	shalt  }
0x59: {  	_ =	shalt  }
0x5a: {  	_ =	shalt  }
0x5b: {  	_ =	shalt  }
0x5c: {  	_ =	shalt  }
0x5d: {  	_ =	shalt  }
0x5e: {  	_ =	shalt  }
0x5f: {  	_ =	shalt  }
0x60: {  	_ =	shalt  }
0x61: {  	_ =	shalt  }
0x62: {  	_ =	shalt  }
0x63: {  	_ =	shalt  }
0x64: {  	_ =	shalt  }
0x65: {  	_ =	shalt  }
0x66: {  	_ =	shalt  }
0x67: {  	_ =	shalt  }
0x68: {  	_ =	shalt  }
0x69: {  	_ =	shalt  }
0x6a: {  	_ =	shalt  }
0x6b: {  	_ =	shalt  }
0x6c: {  	_ =	shalt  }
0x6d: {  	_ =	shalt  }
0x6e: {  	_ =	shalt  }
0x6f: {  	_ =	shalt  }
0x70: {  	_ =	shalt  }
0x71: {  	_ =	shalt  }
0x72: {  	_ =	shalt  }
0x73: {  	_ =	shalt  }
0x74: {  	_ =	shalt  }
0x75: {  	_ =	shalt  }
0x76: {  	_ =	shalt  }
0x77: {  	_ =	shalt  }
0x78: {  	_ =	shalt  }
0x79: {  	_ =	shalt  }
0x7a: {  	_ =	shalt  }
0x7b: {  	_ =	shalt  }
0x7c: {  	_ =	shalt  }
0x7d: {  	_ =	shalt  }
0x7e: {  	_ =	shalt  }
0x7f: {  	_ =	shalt  }
0x80: {  	_ =	shalt  }
0x81: {  	_ =	shalt  }
0x82: {  	_ =	shalt  }
0x83: {  	_ =	shalt  }
0x84: {  	_ =	shalt  }
0x85: {  	_ =	shalt  }
0x86: {  	_ =	shalt  }
0x87: {  	_ =	shalt  }
.Lfunc_end0:
.L_simem_size_0:
called_computation.3_lowered:
.L_overlay_start_0:
0x88: {  	s2 =	sld [smem:$0x3FD9]  }
0x89: {  	s3 =	sld [smem:$0x3FFE];
	_ =	sdelay $0x1  }
0x8a: {  	s1 =	srdreg.scid  }
0x8b: {  	s0 =	sand.u32 $0x1, s1  }
0x8c: {  	s16 =	sshll.u32 s0, $0xA;
	s2 =	sadd.s32 s3, s2  }
0x8d: {  	s2 =	sadd.s32 s2, s16  }
0x8e: {  	[smem:$0x3FBD] =	sst s2  }
0x8f: {  	_ = 	snop  }
0x90: {  	(tm) =	ssettm $0x1  }
0x91: {  	s17 =	sld [smem:$0x3FFB];
	_ =	sdelay $0x3  }
0x92: {  	_ =	strace s17  }
0x93: {  	s2 =	sld [smem:$0x3FFC];
	_ =	sdelay $0x3  }
0x94: {  	_ =	strace s2  }
0x95: {  	s2 =	sld [smem:$0x3FFD];
	_ =	sdelay $0x3  }
0x96: {  	_ =	strace s2  }
0x97: {  	_ =	strace $0x8FFFFFFF  }
0x98: {  	s18 =	sld [smem:$0x3FDB];
	_ =	sdelay $0x1  }
0x99: {  	s19 =	simm.s32 $_scs_section_size  }
0x9a: {  	s4 =	simm.s32 $_size__tile_overlayer_lowered;
	s5 =	simm.s32 $_tile_overlayer_lowered  }
0x9b: {  	s22 =	simm.s32 $0x1BFF;
	s21 =	sshll.u32 s5, $0x1;
	s2 =	sadd.s32 s19, s18  }
0x9c: {  	s6 =	simm.s32 $0x0;
	s20 =	sshll.u32 s4, $0x1;
	s4 =	sadd.s32 s21, s2  }
0x9d: {  	[timem:s6], [sflag:s22] =	dma.local [hbm:s4], s20  }
0x9e: {  	_ =	swait.ge [sflag:s22], s20  }
0x9f: {  	s3 =	ssub.s32 $0x0, s20;
	[sflag:s22] =	ssyncset.done $0x0  }
0xa0: {  	[sflag:s22] =	ssyncadd.s32 s3;
	_ =	sdelay $0x1  }
0xa1: {  	s23 =	simm.s32 $0x1B8B  }
0xa2: {  	_ =	swait.ge [sflag:s23], $0x1  }
0xa3: {  	[sflag:s23] =	ssyncset.done $0x0  }
0xa4: {  	s25 =	simm.s32 $0x1B8E;
	s24 =	sld [smem:$0x3FFE];
	[sflag:s23] =	ssyncadd.s32 $0xFFFFFFFF  }
0xa5: {  	s26 =	simm.s32 $execute0_lowered;
	[smem:$0x3FD2] =	sst s25  }
0xa6: {  	s4 =	sshll.u32 s26, $0x1;
	_ =	strace $0x8000004F;
	[dreg:$0x1] =	wrdreg $0xFFFFFFFF  }
0xa7: {  	s28 =	simm.s32 $_size_execute0_lowered;
	s2 =	sadd.s32 s2, s4;
	[dreg:$0x0] =	wrdreg $0x0  }
0xa8: {  	s4 =	sshll.u32 s28, $0x1;
	[dreg:$0x2] =	wrdreg s2  }
0xa9: {  	[dreg:$0x3] =	wrdreg s4  }
0xaa: {  	[dreg:$0x4] =	wrdreg $0xC0  }
0xab: {  	_ =	task [dreg:s6], $0x5FFFF  }
0xac: {  	[dreg:$0x1] =	wrdreg $0xFFFFFFFF  }
0xad: {  	[dreg:$0x0] =	wrdreg $0x60  }
0xae: {  	[dreg:$0x2] =	wrdreg s24  }
0xaf: {  	[dreg:$0x3] =	wrdreg $0x0  }
0xb0: {  	[dreg:$0x4] =	wrdreg $0x9  }
0xb1: {  	_ =	task.clear_ibuf [dreg:s6], $0x5FFFF;
	_ =	strace $0x9000004F  }
0xb2: {  	s29 =	simm.s32 $0x9;
	_ =	strace $0x80000051  }
0xb3: {  	_ =	swait.ge [sflag:s29], $0x1  }
0xb4: {  	[sflag:s29] =	ssyncadd.s32 $0xFFFFFFFF  }
0xb5: {  	_ =	strace $0x90000051  }
0xb6: {  	_ =	sfence  }
0xb7: {  	s30 =	sld [smem:$0x0];
	_ =	sdelay $0x2  }
0xb8: {  	s31 =	sshll.u32 s1, $0xD;
	s1 =	sshrl.u32 s1, $0x2  }
0xb9: {  	s3 =	sand.u32 $0x4000, s31;
	s1 =	sadd.s32 s1, s30  }
0xba: {  	s0 =	sor.u32 s3, s0;
	s1 =	sshll.u32 s1, $0x11  }
0xbb: {  	s0 =	sor.u32 s1, s0  }
0xbc: {  	s0 =	sadd.s32 $0x8F2B, s0  }
0xbd: {  	[sflag:s0] =	ssyncadd.remote.s32 $0x1  }
0xbe: {  	_ =	sfence.sel $0xFFFF  }
0xbf: {  	[dreg:$0x0] =	wrdreg $0xFFFFFFFF;
	(pc) =	sbr.abs _section_cstart, $3  }
0xc0: {  	[dreg:$0x1] =	wrdreg $0xFFFFFFFF  }
0xc1: {  	_ =	task.clear_ibuf [dreg:s6], $0x2FFFF;
	_ =	strace $0x9FFFFFFF  }
0xc2: {  	(tm) =	ssettm $0x7FFFFFFF  }
0xc3: {  	_ =	shalt  }
tec
execute0_lowered:
.L_overlay_start_1:
0x0: {  	(tag) =	ssettag $0x1  }
0x1: {  	s0 =	rddreg [dreg:$0x0]  }
0x2: {  	s2 =	rddreg [dreg:$0x1]  }
0x3: {  	s1 =	srdreg.scid;
	s14 =	stileid.u32;
	s4 =	simm.s32 $0x0  }
0x4: {  	s19 =	simm.s32 $0x7;
	s20 =	simm.s32 $0x19400;
	s21 =	simm.s32 $0x40  }
0x5: {  	s28 =	simm.s32 $0x1;
	s29 =	simm.s32 $0x19200;
	s30 =	simm.s32 $0x4  }
0x6: {  	s31 =	simm.s32 $0x3;
	s18 =	simm.s32 $0x0;
	s1 =	sand.u32 $0x1, s1  }
0x7: {  	s3 =	sshll.u32 s14, $0x1;
	[smem:$0x7FF] =	sst s4;
	s5 =	smul.u32 $0x50000, s14  }
0x8: {  	s4 =	sadd.s32 $0x42000, s0;
	s26 =	smul.u32 $0x2800, s14;
	s3 =	sor.u32 s1, s3  }
0x9: {  	_ =	strace $0x80000050;
	s6 =	ssub.s32 $0x2, s1;
	p0 =	seq.s32 s1, $0x1  }
0xa: {  	s1 =	simm.s32 $0x92000;
	s3 =	smul.u32 $0xA00, s3;
	s5 =	sshrl.u32 s5, $0x2  }
0xb: {  	s7 =	sshrl.u32 s6, $0x1;
	s1 =	simm.s32 @!p0 $0x6A000;
	s5 =	sadd.s32 s5, s2  }
0xc: {  	s6 =	ssub.s32 s6, s7;
	s3 =	sadd.s32 s3, s0;
	s25 =	sadd.s32 $0x2000, s5  }
0xd: {  	s8 =	sadd.s32 $0x4000, s5;
	s9 =	sadd.s32 $0x6000, s5;
	s10 =	sadd.s32 $0x8000, s5  }
0xe: {  	s11 =	sadd.s32 $0xA000, s5;
	s12 =	sadd.s32 $0xC000, s5;
	s13 =	sadd.s32 $0xE000, s5  }
0xf: {  	s14 =	sadd.s32 $0x10000, s5;
	s15 =	sadd.s32 $0x12000, s5;
	s0 =	sadd.s32 s1, s0  }
0x10: {  	s16 =	smax.u32 s6, $0x1;
	s3 =	sadd.s32 $0x6000, s3;
	[dreg:$0x4] =	wrdreg s25  }
0x11: {  	s17 =	sadd.s32 s0, s26;
	s25 =	simm.s32 $0x19100;
	s26 =	simm.s32 $0x1D400  }
0x12: {  	v0 =	vimm.f32 $0.0e+00;
	s0 =	simm.s32 $0x19300;
	[dreg:$0x3] =	wrdreg s3;
	s3 =	simm.s32 $0x6  }
.LBB2_1:
0x13: {  	s1 =	simm.s32 $0x0;
	s6 =	rddreg [dreg:$0x3];
	s7 =	simm.s32 $0x14000  }
0x14: {  	[tilespmem:s7], [sflag:$0x7] =	stream.linear.gather [hbm4b:s6+s1], $0x4F80, $0x38;
	[tilespmem:$0x1F400] =	vst v63  }
0x15: {  	_ =	swait.ge [sflag:s19], $0x4F80  }
0x16: {  	[sflag:s19] =	ssyncset.done $0x0  }
0x17: {  	s1 =	simm.s32 $0x0;
	s6 =	simm.s32 $0x200;
	[sflag:s19] =	ssyncadd.s32 $0xFFFFB080  }
.LBB2_2:
0x18: {  	p0 =	sne.s32 s6, $0x7E00;
	[tilespmem:s1+$0x19470] =	vst v0  }
0x19: {  	[tilespmem:s1+$0x19400] =	vst v0  }
0x1a: {  	[tilespmem:s1+$0x19410] =	vst v0  }
.Ltmp0:
0x1b: {  	[tilespmem:s1+$0x19420] =	vst v0;
	(pc) =	sbr.rel @p0 .LBB2_2-.Ltmp0, $4  }
0x1c: {  	[tilespmem:s1+$0x19430] =	vst v0  }
0x1d: {  	[tilespmem:s1+$0x19440] =	vst v0  }
0x1e: {  	[tilespmem:s1+$0x19450] =	vst v0  }
0x1f: {  	[tilespmem:s1+$0x19460] =	vst v0;
	s1 =	sshra.s32 s6, $0x2;
	s6 =	sadd.s32 $0x200, s6  }
0x20: {  	[tilespmem:s1+$0x19470] =	vst v0  }
0x21: {  	[tilespmem:s1+$0x19400] =	vst v0  }
0x22: {  	[tilespmem:s1+$0x19410] =	vst v0  }
0x23: {  	[tilespmem:s1+$0x19420] =	vst v0  }
0x24: {  	[tilespmem:s1+$0x19430] =	vst v0  }
0x25: {  	[tilespmem:s1+$0x19440] =	vst v0  }
0x26: {  	[tilespmem:s1+$0x19450] =	vst v0  }
0x27: {  	[tilespmem:s1+$0x19460] =	vst v0  }
0x28: {  	[spmem:s5] =	stream.linear.scatter [tilespmem:s20], [sflag:$0x7], $0x2000, $0x38;
	[tilespmem:$0x1F400] =	vst v63  }
0x29: {  	_ =	swait.ge [sflag:s19], $0x2000  }
0x2a: {  	[sflag:s19] =	ssyncset.done $0x0  }
0x2b: {  	s7 =	rddreg [dreg:$0x4];
	[sflag:s19] =	ssyncadd.s32 $0xFFFFE000  }
0x2c: {  	[spmem:s7] =	stream.linear.scatter [tilespmem:s20], [sflag:$0x7], $0x2000, $0x38;
	[tilespmem:$0x1F400] =	vst v63  }
0x2d: {  	_ =	swait.ge [sflag:s19], $0x2000  }
0x2e: {  	[sflag:s19] =	ssyncset.done $0x0  }
0x2f: {  	[sflag:s19] =	ssyncadd.s32 $0xFFFFE000  }
0x30: {  	[spmem:s8] =	stream.linear.scatter [tilespmem:s20], [sflag:$0x7], $0x2000, $0x38;
	[tilespmem:$0x1F400] =	vst v63  }
0x31: {  	_ =	swait.ge [sflag:s19], $0x2000  }
0x32: {  	[sflag:s19] =	ssyncset.done $0x0  }
0x33: {  	[sflag:s19] =	ssyncadd.s32 $0xFFFFE000  }
0x34: {  	[spmem:s9] =	stream.linear.scatter [tilespmem:s20], [sflag:$0x7], $0x2000, $0x38;
	[tilespmem:$0x1F400] =	vst v63  }
0x35: {  	_ =	swait.ge [sflag:s19], $0x2000  }
0x36: {  	[sflag:s19] =	ssyncset.done $0x0  }
0x37: {  	[sflag:s19] =	ssyncadd.s32 $0xFFFFE000  }
0x38: {  	[spmem:s10] =	stream.linear.scatter [tilespmem:s20], [sflag:$0x7], $0x2000, $0x38;
	[tilespmem:$0x1F400] =	vst v63  }
0x39: {  	_ =	swait.ge [sflag:s19], $0x2000  }
0x3a: {  	[sflag:s19] =	ssyncset.done $0x0  }
0x3b: {  	[sflag:s19] =	ssyncadd.s32 $0xFFFFE000  }
0x3c: {  	[spmem:s11] =	stream.linear.scatter [tilespmem:s20], [sflag:$0x7], $0x2000, $0x38;
	[tilespmem:$0x1F400] =	vst v63  }
0x3d: {  	_ =	swait.ge [sflag:s19], $0x2000  }
0x3e: {  	[sflag:s19] =	ssyncset.done $0x0  }
0x3f: {  	[sflag:s19] =	ssyncadd.s32 $0xFFFFE000  }
0x40: {  	[spmem:s12] =	stream.linear.scatter [tilespmem:s20], [sflag:$0x7], $0x2000, $0x38;
	[tilespmem:$0x1F400] =	vst v63  }
0x41: {  	_ =	swait.ge [sflag:s19], $0x2000  }
0x42: {  	[sflag:s19] =	ssyncset.done $0x0  }
0x43: {  	[sflag:s19] =	ssyncadd.s32 $0xFFFFE000  }
0x44: {  	[spmem:s13] =	stream.linear.scatter [tilespmem:s20], [sflag:$0x7], $0x2000, $0x38;
	[tilespmem:$0x1F400] =	vst v63  }
0x45: {  	_ =	swait.ge [sflag:s19], $0x2000  }
0x46: {  	[sflag:s19] =	ssyncset.done $0x0  }
0x47: {  	[sflag:s19] =	ssyncadd.s32 $0xFFFFE000  }
0x48: {  	[spmem:s14] =	stream.linear.scatter [tilespmem:s20], [sflag:$0x7], $0x2000, $0x38;
	[tilespmem:$0x1F400] =	vst v63  }
0x49: {  	_ =	swait.ge [sflag:s19], $0x2000  }
0x4a: {  	[sflag:s19] =	ssyncset.done $0x0  }
0x4b: {  	[sflag:s19] =	ssyncadd.s32 $0xFFFFE000  }
0x4c: {  	[spmem:s15] =	stream.linear.scatter [tilespmem:s20], [sflag:$0x7], $0x2000, $0x38;
	[tilespmem:$0x1F400] =	vst v63  }
0x4d: {  	_ =	swait.ge [sflag:s19], $0x2000  }
0x4e: {  	[sflag:s19] =	ssyncset.done $0x0  }
0x4f: {  	[sflag:s19] =	ssyncadd.s32 $0xFFFFE000  }
0x50: {  	v1 =	vld [tilespmem:$0x14000];
	_ =	sdelay $0x1  }
0x51: {  	v2 =	vld [tilespmem:$0x14010];
	_ =	sdelay $0x1  }
0x52: {  	v3 =	vld [tilespmem:$0x14020]  }
0x53: {  	v4 =	vand.u32 $0xFFFF, v1  }
0x54: {  	v61 =	vld [tilespmem:$0x14030];
	v1 =	vshrl.u32 v1, $0x10;
	[tilespmem:$0x19000] =	vst v4  }
0x55: {  	[tilespmem:$0x19200] =	vst v1;
	v1 =	vand.u32 $0xFFFF, v2  }
0x56: {  	[tilespmem:$0x19010] =	vst v1;
	v1 =	vshrl.u32 v2, $0x10  }
0x57: {  	[tilespmem:$0x19210] =	vst v1;
	v1 =	vand.u32 $0xFFFF, v3  }
0x58: {  	[tilespmem:$0x19020] =	vst v1;
	v1 =	vshrl.u32 v3, $0x10  }
0x59: {  	[tilespmem:$0x19220] =	vst v1;
	v1 =	vand.u32 $0xFFFF, v61  }
0x5a: {  	[tilespmem:$0x19030] =	vst v1;
	v1 =	vshrl.u32 v61, $0x10  }
0x5b: {  	s22 =	simm.s32 $0x19000;
	[tilespmem:$0x19230] =	vst v1  }
0x5c: {  	[tilespmem:s20], [sflag:$0x1] =	stream.indirect.gather [hbm4b:s4+s21], $0x80, s22, s21, $0xb8;
	[tilespmem:$0x1F400] =	vst v63  }
0x5d: {  	v1 =	vld [tilespmem:$0x14080];
	_ =	sdelay $0x1  }
0x5e: {  	v2 =	vld [tilespmem:$0x14090];
	_ =	sdelay $0x1  }
0x5f: {  	v3 =	vld [tilespmem:$0x140A0]  }
0x60: {  	v62 =	vand.u32 $0xFFFF, v1  }
0x61: {  	v63 =	vld [tilespmem:$0x140B0];
	v1 =	vshrl.u32 v1, $0x10;
	[tilespmem:$0x19080] =	vst v62  }
0x62: {  	[tilespmem:$0x19280] =	vst v1;
	v1 =	vand.u32 $0xFFFF, v2  }
0x63: {  	[tilespmem:$0x19090] =	vst v1;
	v1 =	vshrl.u32 v2, $0x10  }
0x64: {  	[tilespmem:$0x19290] =	vst v1;
	v1 =	vand.u32 $0xFFFF, v3  }
0x65: {  	[tilespmem:$0x190A0] =	vst v1;
	v1 =	vshrl.u32 v3, $0x10  }
0x66: {  	[tilespmem:$0x192A0] =	vst v1;
	v1 =	vand.u32 $0xFFFF, v63  }
0x67: {  	[tilespmem:$0x190B0] =	vst v1;
	v1 =	vshrl.u32 v63, $0x10  }
0x68: {  	s23 =	simm.s32 $0x19080;
	s6 =	simm.s32 $0x1B400;
	p0 =	por $0x1, $0x1;
	[tilespmem:$0x192B0] =	vst v1  }
0x69: {  	[tilespmem:s6], [sflag:$0x2] =	stream.indirect.gather [hbm4b:s4+s21], $0x80, s23, s21, $0xb8;
	[tilespmem:$0x1F400] =	vst v63  }
0x6a: {  	s1 =	simm.s32 @!p0 $0x6;
	[bflag:$0x0] =	sbarrier.arrive $0xFFFF  }
0x6b: {  	_ =	swait.ge @!p0 [sflag:s1], $0x2000  }
0x6c: {  	[sflag:s1] =	ssyncset.done @!p0 $0x0  }
0x6d: {  	s24 =	simm.s32 $0x0;
	[sflag:s1] =	ssyncadd.s32 @!p0 $0xFFFFE000  }
0x6e: {  	v1 =	vld [tilespmem:s24+$0x14100];
	_ =	sdelay $0x4  }
0x6f: {  	v2 =	vand.u32 $0xFFFF, v1  }
0x70: {  	v1 =	vshrl.u32 v1, $0x10;
	[tilespmem:$0x19100] =	vst v2  }
0x71: {  	[tilespmem:$0x19300] =	vst v1  }
0x72: {  	v1 =	vld [tilespmem:s24+$0x14110];
	_ =	sdelay $0x4  }
0x73: {  	v2 =	vand.u32 $0xFFFF, v1  }
0x74: {  	v1 =	vshrl.u32 v1, $0x10;
	[tilespmem:$0x19110] =	vst v2  }
0x75: {  	[tilespmem:$0x19310] =	vst v1  }
0x76: {  	v1 =	vld [tilespmem:s24+$0x14120];
	_ =	sdelay $0x4  }
0x77: {  	v2 =	vand.u32 $0xFFFF, v1  }
0x78: {  	v1 =	vshrl.u32 v1, $0x10;
	[tilespmem:$0x19120] =	vst v2  }
0x79: {  	[tilespmem:$0x19320] =	vst v1  }
0x7a: {  	v1 =	vld [tilespmem:s24+$0x14130];
	_ =	sdelay $0x4  }
0x7b: {  	v2 =	vand.u32 $0xFFFF, v1  }
0x7c: {  	v1 =	vshrl.u32 v1, $0x10;
	[tilespmem:$0x19130] =	vst v2  }
0x7d: {  	[tilespmem:$0x19330] =	vst v1  }
0x7e: {  	[tilespmem:s26], [sflag:$0x3] =	stream.indirect.gather [hbm4b:s4+s21], $0x80, s25, s21, $0xb8;
	[tilespmem:$0x1F400] =	vst v63  }
0x7f: {  	_ =	swait.ge [sflag:s28], $0x2000  }
0x80: {  	[sflag:s28] =	ssyncset.done $0x0  }
0x81: {  	[sflag:s28] =	ssyncadd.s32 $0xFFFFE000  }
0x82: {  	[spmem:s2] =	stream.indirect.scatter.add.f32 [tilespmem:s20], [sflag:$0x4], $0x80, s29, s21, $0xb8;
	[tilespmem:$0x1F400] =	vst v63  }
0x83: {  	_ =	swait.ge [sflag:s30], $0x2000  }
0x84: {  	p1 =	por $0x0, $0x0;
	[sflag:s30] =	ssyncset.done $0x0  }
0x85: {  	s1 =	simm.s32 @p1 $0x2;
	[sflag:s30] =	ssyncadd.s32 $0xFFFFE000  }
0x86: {  	_ =	swait.ge @p1 [sflag:s1], $0x2000  }
0x87: {  	s22 =	simm.s32 @p1 $0x5;
	s6 =	simm.s32 @p1 $0x1B400;
	[sflag:s1] =	ssyncset.done @p1 $0x0  }
0x88: {  	s23 =	simm.s32 @p1 $0x19280;
	[sflag:s1] =	ssyncadd.s32 @p1 $0xFFFFE000;
	s1 =	simm.s32 @p1 $0x40  }
0x89: {  	[spmem:s2] =	stream.indirect.scatter.add.f32 @p1 [tilespmem:s6], [sflag:$0x5], $0x80, s23, s1, $0xb8;
	[tilespmem:$0x1F400] =	vst v63  }
0x8a: {  	_ =	swait.ge @p1 [sflag:s22], $0x2000  }
0x8b: {  	[sflag:s22] =	ssyncset.done @p1 $0x0  }
0x8c: {  	s23 =	simm.s32 @!p1 $0x0;
	[sflag:s22] =	ssyncadd.s32 @p1 $0xFFFFE000  }
0x8d: {  	v1 =	vld @!p1 [tilespmem:s23+$0x14180];
	_ =	sdelay $0x4  }
0x8e: {  	v2 =	vand.u32 @!p1 $0xFFFF, v1  }
0x8f: {  	v1 =	vshrl.u32 @!p1 v1, $0x10;
	[tilespmem:$0x19000] =	vst @!p1 v2  }
0x90: {  	[tilespmem:$0x19200] =	vst @!p1 v1  }
0x91: {  	v1 =	vld @!p1 [tilespmem:s23+$0x14190];
	_ =	sdelay $0x4  }
0x92: {  	v2 =	vand.u32 @!p1 $0xFFFF, v1  }
0x93: {  	v1 =	vshrl.u32 @!p1 v1, $0x10;
	[tilespmem:$0x19010] =	vst @!p1 v2  }
0x94: {  	[tilespmem:$0x19210] =	vst @!p1 v1  }
0x95: {  	v1 =	vld @!p1 [tilespmem:s23+$0x141A0];
	_ =	sdelay $0x4  }
0x96: {  	v2 =	vand.u32 @!p1 $0xFFFF, v1  }
0x97: {  	v1 =	vshrl.u32 @!p1 v1, $0x10;
	[tilespmem:$0x19020] =	vst @!p1 v2  }
0x98: {  	[tilespmem:$0x19220] =	vst @!p1 v1  }
0x99: {  	v1 =	vld @!p1 [tilespmem:s23+$0x141B0];
	_ =	sdelay $0x4  }
0x9a: {  	v2 =	vand.u32 @!p1 $0xFFFF, v1  }
0x9b: {  	v1 =	vshrl.u32 @!p1 v1, $0x10;
	[tilespmem:$0x19030] =	vst @!p1 v2  }
0x9c: {  	s1 =	simm.s32 @!p1 $0x40;
	s6 =	simm.s32 @!p1 $0x19000;
	s22 =	simm.s32 @!p1 $0x19400;
	[tilespmem:$0x19230] =	vst @!p1 v1  }
0x9d: {  	[tilespmem:s22], [sflag:$0x1] =	stream.indirect.gather @!p1 [hbm4b:s4+s1], $0x80, s6, s1, $0xb8;
	[tilespmem:$0x1F400] =	vst v63  }
0x9e: {  	s6 =	simm.s32 @!p1 $0x2  }
0x9f: {  	_ =	swait.ge @!p1 [sflag:s6], $0x2000  }
0xa0: {  	[sflag:s6] =	ssyncset.done @!p1 $0x0  }
0xa1: {  	s22 =	simm.s32 @!p1 $0x19280;
	[sflag:s6] =	ssyncadd.s32 @!p1 $0xFFFFE000;
	s6 =	simm.s32 @!p1 $0x1B400  }
0xa2: {  	[spmem:s2] =	stream.indirect.scatter.add.f32 @!p1 [tilespmem:s6], [sflag:$0x5], $0x80, s22, s1, $0xb8;
	[tilespmem:$0x1F400] =	vst v63  }
0xa3: {  	s22 =	simm.s32 @!p1 $0x5  }
0xa4: {  	_ =	swait.ge @!p1 [sflag:s22], $0x2000  }
0xa5: {  	[sflag:s22] =	ssyncset.done @!p1 $0x0  }
0xa6: {  	[sflag:s22] =	ssyncadd.s32 @!p1 $0xFFFFE000  }
0xa7: {  	v1 =	vld @!p1 [tilespmem:s23+$0x14200];
	_ =	sdelay $0x4  }
0xa8: {  	v2 =	vand.u32 @!p1 $0xFFFF, v1  }
0xa9: {  	v1 =	vshrl.u32 @!p1 v1, $0x10;
	[tilespmem:$0x19080] =	vst @!p1 v2  }
0xaa: {  	[tilespmem:$0x19280] =	vst @!p1 v1  }
0xab: {  	v1 =	vld @!p1 [tilespmem:s23+$0x14210];
	_ =	sdelay $0x4  }
0xac: {  	v2 =	vand.u32 @!p1 $0xFFFF, v1  }
0xad: {  	v1 =	vshrl.u32 @!p1 v1, $0x10;
	[tilespmem:$0x19090] =	vst @!p1 v2  }
0xae: {  	[tilespmem:$0x19290] =	vst @!p1 v1  }
0xaf: {  	v1 =	vld @!p1 [tilespmem:s23+$0x14220];
	_ =	sdelay $0x4  }
0xb0: {  	v2 =	vand.u32 @!p1 $0xFFFF, v1  }
0xb1: {  	s22 =	simm.s32 $0x600;
	v1 =	vshrl.u32 @!p1 v1, $0x10;
	[tilespmem:$0x190A0] =	vst @!p1 v2  }
.LBB2_4:
0xb2: {  	[tilespmem:$0x192A0] =	vst @!p1 v1;
	s24 =	smov.u32 s22;
	s22 =	sadd.s32 $0x600, s22  }
0xb3: {  	p0 =	sne.s32 s22, $0x13E00;
	v1 =	vld @!p1 [tilespmem:s23+$0x14230];
	_ =	sdelay $0x4  }
0xb4: {  	v2 =	vand.u32 @!p1 $0xFFFF, v1;
	v1 =	vshrl.u32 @!p1 v1, $0x10  }
0xb5: {  	[tilespmem:$0x190B0] =	vst @!p1 v2  }
0xb6: {  	s23 =	simm.s32 @!p1 $0x19080;
	[tilespmem:$0x192B0] =	vst @!p1 v1  }
0xb7: {  	[tilespmem:s6], [sflag:$0x2] =	stream.indirect.gather @!p1 [hbm4b:s4+s1], $0x80, s23, s1, $0xb8;
	[tilespmem:$0x1F400] =	vst v63  }
0xb8: {  	_ =	swait.ge [sflag:s31], $0x2000  }
0xb9: {  	p1 =	seq.s32 s24, $0x0;
	[sflag:s31] =	ssyncset.done $0x0  }
0xba: {  	s1 =	simm.s32 @!p1 $0x6;
	[sflag:s31] =	ssyncadd.s32 $0xFFFFE000  }
0xbb: {  	[spmem:s2] =	stream.indirect.scatter.add.f32 [tilespmem:s26], [sflag:$0x6], $0x80, s0, s21, $0xb8;
	[tilespmem:$0x1F400] =	vst v63  }
0xbc: {  	_ =	swait.ge @!p1 [sflag:s1], $0x2000  }
0xbd: {  	[sflag:s1] =	ssyncset.done @!p1 $0x0  }
0xbe: {  	[sflag:s1] =	ssyncadd.s32 @!p1 $0xFFFFE000;
	s1 =	sshra.s32 s24, $0x2  }
0xbf: {  	v1 =	vld [tilespmem:s1+$0x14100];
	_ =	sdelay $0x4  }
0xc0: {  	v2 =	vand.u32 $0xFFFF, v1;
	v1 =	vshrl.u32 v1, $0x10  }
0xc1: {  	[tilespmem:$0x19100] =	vst v2  }
0xc2: {  	[tilespmem:$0x19300] =	vst v1  }
0xc3: {  	v1 =	vld [tilespmem:s1+$0x14110];
	_ =	sdelay $0x4  }
0xc4: {  	v2 =	vand.u32 $0xFFFF, v1;
	v1 =	vshrl.u32 v1, $0x10  }
0xc5: {  	[tilespmem:$0x19110] =	vst v2  }
0xc6: {  	[tilespmem:$0x19310] =	vst v1  }
0xc7: {  	v1 =	vld [tilespmem:s1+$0x14120];
	_ =	sdelay $0x4  }
0xc8: {  	v2 =	vand.u32 $0xFFFF, v1;
	v1 =	vshrl.u32 v1, $0x10  }
0xc9: {  	[tilespmem:$0x19120] =	vst v2  }
0xca: {  	[tilespmem:$0x19320] =	vst v1  }
0xcb: {  	v1 =	vld [tilespmem:s1+$0x14130];
	_ =	sdelay $0x4  }
0xcc: {  	v2 =	vand.u32 $0xFFFF, v1;
	v1 =	vshrl.u32 v1, $0x10  }
0xcd: {  	[tilespmem:$0x19130] =	vst v2  }
0xce: {  	[tilespmem:$0x19330] =	vst v1  }
0xcf: {  	[tilespmem:s26], [sflag:$0x3] =	stream.indirect.gather [hbm4b:s4+s21], $0x80, s25, s21, $0xb8;
	[tilespmem:$0x1F400] =	vst v63  }
0xd0: {  	_ =	swait.ge [sflag:s28], $0x2000  }
0xd1: {  	[sflag:s28] =	ssyncset.done $0x0  }
0xd2: {  	[sflag:s28] =	ssyncadd.s32 $0xFFFFE000  }
0xd3: {  	[spmem:s2] =	stream.indirect.scatter.add.f32 [tilespmem:s20], [sflag:$0x4], $0x80, s29, s21, $0xb8;
	[tilespmem:$0x1F400] =	vst v63  }
0xd4: {  	_ =	swait.ge [sflag:s30], $0x2000  }
0xd5: {  	p1 =	seq.s32 s24, $0x13800;
	[sflag:s30] =	ssyncset.done $0x0  }
0xd6: {  	s1 =	simm.s32 @p1 $0x2;
	[sflag:s30] =	ssyncadd.s32 $0xFFFFE000  }
0xd7: {  	_ =	swait.ge @p1 [sflag:s1], $0x2000  }
0xd8: {  	s6 =	simm.s32 @p1 $0x1B400;
	s23 =	simm.s32 @p1 $0x5;
	[sflag:s1] =	ssyncset.done @p1 $0x0  }
0xd9: {  	s7 =	simm.s32 @p1 $0x19280;
	[sflag:s1] =	ssyncadd.s32 @p1 $0xFFFFE000;
	s1 =	simm.s32 @p1 $0x40  }
0xda: {  	[spmem:s2] =	stream.indirect.scatter.add.f32 @p1 [tilespmem:s6], [sflag:$0x5], $0x80, s7, s1, $0xb8;
	[tilespmem:$0x1F400] =	vst v63  }
0xdb: {  	_ =	swait.ge @p1 [sflag:s23], $0x2000  }
0xdc: {  	[sflag:s23] =	ssyncset.done @p1 $0x0  }
0xdd: {  	[sflag:s23] =	ssyncadd.s32 @p1 $0xFFFFE000;
	s23 =	sshra.s32 @!p1 s24, $0x2  }
0xde: {  	v1 =	vld @!p1 [tilespmem:s23+$0x14180];
	_ =	sdelay $0x4  }
0xdf: {  	v2 =	vand.u32 @!p1 $0xFFFF, v1;
	v1 =	vshrl.u32 @!p1 v1, $0x10  }
0xe0: {  	[tilespmem:$0x19000] =	vst @!p1 v2  }
0xe1: {  	[tilespmem:$0x19200] =	vst @!p1 v1  }
0xe2: {  	v1 =	vld @!p1 [tilespmem:s23+$0x14190];
	_ =	sdelay $0x4  }
0xe3: {  	v2 =	vand.u32 @!p1 $0xFFFF, v1;
	v1 =	vshrl.u32 @!p1 v1, $0x10  }
0xe4: {  	[tilespmem:$0x19010] =	vst @!p1 v2  }
0xe5: {  	[tilespmem:$0x19210] =	vst @!p1 v1  }
0xe6: {  	v1 =	vld @!p1 [tilespmem:s23+$0x141A0];
	_ =	sdelay $0x4  }
0xe7: {  	v2 =	vand.u32 @!p1 $0xFFFF, v1;
	v1 =	vshrl.u32 @!p1 v1, $0x10  }
0xe8: {  	[tilespmem:$0x19020] =	vst @!p1 v2  }
0xe9: {  	[tilespmem:$0x19220] =	vst @!p1 v1  }
0xea: {  	v1 =	vld @!p1 [tilespmem:s23+$0x141B0];
	_ =	sdelay $0x4  }
0xeb: {  	v2 =	vand.u32 @!p1 $0xFFFF, v1;
	v1 =	vshrl.u32 @!p1 v1, $0x10  }
0xec: {  	s6 =	simm.s32 @!p1 $0x2;
	[tilespmem:$0x19030] =	vst @!p1 v2  }
0xed: {  	s1 =	simm.s32 @!p1 $0x40;
	s7 =	simm.s32 @!p1 $0x19000;
	s24 =	simm.s32 @!p1 $0x19400;
	[tilespmem:$0x19230] =	vst @!p1 v1  }
0xee: {  	[tilespmem:s24], [sflag:$0x1] =	stream.indirect.gather @!p1 [hbm4b:s4+s1], $0x80, s7, s1, $0xb8;
	[tilespmem:$0x1F400] =	vst v63  }
0xef: {  	_ =	swait.ge @!p1 [sflag:s6], $0x2000  }
0xf0: {  	s7 =	simm.s32 @!p1 $0x5;
	[sflag:s6] =	ssyncset.done @!p1 $0x0  }
0xf1: {  	s24 =	simm.s32 @!p1 $0x19280;
	[sflag:s6] =	ssyncadd.s32 @!p1 $0xFFFFE000;
	s6 =	simm.s32 @!p1 $0x1B400  }
0xf2: {  	[spmem:s2] =	stream.indirect.scatter.add.f32 @!p1 [tilespmem:s6], [sflag:$0x5], $0x80, s24, s1, $0xb8;
	[tilespmem:$0x1F400] =	vst v63  }
0xf3: {  	_ =	swait.ge @!p1 [sflag:s7], $0x2000  }
0xf4: {  	[sflag:s7] =	ssyncset.done @!p1 $0x0  }
0xf5: {  	[sflag:s7] =	ssyncadd.s32 @!p1 $0xFFFFE000  }
0xf6: {  	v1 =	vld @!p1 [tilespmem:s23+$0x14200];
	_ =	sdelay $0x4  }
0xf7: {  	v2 =	vand.u32 @!p1 $0xFFFF, v1;
	v1 =	vshrl.u32 @!p1 v1, $0x10  }
0xf8: {  	[tilespmem:$0x19080] =	vst @!p1 v2  }
0xf9: {  	[tilespmem:$0x19280] =	vst @!p1 v1  }
0xfa: {  	v1 =	vld @!p1 [tilespmem:s23+$0x14210];
	_ =	sdelay $0x4  }
0xfb: {  	v2 =	vand.u32 @!p1 $0xFFFF, v1;
	v1 =	vshrl.u32 @!p1 v1, $0x10  }
0xfc: {  	[tilespmem:$0x19090] =	vst @!p1 v2  }
0xfd: {  	[tilespmem:$0x19290] =	vst @!p1 v1  }
0xfe: {  	v1 =	vld @!p1 [tilespmem:s23+$0x14220];
	_ =	sdelay $0x1  }
.Ltmp1:
0xff: {  	(pc) =	sbr.rel @p0 .LBB2_4-.Ltmp1, $3  }
0x100: {  	_ =	sdelay $0x1  }
0x101: {  	v2 =	vand.u32 @!p1 $0xFFFF, v1;
	v1 =	vshrl.u32 @!p1 v1, $0x10  }
0x102: {  	[tilespmem:$0x190A0] =	vst @!p1 v2  }
0x103: {  	[tilespmem:$0x192A0] =	vst @!p1 v1  }
0x104: {  	v1 =	vld @!p1 [tilespmem:s23+$0x14230];
	_ =	sdelay $0x4  }
0x105: {  	v2 =	vand.u32 @!p1 $0xFFFF, v1  }
0x106: {  	v1 =	vshrl.u32 @!p1 v1, $0x10;
	[tilespmem:$0x190B0] =	vst @!p1 v2  }
0x107: {  	s7 =	simm.s32 @!p1 $0x19080;
	[tilespmem:$0x192B0] =	vst @!p1 v1  }
0x108: {  	[tilespmem:s6], [sflag:$0x2] =	stream.indirect.gather @!p1 [hbm4b:s4+s1], $0x80, s7, s1, $0xb8;
	[tilespmem:$0x1F400] =	vst v63  }
0x109: {  	_ =	swait.ge [sflag:s31], $0x2000  }
0x10a: {  	[sflag:s31] =	ssyncset.done $0x0  }
0x10b: {  	[sflag:s31] =	ssyncadd.s32 $0xFFFFE000  }
0x10c: {  	[spmem:s2] =	stream.indirect.scatter.add.f32 [tilespmem:s26], [sflag:$0x6], $0x80, s0, s21, $0xb8;
	[tilespmem:$0x1F400] =	vst v63  }
0x10d: {  	s24 =	sshrl.u32 s5, $0x3;
	_ =	swait.ge [sflag:s3], $0x2000  }
0x10e: {  	s18 =	sadd.s32 $0x1, s18;
	s23 =	stileid.u32;
	[sflag:s3] =	ssyncset.done $0x0  }
0x10f: {  	p0 =	sne.s32 s18, s16;
	s1 =	sshll.u32 s23, $0x6;
	[sflag:s3] =	ssyncadd.s32 $0xFFFFE000  }
.Ltmp2:
0x110: {  	s1 =	sor.u32 $0x1C07, s1;
	[bflag:$0x0] =	sbarrier.arrive $0xFFFF;
	(pc) =	sbr.rel @p0 .LBB2_1-.Ltmp2, $4  }
0x111: {  	[hbm:s17], [sflag:s1] =	dma.local [spmem:s24], $0x2800  }
0x112: {  	_ =	swait.ge [sflag:s19], $0x2800  }
0x113: {  	[sflag:s19] =	ssyncset.done $0x0  }
0x114: {  	[sflag:s19] =	ssyncadd.s32 $0xFFFFD800  }
0x115: {  	_ =	sfence.sel $0x180000  }
0x116: {  	[bflag:$0x0] =	sbarrier.arrive $0xFFFF  }
0x117: {  	_ =	strace $0x90000050  }
0x118: {  	s0 =	stileid.u32;
	[bflag:$0x2] =	sbarrier.arrive $0xFFFF  }
0x119: {  	p0 =	sne.s32 s0, $0x0;
	s0 =	rddreg [dreg:$0x2]  }
0x11a: {  	s0 =	sadd.s32 @!p0 $0x100000, s0  }
0x11b: {  	[sflag:s0] =	ssyncadd.tile.s32 @!p0 $0x1;
	_ =	shalt  }
.Lfunc_end2:
_tile_overlayer_lowered:
.L_overlay_start_2:
0x11c: {  	(tag) =	ssettag $0x2  }
0x11d: {  	s0 =	rddreg [dreg:$0x0];
	s2 =	stileid.u32  }
0x11e: {  	s1 =	rddreg [dreg:$0x1];
	p0 =	sne.s32 s2, $0x0  }
0x11f: {  	s3 =	rddreg [dreg:$0x2];
	[bflag:$0x3] =	sbarrier.arrive $0xFFFF;
	s2 =	simm.s32 @!p0 $0x1C07  }
0x120: {  	[timem:s3], [sflag:s2] =	dma.local @!p0 [hbm:s0], s1  }
0x121: {  	s0 =	simm.s32 @!p0 $0x7  }
0x122: {  	_ =	swait.ge @!p0 [sflag:s0], s1  }
0x123: {  	s1 =	ssub.s32 @!p0 $0x0, s1;
	[sflag:s0] =	ssyncset.done @!p0 $0x0  }
0x124: {  	[sflag:s0] =	ssyncadd.s32 @!p0 s1  }
0x125: {  	[bflag:$0x3] =	sbarrier.arrive $0xFFFF  }
0x126: {  	_ =	shalt  }

// kernel: kernel.24.cloned.1.call-start
scs
__scs_entry_jumppad:
0x0: {  	(pc) =	sbr.rel $0x88, $3  }
0x1: {  	(tag) =	ssettag $0x0;
	lr =	simm.s32 $0x1  }
0x2: {  	[smem:$0x3F96] =	sst lr;
	_ =	strace $0xD0000000  }
0x3: {  	_ = 	snop  }
0x4: {  	_ = 	snop  }
0x5: {  	_ = 	snop  }
0x6: {  	_ = 	snop  }
0x7: {  	_ = 	snop  }
__scs_overlays_trampoline_lowered:
0x8: {  	[smem:$0x3FA5] =	sst s0  }
0x9: {  	[smem:$0x3FA6] =	sst s1  }
0xa: {  	[smem:$0x3FA7] =	sst s2  }
0xb: {  	[smem:$0x3FA8] =	sst s3  }
0xc: {  	[smem:$0x3FA9] =	sst s4  }
0xd: {  	[smem:$0x3FAA] =	sst s5  }
0xe: {  	[smem:$0x3FAB] =	sst s6  }
0xf: {  	[smem:$0x3FAC] =	sst s7  }
0x10: {  	[smem:$0x3FAD] =	sst s8  }
0x11: {  	[smem:$0x3FAE] =	sst s9;
	s0 =	simm.s32 @!p0 $0x0  }
0x12: {  	s1 =	sld [smem:$0x3F94];
	s0 =	simm.s32 @p0 $0x1  }
0x13: {  	[smem:$0x3FAF] =	sst s0;
	s0 =	simm.s32 @!p1 $0x0  }
0x14: {  	s2 =	sld [smem:$0x3F93];
	s0 =	simm.s32 @p1 $0x1  }
0x15: {  	[smem:$0x3FB0] =	sst s0;
	s0 =	simm.s32 @!p2 $0x0  }
0x16: {  	s3 =	sld [smem:$0x3FDB];
	s0 =	simm.s32 @p2 $0x1  }
0x17: {  	s4 =	simm.s32 $0x1BF5;
	[smem:$0x3FB2] =	sst s0  }
0x18: {  	s0 =	sld [smem:$0x3F95];
	_ =	swait.ge [sflag:s4], $0x0  }
0x19: {  	s7 =	sld [smem:$0x3F96]  }
0x1a: {  	s8 =	sadd.s32 $0xFFFFE003, lr  }
0x1b: {  	s9 =	sadd.s32 $0xFFFFFEF7, lr;
	s5 =	simm.s32 $0xFFFFFFFF;
	p2 =	slt.u32 s8, $0xFFFFF086  }
0x1c: {  	p1 =	slt.u32 s9, $0xF7A;
	s5 =	simm.s32 @!p2 $0x0  }
0x1d: {  	s5 =	simm.s32 @p1 $0x1;
	p0 =	seq.s32 s7, s2  }
0x1e: {  	s7 =	smul.u32 @!p0 $0xF7A, s2;
	p2 =	seq.s32 @!p0 s5, $0x0  }
0x1f: {  	s9 =	smul.u32 $0xF7A, s1;
	s8 =	simm.s32 @!p0 $0x1BF5;
	p2 =	por !p2, p0  }
0x20: {  	[sflag:s8] =	ssyncset.s32 @!p0 $0xFFFFF086;
	s6 =	sadd.s32 @!p0 s3, s7;
	s7 =	simm.s32 @!p0 $0x108  }
0x21: {  	s3 =	sadd.s32 s3, s9;
	s6 =	sadd.s32 @!p0 $0x88, s6;
	s7 =	simm.s32 @p2 $0x1082  }
0x22: {  	[simem:s7], [sflag:s8] =	dma.local @!p0 [hbm:s6], $0xF7A  }
0x23: {  	s9 =	sor.u32 $0xD0000000, s2;
	s6 =	simm.s32 $0x108;
	_ =	swait.ge @!p0 [sflag:s8], $0x0  }
0x24: {  	s3 =	sadd.s32 $0x88, s3;
	s6 =	simm.s32 @!p1 $0x1082;
	[sflag:s4] =	ssyncset.s32 $0xFFFFF086  }
0x25: {  	[simem:s6], [sflag:s4] =	dma.local [hbm:s3], $0xF7A  }
0x26: {  	[smem:$0x3F96] =	sst s1;
	(tag) =	ssettag s2;
	_ =	strace s9  }
0x27: {  	s1 =	sld [smem:$0x3FA6]  }
0x28: {  	s2 =	sld [smem:$0x3FA7]  }
0x29: {  	s4 =	sld [smem:$0x3FA9]  }
0x2a: {  	p0 =	seq.s32 s5, $0x0;
	s5 =	sld [smem:$0x3FAA]  }
0x2b: {  	s6 =	sld [smem:$0x3FAB]  }
0x2c: {  	s7 =	sld [smem:$0x3FAC]  }
0x2d: {  	s3 =	simm.s32 $0x108;
	s8 =	sld [smem:$0x3FAD]  }
0x2e: {  	s3 =	simm.s32 @!p0 $0x1082;
	s9 =	sld [smem:$0x3FAE]  }
0x2f: {  	lr =	sadd.s32 s0, s3;
	s0 =	sld [smem:$0x3FA5]  }
0x30: {  	s3 =	sld [smem:$0x3FA8]  }
0x31: {  	[smem:$0x3FB1] =	sst s10  }
0x32: {  	s10 =	sld [smem:$0x3FAF];
	_ =	sdelay $0x3  }
0x33: {  	p0 =	seq.s32 s10, $0x1;
	s10 =	sld [smem:$0x3FB1];
	_ =	sdelay $0x3  }
0x34: {  	[smem:$0x3FB1] =	sst s10  }
0x35: {  	s10 =	sld [smem:$0x3FB0];
	_ =	sdelay $0x3  }
0x36: {  	p1 =	seq.s32 s10, $0x1;
	s10 =	sld [smem:$0x3FB1];
	_ =	sdelay $0x3  }
0x37: {  	[smem:$0x3FB1] =	sst s10  }
0x38: {  	s10 =	sld [smem:$0x3FB2]  }
0x39: {  	_ = 	snop;
	(pc) =	sbr.ind lr, $3  }
0x3a: {  	_ = 	snop  }
0x3b: {  	_ = 	snop  }
0x3c: {  	p2 =	seq.s32 s10, $0x1;
	s10 =	sld [smem:$0x3FB1]  }
0x3d: {  	_ =	shalt  }
0x3e: {  	_ =	shalt  }
0x3f: {  	_ =	shalt  }
0x40: {  	_ =	shalt  }
0x41: {  	_ =	shalt  }
0x42: {  	_ =	shalt  }
0x43: {  	_ =	shalt  }
0x44: {  	_ =	shalt  }
0x45: {  	_ =	shalt  }
0x46: {  	_ =	shalt  }
0x47: {  	_ =	shalt  }
0x48: {  	_ =	shalt  }
0x49: {  	_ =	shalt  }
0x4a: {  	_ =	shalt  }
0x4b: {  	_ =	shalt  }
0x4c: {  	_ =	shalt  }
0x4d: {  	_ =	shalt  }
0x4e: {  	_ =	shalt  }
0x4f: {  	_ =	shalt  }
0x50: {  	_ =	shalt  }
0x51: {  	_ =	shalt  }
0x52: {  	_ =	shalt  }
0x53: {  	_ =	shalt  }
0x54: {  	_ =	shalt  }
0x55: {  	_ =	shalt  }
0x56: {  	_ =	shalt  }
0x57: {  	_ =	shalt  }
0x58: {  	_ =	shalt  }
0x59: {  	_ =	shalt  }
0x5a: {  	_ =	shalt  }
0x5b: {  	_ =	shalt  }
0x5c: {  	_ =	shalt  }
0x5d: {  	_ =	shalt  }
0x5e: {  	_ =	shalt  }
0x5f: {  	_ =	shalt  }
0x60: {  	_ =	shalt  }
0x61: {  	_ =	shalt  }
0x62: {  	_ =	shalt  }
0x63: {  	_ =	shalt  }
0x64: {  	_ =	shalt  }
0x65: {  	_ =	shalt  }
0x66: {  	_ =	shalt  }
0x67: {  	_ =	shalt  }
0x68: {  	_ =	shalt  }
0x69: {  	_ =	shalt  }
0x6a: {  	_ =	shalt  }
0x6b: {  	_ =	shalt  }
0x6c: {  	_ =	shalt  }
0x6d: {  	_ =	shalt  }
0x6e: {  	_ =	shalt  }
0x6f: {  	_ =	shalt  }
0x70: {  	_ =	shalt  }
0x71: {  	_ =	shalt  }
0x72: {  	_ =	shalt  }
0x73: {  	_ =	shalt  }
0x74: {  	_ =	shalt  }
0x75: {  	_ =	shalt  }
0x76: {  	_ =	shalt  }
0x77: {  	_ =	shalt  }
0x78: {  	_ =	shalt  }
0x79: {  	_ =	shalt  }
0x7a: {  	_ =	shalt  }
0x7b: {  	_ =	shalt  }
0x7c: {  	_ =	shalt  }
0x7d: {  	_ =	shalt  }
0x7e: {  	_ =	shalt  }
0x7f: {  	_ =	shalt  }
0x80: {  	_ =	shalt  }
0x81: {  	_ =	shalt  }
0x82: {  	_ =	shalt  }
0x83: {  	_ =	shalt  }
0x84: {  	_ =	shalt  }
0x85: {  	_ =	shalt  }
0x86: {  	_ =	shalt  }
0x87: {  	_ =	shalt  }
.Lfunc_end0:
.L_simem_size_0:
called_computation.4_lowered:
.L_overlay_start_0:
0x88: {  	s2 =	sld [smem:$0x3FD9]  }
0x89: {  	s3 =	sld [smem:$0x3FFE];
	_ =	sdelay $0x1  }
0x8a: {  	s1 =	srdreg.scid  }
0x8b: {  	s0 =	sand.u32 $0x1, s1  }
0x8c: {  	s16 =	sshll.u32 s0, $0xA;
	s2 =	sadd.s32 s3, s2  }
0x8d: {  	s2 =	sadd.s32 s2, s16  }
0x8e: {  	[smem:$0x3FBD] =	sst s2  }
0x8f: {  	_ = 	snop  }
0x90: {  	(tm) =	ssettm $0x1  }
0x91: {  	s17 =	sld [smem:$0x3FFB];
	_ =	sdelay $0x3  }
0x92: {  	_ =	strace s17  }
0x93: {  	s2 =	sld [smem:$0x3FFC];
	_ =	sdelay $0x3  }
0x94: {  	_ =	strace s2  }
0x95: {  	s2 =	sld [smem:$0x3FFD];
	_ =	sdelay $0x3  }
0x96: {  	_ =	strace s2  }
0x97: {  	_ =	strace $0x8FFFFFFF  }
0x98: {  	s18 =	sld [smem:$0x3FDB];
	_ =	sdelay $0x1  }
0x99: {  	s19 =	simm.s32 $_scs_section_size  }
0x9a: {  	s4 =	simm.s32 $_size__tile_overlayer_lowered;
	s5 =	simm.s32 $_tile_overlayer_lowered  }
0x9b: {  	s22 =	simm.s32 $0x1BFF;
	s21 =	sshll.u32 s5, $0x1;
	s2 =	sadd.s32 s19, s18  }
0x9c: {  	s6 =	simm.s32 $0x0;
	s20 =	sshll.u32 s4, $0x1;
	s4 =	sadd.s32 s21, s2  }
0x9d: {  	[timem:s6], [sflag:s22] =	dma.local [hbm:s4], s20  }
0x9e: {  	_ =	swait.ge [sflag:s22], s20  }
0x9f: {  	s3 =	ssub.s32 $0x0, s20;
	[sflag:s22] =	ssyncset.done $0x0  }
0xa0: {  	[sflag:s22] =	ssyncadd.s32 s3;
	_ =	sdelay $0x1  }
0xa1: {  	s23 =	simm.s32 $0x1B8B  }
0xa2: {  	_ =	swait.ge [sflag:s23], $0x1  }
0xa3: {  	[sflag:s23] =	ssyncset.done $0x0  }
0xa4: {  	s25 =	simm.s32 $0x1B8E;
	s24 =	sld [smem:$0x3FFE];
	[sflag:s23] =	ssyncadd.s32 $0xFFFFFFFF  }
0xa5: {  	s26 =	simm.s32 $execute0_lowered;
	[smem:$0x3FD2] =	sst s25  }
0xa6: {  	s4 =	sshll.u32 s26, $0x1;
	_ =	strace $0x80000052;
	[dreg:$0x1] =	wrdreg $0xFFFFFFFF  }
0xa7: {  	s28 =	simm.s32 $_size_execute0_lowered;
	s2 =	sadd.s32 s2, s4;
	[dreg:$0x0] =	wrdreg $0x0  }
0xa8: {  	s4 =	sshll.u32 s28, $0x1;
	[dreg:$0x2] =	wrdreg s2  }
0xa9: {  	[dreg:$0x3] =	wrdreg s4  }
0xaa: {  	[dreg:$0x4] =	wrdreg $0xC0  }
0xab: {  	_ =	task [dreg:s6], $0x5FFFF  }
0xac: {  	[dreg:$0x1] =	wrdreg $0xFFFFFFFF  }
0xad: {  	[dreg:$0x0] =	wrdreg $0x60  }
0xae: {  	[dreg:$0x2] =	wrdreg s24  }
0xaf: {  	[dreg:$0x3] =	wrdreg $0x0  }
0xb0: {  	[dreg:$0x4] =	wrdreg $0x9  }
0xb1: {  	_ =	task.clear_ibuf [dreg:s6], $0x5FFFF;
	_ =	strace $0x90000052  }
0xb2: {  	s29 =	simm.s32 $0x9;
	_ =	strace $0x80000054  }
0xb3: {  	_ =	swait.ge [sflag:s29], $0x1  }
0xb4: {  	[sflag:s29] =	ssyncadd.s32 $0xFFFFFFFF  }
0xb5: {  	_ =	strace $0x90000054  }
0xb6: {  	_ =	sfence  }
0xb7: {  	s30 =	sld [smem:$0x0];
	_ =	sdelay $0x2  }
0xb8: {  	s31 =	sshll.u32 s1, $0xD;
	s1 =	sshrl.u32 s1, $0x2  }
0xb9: {  	s3 =	sand.u32 $0x4000, s31;
	s1 =	sadd.s32 s1, s30  }
0xba: {  	s0 =	sor.u32 s3, s0;
	s1 =	sshll.u32 s1, $0x11  }
0xbb: {  	s0 =	sor.u32 s1, s0  }
0xbc: {  	s0 =	sadd.s32 $0x8F2B, s0  }
0xbd: {  	[sflag:s0] =	ssyncadd.remote.s32 $0x1  }
0xbe: {  	_ =	sfence.sel $0xFFFF  }
0xbf: {  	[dreg:$0x0] =	wrdreg $0xFFFFFFFF;
	(pc) =	sbr.abs _section_cstart, $3  }
0xc0: {  	[dreg:$0x1] =	wrdreg $0xFFFFFFFF  }
0xc1: {  	_ =	task.clear_ibuf [dreg:s6], $0x2FFFF;
	_ =	strace $0x9FFFFFFF  }
0xc2: {  	(tm) =	ssettm $0x7FFFFFFF  }
0xc3: {  	_ =	shalt  }
tec
execute0_lowered:
.L_overlay_start_1:
0x0: {  	(tag) =	ssettag $0x1  }
0x1: {  	s0 =	rddreg [dreg:$0x0]  }
0x2: {  	s2 =	rddreg [dreg:$0x1]  }
0x3: {  	s1 =	srdreg.scid;
	s14 =	stileid.u32;
	s4 =	simm.s32 $0x0  }
0x4: {  	s19 =	simm.s32 $0x7;
	s20 =	simm.s32 $0x19400;
	s21 =	simm.s32 $0x40  }
0x5: {  	s28 =	simm.s32 $0x1;
	s29 =	simm.s32 $0x19200;
	s30 =	simm.s32 $0x4  }
0x6: {  	s31 =	simm.s32 $0x3;
	s18 =	simm.s32 $0x0;
	s1 =	sand.u32 $0x1, s1  }
0x7: {  	s3 =	sshll.u32 s14, $0x1;
	[smem:$0x7FF] =	sst s4;
	s5 =	smul.u32 $0x50000, s14  }
0x8: {  	s4 =	sadd.s32 $0x42000, s0;
	s26 =	smul.u32 $0x2800, s14;
	s3 =	sor.u32 s1, s3  }
0x9: {  	_ =	strace $0x80000053;
	s6 =	ssub.s32 $0x2, s1;
	p0 =	seq.s32 s1, $0x1  }
0xa: {  	s1 =	simm.s32 $0x92000;
	s3 =	smul.u32 $0xA00, s3;
	s5 =	sshrl.u32 s5, $0x2  }
0xb: {  	s7 =	sshrl.u32 s6, $0x1;
	s1 =	simm.s32 @!p0 $0x6A000;
	s5 =	sadd.s32 s5, s2  }
0xc: {  	s6 =	ssub.s32 s6, s7;
	s3 =	sadd.s32 s3, s0;
	s25 =	sadd.s32 $0x2000, s5  }
0xd: {  	s8 =	sadd.s32 $0x4000, s5;
	s9 =	sadd.s32 $0x6000, s5;
	s10 =	sadd.s32 $0x8000, s5  }
0xe: {  	s11 =	sadd.s32 $0xA000, s5;
	s12 =	sadd.s32 $0xC000, s5;
	s13 =	sadd.s32 $0xE000, s5  }
0xf: {  	s14 =	sadd.s32 $0x10000, s5;
	s15 =	sadd.s32 $0x12000, s5;
	s0 =	sadd.s32 s1, s0  }
0x10: {  	s16 =	smax.u32 s6, $0x1;
	s3 =	sadd.s32 $0x6000, s3;
	[dreg:$0x4] =	wrdreg s25  }
0x11: {  	s17 =	sadd.s32 s0, s26;
	s25 =	simm.s32 $0x19100;
	s26 =	simm.s32 $0x1D400  }
0x12: {  	v0 =	vimm.f32 $0.0e+00;
	s0 =	simm.s32 $0x19300;
	[dreg:$0x3] =	wrdreg s3;
	s3 =	simm.s32 $0x6  }
.LBB2_1:
0x13: {  	s1 =	simm.s32 $0x0;
	s6 =	rddreg [dreg:$0x3];
	s7 =	simm.s32 $0x14000  }
0x14: {  	[tilespmem:s7], [sflag:$0x7] =	stream.linear.gather [hbm4b:s6+s1], $0x4F80, $0x38;
	[tilespmem:$0x1F400] =	vst v63  }
0x15: {  	_ =	swait.ge [sflag:s19], $0x4F80  }
0x16: {  	[sflag:s19] =	ssyncset.done $0x0  }
0x17: {  	s1 =	simm.s32 $0x0;
	s6 =	simm.s32 $0x200;
	[sflag:s19] =	ssyncadd.s32 $0xFFFFB080  }
.LBB2_2:
0x18: {  	p0 =	sne.s32 s6, $0x7E00;
	[tilespmem:s1+$0x19470] =	vst v0  }
0x19: {  	[tilespmem:s1+$0x19400] =	vst v0  }
0x1a: {  	[tilespmem:s1+$0x19410] =	vst v0  }
.Ltmp0:
0x1b: {  	[tilespmem:s1+$0x19420] =	vst v0;
	(pc) =	sbr.rel @p0 .LBB2_2-.Ltmp0, $4  }
0x1c: {  	[tilespmem:s1+$0x19430] =	vst v0  }
0x1d: {  	[tilespmem:s1+$0x19440] =	vst v0  }
0x1e: {  	[tilespmem:s1+$0x19450] =	vst v0  }
0x1f: {  	[tilespmem:s1+$0x19460] =	vst v0;
	s1 =	sshra.s32 s6, $0x2;
	s6 =	sadd.s32 $0x200, s6  }
0x20: {  	[tilespmem:s1+$0x19470] =	vst v0  }
0x21: {  	[tilespmem:s1+$0x19400] =	vst v0  }
0x22: {  	[tilespmem:s1+$0x19410] =	vst v0  }
0x23: {  	[tilespmem:s1+$0x19420] =	vst v0  }
0x24: {  	[tilespmem:s1+$0x19430] =	vst v0  }
0x25: {  	[tilespmem:s1+$0x19440] =	vst v0  }
0x26: {  	[tilespmem:s1+$0x19450] =	vst v0  }
0x27: {  	[tilespmem:s1+$0x19460] =	vst v0  }
0x28: {  	[spmem:s5] =	stream.linear.scatter [tilespmem:s20], [sflag:$0x7], $0x2000, $0x38;
	[tilespmem:$0x1F400] =	vst v63  }
0x29: {  	_ =	swait.ge [sflag:s19], $0x2000  }
0x2a: {  	[sflag:s19] =	ssyncset.done $0x0  }
0x2b: {  	s7 =	rddreg [dreg:$0x4];
	[sflag:s19] =	ssyncadd.s32 $0xFFFFE000  }
0x2c: {  	[spmem:s7] =	stream.linear.scatter [tilespmem:s20], [sflag:$0x7], $0x2000, $0x38;
	[tilespmem:$0x1F400] =	vst v63  }
0x2d: {  	_ =	swait.ge [sflag:s19], $0x2000  }
0x2e: {  	[sflag:s19] =	ssyncset.done $0x0  }
0x2f: {  	[sflag:s19] =	ssyncadd.s32 $0xFFFFE000  }
0x30: {  	[spmem:s8] =	stream.linear.scatter [tilespmem:s20], [sflag:$0x7], $0x2000, $0x38;
	[tilespmem:$0x1F400] =	vst v63  }
0x31: {  	_ =	swait.ge [sflag:s19], $0x2000  }
0x32: {  	[sflag:s19] =	ssyncset.done $0x0  }
0x33: {  	[sflag:s19] =	ssyncadd.s32 $0xFFFFE000  }
0x34: {  	[spmem:s9] =	stream.linear.scatter [tilespmem:s20], [sflag:$0x7], $0x2000, $0x38;
	[tilespmem:$0x1F400] =	vst v63  }
0x35: {  	_ =	swait.ge [sflag:s19], $0x2000  }
0x36: {  	[sflag:s19] =	ssyncset.done $0x0  }
0x37: {  	[sflag:s19] =	ssyncadd.s32 $0xFFFFE000  }
0x38: {  	[spmem:s10] =	stream.linear.scatter [tilespmem:s20], [sflag:$0x7], $0x2000, $0x38;
	[tilespmem:$0x1F400] =	vst v63  }
0x39: {  	_ =	swait.ge [sflag:s19], $0x2000  }
0x3a: {  	[sflag:s19] =	ssyncset.done $0x0  }
0x3b: {  	[sflag:s19] =	ssyncadd.s32 $0xFFFFE000  }
0x3c: {  	[spmem:s11] =	stream.linear.scatter [tilespmem:s20], [sflag:$0x7], $0x2000, $0x38;
	[tilespmem:$0x1F400] =	vst v63  }
0x3d: {  	_ =	swait.ge [sflag:s19], $0x2000  }
0x3e: {  	[sflag:s19] =	ssyncset.done $0x0  }
0x3f: {  	[sflag:s19] =	ssyncadd.s32 $0xFFFFE000  }
0x40: {  	[spmem:s12] =	stream.linear.scatter [tilespmem:s20], [sflag:$0x7], $0x2000, $0x38;
	[tilespmem:$0x1F400] =	vst v63  }
0x41: {  	_ =	swait.ge [sflag:s19], $0x2000  }
0x42: {  	[sflag:s19] =	ssyncset.done $0x0  }
0x43: {  	[sflag:s19] =	ssyncadd.s32 $0xFFFFE000  }
0x44: {  	[spmem:s13] =	stream.linear.scatter [tilespmem:s20], [sflag:$0x7], $0x2000, $0x38;
	[tilespmem:$0x1F400] =	vst v63  }
0x45: {  	_ =	swait.ge [sflag:s19], $0x2000  }
0x46: {  	[sflag:s19] =	ssyncset.done $0x0  }
0x47: {  	[sflag:s19] =	ssyncadd.s32 $0xFFFFE000  }
0x48: {  	[spmem:s14] =	stream.linear.scatter [tilespmem:s20], [sflag:$0x7], $0x2000, $0x38;
	[tilespmem:$0x1F400] =	vst v63  }
0x49: {  	_ =	swait.ge [sflag:s19], $0x2000  }
0x4a: {  	[sflag:s19] =	ssyncset.done $0x0  }
0x4b: {  	[sflag:s19] =	ssyncadd.s32 $0xFFFFE000  }
0x4c: {  	[spmem:s15] =	stream.linear.scatter [tilespmem:s20], [sflag:$0x7], $0x2000, $0x38;
	[tilespmem:$0x1F400] =	vst v63  }
0x4d: {  	_ =	swait.ge [sflag:s19], $0x2000  }
0x4e: {  	[sflag:s19] =	ssyncset.done $0x0  }
0x4f: {  	[sflag:s19] =	ssyncadd.s32 $0xFFFFE000  }
0x50: {  	v1 =	vld [tilespmem:$0x14000];
	_ =	sdelay $0x1  }
0x51: {  	v2 =	vld [tilespmem:$0x14010];
	_ =	sdelay $0x1  }
0x52: {  	v3 =	vld [tilespmem:$0x14020]  }
0x53: {  	v4 =	vand.u32 $0xFFFF, v1  }
0x54: {  	v61 =	vld [tilespmem:$0x14030];
	v1 =	vshrl.u32 v1, $0x10;
	[tilespmem:$0x19000] =	vst v4  }
0x55: {  	[tilespmem:$0x19200] =	vst v1;
	v1 =	vand.u32 $0xFFFF, v2  }
0x56: {  	[tilespmem:$0x19010] =	vst v1;
	v1 =	vshrl.u32 v2, $0x10  }
0x57: {  	[tilespmem:$0x19210] =	vst v1;
	v1 =	vand.u32 $0xFFFF, v3  }
0x58: {  	[tilespmem:$0x19020] =	vst v1;
	v1 =	vshrl.u32 v3, $0x10  }
0x59: {  	[tilespmem:$0x19220] =	vst v1;
	v1 =	vand.u32 $0xFFFF, v61  }
0x5a: {  	[tilespmem:$0x19030] =	vst v1;
	v1 =	vshrl.u32 v61, $0x10  }
0x5b: {  	s22 =	simm.s32 $0x19000;
	[tilespmem:$0x19230] =	vst v1  }
0x5c: {  	[tilespmem:s20], [sflag:$0x1] =	stream.indirect.gather [hbm4b:s4+s21], $0x80, s22, s21, $0xb8;
	[tilespmem:$0x1F400] =	vst v63  }
0x5d: {  	v1 =	vld [tilespmem:$0x14080];
	_ =	sdelay $0x1  }
0x5e: {  	v2 =	vld [tilespmem:$0x14090];
	_ =	sdelay $0x1  }
0x5f: {  	v3 =	vld [tilespmem:$0x140A0]  }
0x60: {  	v62 =	vand.u32 $0xFFFF, v1  }
0x61: {  	v63 =	vld [tilespmem:$0x140B0];
	v1 =	vshrl.u32 v1, $0x10;
	[tilespmem:$0x19080] =	vst v62  }
0x62: {  	[tilespmem:$0x19280] =	vst v1;
	v1 =	vand.u32 $0xFFFF, v2  }
0x63: {  	[tilespmem:$0x19090] =	vst v1;
	v1 =	vshrl.u32 v2, $0x10  }
0x64: {  	[tilespmem:$0x19290] =	vst v1;
	v1 =	vand.u32 $0xFFFF, v3  }
0x65: {  	[tilespmem:$0x190A0] =	vst v1;
	v1 =	vshrl.u32 v3, $0x10  }
0x66: {  	[tilespmem:$0x192A0] =	vst v1;
	v1 =	vand.u32 $0xFFFF, v63  }
0x67: {  	[tilespmem:$0x190B0] =	vst v1;
	v1 =	vshrl.u32 v63, $0x10  }
0x68: {  	s23 =	simm.s32 $0x19080;
	s6 =	simm.s32 $0x1B400;
	p0 =	por $0x1, $0x1;
	[tilespmem:$0x192B0] =	vst v1  }
0x69: {  	[tilespmem:s6], [sflag:$0x2] =	stream.indirect.gather [hbm4b:s4+s21], $0x80, s23, s21, $0xb8;
	[tilespmem:$0x1F400] =	vst v63  }
0x6a: {  	s1 =	simm.s32 @!p0 $0x6;
	[bflag:$0x0] =	sbarrier.arrive $0xFFFF  }
0x6b: {  	_ =	swait.ge @!p0 [sflag:s1], $0x2000  }
0x6c: {  	[sflag:s1] =	ssyncset.done @!p0 $0x0  }
0x6d: {  	s24 =	simm.s32 $0x0;
	[sflag:s1] =	ssyncadd.s32 @!p0 $0xFFFFE000  }
0x6e: {  	v1 =	vld [tilespmem:s24+$0x14100];
	_ =	sdelay $0x4  }
0x6f: {  	v2 =	vand.u32 $0xFFFF, v1  }
0x70: {  	v1 =	vshrl.u32 v1, $0x10;
	[tilespmem:$0x19100] =	vst v2  }
0x71: {  	[tilespmem:$0x19300] =	vst v1  }
0x72: {  	v1 =	vld [tilespmem:s24+$0x14110];
	_ =	sdelay $0x4  }
0x73: {  	v2 =	vand.u32 $0xFFFF, v1  }
0x74: {  	v1 =	vshrl.u32 v1, $0x10;
	[tilespmem:$0x19110] =	vst v2  }
0x75: {  	[tilespmem:$0x19310] =	vst v1  }
0x76: {  	v1 =	vld [tilespmem:s24+$0x14120];
	_ =	sdelay $0x4  }
0x77: {  	v2 =	vand.u32 $0xFFFF, v1  }
0x78: {  	v1 =	vshrl.u32 v1, $0x10;
	[tilespmem:$0x19120] =	vst v2  }
0x79: {  	[tilespmem:$0x19320] =	vst v1  }
0x7a: {  	v1 =	vld [tilespmem:s24+$0x14130];
	_ =	sdelay $0x4  }
0x7b: {  	v2 =	vand.u32 $0xFFFF, v1  }
0x7c: {  	v1 =	vshrl.u32 v1, $0x10;
	[tilespmem:$0x19130] =	vst v2  }
0x7d: {  	[tilespmem:$0x19330] =	vst v1  }
0x7e: {  	[tilespmem:s26], [sflag:$0x3] =	stream.indirect.gather [hbm4b:s4+s21], $0x80, s25, s21, $0xb8;
	[tilespmem:$0x1F400] =	vst v63  }
0x7f: {  	_ =	swait.ge [sflag:s28], $0x2000  }
0x80: {  	[sflag:s28] =	ssyncset.done $0x0  }
0x81: {  	[sflag:s28] =	ssyncadd.s32 $0xFFFFE000  }
0x82: {  	[spmem:s2] =	stream.indirect.scatter.add.f32 [tilespmem:s20], [sflag:$0x4], $0x80, s29, s21, $0xb8;
	[tilespmem:$0x1F400] =	vst v63  }
0x83: {  	_ =	swait.ge [sflag:s30], $0x2000  }
0x84: {  	p1 =	por $0x0, $0x0;
	[sflag:s30] =	ssyncset.done $0x0  }
0x85: {  	s1 =	simm.s32 @p1 $0x2;
	[sflag:s30] =	ssyncadd.s32 $0xFFFFE000  }
0x86: {  	_ =	swait.ge @p1 [sflag:s1], $0x2000  }
0x87: {  	s22 =	simm.s32 @p1 $0x5;
	s6 =	simm.s32 @p1 $0x1B400;
	[sflag:s1] =	ssyncset.done @p1 $0x0  }
0x88: {  	s23 =	simm.s32 @p1 $0x19280;
	[sflag:s1] =	ssyncadd.s32 @p1 $0xFFFFE000;
	s1 =	simm.s32 @p1 $0x40  }
0x89: {  	[spmem:s2] =	stream.indirect.scatter.add.f32 @p1 [tilespmem:s6], [sflag:$0x5], $0x80, s23, s1, $0xb8;
	[tilespmem:$0x1F400] =	vst v63  }
0x8a: {  	_ =	swait.ge @p1 [sflag:s22], $0x2000  }
0x8b: {  	[sflag:s22] =	ssyncset.done @p1 $0x0  }
0x8c: {  	s23 =	simm.s32 @!p1 $0x0;
	[sflag:s22] =	ssyncadd.s32 @p1 $0xFFFFE000  }
0x8d: {  	v1 =	vld @!p1 [tilespmem:s23+$0x14180];
	_ =	sdelay $0x4  }
0x8e: {  	v2 =	vand.u32 @!p1 $0xFFFF, v1  }
0x8f: {  	v1 =	vshrl.u32 @!p1 v1, $0x10;
	[tilespmem:$0x19000] =	vst @!p1 v2  }
0x90: {  	[tilespmem:$0x19200] =	vst @!p1 v1  }
0x91: {  	v1 =	vld @!p1 [tilespmem:s23+$0x14190];
	_ =	sdelay $0x4  }
0x92: {  	v2 =	vand.u32 @!p1 $0xFFFF, v1  }
0x93: {  	v1 =	vshrl.u32 @!p1 v1, $0x10;
	[tilespmem:$0x19010] =	vst @!p1 v2  }
0x94: {  	[tilespmem:$0x19210] =	vst @!p1 v1  }
0x95: {  	v1 =	vld @!p1 [tilespmem:s23+$0x141A0];
	_ =	sdelay $0x4  }
0x96: {  	v2 =	vand.u32 @!p1 $0xFFFF, v1  }
0x97: {  	v1 =	vshrl.u32 @!p1 v1, $0x10;
	[tilespmem:$0x19020] =	vst @!p1 v2  }
0x98: {  	[tilespmem:$0x19220] =	vst @!p1 v1  }
0x99: {  	v1 =	vld @!p1 [tilespmem:s23+$0x141B0];
	_ =	sdelay $0x4  }
0x9a: {  	v2 =	vand.u32 @!p1 $0xFFFF, v1  }
0x9b: {  	v1 =	vshrl.u32 @!p1 v1, $0x10;
	[tilespmem:$0x19030] =	vst @!p1 v2  }
0x9c: {  	s1 =	simm.s32 @!p1 $0x40;
	s6 =	simm.s32 @!p1 $0x19000;
	s22 =	simm.s32 @!p1 $0x19400;
	[tilespmem:$0x19230] =	vst @!p1 v1  }
0x9d: {  	[tilespmem:s22], [sflag:$0x1] =	stream.indirect.gather @!p1 [hbm4b:s4+s1], $0x80, s6, s1, $0xb8;
	[tilespmem:$0x1F400] =	vst v63  }
0x9e: {  	s6 =	simm.s32 @!p1 $0x2  }
0x9f: {  	_ =	swait.ge @!p1 [sflag:s6], $0x2000  }
0xa0: {  	[sflag:s6] =	ssyncset.done @!p1 $0x0  }
0xa1: {  	s22 =	simm.s32 @!p1 $0x19280;
	[sflag:s6] =	ssyncadd.s32 @!p1 $0xFFFFE000;
	s6 =	simm.s32 @!p1 $0x1B400  }
0xa2: {  	[spmem:s2] =	stream.indirect.scatter.add.f32 @!p1 [tilespmem:s6], [sflag:$0x5], $0x80, s22, s1, $0xb8;
	[tilespmem:$0x1F400] =	vst v63  }
0xa3: {  	s22 =	simm.s32 @!p1 $0x5  }
0xa4: {  	_ =	swait.ge @!p1 [sflag:s22], $0x2000  }
0xa5: {  	[sflag:s22] =	ssyncset.done @!p1 $0x0  }
0xa6: {  	[sflag:s22] =	ssyncadd.s32 @!p1 $0xFFFFE000  }
0xa7: {  	v1 =	vld @!p1 [tilespmem:s23+$0x14200];
	_ =	sdelay $0x4  }
0xa8: {  	v2 =	vand.u32 @!p1 $0xFFFF, v1  }
0xa9: {  	v1 =	vshrl.u32 @!p1 v1, $0x10;
	[tilespmem:$0x19080] =	vst @!p1 v2  }
0xaa: {  	[tilespmem:$0x19280] =	vst @!p1 v1  }
0xab: {  	v1 =	vld @!p1 [tilespmem:s23+$0x14210];
	_ =	sdelay $0x4  }
0xac: {  	v2 =	vand.u32 @!p1 $0xFFFF, v1  }
0xad: {  	v1 =	vshrl.u32 @!p1 v1, $0x10;
	[tilespmem:$0x19090] =	vst @!p1 v2  }
0xae: {  	[tilespmem:$0x19290] =	vst @!p1 v1  }
0xaf: {  	v1 =	vld @!p1 [tilespmem:s23+$0x14220];
	_ =	sdelay $0x4  }
0xb0: {  	v2 =	vand.u32 @!p1 $0xFFFF, v1  }
0xb1: {  	s22 =	simm.s32 $0x600;
	v1 =	vshrl.u32 @!p1 v1, $0x10;
	[tilespmem:$0x190A0] =	vst @!p1 v2  }
.LBB2_4:
0xb2: {  	[tilespmem:$0x192A0] =	vst @!p1 v1;
	s24 =	smov.u32 s22;
	s22 =	sadd.s32 $0x600, s22  }
0xb3: {  	p0 =	sne.s32 s22, $0x13E00;
	v1 =	vld @!p1 [tilespmem:s23+$0x14230];
	_ =	sdelay $0x4  }
0xb4: {  	v2 =	vand.u32 @!p1 $0xFFFF, v1;
	v1 =	vshrl.u32 @!p1 v1, $0x10  }
0xb5: {  	[tilespmem:$0x190B0] =	vst @!p1 v2  }
0xb6: {  	s23 =	simm.s32 @!p1 $0x19080;
	[tilespmem:$0x192B0] =	vst @!p1 v1  }
0xb7: {  	[tilespmem:s6], [sflag:$0x2] =	stream.indirect.gather @!p1 [hbm4b:s4+s1], $0x80, s23, s1, $0xb8;
	[tilespmem:$0x1F400] =	vst v63  }
0xb8: {  	_ =	swait.ge [sflag:s31], $0x2000  }
0xb9: {  	p1 =	seq.s32 s24, $0x0;
	[sflag:s31] =	ssyncset.done $0x0  }
0xba: {  	s1 =	simm.s32 @!p1 $0x6;
	[sflag:s31] =	ssyncadd.s32 $0xFFFFE000  }
0xbb: {  	[spmem:s2] =	stream.indirect.scatter.add.f32 [tilespmem:s26], [sflag:$0x6], $0x80, s0, s21, $0xb8;
	[tilespmem:$0x1F400] =	vst v63  }
0xbc: {  	_ =	swait.ge @!p1 [sflag:s1], $0x2000  }
0xbd: {  	[sflag:s1] =	ssyncset.done @!p1 $0x0  }
0xbe: {  	[sflag:s1] =	ssyncadd.s32 @!p1 $0xFFFFE000;
	s1 =	sshra.s32 s24, $0x2  }
0xbf: {  	v1 =	vld [tilespmem:s1+$0x14100];
	_ =	sdelay $0x4  }
0xc0: {  	v2 =	vand.u32 $0xFFFF, v1;
	v1 =	vshrl.u32 v1, $0x10  }
0xc1: {  	[tilespmem:$0x19100] =	vst v2  }
0xc2: {  	[tilespmem:$0x19300] =	vst v1  }
0xc3: {  	v1 =	vld [tilespmem:s1+$0x14110];
	_ =	sdelay $0x4  }
0xc4: {  	v2 =	vand.u32 $0xFFFF, v1;
	v1 =	vshrl.u32 v1, $0x10  }
0xc5: {  	[tilespmem:$0x19110] =	vst v2  }
0xc6: {  	[tilespmem:$0x19310] =	vst v1  }
0xc7: {  	v1 =	vld [tilespmem:s1+$0x14120];
	_ =	sdelay $0x4  }
0xc8: {  	v2 =	vand.u32 $0xFFFF, v1;
	v1 =	vshrl.u32 v1, $0x10  }
0xc9: {  	[tilespmem:$0x19120] =	vst v2  }
0xca: {  	[tilespmem:$0x19320] =	vst v1  }
0xcb: {  	v1 =	vld [tilespmem:s1+$0x14130];
	_ =	sdelay $0x4  }
0xcc: {  	v2 =	vand.u32 $0xFFFF, v1;
	v1 =	vshrl.u32 v1, $0x10  }
0xcd: {  	[tilespmem:$0x19130] =	vst v2  }
0xce: {  	[tilespmem:$0x19330] =	vst v1  }
0xcf: {  	[tilespmem:s26], [sflag:$0x3] =	stream.indirect.gather [hbm4b:s4+s21], $0x80, s25, s21, $0xb8;
	[tilespmem:$0x1F400] =	vst v63  }
0xd0: {  	_ =	swait.ge [sflag:s28], $0x2000  }
0xd1: {  	[sflag:s28] =	ssyncset.done $0x0  }
0xd2: {  	[sflag:s28] =	ssyncadd.s32 $0xFFFFE000  }
0xd3: {  	[spmem:s2] =	stream.indirect.scatter.add.f32 [tilespmem:s20], [sflag:$0x4], $0x80, s29, s21, $0xb8;
	[tilespmem:$0x1F400] =	vst v63  }
0xd4: {  	_ =	swait.ge [sflag:s30], $0x2000  }
0xd5: {  	p1 =	seq.s32 s24, $0x13800;
	[sflag:s30] =	ssyncset.done $0x0  }
0xd6: {  	s1 =	simm.s32 @p1 $0x2;
	[sflag:s30] =	ssyncadd.s32 $0xFFFFE000  }
0xd7: {  	_ =	swait.ge @p1 [sflag:s1], $0x2000  }
0xd8: {  	s6 =	simm.s32 @p1 $0x1B400;
	s23 =	simm.s32 @p1 $0x5;
	[sflag:s1] =	ssyncset.done @p1 $0x0  }
0xd9: {  	s7 =	simm.s32 @p1 $0x19280;
	[sflag:s1] =	ssyncadd.s32 @p1 $0xFFFFE000;
	s1 =	simm.s32 @p1 $0x40  }
0xda: {  	[spmem:s2] =	stream.indirect.scatter.add.f32 @p1 [tilespmem:s6], [sflag:$0x5], $0x80, s7, s1, $0xb8;
	[tilespmem:$0x1F400] =	vst v63  }
0xdb: {  	_ =	swait.ge @p1 [sflag:s23], $0x2000  }
0xdc: {  	[sflag:s23] =	ssyncset.done @p1 $0x0  }
0xdd: {  	[sflag:s23] =	ssyncadd.s32 @p1 $0xFFFFE000;
	s23 =	sshra.s32 @!p1 s24, $0x2  }
0xde: {  	v1 =	vld @!p1 [tilespmem:s23+$0x14180];
	_ =	sdelay $0x4  }
0xdf: {  	v2 =	vand.u32 @!p1 $0xFFFF, v1;
	v1 =	vshrl.u32 @!p1 v1, $0x10  }
0xe0: {  	[tilespmem:$0x19000] =	vst @!p1 v2  }
0xe1: {  	[tilespmem:$0x19200] =	vst @!p1 v1  }
0xe2: {  	v1 =	vld @!p1 [tilespmem:s23+$0x14190];
	_ =	sdelay $0x4  }
0xe3: {  	v2 =	vand.u32 @!p1 $0xFFFF, v1;
	v1 =	vshrl.u32 @!p1 v1, $0x10  }
0xe4: {  	[tilespmem:$0x19010] =	vst @!p1 v2  }
0xe5: {  	[tilespmem:$0x19210] =	vst @!p1 v1  }
0xe6: {  	v1 =	vld @!p1 [tilespmem:s23+$0x141A0];
	_ =	sdelay $0x4  }
0xe7: {  	v2 =	vand.u32 @!p1 $0xFFFF, v1;
	v1 =	vshrl.u32 @!p1 v1, $0x10  }
0xe8: {  	[tilespmem:$0x19020] =	vst @!p1 v2  }
0xe9: {  	[tilespmem:$0x19220] =	vst @!p1 v1  }
0xea: {  	v1 =	vld @!p1 [tilespmem:s23+$0x141B0];
	_ =	sdelay $0x4  }
0xeb: {  	v2 =	vand.u32 @!p1 $0xFFFF, v1;
	v1 =	vshrl.u32 @!p1 v1, $0x10  }
0xec: {  	s6 =	simm.s32 @!p1 $0x2;
	[tilespmem:$0x19030] =	vst @!p1 v2  }
0xed: {  	s1 =	simm.s32 @!p1 $0x40;
	s7 =	simm.s32 @!p1 $0x19000;
	s24 =	simm.s32 @!p1 $0x19400;
	[tilespmem:$0x19230] =	vst @!p1 v1  }
0xee: {  	[tilespmem:s24], [sflag:$0x1] =	stream.indirect.gather @!p1 [hbm4b:s4+s1], $0x80, s7, s1, $0xb8;
	[tilespmem:$0x1F400] =	vst v63  }
0xef: {  	_ =	swait.ge @!p1 [sflag:s6], $0x2000  }
0xf0: {  	s7 =	simm.s32 @!p1 $0x5;
	[sflag:s6] =	ssyncset.done @!p1 $0x0  }
0xf1: {  	s24 =	simm.s32 @!p1 $0x19280;
	[sflag:s6] =	ssyncadd.s32 @!p1 $0xFFFFE000;
	s6 =	simm.s32 @!p1 $0x1B400  }
0xf2: {  	[spmem:s2] =	stream.indirect.scatter.add.f32 @!p1 [tilespmem:s6], [sflag:$0x5], $0x80, s24, s1, $0xb8;
	[tilespmem:$0x1F400] =	vst v63  }
0xf3: {  	_ =	swait.ge @!p1 [sflag:s7], $0x2000  }
0xf4: {  	[sflag:s7] =	ssyncset.done @!p1 $0x0  }
0xf5: {  	[sflag:s7] =	ssyncadd.s32 @!p1 $0xFFFFE000  }
0xf6: {  	v1 =	vld @!p1 [tilespmem:s23+$0x14200];
	_ =	sdelay $0x4  }
0xf7: {  	v2 =	vand.u32 @!p1 $0xFFFF, v1;
	v1 =	vshrl.u32 @!p1 v1, $0x10  }
0xf8: {  	[tilespmem:$0x19080] =	vst @!p1 v2  }
0xf9: {  	[tilespmem:$0x19280] =	vst @!p1 v1  }
0xfa: {  	v1 =	vld @!p1 [tilespmem:s23+$0x14210];
	_ =	sdelay $0x4  }
0xfb: {  	v2 =	vand.u32 @!p1 $0xFFFF, v1;
	v1 =	vshrl.u32 @!p1 v1, $0x10  }
0xfc: {  	[tilespmem:$0x19090] =	vst @!p1 v2  }
0xfd: {  	[tilespmem:$0x19290] =	vst @!p1 v1  }
0xfe: {  	v1 =	vld @!p1 [tilespmem:s23+$0x14220];
	_ =	sdelay $0x1  }
.Ltmp1:
0xff: {  	(pc) =	sbr.rel @p0 .LBB2_4-.Ltmp1, $3  }
0x100: {  	_ =	sdelay $0x1  }
0x101: {  	v2 =	vand.u32 @!p1 $0xFFFF, v1;
	v1 =	vshrl.u32 @!p1 v1, $0x10  }
0x102: {  	[tilespmem:$0x190A0] =	vst @!p1 v2  }
0x103: {  	[tilespmem:$0x192A0] =	vst @!p1 v1  }
0x104: {  	v1 =	vld @!p1 [tilespmem:s23+$0x14230];
	_ =	sdelay $0x4  }
0x105: {  	v2 =	vand.u32 @!p1 $0xFFFF, v1  }
0x106: {  	v1 =	vshrl.u32 @!p1 v1, $0x10;
	[tilespmem:$0x190B0] =	vst @!p1 v2  }
0x107: {  	s7 =	simm.s32 @!p1 $0x19080;
	[tilespmem:$0x192B0] =	vst @!p1 v1  }
0x108: {  	[tilespmem:s6], [sflag:$0x2] =	stream.indirect.gather @!p1 [hbm4b:s4+s1], $0x80, s7, s1, $0xb8;
	[tilespmem:$0x1F400] =	vst v63  }
0x109: {  	_ =	swait.ge [sflag:s31], $0x2000  }
0x10a: {  	[sflag:s31] =	ssyncset.done $0x0  }
0x10b: {  	[sflag:s31] =	ssyncadd.s32 $0xFFFFE000  }
0x10c: {  	[spmem:s2] =	stream.indirect.scatter.add.f32 [tilespmem:s26], [sflag:$0x6], $0x80, s0, s21, $0xb8;
	[tilespmem:$0x1F400] =	vst v63  }
0x10d: {  	s24 =	sshrl.u32 s5, $0x3;
	_ =	swait.ge [sflag:s3], $0x2000  }
0x10e: {  	s18 =	sadd.s32 $0x1, s18;
	s23 =	stileid.u32;
	[sflag:s3] =	ssyncset.done $0x0  }
0x10f: {  	p0 =	sne.s32 s18, s16;
	s1 =	sshll.u32 s23, $0x6;
	[sflag:s3] =	ssyncadd.s32 $0xFFFFE000  }
.Ltmp2:
0x110: {  	s1 =	sor.u32 $0x1C07, s1;
	[bflag:$0x0] =	sbarrier.arrive $0xFFFF;
	(pc) =	sbr.rel @p0 .LBB2_1-.Ltmp2, $4  }
0x111: {  	[hbm:s17], [sflag:s1] =	dma.local [spmem:s24], $0x2800  }
0x112: {  	_ =	swait.ge [sflag:s19], $0x2800  }
0x113: {  	[sflag:s19] =	ssyncset.done $0x0  }
0x114: {  	[sflag:s19] =	ssyncadd.s32 $0xFFFFD800  }
0x115: {  	_ =	sfence.sel $0x180000  }
0x116: {  	[bflag:$0x0] =	sbarrier.arrive $0xFFFF  }
0x117: {  	_ =	strace $0x90000053  }
0x118: {  	s0 =	stileid.u32;
	[bflag:$0x2] =	sbarrier.arrive $0xFFFF  }
0x119: {  	p0 =	sne.s32 s0, $0x0;
	s0 =	rddreg [dreg:$0x2]  }
0x11a: {  	s0 =	sadd.s32 @!p0 $0x100000, s0  }
0x11b: {  	[sflag:s0] =	ssyncadd.tile.s32 @!p0 $0x1;
	_ =	shalt  }
.Lfunc_end2:
_tile_overlayer_lowered:
.L_overlay_start_2:
0x11c: {  	(tag) =	ssettag $0x2  }
0x11d: {  	s0 =	rddreg [dreg:$0x0];
	s2 =	stileid.u32  }
0x11e: {  	s1 =	rddreg [dreg:$0x1];
	p0 =	sne.s32 s2, $0x0  }
0x11f: {  	s3 =	rddreg [dreg:$0x2];
	[bflag:$0x3] =	sbarrier.arrive $0xFFFF;
	s2 =	simm.s32 @!p0 $0x1C07  }
0x120: {  	[timem:s3], [sflag:s2] =	dma.local @!p0 [hbm:s0], s1  }
0x121: {  	s0 =	simm.s32 @!p0 $0x7  }
0x122: {  	_ =	swait.ge @!p0 [sflag:s0], s1  }
0x123: {  	s1 =	ssub.s32 @!p0 $0x0, s1;
	[sflag:s0] =	ssyncset.done @!p0 $0x0  }
0x124: {  	[sflag:s0] =	ssyncadd.s32 @!p0 s1  }
0x125: {  	[bflag:$0x3] =	sbarrier.arrive $0xFFFF  }
0x126: {  	_ =	shalt  }

</sc_bundles>
